<compile_context>
chip_gen: v7x
topology: tpu7x:2x2x1
jax: 0.10.2.dev20260603
libtpu: 0.0.44.dev20260713+nightly
codegen_flags: <defaults>
</compile_context>

<pallas_src>
import jax
import jax.numpy as jnp
from jax import lax
from jax.experimental import pallas as pl
from jax.experimental.pallas import tpu as pltpu
from jax.experimental.pallas import tpu_sc as plsc

N = 10000
E = 320000
G = 256
D = 128
H = 3 * D

NSPLIT = 2
EH = E // NSPLIT

NC = 2
NS = 16
NW = NC * NS

RPT = 624
RTAIL = N - NS * RPT

BE = 1280
BN = 1000


def _sc_mesh():
    return plsc.VectorSubcoreMesh(core_axis_name="c", subcore_axis_name="s")


def _pick_chunk(per_worker, limit):
    for c in (200, 160, 80, 40, 16, 8):
        if c <= limit and per_worker % c == 0 and (per_worker // c) % 2 == 1:
            return c
    raise ValueError(per_worker)


def _sc_gather(atom, n2g, src, dst, base, esize):
    ew = esize // NW
    cg = _pick_chunk(ew, 80)
    nchunk = ew // cg

    def body(atom_hbm, n2g_hbm, src_hbm, dst_hbm, hsum_hbm, gsrc_hbm,
             idx_s, idx_d, n2g_v, g_all, rs0, rd0, rs1, rd1, hs0, hs1,
             semg0, semg1, semw0, semw1):
        cid = lax.axis_index("c")
        sid = lax.axis_index("s")
        wid = sid * NC + cid
        gbase = base + wid * ew
        obase = wid * ew

        pltpu.sync_copy(src_hbm.at[pl.ds(gbase, ew)], idx_s)
        pltpu.sync_copy(dst_hbm.at[pl.ds(gbase, ew)], idx_d)
        pltpu.sync_copy(n2g_hbm, n2g_v)

        def fire(k, rs, rd, sem):
            pltpu.async_copy(atom_hbm.at[idx_s.at[pl.ds(k * cg, cg)]], rs, sem)
            pltpu.async_copy(atom_hbm.at[idx_d.at[pl.ds(k * cg, cg)]], rd, sem)

        def drain_g(rs, rd, sem):
            pltpu.make_async_copy(atom_hbm.at[pl.ds(0, cg)], rs, sem).wait()
            pltpu.make_async_copy(atom_hbm.at[pl.ds(0, cg)], rd, sem).wait()

        def drain_w(hs, sem):
            pltpu.make_async_copy(hs, hsum_hbm.at[pl.ds(0, cg)], sem).wait()

        def process(k, rs, rd, hs, semw):
            def row(r, c):
                def col(q, c2):
                    sl = pl.ds(q * 16, 16)
                    hs[r, sl] = rs[r, sl] + rd[r, sl]
                    return c2
                return lax.fori_loop(0, D // 16, col, c)
            lax.fori_loop(0, cg, row, 0)
            pltpu.async_copy(hs, hsum_hbm.at[pl.ds(obase + k * cg, cg)], semw)

        fire(0, rs0, rd0, semg0)

        def gs(j, c):
            sl = pl.ds(j * 16, 16)
            g_all[sl] = plsc.load_gather(n2g_v, [idx_s[sl]])
            return c
        lax.fori_loop(0, ew // 16, gs, 0)
        if ew % 16:
            sl = pl.ds(ew - 16, 16)
            g_all[sl] = plsc.load_gather(n2g_v, [idx_s[sl]])
        pltpu.sync_copy(g_all, gsrc_hbm.at[pl.ds(obase, ew)])

        def pair(t, carry):
            a = 2 * t
            b = a + 1
            fire(b, rs1, rd1, semg1)
            drain_g(rs0, rd0, semg0)

            @pl.when(t > 0)
            def _():
                drain_w(hs0, semw0)
            process(a, rs0, rd0, hs0, semw0)
            fire(b + 1, rs0, rd0, semg0)
            drain_g(rs1, rd1, semg1)

            @pl.when(t > 0)
            def _():
                drain_w(hs1, semw1)
            process(b, rs1, rd1, hs1, semw1)
            return carry

        lax.fori_loop(0, (nchunk - 1) // 2, pair, 0)
        drain_g(rs0, rd0, semg0)
        drain_w(hs0, semw0)
        process(nchunk - 1, rs0, rd0, hs0, semw0)
        drain_w(hs0, semw0)
        drain_w(hs1, semw1)

    f = pl.kernel(
        body,
        out_type=(
            jax.ShapeDtypeStruct((esize, D), jnp.float32),
            jax.ShapeDtypeStruct((esize,), jnp.int32),
        ),
        mesh=_sc_mesh(),
        scratch_types=[
            pltpu.VMEM((ew,), jnp.int32),
            pltpu.VMEM((ew,), jnp.int32),
            pltpu.VMEM((N,), jnp.int32),
            pltpu.VMEM((ew,), jnp.int32),
            pltpu.VMEM((cg, D), jnp.float32),
            pltpu.VMEM((cg, D), jnp.float32),
            pltpu.VMEM((cg, D), jnp.float32),
            pltpu.VMEM((cg, D), jnp.float32),
            pltpu.VMEM((cg, D), jnp.float32),
            pltpu.VMEM((cg, D), jnp.float32),
            pltpu.SemaphoreType.DMA,
            pltpu.SemaphoreType.DMA,
            pltpu.SemaphoreType.DMA,
            pltpu.SemaphoreType.DMA,
        ],
        compiler_params=pltpu.CompilerParams(needs_layout_passes=False),
    )
    return f(atom, n2g, src, dst)


def _sc_scatter(data, src, dst, zeros_nd, base_idx, esize, gather_rows):
    ewl = esize // NW
    cr = 40
    nchunk = ewl // cr

    def body(data_hbm, src_hbm, dst_hbm, zeros_hbm, out_hbm,
             idx_s, i0, i1, i2, i3, r0, r1, r2, r3, accum,
             semx0, semx1, semx2, semx3,
             semr0, semr1, semr2, semr3,
             semc0, semc1, semc2, semc3):
        idd = (i0, i1, i2, i3)
        rows = (r0, r1, r2, r3)
        semx = (semx0, semx1, semx2, semx3)
        semr = (semr0, semr1, semr2, semr3)
        semc = (semc0, semc1, semc2, semc3)
        cid = lax.axis_index("c")
        sid = lax.axis_index("s")
        wid = sid * NC + cid
        ibase = base_idx + wid * ewl
        dbase = wid * ewl

        rr0 = sid * RPT
        pltpu.sync_copy(zeros_hbm.at[pl.ds(rr0, RPT)],
                        accum.at[pl.ds(rr0, RPT)])

        @pl.when(sid == 0)
        def _():
            pltpu.sync_copy(zeros_hbm.at[pl.ds(NS * RPT, RTAIL)],
                            accum.at[pl.ds(NS * RPT, RTAIL)])
        if gather_rows:
            pltpu.sync_copy(src_hbm.at[pl.ds(ibase, ewl)], idx_s)
        plsc.subcore_barrier()

        def fire_idx(k, slot):
            pltpu.async_copy(dst_hbm.at[pl.ds(ibase + k * cr, cr)],
                             idd[slot], semx[slot])

        def drain_idx(slot):
            pltpu.make_async_copy(dst_hbm.at[pl.ds(0, cr)], idd[slot],
                                  semx[slot]).wait()

        def fire_rows(k, slot):
            if gather_rows:
                pltpu.async_copy(data_hbm.at[idx_s.at[pl.ds(k * cr, cr)]],
                                 rows[slot], semr[slot])
            else:
                pltpu.async_copy(data_hbm.at[pl.ds(dbase + k * cr, cr)],
                                 rows[slot], semr[slot])

        def drain_rows(slot):
            pltpu.make_async_copy(data_hbm.at[pl.ds(0, cr)], rows[slot],
                                  semr[slot]).wait()

        def fire_sc(k, slot):
            pltpu.async_copy(rows[slot], accum.at[idd[slot]], semc[slot],
                             add=True)

        def drain_sc(slot):
            pltpu.make_async_copy(rows[slot], accum.at[pl.ds(0, cr)],
                                  semc[slot]).wait()

        for j in range(3):
            fire_idx(j, j)
            fire_rows(j, j)

        def quad(t, c):
            for j in range(4):
                k = 4 * t + j

                @pl.when(k < nchunk)
                def _():
                    drain_rows(j)
                    drain_idx(j)
                    fire_sc(k, j)
                    kk = k + 3

                    @pl.when(kk < nchunk)
                    def _():
                        jj = (j + 3) % 4

                        @pl.when(kk >= 4)
                        def _():
                            drain_sc(jj)
                        fire_idx(kk, jj)
                        fire_rows(kk, jj)
            return c

        lax.fori_loop(0, (nchunk + 3) // 4, quad, 0)
        for j in range(4):
            drain_sc(j)

        plsc.subcore_barrier()
        pltpu.sync_copy(accum.at[pl.ds(rr0, RPT)],
                        out_hbm.at[cid, pl.ds(rr0, RPT)])

        @pl.when(sid == 0)
        def _():
            pltpu.sync_copy(accum.at[pl.ds(NS * RPT, RTAIL)],
                            out_hbm.at[cid, pl.ds(NS * RPT, RTAIL)])

    f = pl.kernel(
        body,
        out_type=jax.ShapeDtypeStruct((NC, N, D), jnp.float32),
        mesh=_sc_mesh(),
        scratch_types=(
            [pltpu.VMEM((ewl,), jnp.int32)]
            + [pltpu.VMEM((cr,), jnp.int32) for _ in range(4)]
            + [pltpu.VMEM((cr, D), jnp.float32) for _ in range(4)]
            + [pltpu.VMEM_SHARED((N, D), jnp.float32)]
            + [pltpu.SemaphoreType.DMA for _ in range(12)]
        ),
    )
    return f(data, src, dst, zeros_nd)


def _tc_edge_body(hsum_ref, bond_ref, gsrc_ref, u_ref, wb1_ref,
                  bb1_ref, wb2_ref, bb2_ref, out_ref, ugb_ref):
    i = pl.program_id(0)

    @pl.when(i == 0)
    def _():
        ugb_ref[...] = (
            jnp.dot(u_ref[...].astype(jnp.bfloat16), wb1_ref[2 * D:, :],
                    preferred_element_type=jnp.float32)
            + bb1_ref[...]).astype(jnp.bfloat16)

    g = gsrc_ref[0]
    ohT = (lax.broadcasted_iota(jnp.int32, (G, BE), 0) == g
           ).astype(jnp.bfloat16)
    xu = lax.dot_general(ohT, ugb_ref[...], (((0,), (0,)), ((), ())),
                         preferred_element_type=jnp.float32)
    sh = hsum_ref[...].astype(jnp.bfloat16)
    shb = jnp.concatenate([sh, bond_ref[...].astype(jnp.bfloat16)], axis=1)
    x = (jnp.dot(shb, wb1_ref[:2 * D, :], preferred_element_type=jnp.float32)
         + xu)
    x = jnp.maximum(x, 0.0).astype(jnp.bfloat16)
    out_ref[...] = (jnp.dot(x, wb2_ref[...],
                            preferred_element_type=jnp.float32)
                    + bb2_ref[...])


def _tc_edge(hsum, bond, gsrc3, u, Wb1, bb1, Wb2, bb2, boff):
    nsteps = EH // BE
    return pl.pallas_call(
        _tc_edge_body,
        grid=(nsteps,),
        in_specs=[
            pl.BlockSpec((BE, D), lambda i: (i, 0)),
            pl.BlockSpec((BE, D), lambda i: (i + boff, 0)),
            pl.BlockSpec((1, 1, BE), lambda i: (i, 0, 0)),
            pl.BlockSpec((G, D), lambda i: (0, 0)),
            pl.BlockSpec((H, H), lambda i: (0, 0)),
            pl.BlockSpec((1, H), lambda i: (0, 0)),
            pl.BlockSpec((H, D), lambda i: (0, 0)),
            pl.BlockSpec((1, D), lambda i: (0, 0)),
        ],
        out_specs=pl.BlockSpec((BE, D), lambda i: (i, 0)),
        out_shape=jax.ShapeDtypeStruct((EH, D), jnp.float32),
        scratch_shapes=[pltpu.VMEM((G, H), jnp.bfloat16)],
        compiler_params=pltpu.CompilerParams(
            dimension_semantics=("arbitrary",)),
    )(hsum, bond, gsrc3, u, Wb1, bb1, Wb2, bb2)


def _tc_final_body(atom_ref, sumh_ref, sume1_ref, sume2_ref, n2g_ref, u_ref,
                   wa1_ref, ba1_ref, wa2_ref, ba2_ref,
                   wg1_ref, bg1_ref, wg2_ref, bg2_ref,
                   hnew_ref, unew_ref,
                   segh_ref, sege_ref, uga_ref):
    i = pl.program_id(0)
    nsteps = pl.num_programs(0)

    @pl.when(i == 0)
    def _():
        segh_ref[...] = jnp.zeros((G, D), jnp.float32)
        sege_ref[...] = jnp.zeros((G, D), jnp.float32)
        uga_ref[...] = (
            jnp.dot(u_ref[...], wa1_ref[2 * D:, :],
                    preferred_element_type=jnp.float32) + ba1_ref[...])

    sum_h = sumh_ref[0] + sumh_ref[1] + atom_ref[...]
    sum_e = (sume1_ref[0] + sume1_ref[1]) + (sume2_ref[0] + sume2_ref[1])
    g = n2g_ref[0]
    ohT = (lax.broadcasted_iota(jnp.int32, (G, BN), 0) == g
           ).astype(jnp.float32)
    xu = lax.dot_general(ohT, uga_ref[...], (((0,), (0,)), ((), ())),
                         preferred_element_type=jnp.float32)
    x = (jnp.dot(sum_h, wa1_ref[:D, :], preferred_element_type=jnp.float32)
         + jnp.dot(sum_e, wa1_ref[D:2 * D, :],
                   preferred_element_type=jnp.float32)
         + xu)
    x = jnp.maximum(x, 0.0)
    hn = (jnp.dot(x, wa2_ref[...], preferred_element_type=jnp.float32)
          + ba2_ref[...])
    hnew_ref[...] = hn
    segh_ref[...] += jnp.dot(ohT, hn, preferred_element_type=jnp.float32)
    sege_ref[...] += jnp.dot(ohT, sum_e, preferred_element_type=jnp.float32)

    @pl.when(i == nsteps - 1)
    def _():
        xg = (jnp.dot(segh_ref[...], wg1_ref[:D, :],
                      preferred_element_type=jnp.float32)
              + jnp.dot(0.5 * sege_ref[...], wg1_ref[D:2 * D, :],
                        preferred_element_type=jnp.float32)
              + jnp.dot(u_ref[...], wg1_ref[2 * D:, :],
                        preferred_element_type=jnp.float32)
              + bg1_ref[...])
        xg = jnp.maximum(xg, 0.0)
        unew_ref[...] = (jnp.dot(xg, wg2_ref[...],
                                 preferred_element_type=jnp.float32)
                         + bg2_ref[...])


def _tc_final(atom, sumh_parts, sume1_parts, sume2_parts, n2g3, u,
              Wa1, ba1, Wa2, ba2, Wg1, bg1, Wg2, bg2):
    nsteps = N // BN
    return pl.pallas_call(
        _tc_final_body,
        grid=(nsteps,),
        in_specs=[
            pl.BlockSpec((BN, D), lambda i: (i, 0)),
            pl.BlockSpec((NC, BN, D), lambda i: (0, i, 0)),
            pl.BlockSpec((NC, BN, D), lambda i: (0, i, 0)),
            pl.BlockSpec((NC, BN, D), lambda i: (0, i, 0)),
            pl.BlockSpec((1, 1, BN), lambda i: (i, 0, 0)),
            pl.BlockSpec((G, D), lambda i: (0, 0)),
            pl.BlockSpec((H, H), lambda i: (0, 0)),
            pl.BlockSpec((1, H), lambda i: (0, 0)),
            pl.BlockSpec((H, D), lambda i: (0, 0)),
            pl.BlockSpec((1, D), lambda i: (0, 0)),
            pl.BlockSpec((H, H), lambda i: (0, 0)),
            pl.BlockSpec((1, H), lambda i: (0, 0)),
            pl.BlockSpec((H, D), lambda i: (0, 0)),
            pl.BlockSpec((1, D), lambda i: (0, 0)),
        ],
        out_specs=[
            pl.BlockSpec((BN, D), lambda i: (i, 0)),
            pl.BlockSpec((G, D), lambda i: (0, 0)),
        ],
        out_shape=[
            jax.ShapeDtypeStruct((N, D), jnp.float32),
            jax.ShapeDtypeStruct((G, D), jnp.float32),
        ],
        scratch_shapes=[
            pltpu.VMEM((G, D), jnp.float32),
            pltpu.VMEM((G, D), jnp.float32),
            pltpu.VMEM((G, H), jnp.float32),
        ],
        compiler_params=pltpu.CompilerParams(
            dimension_semantics=("arbitrary",)),
    )(atom, sumh_parts, sume1_parts, sume2_parts, n2g3, u,
      Wa1, ba1, Wa2, ba2, Wg1, bg1, Wg2, bg2)


def kernel(atom, bond, global_feats, edge_index, node2graph,
           Wb1, bb1, Wb2, bb2, Wa1, ba1, Wa2, ba2, Wg1, bg1, Wg2, bg2):
    src = edge_index[0].astype(jnp.int32)
    dst = edge_index[1].astype(jnp.int32)
    n2g = node2graph.astype(jnp.int32)
    zeros_nd = jnp.zeros((N, D), jnp.float32)
    wb1_bf = Wb1.astype(jnp.bfloat16)
    wb2_bf = Wb2.astype(jnp.bfloat16)

    hsum1, gsrc1 = _sc_gather(atom, n2g, src, dst, 0, EH)
    hsum2, gsrc2 = _sc_gather(atom, n2g, src, dst, EH, EH)
    sumh_parts = _sc_scatter(atom, src, dst, zeros_nd, 0, E,
                             gather_rows=True)
    e_new1 = _tc_edge(hsum1, bond, gsrc1.reshape(EH // BE, 1, BE),
                      global_feats, wb1_bf, bb1.reshape(1, H), wb2_bf,
                      bb2.reshape(1, D), 0)
    e_new2 = _tc_edge(hsum2, bond, gsrc2.reshape(EH // BE, 1, BE),
                      global_feats, wb1_bf, bb1.reshape(1, H), wb2_bf,
                      bb2.reshape(1, D), EH // BE)
    sume1_parts = _sc_scatter(e_new1, src, dst, zeros_nd, 0, EH,
                              gather_rows=False)
    sume2_parts = _sc_scatter(e_new2, src, dst, zeros_nd, EH, EH,
                              gather_rows=False)
    e_new = jnp.concatenate([e_new1, e_new2], axis=0)
    n2g3 = n2g.reshape(N // BN, 1, BN)
    h_new, u_new = _tc_final(atom, sumh_parts, sume1_parts, sume2_parts,
                             n2g3, global_feats, Wa1, ba1.reshape(1, H),
                             Wa2, ba2.reshape(1, D), Wg1, bg1.reshape(1, H),
                             Wg2, bg2.reshape(1, D))
    return (h_new, e_new, u_new)

# --- scband reference (transcript-rebuilt; emitter-appended) ---
"""Pipeline reference for scband-ginconv-global-83545703841969 (READ-ONLY COPY).

The authoritative reference and input builder live on the scoring server;
editing this copy changes nothing except your own understanding.
"""

import jax, jax.numpy as jnp
import numpy as np

N = 10000
E = 320000
G = 256
D = 128
H = 3 * D  # hidden size = out_size * 3, num_fc_layers=2 -> one hidden layer


def _mlp(x, W1, b1, W2, b2):
    # MLP(in, [3*out], batch_norm=False, activation='ReLU', out_size=out)
    h = jnp.maximum(jnp.dot(x, W1) + b1, 0.0)
    return jnp.dot(h, W2) + b2


def setup_inputs(seed: int = 0) -> dict:
    key = jax.random.key(seed)
    ks = jax.random.split(key, 20)
    inp = {}
    inp['atom'] = jax.random.normal(ks[0], (N, D), dtype=jnp.float32)
    inp['bond'] = jax.random.normal(ks[1], (E, D), dtype=jnp.float32)
    inp['global_feats'] = jax.random.normal(ks[2], (G, D), dtype=jnp.float32)
    inp['edge_index'] = jax.random.randint(ks[3], (2, E), 0, N)
    inp['node2graph'] = jnp.sort(jax.random.randint(ks[4], (N,), 0, G))
    s = 0.02
    # mlp_bond: in=3*D -> H -> D
    inp['Wb1'] = jax.random.normal(ks[5], (3 * D, H), dtype=jnp.float32) * s
    inp['bb1'] = jnp.zeros((H,), dtype=jnp.float32)
    inp['Wb2'] = jax.random.normal(ks[6], (H, D), dtype=jnp.float32) * s
    inp['bb2'] = jnp.zeros((D,), dtype=jnp.float32)
    # mlp_atom: in=2*D+D=3*D -> H -> D
    inp['Wa1'] = jax.random.normal(ks[7], (3 * D, H), dtype=jnp.float32) * s
    inp['ba1'] = jnp.zeros((H,), dtype=jnp.float32)
    inp['Wa2'] = jax.random.normal(ks[8], (H, D), dtype=jnp.float32) * s
    inp['ba2'] = jnp.zeros((D,), dtype=jnp.float32)
    # mlp_global: in=D+2*D=3*D -> H -> D
    inp['Wg1'] = jax.random.normal(ks[9], (3 * D, H), dtype=jnp.float32) * s
    inp['bg1'] = jnp.zeros((H,), dtype=jnp.float32)
    inp['Wg2'] = jax.random.normal(ks[10], (H, D), dtype=jnp.float32) * s
    inp['bg2'] = jnp.zeros((D,), dtype=jnp.float32)
    return inp


def reference(atom, bond, global_feats, edge_index, node2graph,
              Wb1, bb1, Wb2, bb2, Wa1, ba1, Wa2, ba2, Wg1, bg1, Wg2, bg2):
    src = edge_index[0]
    dst = edge_index[1]
    h = atom
    e = bond
    u = global_feats
    # g2a: each atom receives its graph's global feature (copy_u + sum, one global per atom)
    u_node = jnp.take(u, node2graph, axis=0)                       # [N, D]
    # apply_edges copy_u(u_node) on bond etype
    u_edge = jnp.take(u_node, src, axis=0)                         # [E, D]
    # apply_edges u_add_v(h, h)
    sum_h_e = jnp.take(h, src, axis=0) + jnp.take(h, dst, axis=0)  # [E, D]
    # bond update
    e_new = _mlp(jnp.concatenate([sum_h_e, e, u_edge], axis=-1), Wb1, bb1, Wb2, bb2)
    # update_all copy_e sum -> per-node sum of incident (incoming) edge feats
    sum_e = jnp.zeros((N, D), dtype=e_new.dtype).at[dst].add(e_new)
    # update_all copy_u sum -> neighbor sum, plus self
    sum_h = jnp.zeros((N, D), dtype=h.dtype).at[dst].add(jnp.take(h, src, axis=0)) + h
    # atom update
    h_new = _mlp(jnp.concatenate([sum_h, sum_e, u_node], axis=-1), Wa1, ba1, Wa2, ba2)
    # a2g reductions
    sum_e_g = 0.5 * jax.ops.segment_sum(sum_e, node2graph, num_segments=G)
    sum_h_g = jax.ops.segment_sum(h_new, node2graph, num_segments=G)
    # global update
    u_new = _mlp(jnp.concatenate([sum_h_g, sum_e_g, u], axis=-1), Wg1, bg1, Wg2, bg2)
    return (h_new, e_new, u_new)

if __name__ == "__main__":
    import jax
    _d = setup_inputs()
    print(jax.jit(kernel)(*tuple(_d.values())))

</pallas_src>

<mosaic_0001>
#map = affine_map<(d0, d1) -> (0, 0)>
#map1 = affine_map<(d0, d1) -> (0)>
module attributes {stable_mosaic.version = 14 : i64} {
  func.func @body(%arg0: i32, %arg1: i32, %arg2: memref<10000x128xf32, #tpu.memory_space<hbm>>, %arg3: memref<10000xi32, #tpu.memory_space<hbm>>, %arg4: memref<320000xi32, #tpu.memory_space<hbm>>, %arg5: memref<320000xi32, #tpu.memory_space<hbm>>, %arg6: memref<160000x128xf32, #tpu.memory_space<hbm>>, %arg7: memref<160000xi32, #tpu.memory_space<hbm>>, %arg8: memref<5000xi32, #tpu.memory_space<vmem>>, %arg9: memref<5000xi32, #tpu.memory_space<vmem>>, %arg10: memref<10000xi32, #tpu.memory_space<vmem>>, %arg11: memref<5000xi32, #tpu.memory_space<vmem>>, %arg12: memref<40x128xf32, #tpu.memory_space<vmem>>, %arg13: memref<40x128xf32, #tpu.memory_space<vmem>>, %arg14: memref<40x128xf32, #tpu.memory_space<vmem>>, %arg15: memref<40x128xf32, #tpu.memory_space<vmem>>, %arg16: memref<40x128xf32, #tpu.memory_space<vmem>>, %arg17: memref<40x128xf32, #tpu.memory_space<vmem>>, %arg18: memref<!tpu.dma_semaphore, #tpu.memory_space<semaphore_mem>>, %arg19: memref<!tpu.dma_semaphore, #tpu.memory_space<semaphore_mem>>, %arg20: memref<!tpu.dma_semaphore, #tpu.memory_space<semaphore_mem>>, %arg21: memref<!tpu.dma_semaphore, #tpu.memory_space<semaphore_mem>>) attributes {dimension_semantics = [#tpu.dimension_semantics<core_parallel>, #tpu.dimension_semantics<subcore_parallel>], iteration_bounds = array<i64: 2, 16>, scalar_prefetch = 0 : i64, scratch_operands = 14 : i64, tpu.core_type = #tpu.core_type<sc_vector_subcore>, window_params = [{transform_indices = #map}, {transform_indices = #map1}, {transform_indices = #map1}, {transform_indices = #map1}, {transform_indices = #map}, {transform_indices = #map1}]} {
    %mul3A = arith.constant 2 : i32
    %mul3A_0 = arith.muli %arg1, %mul3A : i32
    %add3A = arith.addi %mul3A_0, %arg0 : i32
    %mul3A_1 = arith.constant 5000 : i32
    %mul3A_2 = arith.muli %add3A, %mul3A_1 : i32
    %add3A_3 = arith.constant 0 : i32
    %add3A_4 = arith.addi %add3A_3, %mul3A_2 : i32
    %mul3A_5 = arith.constant 5000 : i32
    %mul3A_6 = arith.muli %add3A, %mul3A_5 : i32
    "tpu.region"() ({
      %run_scoped3A = tpu.sem_alloc : memref<!tpu.dma_semaphore, #tpu.memory_space<semaphore_mem>>
      %dma_start3A_70 = tpu.memref_slice %arg4[%add3A_4] : memref<320000xi32, #tpu.memory_space<hbm>> -> memref<5000xi32, #tpu.memory_space<hbm>>
      %dma_start3A_71 = tpu.memref_slice %arg4[%add3A_4] : memref<320000xi32, #tpu.memory_space<hbm>> -> memref<5000xi32, #tpu.memory_space<hbm>>
      tpu.enqueue_dma source(%dma_start3A_71 : memref<5000xi32, #tpu.memory_space<hbm>>) target(%arg8 : memref<5000xi32, #tpu.memory_space<vmem>>) target_semaphore(%run_scoped3A : memref<!tpu.dma_semaphore, #tpu.memory_space<semaphore_mem>>)
      %dma_wait3A_72 = tpu.memref_slice %arg4[%add3A_4] : memref<320000xi32, #tpu.memory_space<hbm>> -> memref<5000xi32, #tpu.memory_space<hbm>>
      %dma_wait3A_73 = tpu.memref_slice %arg4[%add3A_4] : memref<320000xi32, #tpu.memory_space<hbm>> -> memref<5000xi32, #tpu.memory_space<hbm>>
      tpu.wait_dma2 semaphore(%run_scoped3A : memref<!tpu.dma_semaphore, #tpu.memory_space<semaphore_mem>>) src(%dma_wait3A_73 : memref<5000xi32, #tpu.memory_space<hbm>>) dst(%arg8 : memref<5000xi32, #tpu.memory_space<vmem>>)
      tpu.yield
    }) : () -> ()
    "tpu.region"() ({
      %run_scoped3A = tpu.sem_alloc : memref<!tpu.dma_semaphore, #tpu.memory_space<semaphore_mem>>
      %dma_start3A_70 = tpu.memref_slice %arg5[%add3A_4] : memref<320000xi32, #tpu.memory_space<hbm>> -> memref<5000xi32, #tpu.memory_space<hbm>>
      %dma_start3A_71 = tpu.memref_slice %arg5[%add3A_4] : memref<320000xi32, #tpu.memory_space<hbm>> -> memref<5000xi32, #tpu.memory_space<hbm>>
      tpu.enqueue_dma source(%dma_start3A_71 : memref<5000xi32, #tpu.memory_space<hbm>>) target(%arg9 : memref<5000xi32, #tpu.memory_space<vmem>>) target_semaphore(%run_scoped3A : memref<!tpu.dma_semaphore, #tpu.memory_space<semaphore_mem>>)
      %dma_wait3A_72 = tpu.memref_slice %arg5[%add3A_4] : memref<320000xi32, #tpu.memory_space<hbm>> -> memref<5000xi32, #tpu.memory_space<hbm>>
      %dma_wait3A_73 = tpu.memref_slice %arg5[%add3A_4] : memref<320000xi32, #tpu.memory_space<hbm>> -> memref<5000xi32, #tpu.memory_space<hbm>>
      tpu.wait_dma2 semaphore(%run_scoped3A : memref<!tpu.dma_semaphore, #tpu.memory_space<semaphore_mem>>) src(%dma_wait3A_73 : memref<5000xi32, #tpu.memory_space<hbm>>) dst(%arg9 : memref<5000xi32, #tpu.memory_space<vmem>>)
      tpu.yield
    }) : () -> ()
    "tpu.region"() ({
      %run_scoped3A = tpu.sem_alloc : memref<!tpu.dma_semaphore, #tpu.memory_space<semaphore_mem>>
      tpu.enqueue_dma source(%arg3 : memref<10000xi32, #tpu.memory_space<hbm>>) target(%arg10 : memref<10000xi32, #tpu.memory_space<vmem>>) target_semaphore(%run_scoped3A : memref<!tpu.dma_semaphore, #tpu.memory_space<semaphore_mem>>)
      tpu.wait_dma2 semaphore(%run_scoped3A : memref<!tpu.dma_semaphore, #tpu.memory_space<semaphore_mem>>) src(%arg3 : memref<10000xi32, #tpu.memory_space<hbm>>) dst(%arg10 : memref<10000xi32, #tpu.memory_space<vmem>>)
      tpu.yield
    }) : () -> ()
    %dma_start3A = arith.constant 0 : i32
    %dma_start3A_7 = tpu.memref_slice %arg8[%dma_start3A] : memref<5000xi32, #tpu.memory_space<vmem>> -> memref<40xi32, #tpu.memory_space<vmem>>
    %dma_start3A_8 = arith.constant 0 : i32
    %dma_start3A_9 = arith.constant 0 : i32
    %dma_start3A_10 = tpu.memref_slice %arg2[%dma_start3A_8, %dma_start3A_9] : memref<10000x128xf32, #tpu.memory_space<hbm>> -> memref<10000x128xf32, #tpu.memory_space<hbm>>
    tpu.enqueue_indirect_dma source(%dma_start3A_10 : memref<10000x128xf32, #tpu.memory_space<hbm>>) target(%arg12 : memref<40x128xf32, #tpu.memory_space<vmem>>) offsets(%dma_start3A_7 : memref<40xi32, #tpu.memory_space<vmem>>) semaphore(%arg18 : memref<!tpu.dma_semaphore, #tpu.memory_space<semaphore_mem>>)
    %dma_start3A_11 = arith.constant 0 : i32
    %dma_start3A_12 = tpu.memref_slice %arg9[%dma_start3A_11] : memref<5000xi32, #tpu.memory_space<vmem>> -> memref<40xi32, #tpu.memory_space<vmem>>
    %dma_start3A_13 = arith.constant 0 : i32
    %dma_start3A_14 = arith.constant 0 : i32
    %dma_start3A_15 = tpu.memref_slice %arg2[%dma_start3A_13, %dma_start3A_14] : memref<10000x128xf32, #tpu.memory_space<hbm>> -> memref<10000x128xf32, #tpu.memory_space<hbm>>
    tpu.enqueue_indirect_dma source(%dma_start3A_15 : memref<10000x128xf32, #tpu.memory_space<hbm>>) target(%arg13 : memref<40x128xf32, #tpu.memory_space<vmem>>) offsets(%dma_start3A_12 : memref<40xi32, #tpu.memory_space<vmem>>) semaphore(%arg18 : memref<!tpu.dma_semaphore, #tpu.memory_space<semaphore_mem>>)
    %scan3A = arith.constant 0 : i32
    %scan3A_16 = arith.constant 0 : i32
    %scan3A_17 = arith.constant 312 : i32
    %scan3A_18 = arith.addi %scan3A_16, %scan3A_17 : i32
    %scan3A_19 = arith.constant 1 : i32
    scf.for %scan3A_70 = %scan3A_16 to %scan3A_18 step %scan3A_19  : i32 {
      %mul3A_71 = arith.constant 16 : i32
      %mul3A_72 = arith.muli %scan3A_70, %mul3A_71 : i32
      %get3A_73 = arith.index_cast %mul3A_72 : i32 to index
      %get3A_74 = tpu.vector_load %arg8[%get3A_73] {strides = array<i32>} : memref<5000xi32, #tpu.memory_space<vmem>>, vector<16xi32>,
      %gather3A_75 = tpu.vector_load_idx %arg10[%get3A_74] : memref<10000xi32, #tpu.memory_space<vmem>>[vector<16xi32>], vector<16xi32>,
      %swap3A_76 = arith.index_cast %mul3A_72 : i32 to index
      %swap3A_77 = tpu.vector_load %arg11[%swap3A_76] {strides = array<i32>} : memref<5000xi32, #tpu.memory_space<vmem>>, vector<16xi32>,
      tpu.vector_store %arg11[%swap3A_76], %gather3A_75 {strides = array<i32>} : memref<5000xi32, #tpu.memory_space<vmem>>, vector<16xi32>,
    }
    %scan3A_20 = arith.constant 312 : i32
    %get3A = arith.constant 4984 : index
    %get3A_21 = tpu.vector_load %arg8[%get3A] {strides = array<i32>} : memref<5000xi32, #tpu.memory_space<vmem>>, vector<16xi32>,
    %gather3A = tpu.vector_load_idx %arg10[%get3A_21] : memref<10000xi32, #tpu.memory_space<vmem>>[vector<16xi32>], vector<16xi32>,
    %swap3A = arith.constant 4984 : index
    %swap3A_22 = tpu.vector_load %arg11[%swap3A] {strides = array<i32>} : memref<5000xi32, #tpu.memory_space<vmem>>, vector<16xi32>,
    tpu.vector_store %arg11[%swap3A], %gather3A {strides = array<i32>} : memref<5000xi32, #tpu.memory_space<vmem>>, vector<16xi32>,
    "tpu.region"() ({
      %run_scoped3A = tpu.sem_alloc : memref<!tpu.dma_semaphore, #tpu.memory_space<semaphore_mem>>
      %dma_start3A_70 = tpu.memref_slice %arg7[%mul3A_6] : memref<160000xi32, #tpu.memory_space<hbm>> -> memref<5000xi32, #tpu.memory_space<hbm>>
      %dma_start3A_71 = tpu.memref_slice %arg7[%mul3A_6] : memref<160000xi32, #tpu.memory_space<hbm>> -> memref<5000xi32, #tpu.memory_space<hbm>>
      tpu.enqueue_dma source(%arg11 : memref<5000xi32, #tpu.memory_space<vmem>>) target(%dma_start3A_71 : memref<5000xi32, #tpu.memory_space<hbm>>) target_semaphore(%run_scoped3A : memref<!tpu.dma_semaphore, #tpu.memory_space<semaphore_mem>>)
      %dma_wait3A_72 = tpu.memref_slice %arg7[%mul3A_6] : memref<160000xi32, #tpu.memory_space<hbm>> -> memref<5000xi32, #tpu.memory_space<hbm>>
      %dma_wait3A_73 = tpu.memref_slice %arg7[%mul3A_6] : memref<160000xi32, #tpu.memory_space<hbm>> -> memref<5000xi32, #tpu.memory_space<hbm>>
      tpu.wait_dma2 semaphore(%run_scoped3A : memref<!tpu.dma_semaphore, #tpu.memory_space<semaphore_mem>>) src(%arg11 : memref<5000xi32, #tpu.memory_space<vmem>>) dst(%dma_wait3A_73 : memref<5000xi32, #tpu.memory_space<hbm>>)
      tpu.yield
    }) : () -> ()
    %scan3A_23 = arith.constant 0 : i32
    %scan3A_24 = arith.constant 0 : i32
    %scan3A_25 = arith.constant 62 : i32
    %scan3A_26 = arith.addi %scan3A_24, %scan3A_25 : i32
    %scan3A_27 = arith.constant 1 : i32
    scf.for %scan3A_70 = %scan3A_24 to %scan3A_26 step %scan3A_27  : i32 {
      %mul3A_71 = arith.constant 2 : i32
      %mul3A_72 = arith.muli %mul3A_71, %scan3A_70 : i32
      %add3A_73 = arith.constant 1 : i32
      %add3A_74 = arith.addi %mul3A_72, %add3A_73 : i32
      %mul3A_75 = arith.constant 40 : i32
      %mul3A_76 = arith.muli %add3A_74, %mul3A_75 : i32
      %dma_start3A_77 = tpu.memref_slice %arg8[%mul3A_76] : memref<5000xi32, #tpu.memory_space<vmem>> -> memref<40xi32, #tpu.memory_space<vmem>>
      %dma_start3A_78 = arith.constant 0 : i32
      %dma_start3A_79 = arith.constant 0 : i32
      %dma_start3A_80 = tpu.memref_slice %arg2[%dma_start3A_78, %dma_start3A_79] : memref<10000x128xf32, #tpu.memory_space<hbm>> -> memref<10000x128xf32, #tpu.memory_space<hbm>>
      tpu.enqueue_indirect_dma source(%dma_start3A_80 : memref<10000x128xf32, #tpu.memory_space<hbm>>) target(%arg14 : memref<40x128xf32, #tpu.memory_space<vmem>>) offsets(%dma_start3A_77 : memref<40xi32, #tpu.memory_space<vmem>>) semaphore(%arg19 : memref<!tpu.dma_semaphore, #tpu.memory_space<semaphore_mem>>)
      %mul3A_81 = arith.constant 40 : i32
      %mul3A_82 = arith.muli %add3A_74, %mul3A_81 : i32
      %dma_start3A_83 = tpu.memref_slice %arg9[%mul3A_82] : memref<5000xi32, #tpu.memory_space<vmem>> -> memref<40xi32, #tpu.memory_space<vmem>>
      %dma_start3A_84 = arith.constant 0 : i32
      %dma_start3A_85 = arith.constant 0 : i32
      %dma_start3A_86 = tpu.memref_slice %arg2[%dma_start3A_84, %dma_start3A_85] : memref<10000x128xf32, #tpu.memory_space<hbm>> -> memref<10000x128xf32, #tpu.memory_space<hbm>>
      tpu.enqueue_indirect_dma source(%dma_start3A_86 : memref<10000x128xf32, #tpu.memory_space<hbm>>) target(%arg15 : memref<40x128xf32, #tpu.memory_space<vmem>>) offsets(%dma_start3A_83 : memref<40xi32, #tpu.memory_space<vmem>>) semaphore(%arg19 : memref<!tpu.dma_semaphore, #tpu.memory_space<semaphore_mem>>)
      %dma_wait3A_87 = arith.constant 0 : i32
      %dma_wait3A_88 = arith.constant 0 : i32
      %dma_wait3A_89 = tpu.memref_slice %arg2[%dma_wait3A_87, %dma_wait3A_88] : memref<10000x128xf32, #tpu.memory_space<hbm>> -> memref<40x128xf32, #tpu.memory_space<hbm>>
      %dma_wait3A_90 = arith.constant 0 : i32
      %dma_wait3A_91 = arith.constant 0 : i32
      %dma_wait3A_92 = tpu.memref_slice %arg2[%dma_wait3A_90, %dma_wait3A_91] : memref<10000x128xf32, #tpu.memory_space<hbm>> -> memref<40x128xf32, #tpu.memory_space<hbm>>
      tpu.wait_dma2 semaphore(%arg18 : memref<!tpu.dma_semaphore, #tpu.memory_space<semaphore_mem>>) src(%dma_wait3A_92 : memref<40x128xf32, #tpu.memory_space<hbm>>) dst(%arg12 : memref<40x128xf32, #tpu.memory_space<vmem>>)
      %dma_wait3A_93 = arith.constant 0 : i32
      %dma_wait3A_94 = arith.constant 0 : i32
      %dma_wait3A_95 = tpu.memref_slice %arg2[%dma_wait3A_93, %dma_wait3A_94] : memref<10000x128xf32, #tpu.memory_space<hbm>> -> memref<40x128xf32, #tpu.memory_space<hbm>>
      %dma_wait3A_96 = arith.constant 0 : i32
      %dma_wait3A_97 = arith.constant 0 : i32
      %dma_wait3A_98 = tpu.memref_slice %arg2[%dma_wait3A_96, %dma_wait3A_97] : memref<10000x128xf32, #tpu.memory_space<hbm>> -> memref<40x128xf32, #tpu.memory_space<hbm>>
      tpu.wait_dma2 semaphore(%arg18 : memref<!tpu.dma_semaphore, #tpu.memory_space<semaphore_mem>>) src(%dma_wait3A_98 : memref<40x128xf32, #tpu.memory_space<hbm>>) dst(%arg13 : memref<40x128xf32, #tpu.memory_space<vmem>>)
      %gt3A = arith.constant 0 : i32
      %gt3A_99 = arith.cmpi sgt, %scan3A_70, %gt3A : i32
      %convert_element_type3A = arith.extui %gt3A_99 : i1 to i32
      %cond3A = arith.constant 0 : i32
      %cond3A_100 = arith.cmpi ne, %convert_element_type3A, %cond3A : i32
      scf.if %cond3A_100 {
        %dma_wait3A_158 = arith.constant 0 : i32
        %dma_wait3A_159 = arith.constant 0 : i32
        %dma_wait3A_160 = tpu.memref_slice %arg6[%dma_wait3A_158, %dma_wait3A_159] : memref<160000x128xf32, #tpu.memory_space<hbm>> -> memref<40x128xf32, #tpu.memory_space<hbm>>
        %dma_wait3A_161 = arith.constant 0 : i32
        %dma_wait3A_162 = arith.constant 0 : i32
        %dma_wait3A_163 = tpu.memref_slice %arg6[%dma_wait3A_161, %dma_wait3A_162] : memref<160000x128xf32, #tpu.memory_space<hbm>> -> memref<40x128xf32, #tpu.memory_space<hbm>>
        tpu.wait_dma2 semaphore(%arg20 : memref<!tpu.dma_semaphore, #tpu.memory_space<semaphore_mem>>) src(%arg16 : memref<40x128xf32, #tpu.memory_space<vmem>>) dst(%dma_wait3A_163 : memref<40x128xf32, #tpu.memory_space<hbm>>)
      } else {
      }
      %scan3A_101 = arith.constant 0 : i32
      %scan3A_102 = arith.constant 0 : i32
      %scan3A_103 = arith.constant 40 : i32
      %scan3A_104 = arith.addi %scan3A_102, %scan3A_103 : i32
      %scan3A_105 = arith.constant 1 : i32
      scf.for %scan3A_158 = %scan3A_102 to %scan3A_104 step %scan3A_105  : i32 {
        %scan3A_159 = arith.constant 0 : i32
        %scan3A_160 = arith.constant 8 : i32
        %scan3A_161 = arith.addi %scan3A_159, %scan3A_160 : i32
        %scan3A_162 = arith.constant 1 : i32
        scf.for %scan3A_164 = %scan3A_159 to %scan3A_161 step %scan3A_162  : i32 {
          %mul3A_165 = arith.constant 16 : i32
          %mul3A_166 = arith.muli %scan3A_164, %mul3A_165 : i32
          %get3A_167 = arith.index_cast %scan3A_158 : i32 to index
          %get3A_168 = arith.index_cast %mul3A_166 : i32 to index
          %get3A_169 = tpu.vector_load %arg12[%get3A_167, %get3A_168] {strides = array<i32>} : memref<40x128xf32, #tpu.memory_space<vmem>>, vector<16xf32>,
          %get3A_170 = arith.index_cast %scan3A_158 : i32 to index
          %get3A_171 = arith.index_cast %mul3A_166 : i32 to index
          %get3A_172 = tpu.vector_load %arg13[%get3A_170, %get3A_171] {strides = array<i32>} : memref<40x128xf32, #tpu.memory_space<vmem>>, vector<16xf32>,
          %add3A_173 = arith.addf %get3A_169, %get3A_172 : vector<16xf32>
          %swap3A_174 = arith.index_cast %scan3A_158 : i32 to index
          %swap3A_175 = arith.index_cast %mul3A_166 : i32 to index
          %swap3A_176 = tpu.vector_load %arg16[%swap3A_174, %swap3A_175] {strides = array<i32>} : memref<40x128xf32, #tpu.memory_space<vmem>>, vector<16xf32>,
          tpu.vector_store %arg16[%swap3A_174, %swap3A_175], %add3A_173 {strides = array<i32>} : memref<40x128xf32, #tpu.memory_space<vmem>>, vector<16xf32>,
        }
        %scan3A_163 = arith.constant 8 : i32
      }
      %scan3A_106 = arith.constant 40 : i32
      %mul3A_107 = arith.constant 40 : i32
      %mul3A_108 = arith.muli %mul3A_72, %mul3A_107 : i32
      %add3A_109 = arith.addi %mul3A_6, %mul3A_108 : i32
      %dma_start3A_110 = arith.constant 0 : i32
      %dma_start3A_111 = tpu.memref_slice %arg6[%add3A_109, %dma_start3A_110] : memref<160000x128xf32, #tpu.memory_space<hbm>> -> memref<40x128xf32, #tpu.memory_space<hbm>>
      %dma_start3A_112 = arith.constant 0 : i32
      %dma_start3A_113 = tpu.memref_slice %arg6[%add3A_109, %dma_start3A_112] : memref<160000x128xf32, #tpu.memory_space<hbm>> -> memref<40x128xf32, #tpu.memory_space<hbm>>
      tpu.enqueue_dma source(%arg16 : memref<40x128xf32, #tpu.memory_space<vmem>>) target(%dma_start3A_113 : memref<40x128xf32, #tpu.memory_space<hbm>>) target_semaphore(%arg20 : memref<!tpu.dma_semaphore, #tpu.memory_space<semaphore_mem>>)
      %add3A_114 = arith.constant 1 : i32
      %add3A_115 = arith.addi %add3A_74, %add3A_114 : i32
      %mul3A_116 = arith.constant 40 : i32
      %mul3A_117 = arith.muli %add3A_115, %mul3A_116 : i32
      %dma_start3A_118 = tpu.memref_slice %arg8[%mul3A_117] : memref<5000xi32, #tpu.memory_space<vmem>> -> memref<40xi32, #tpu.memory_space<vmem>>
      %dma_start3A_119 = arith.constant 0 : i32
      %dma_start3A_120 = arith.constant 0 : i32
      %dma_start3A_121 = tpu.memref_slice %arg2[%dma_start3A_119, %dma_start3A_120] : memref<10000x128xf32, #tpu.memory_space<hbm>> -> memref<10000x128xf32, #tpu.memory_space<hbm>>
      tpu.enqueue_indirect_dma source(%dma_start3A_121 : memref<10000x128xf32, #tpu.memory_space<hbm>>) target(%arg12 : memref<40x128xf32, #tpu.memory_space<vmem>>) offsets(%dma_start3A_118 : memref<40xi32, #tpu.memory_space<vmem>>) semaphore(%arg18 : memref<!tpu.dma_semaphore, #tpu.memory_space<semaphore_mem>>)
      %mul3A_122 = arith.constant 40 : i32
      %mul3A_123 = arith.muli %add3A_115, %mul3A_122 : i32
      %dma_start3A_124 = tpu.memref_slice %arg9[%mul3A_123] : memref<5000xi32, #tpu.memory_space<vmem>> -> memref<40xi32, #tpu.memory_space<vmem>>
      %dma_start3A_125 = arith.constant 0 : i32
      %dma_start3A_126 = arith.constant 0 : i32
      %dma_start3A_127 = tpu.memref_slice %arg2[%dma_start3A_125, %dma_start3A_126] : memref<10000x128xf32, #tpu.memory_space<hbm>> -> memref<10000x128xf32, #tpu.memory_space<hbm>>
      tpu.enqueue_indirect_dma source(%dma_start3A_127 : memref<10000x128xf32, #tpu.memory_space<hbm>>) target(%arg13 : memref<40x128xf32, #tpu.memory_space<vmem>>) offsets(%dma_start3A_124 : memref<40xi32, #tpu.memory_space<vmem>>) semaphore(%arg18 : memref<!tpu.dma_semaphore, #tpu.memory_space<semaphore_mem>>)
      %dma_wait3A_128 = arith.constant 0 : i32
      %dma_wait3A_129 = arith.constant 0 : i32
      %dma_wait3A_130 = tpu.memref_slice %arg2[%dma_wait3A_128, %dma_wait3A_129] : memref<10000x128xf32, #tpu.memory_space<hbm>> -> memref<40x128xf32, #tpu.memory_space<hbm>>
      %dma_wait3A_131 = arith.constant 0 : i32
      %dma_wait3A_132 = arith.constant 0 : i32
      %dma_wait3A_133 = tpu.memref_slice %arg2[%dma_wait3A_131, %dma_wait3A_132] : memref<10000x128xf32, #tpu.memory_space<hbm>> -> memref<40x128xf32, #tpu.memory_space<hbm>>
      tpu.wait_dma2 semaphore(%arg19 : memref<!tpu.dma_semaphore, #tpu.memory_space<semaphore_mem>>) src(%dma_wait3A_133 : memref<40x128xf32, #tpu.memory_space<hbm>>) dst(%arg14 : memref<40x128xf32, #tpu.memory_space<vmem>>)
      %dma_wait3A_134 = arith.constant 0 : i32
      %dma_wait3A_135 = arith.constant 0 : i32
      %dma_wait3A_136 = tpu.memref_slice %arg2[%dma_wait3A_134, %dma_wait3A_135] : memref<10000x128xf32, #tpu.memory_space<hbm>> -> memref<40x128xf32, #tpu.memory_space<hbm>>
      %dma_wait3A_137 = arith.constant 0 : i32
      %dma_wait3A_138 = arith.constant 0 : i32
      %dma_wait3A_139 = tpu.memref_slice %arg2[%dma_wait3A_137, %dma_wait3A_138] : memref<10000x128xf32, #tpu.memory_space<hbm>> -> memref<40x128xf32, #tpu.memory_space<hbm>>
      tpu.wait_dma2 semaphore(%arg19 : memref<!tpu.dma_semaphore, #tpu.memory_space<semaphore_mem>>) src(%dma_wait3A_139 : memref<40x128xf32, #tpu.memory_space<hbm>>) dst(%arg15 : memref<40x128xf32, #tpu.memory_space<vmem>>)
      %gt3A_140 = arith.constant 0 : i32
      %gt3A_141 = arith.cmpi sgt, %scan3A_70, %gt3A_140 : i32
      %convert_element_type3A_142 = arith.extui %gt3A_141 : i1 to i32
      %cond3A_143 = arith.constant 0 : i32
      %cond3A_144 = arith.cmpi ne, %convert_element_type3A_142, %cond3A_143 : i32
      scf.if %cond3A_144 {
        %dma_wait3A_158 = arith.constant 0 : i32
        %dma_wait3A_159 = arith.constant 0 : i32
        %dma_wait3A_160 = tpu.memref_slice %arg6[%dma_wait3A_158, %dma_wait3A_159] : memref<160000x128xf32, #tpu.memory_space<hbm>> -> memref<40x128xf32, #tpu.memory_space<hbm>>
        %dma_wait3A_161 = arith.constant 0 : i32
        %dma_wait3A_162 = arith.constant 0 : i32
        %dma_wait3A_163 = tpu.memref_slice %arg6[%dma_wait3A_161, %dma_wait3A_162] : memref<160000x128xf32, #tpu.memory_space<hbm>> -> memref<40x128xf32, #tpu.memory_space<hbm>>
        tpu.wait_dma2 semaphore(%arg21 : memref<!tpu.dma_semaphore, #tpu.memory_space<semaphore_mem>>) src(%arg17 : memref<40x128xf32, #tpu.memory_space<vmem>>) dst(%dma_wait3A_163 : memref<40x128xf32, #tpu.memory_space<hbm>>)
      } else {
      }
      %scan3A_145 = arith.constant 0 : i32
      %scan3A_146 = arith.constant 0 : i32
      %scan3A_147 = arith.constant 40 : i32
      %scan3A_148 = arith.addi %scan3A_146, %scan3A_147 : i32
      %scan3A_149 = arith.constant 1 : i32
      scf.for %scan3A_158 = %scan3A_146 to %scan3A_148 step %scan3A_149  : i32 {
        %scan3A_159 = arith.constant 0 : i32
        %scan3A_160 = arith.constant 8 : i32
        %scan3A_161 = arith.addi %scan3A_159, %scan3A_160 : i32
        %scan3A_162 = arith.constant 1 : i32
        scf.for %scan3A_164 = %scan3A_159 to %scan3A_161 step %scan3A_162  : i32 {
          %mul3A_165 = arith.constant 16 : i32
          %mul3A_166 = arith.muli %scan3A_164, %mul3A_165 : i32
          %get3A_167 = arith.index_cast %scan3A_158 : i32 to index
          %get3A_168 = arith.index_cast %mul3A_166 : i32 to index
          %get3A_169 = tpu.vector_load %arg14[%get3A_167, %get3A_168] {strides = array<i32>} : memref<40x128xf32, #tpu.memory_space<vmem>>, vector<16xf32>,
          %get3A_170 = arith.index_cast %scan3A_158 : i32 to index
          %get3A_171 = arith.index_cast %mul3A_166 : i32 to index
          %get3A_172 = tpu.vector_load %arg15[%get3A_170, %get3A_171] {strides = array<i32>} : memref<40x128xf32, #tpu.memory_space<vmem>>, vector<16xf32>,
          %add3A_173 = arith.addf %get3A_169, %get3A_172 : vector<16xf32>
          %swap3A_174 = arith.index_cast %scan3A_158 : i32 to index
          %swap3A_175 = arith.index_cast %mul3A_166 : i32 to index
          %swap3A_176 = tpu.vector_load %arg17[%swap3A_174, %swap3A_175] {strides = array<i32>} : memref<40x128xf32, #tpu.memory_space<vmem>>, vector<16xf32>,
          tpu.vector_store %arg17[%swap3A_174, %swap3A_175], %add3A_173 {strides = array<i32>} : memref<40x128xf32, #tpu.memory_space<vmem>>, vector<16xf32>,
        }
        %scan3A_163 = arith.constant 8 : i32
      }
      %scan3A_150 = arith.constant 40 : i32
      %mul3A_151 = arith.constant 40 : i32
      %mul3A_152 = arith.muli %add3A_74, %mul3A_151 : i32
      %add3A_153 = arith.addi %mul3A_6, %mul3A_152 : i32
      %dma_start3A_154 = arith.constant 0 : i32
      %dma_start3A_155 = tpu.memref_slice %arg6[%add3A_153, %dma_start3A_154] : memref<160000x128xf32, #tpu.memory_space<hbm>> -> memref<40x128xf32, #tpu.memory_space<hbm>>
      %dma_start3A_156 = arith.constant 0 : i32
      %dma_start3A_157 = tpu.memref_slice %arg6[%add3A_153, %dma_start3A_156] : memref<160000x128xf32, #tpu.memory_space<hbm>> -> memref<40x128xf32, #tpu.memory_space<hbm>>
      tpu.enqueue_dma source(%arg17 : memref<40x128xf32, #tpu.memory_space<vmem>>) target(%dma_start3A_157 : memref<40x128xf32, #tpu.memory_space<hbm>>) target_semaphore(%arg21 : memref<!tpu.dma_semaphore, #tpu.memory_space<semaphore_mem>>)
    }
    %scan3A_28 = arith.constant 62 : i32
    %dma_wait3A = arith.constant 0 : i32
    %dma_wait3A_29 = arith.constant 0 : i32
    %dma_wait3A_30 = tpu.memref_slice %arg2[%dma_wait3A, %dma_wait3A_29] : memref<10000x128xf32, #tpu.memory_space<hbm>> -> memref<40x128xf32, #tpu.memory_space<hbm>>
    %dma_wait3A_31 = arith.constant 0 : i32
    %dma_wait3A_32 = arith.constant 0 : i32
    %dma_wait3A_33 = tpu.memref_slice %arg2[%dma_wait3A_31, %dma_wait3A_32] : memref<10000x128xf32, #tpu.memory_space<hbm>> -> memref<40x128xf32, #tpu.memory_space<hbm>>
    tpu.wait_dma2 semaphore(%arg18 : memref<!tpu.dma_semaphore, #tpu.memory_space<semaphore_mem>>) src(%dma_wait3A_33 : memref<40x128xf32, #tpu.memory_space<hbm>>) dst(%arg12 : memref<40x128xf32, #tpu.memory_space<vmem>>)
    %dma_wait3A_34 = arith.constant 0 : i32
    %dma_wait3A_35 = arith.constant 0 : i32
    %dma_wait3A_36 = tpu.memref_slice %arg2[%dma_wait3A_34, %dma_wait3A_35] : memref<10000x128xf32, #tpu.memory_space<hbm>> -> memref<40x128xf32, #tpu.memory_space<hbm>>
    %dma_wait3A_37 = arith.constant 0 : i32
    %dma_wait3A_38 = arith.constant 0 : i32
    %dma_wait3A_39 = tpu.memref_slice %arg2[%dma_wait3A_37, %dma_wait3A_38] : memref<10000x128xf32, #tpu.memory_space<hbm>> -> memref<40x128xf32, #tpu.memory_space<hbm>>
    tpu.wait_dma2 semaphore(%arg18 : memref<!tpu.dma_semaphore, #tpu.memory_space<semaphore_mem>>) src(%dma_wait3A_39 : memref<40x128xf32, #tpu.memory_space<hbm>>) dst(%arg13 : memref<40x128xf32, #tpu.memory_space<vmem>>)
    %dma_wait3A_40 = arith.constant 0 : i32
    %dma_wait3A_41 = arith.constant 0 : i32
    %dma_wait3A_42 = tpu.memref_slice %arg6[%dma_wait3A_40, %dma_wait3A_41] : memref<160000x128xf32, #tpu.memory_space<hbm>> -> memref<40x128xf32, #tpu.memory_space<hbm>>
    %dma_wait3A_43 = arith.constant 0 : i32
    %dma_wait3A_44 = arith.constant 0 : i32
    %dma_wait3A_45 = tpu.memref_slice %arg6[%dma_wait3A_43, %dma_wait3A_44] : memref<160000x128xf32, #tpu.memory_space<hbm>> -> memref<40x128xf32, #tpu.memory_space<hbm>>
    tpu.wait_dma2 semaphore(%arg20 : memref<!tpu.dma_semaphore, #tpu.memory_space<semaphore_mem>>) src(%arg16 : memref<40x128xf32, #tpu.memory_space<vmem>>) dst(%dma_wait3A_45 : memref<40x128xf32, #tpu.memory_space<hbm>>)
    %scan3A_46 = arith.constant 0 : i32
    %scan3A_47 = arith.constant 0 : i32
    %scan3A_48 = arith.constant 40 : i32
    %scan3A_49 = arith.addi %scan3A_47, %scan3A_48 : i32
    %scan3A_50 = arith.constant 1 : i32
    scf.for %scan3A_70 = %scan3A_47 to %scan3A_49 step %scan3A_50  : i32 {
      %scan3A_71 = arith.constant 0 : i32
      %scan3A_72 = arith.constant 8 : i32
      %scan3A_73 = arith.addi %scan3A_71, %scan3A_72 : i32
      %scan3A_74 = arith.constant 1 : i32
      scf.for %scan3A_76 = %scan3A_71 to %scan3A_73 step %scan3A_74  : i32 {
        %mul3A_77 = arith.constant 16 : i32
        %mul3A_78 = arith.muli %scan3A_76, %mul3A_77 : i32
        %get3A_79 = arith.index_cast %scan3A_70 : i32 to index
        %get3A_80 = arith.index_cast %mul3A_78 : i32 to index
        %get3A_81 = tpu.vector_load %arg12[%get3A_79, %get3A_80] {strides = array<i32>} : memref<40x128xf32, #tpu.memory_space<vmem>>, vector<16xf32>,
        %get3A_82 = arith.index_cast %scan3A_70 : i32 to index
        %get3A_83 = arith.index_cast %mul3A_78 : i32 to index
        %get3A_84 = tpu.vector_load %arg13[%get3A_82, %get3A_83] {strides = array<i32>} : memref<40x128xf32, #tpu.memory_space<vmem>>, vector<16xf32>,
        %add3A_85 = arith.addf %get3A_81, %get3A_84 : vector<16xf32>
        %swap3A_86 = arith.index_cast %scan3A_70 : i32 to index
        %swap3A_87 = arith.index_cast %mul3A_78 : i32 to index
        %swap3A_88 = tpu.vector_load %arg16[%swap3A_86, %swap3A_87] {strides = array<i32>} : memref<40x128xf32, #tpu.memory_space<vmem>>, vector<16xf32>,
        tpu.vector_store %arg16[%swap3A_86, %swap3A_87], %add3A_85 {strides = array<i32>} : memref<40x128xf32, #tpu.memory_space<vmem>>, vector<16xf32>,
      }
      %scan3A_75 = arith.constant 8 : i32
    }
    %scan3A_51 = arith.constant 40 : i32
    %add3A_52 = arith.constant 4960 : i32
    %add3A_53 = arith.addi %mul3A_6, %add3A_52 : i32
    %dma_start3A_54 = arith.constant 0 : i32
    %dma_start3A_55 = tpu.memref_slice %arg6[%add3A_53, %dma_start3A_54] : memref<160000x128xf32, #tpu.memory_space<hbm>> -> memref<40x128xf32, #tpu.memory_space<hbm>>
    %dma_start3A_56 = arith.constant 0 : i32
    %dma_start3A_57 = tpu.memref_slice %arg6[%add3A_53, %dma_start3A_56] : memref<160000x128xf32, #tpu.memory_space<hbm>> -> memref<40x128xf32, #tpu.memory_space<hbm>>
    tpu.enqueue_dma source(%arg16 : memref<40x128xf32, #tpu.memory_space<vmem>>) target(%dma_start3A_57 : memref<40x128xf32, #tpu.memory_space<hbm>>) target_semaphore(%arg20 : memref<!tpu.dma_semaphore, #tpu.memory_space<semaphore_mem>>)
    %dma_wait3A_58 = arith.constant 0 : i32
    %dma_wait3A_59 = arith.constant 0 : i32
    %dma_wait3A_60 = tpu.memref_slice %arg6[%dma_wait3A_58, %dma_wait3A_59] : memref<160000x128xf32, #tpu.memory_space<hbm>> -> memref<40x128xf32, #tpu.memory_space<hbm>>
    %dma_wait3A_61 = arith.constant 0 : i32
    %dma_wait3A_62 = arith.constant 0 : i32
    %dma_wait3A_63 = tpu.memref_slice %arg6[%dma_wait3A_61, %dma_wait3A_62] : memref<160000x128xf32, #tpu.memory_space<hbm>> -> memref<40x128xf32, #tpu.memory_space<hbm>>
    tpu.wait_dma2 semaphore(%arg20 : memref<!tpu.dma_semaphore, #tpu.memory_space<semaphore_mem>>) src(%arg16 : memref<40x128xf32, #tpu.memory_space<vmem>>) dst(%dma_wait3A_63 : memref<40x128xf32, #tpu.memory_space<hbm>>)
    %dma_wait3A_64 = arith.constant 0 : i32
    %dma_wait3A_65 = arith.constant 0 : i32
    %dma_wait3A_66 = tpu.memref_slice %arg6[%dma_wait3A_64, %dma_wait3A_65] : memref<160000x128xf32, #tpu.memory_space<hbm>> -> memref<40x128xf32, #tpu.memory_space<hbm>>
    %dma_wait3A_67 = arith.constant 0 : i32
    %dma_wait3A_68 = arith.constant 0 : i32
    %dma_wait3A_69 = tpu.memref_slice %arg6[%dma_wait3A_67, %dma_wait3A_68] : memref<160000x128xf32, #tpu.memory_space<hbm>> -> memref<40x128xf32, #tpu.memory_space<hbm>>
    tpu.wait_dma2 semaphore(%arg21 : memref<!tpu.dma_semaphore, #tpu.memory_space<semaphore_mem>>) src(%arg17 : memref<40x128xf32, #tpu.memory_space<vmem>>) dst(%dma_wait3A_69 : memref<40x128xf32, #tpu.memory_space<hbm>>)
    return
  }
}

#map = affine_map<(d0, d1) -> (0, 0)>
#map1 = affine_map<(d0, d1) -> (0)>
#map2 = affine_map<(d0, d1) -> (0, 0, 0)>
module attributes {stable_mosaic.version = 14 : i64} {
  func.func @body(%arg0: i32, %arg1: i32, %arg2: memref<10000x128xf32, #tpu.memory_space<hbm>>, %arg3: memref<320000xi32, #tpu.memory_space<hbm>>, %arg4: memref<320000xi32, #tpu.memory_space<hbm>>, %arg5: memref<10000x128xf32, #tpu.memory_space<hbm>>, %arg6: memref<2x10000x128xf32, #tpu.memory_space<hbm>>, %arg7: memref<10000xi32, #tpu.memory_space<vmem>>, %arg8: memref<40xi32, #tpu.memory_space<vmem>>, %arg9: memref<40xi32, #tpu.memory_space<vmem>>, %arg10: memref<40xi32, #tpu.memory_space<vmem>>, %arg11: memref<40xi32, #tpu.memory_space<vmem>>, %arg12: memref<40x128xf32, #tpu.memory_space<vmem>>, %arg13: memref<40x128xf32, #tpu.memory_space<vmem>>, %arg14: memref<40x128xf32, #tpu.memory_space<vmem>>, %arg15: memref<40x128xf32, #tpu.memory_space<vmem>>, %arg16: memref<10000x128xf32, #tpu.memory_space<vmem_shared>>, %arg17: memref<!tpu.dma_semaphore, #tpu.memory_space<semaphore_mem>>, %arg18: memref<!tpu.dma_semaphore, #tpu.memory_space<semaphore_mem>>, %arg19: memref<!tpu.dma_semaphore, #tpu.memory_space<semaphore_mem>>, %arg20: memref<!tpu.dma_semaphore, #tpu.memory_space<semaphore_mem>>, %arg21: memref<!tpu.dma_semaphore, #tpu.memory_space<semaphore_mem>>, %arg22: memref<!tpu.dma_semaphore, #tpu.memory_space<semaphore_mem>>, %arg23: memref<!tpu.dma_semaphore, #tpu.memory_space<semaphore_mem>>, %arg24: memref<!tpu.dma_semaphore, #tpu.memory_space<semaphore_mem>>, %arg25: memref<!tpu.dma_semaphore, #tpu.memory_space<semaphore_mem>>, %arg26: memref<!tpu.dma_semaphore, #tpu.memory_space<semaphore_mem>>, %arg27: memref<!tpu.dma_semaphore, #tpu.memory_space<semaphore_mem>>, %arg28: memref<!tpu.dma_semaphore, #tpu.memory_space<semaphore_mem>>) attributes {dimension_semantics = [#tpu.dimension_semantics<core_parallel>, #tpu.dimension_semantics<subcore_parallel>], iteration_bounds = array<i64: 2, 16>, scalar_prefetch = 0 : i64, scratch_operands = 22 : i64, tpu.core_type = #tpu.core_type<sc_vector_subcore>, window_params = [{transform_indices = #map}, {transform_indices = #map1}, {transform_indices = #map1}, {transform_indices = #map}, {transform_indices = #map2}]} {
    %mul3A = arith.constant 2 : i32
    %mul3A_0 = arith.muli %arg1, %mul3A : i32
    %add3A = arith.addi %mul3A_0, %arg0 : i32
    %mul3A_1 = arith.constant 10000 : i32
    %mul3A_2 = arith.muli %add3A, %mul3A_1 : i32
    %add3A_3 = arith.constant 0 : i32
    %add3A_4 = arith.addi %add3A_3, %mul3A_2 : i32
    %mul3A_5 = arith.constant 10000 : i32
    %mul3A_6 = arith.muli %add3A, %mul3A_5 : i32
    %mul3A_7 = arith.constant 624 : i32
    %mul3A_8 = arith.muli %arg1, %mul3A_7 : i32
    "tpu.region"() ({
      %run_scoped3A = tpu.sem_alloc : memref<!tpu.dma_semaphore, #tpu.memory_space<semaphore_mem>>
      %dma_start3A_71 = arith.constant 0 : i32
      %dma_start3A_72 = tpu.memref_slice %arg16[%mul3A_8, %dma_start3A_71] : memref<10000x128xf32, #tpu.memory_space<vmem_shared>> -> memref<624x128xf32, #tpu.memory_space<vmem_shared>>
      %dma_start3A_73 = arith.constant 0 : i32
      %dma_start3A_74 = tpu.memref_slice %arg5[%mul3A_8, %dma_start3A_73] : memref<10000x128xf32, #tpu.memory_space<hbm>> -> memref<624x128xf32, #tpu.memory_space<hbm>>
      tpu.enqueue_dma source(%dma_start3A_74 : memref<624x128xf32, #tpu.memory_space<hbm>>) target(%dma_start3A_72 : memref<624x128xf32, #tpu.memory_space<vmem_shared>>) target_semaphore(%run_scoped3A : memref<!tpu.dma_semaphore, #tpu.memory_space<semaphore_mem>>)
      %dma_wait3A_75 = arith.constant 0 : i32
      %dma_wait3A_76 = tpu.memref_slice %arg16[%mul3A_8, %dma_wait3A_75] : memref<10000x128xf32, #tpu.memory_space<vmem_shared>> -> memref<624x128xf32, #tpu.memory_space<vmem_shared>>
      %dma_wait3A_77 = arith.constant 0 : i32
      %dma_wait3A_78 = tpu.memref_slice %arg5[%mul3A_8, %dma_wait3A_77] : memref<10000x128xf32, #tpu.memory_space<hbm>> -> memref<624x128xf32, #tpu.memory_space<hbm>>
      tpu.wait_dma2 semaphore(%run_scoped3A : memref<!tpu.dma_semaphore, #tpu.memory_space<semaphore_mem>>) src(%dma_wait3A_78 : memref<624x128xf32, #tpu.memory_space<hbm>>) dst(%dma_wait3A_76 : memref<624x128xf32, #tpu.memory_space<vmem_shared>>)
      tpu.yield
    }) : () -> ()
    %eq3A = arith.constant 0 : i32
    %eq3A_9 = arith.cmpi eq, %arg1, %eq3A : i32
    %convert_element_type3A = arith.extui %eq3A_9 : i1 to i32
    %cond3A = arith.constant 0 : i32
    %cond3A_10 = arith.cmpi ne, %convert_element_type3A, %cond3A : i32
    scf.if %cond3A_10 {
      "tpu.region"() ({
        %run_scoped3A = tpu.sem_alloc : memref<!tpu.dma_semaphore, #tpu.memory_space<semaphore_mem>>
        %dma_start3A_71 = arith.constant 9984 : i32
        %dma_start3A_72 = arith.constant 0 : i32
        %dma_start3A_73 = tpu.memref_slice %arg16[%dma_start3A_71, %dma_start3A_72] : memref<10000x128xf32, #tpu.memory_space<vmem_shared>> -> memref<16x128xf32, #tpu.memory_space<vmem_shared>>
        %dma_start3A_74 = arith.constant 9984 : i32
        %dma_start3A_75 = arith.constant 0 : i32
        %dma_start3A_76 = tpu.memref_slice %arg5[%dma_start3A_74, %dma_start3A_75] : memref<10000x128xf32, #tpu.memory_space<hbm>> -> memref<16x128xf32, #tpu.memory_space<hbm>>
        tpu.enqueue_dma source(%dma_start3A_76 : memref<16x128xf32, #tpu.memory_space<hbm>>) target(%dma_start3A_73 : memref<16x128xf32, #tpu.memory_space<vmem_shared>>) target_semaphore(%run_scoped3A : memref<!tpu.dma_semaphore, #tpu.memory_space<semaphore_mem>>)
        %dma_wait3A_77 = arith.constant 9984 : i32
        %dma_wait3A_78 = arith.constant 0 : i32
        %dma_wait3A_79 = tpu.memref_slice %arg16[%dma_wait3A_77, %dma_wait3A_78] : memref<10000x128xf32, #tpu.memory_space<vmem_shared>> -> memref<16x128xf32, #tpu.memory_space<vmem_shared>>
        %dma_wait3A_80 = arith.constant 9984 : i32
        %dma_wait3A_81 = arith.constant 0 : i32
        %dma_wait3A_82 = tpu.memref_slice %arg5[%dma_wait3A_80, %dma_wait3A_81] : memref<10000x128xf32, #tpu.memory_space<hbm>> -> memref<16x128xf32, #tpu.memory_space<hbm>>
        tpu.wait_dma2 semaphore(%run_scoped3A : memref<!tpu.dma_semaphore, #tpu.memory_space<semaphore_mem>>) src(%dma_wait3A_82 : memref<16x128xf32, #tpu.memory_space<hbm>>) dst(%dma_wait3A_79 : memref<16x128xf32, #tpu.memory_space<vmem_shared>>)
        tpu.yield
      }) : () -> ()
    } else {
    }
    "tpu.region"() ({
      %run_scoped3A = tpu.sem_alloc : memref<!tpu.dma_semaphore, #tpu.memory_space<semaphore_mem>>
      %dma_start3A_71 = tpu.memref_slice %arg3[%add3A_4] : memref<320000xi32, #tpu.memory_space<hbm>> -> memref<10000xi32, #tpu.memory_space<hbm>>
      %dma_start3A_72 = tpu.memref_slice %arg3[%add3A_4] : memref<320000xi32, #tpu.memory_space<hbm>> -> memref<10000xi32, #tpu.memory_space<hbm>>
      tpu.enqueue_dma source(%dma_start3A_72 : memref<10000xi32, #tpu.memory_space<hbm>>) target(%arg7 : memref<10000xi32, #tpu.memory_space<vmem>>) target_semaphore(%run_scoped3A : memref<!tpu.dma_semaphore, #tpu.memory_space<semaphore_mem>>)
      %dma_wait3A_73 = tpu.memref_slice %arg3[%add3A_4] : memref<320000xi32, #tpu.memory_space<hbm>> -> memref<10000xi32, #tpu.memory_space<hbm>>
      %dma_wait3A_74 = tpu.memref_slice %arg3[%add3A_4] : memref<320000xi32, #tpu.memory_space<hbm>> -> memref<10000xi32, #tpu.memory_space<hbm>>
      tpu.wait_dma2 semaphore(%run_scoped3A : memref<!tpu.dma_semaphore, #tpu.memory_space<semaphore_mem>>) src(%dma_wait3A_74 : memref<10000xi32, #tpu.memory_space<hbm>>) dst(%arg7 : memref<10000xi32, #tpu.memory_space<vmem>>)
      tpu.yield
    }) : () -> ()
    %barrier3A = arith.constant 0 : index
    tpu.barrier barrier_id(%barrier3A)
    %add3A_11 = arith.constant 0 : i32
    %add3A_12 = arith.addi %add3A_4, %add3A_11 : i32
    %dma_start3A = tpu.memref_slice %arg4[%add3A_12] : memref<320000xi32, #tpu.memory_space<hbm>> -> memref<40xi32, #tpu.memory_space<hbm>>
    %dma_start3A_13 = tpu.memref_slice %arg4[%add3A_12] : memref<320000xi32, #tpu.memory_space<hbm>> -> memref<40xi32, #tpu.memory_space<hbm>>
    tpu.enqueue_dma source(%dma_start3A_13 : memref<40xi32, #tpu.memory_space<hbm>>) target(%arg8 : memref<40xi32, #tpu.memory_space<vmem>>) target_semaphore(%arg17 : memref<!tpu.dma_semaphore, #tpu.memory_space<semaphore_mem>>)
    %dma_start3A_14 = arith.constant 0 : i32
    %dma_start3A_15 = tpu.memref_slice %arg7[%dma_start3A_14] : memref<10000xi32, #tpu.memory_space<vmem>> -> memref<40xi32, #tpu.memory_space<vmem>>
    %dma_start3A_16 = arith.constant 0 : i32
    %dma_start3A_17 = arith.constant 0 : i32
    %dma_start3A_18 = tpu.memref_slice %arg2[%dma_start3A_16, %dma_start3A_17] : memref<10000x128xf32, #tpu.memory_space<hbm>> -> memref<10000x128xf32, #tpu.memory_space<hbm>>
    tpu.enqueue_indirect_dma source(%dma_start3A_18 : memref<10000x128xf32, #tpu.memory_space<hbm>>) target(%arg12 : memref<40x128xf32, #tpu.memory_space<vmem>>) offsets(%dma_start3A_15 : memref<40xi32, #tpu.memory_space<vmem>>) semaphore(%arg21 : memref<!tpu.dma_semaphore, #tpu.memory_space<semaphore_mem>>)
    %add3A_19 = arith.constant 40 : i32
    %add3A_20 = arith.addi %add3A_4, %add3A_19 : i32
    %dma_start3A_21 = tpu.memref_slice %arg4[%add3A_20] : memref<320000xi32, #tpu.memory_space<hbm>> -> memref<40xi32, #tpu.memory_space<hbm>>
    %dma_start3A_22 = tpu.memref_slice %arg4[%add3A_20] : memref<320000xi32, #tpu.memory_space<hbm>> -> memref<40xi32, #tpu.memory_space<hbm>>
    tpu.enqueue_dma source(%dma_start3A_22 : memref<40xi32, #tpu.memory_space<hbm>>) target(%arg9 : memref<40xi32, #tpu.memory_space<vmem>>) target_semaphore(%arg18 : memref<!tpu.dma_semaphore, #tpu.memory_space<semaphore_mem>>)
    %dma_start3A_23 = arith.constant 40 : i32
    %dma_start3A_24 = tpu.memref_slice %arg7[%dma_start3A_23] : memref<10000xi32, #tpu.memory_space<vmem>> -> memref<40xi32, #tpu.memory_space<vmem>>
    %dma_start3A_25 = arith.constant 0 : i32
    %dma_start3A_26 = arith.constant 0 : i32
    %dma_start3A_27 = tpu.memref_slice %arg2[%dma_start3A_25, %dma_start3A_26] : memref<10000x128xf32, #tpu.memory_space<hbm>> -> memref<10000x128xf32, #tpu.memory_space<hbm>>
    tpu.enqueue_indirect_dma source(%dma_start3A_27 : memref<10000x128xf32, #tpu.memory_space<hbm>>) target(%arg13 : memref<40x128xf32, #tpu.memory_space<vmem>>) offsets(%dma_start3A_24 : memref<40xi32, #tpu.memory_space<vmem>>) semaphore(%arg22 : memref<!tpu.dma_semaphore, #tpu.memory_space<semaphore_mem>>)
    %add3A_28 = arith.constant 80 : i32
    %add3A_29 = arith.addi %add3A_4, %add3A_28 : i32
    %dma_start3A_30 = tpu.memref_slice %arg4[%add3A_29] : memref<320000xi32, #tpu.memory_space<hbm>> -> memref<40xi32, #tpu.memory_space<hbm>>
    %dma_start3A_31 = tpu.memref_slice %arg4[%add3A_29] : memref<320000xi32, #tpu.memory_space<hbm>> -> memref<40xi32, #tpu.memory_space<hbm>>
    tpu.enqueue_dma source(%dma_start3A_31 : memref<40xi32, #tpu.memory_space<hbm>>) target(%arg10 : memref<40xi32, #tpu.memory_space<vmem>>) target_semaphore(%arg19 : memref<!tpu.dma_semaphore, #tpu.memory_space<semaphore_mem>>)
    %dma_start3A_32 = arith.constant 80 : i32
    %dma_start3A_33 = tpu.memref_slice %arg7[%dma_start3A_32] : memref<10000xi32, #tpu.memory_space<vmem>> -> memref<40xi32, #tpu.memory_space<vmem>>
    %dma_start3A_34 = arith.constant 0 : i32
    %dma_start3A_35 = arith.constant 0 : i32
    %dma_start3A_36 = tpu.memref_slice %arg2[%dma_start3A_34, %dma_start3A_35] : memref<10000x128xf32, #tpu.memory_space<hbm>> -> memref<10000x128xf32, #tpu.memory_space<hbm>>
    tpu.enqueue_indirect_dma source(%dma_start3A_36 : memref<10000x128xf32, #tpu.memory_space<hbm>>) target(%arg14 : memref<40x128xf32, #tpu.memory_space<vmem>>) offsets(%dma_start3A_33 : memref<40xi32, #tpu.memory_space<vmem>>) semaphore(%arg23 : memref<!tpu.dma_semaphore, #tpu.memory_space<semaphore_mem>>)
    %scan3A = arith.constant 0 : i32
    %scan3A_37 = arith.constant 0 : i32
    %scan3A_38 = arith.constant 63 : i32
    %scan3A_39 = arith.addi %scan3A_37, %scan3A_38 : i32
    %scan3A_40 = arith.constant 1 : i32
    scf.for %scan3A_71 = %scan3A_37 to %scan3A_39 step %scan3A_40  : i32 {
      %mul3A_72 = arith.constant 4 : i32
      %mul3A_73 = arith.muli %mul3A_72, %scan3A_71 : i32
      %add3A_74 = arith.constant 0 : i32
      %add3A_75 = arith.addi %mul3A_73, %add3A_74 : i32
      %lt3A = arith.constant 250 : i32
      %lt3A_76 = arith.cmpi slt, %add3A_75, %lt3A : i32
      %convert_element_type3A_77 = arith.extui %lt3A_76 : i1 to i32
      %cond3A_78 = arith.constant 0 : i32
      %cond3A_79 = arith.cmpi ne, %convert_element_type3A_77, %cond3A_78 : i32
      scf.if %cond3A_79 {
        %dma_wait3A_107 = arith.constant 0 : i32
        %dma_wait3A_108 = arith.constant 0 : i32
        %dma_wait3A_109 = tpu.memref_slice %arg2[%dma_wait3A_107, %dma_wait3A_108] : memref<10000x128xf32, #tpu.memory_space<hbm>> -> memref<40x128xf32, #tpu.memory_space<hbm>>
        %dma_wait3A_110 = arith.constant 0 : i32
        %dma_wait3A_111 = arith.constant 0 : i32
        %dma_wait3A_112 = tpu.memref_slice %arg2[%dma_wait3A_110, %dma_wait3A_111] : memref<10000x128xf32, #tpu.memory_space<hbm>> -> memref<40x128xf32, #tpu.memory_space<hbm>>
        tpu.wait_dma2 semaphore(%arg21 : memref<!tpu.dma_semaphore, #tpu.memory_space<semaphore_mem>>) src(%dma_wait3A_112 : memref<40x128xf32, #tpu.memory_space<hbm>>) dst(%arg12 : memref<40x128xf32, #tpu.memory_space<vmem>>)
        %dma_wait3A_113 = arith.constant 0 : i32
        %dma_wait3A_114 = tpu.memref_slice %arg4[%dma_wait3A_113] : memref<320000xi32, #tpu.memory_space<hbm>> -> memref<40xi32, #tpu.memory_space<hbm>>
        %dma_wait3A_115 = arith.constant 0 : i32
        %dma_wait3A_116 = tpu.memref_slice %arg4[%dma_wait3A_115] : memref<320000xi32, #tpu.memory_space<hbm>> -> memref<40xi32, #tpu.memory_space<hbm>>
        tpu.wait_dma2 semaphore(%arg17 : memref<!tpu.dma_semaphore, #tpu.memory_space<semaphore_mem>>) src(%dma_wait3A_116 : memref<40xi32, #tpu.memory_space<hbm>>) dst(%arg8 : memref<40xi32, #tpu.memory_space<vmem>>)
        %dma_start3A_117 = arith.constant 0 : i32
        %dma_start3A_118 = arith.constant 0 : i32
        %dma_start3A_119 = tpu.memref_slice %arg16[%dma_start3A_117, %dma_start3A_118] : memref<10000x128xf32, #tpu.memory_space<vmem_shared>> -> memref<10000x128xf32, #tpu.memory_space<vmem_shared>>
        tpu.enqueue_indirect_dma source(%arg12 : memref<40x128xf32, #tpu.memory_space<vmem>>) target(%dma_start3A_119 : memref<10000x128xf32, #tpu.memory_space<vmem_shared>>) offsets(%arg8 : memref<40xi32, #tpu.memory_space<vmem>>) semaphore(%arg25 : memref<!tpu.dma_semaphore, #tpu.memory_space<semaphore_mem>>) {add = true}
        %add3A_120 = arith.constant 3 : i32
        %add3A_121 = arith.addi %add3A_75, %add3A_120 : i32
        %lt3A_122 = arith.constant 250 : i32
        %lt3A_123 = arith.cmpi slt, %add3A_121, %lt3A_122 : i32
        %convert_element_type3A_124 = arith.extui %lt3A_123 : i1 to i32
        %cond3A_125 = arith.constant 0 : i32
        %cond3A_126 = arith.cmpi ne, %convert_element_type3A_124, %cond3A_125 : i32
        scf.if %cond3A_126 {
          %ge3A = arith.constant 4 : i32
          %ge3A_127 = arith.cmpi sge, %add3A_121, %ge3A : i32
          %convert_element_type3A_128 = arith.extui %ge3A_127 : i1 to i32
          %cond3A_129 = arith.constant 0 : i32
          %cond3A_130 = arith.cmpi ne, %convert_element_type3A_128, %cond3A_129 : i32
          scf.if %cond3A_130 {
            %dma_wait3A_142 = arith.constant 0 : i32
            %dma_wait3A_143 = arith.constant 0 : i32
            %dma_wait3A_144 = tpu.memref_slice %arg16[%dma_wait3A_142, %dma_wait3A_143] : memref<10000x128xf32, #tpu.memory_space<vmem_shared>> -> memref<40x128xf32, #tpu.memory_space<vmem_shared>>
            %dma_wait3A_145 = arith.constant 0 : i32
            %dma_wait3A_146 = arith.constant 0 : i32
            %dma_wait3A_147 = tpu.memref_slice %arg16[%dma_wait3A_145, %dma_wait3A_146] : memref<10000x128xf32, #tpu.memory_space<vmem_shared>> -> memref<40x128xf32, #tpu.memory_space<vmem_shared>>
            tpu.wait_dma2 semaphore(%arg28 : memref<!tpu.dma_semaphore, #tpu.memory_space<semaphore_mem>>) src(%arg15 : memref<40x128xf32, #tpu.memory_space<vmem>>) dst(%dma_wait3A_147 : memref<40x128xf32, #tpu.memory_space<vmem_shared>>)
          } else {
          }
          %mul3A_131 = arith.constant 40 : i32
          %mul3A_132 = arith.muli %add3A_121, %mul3A_131 : i32
          %add3A_133 = arith.addi %add3A_4, %mul3A_132 : i32
          %dma_start3A_134 = tpu.memref_slice %arg4[%add3A_133] : memref<320000xi32, #tpu.memory_space<hbm>> -> memref<40xi32, #tpu.memory_space<hbm>>
          %dma_start3A_135 = tpu.memref_slice %arg4[%add3A_133] : memref<320000xi32, #tpu.memory_space<hbm>> -> memref<40xi32, #tpu.memory_space<hbm>>
          tpu.enqueue_dma source(%dma_start3A_135 : memref<40xi32, #tpu.memory_space<hbm>>) target(%arg11 : memref<40xi32, #tpu.memory_space<vmem>>) target_semaphore(%arg20 : memref<!tpu.dma_semaphore, #tpu.memory_space<semaphore_mem>>)
          %mul3A_136 = arith.constant 40 : i32
          %mul3A_137 = arith.muli %add3A_121, %mul3A_136 : i32
          %dma_start3A_138 = tpu.memref_slice %arg7[%mul3A_137] : memref<10000xi32, #tpu.memory_space<vmem>> -> memref<40xi32, #tpu.memory_space<vmem>>
          %dma_start3A_139 = arith.constant 0 : i32
          %dma_start3A_140 = arith.constant 0 : i32
          %dma_start3A_141 = tpu.memref_slice %arg2[%dma_start3A_139, %dma_start3A_140] : memref<10000x128xf32, #tpu.memory_space<hbm>> -> memref<10000x128xf32, #tpu.memory_space<hbm>>
          tpu.enqueue_indirect_dma source(%dma_start3A_141 : memref<10000x128xf32, #tpu.memory_space<hbm>>) target(%arg15 : memref<40x128xf32, #tpu.memory_space<vmem>>) offsets(%dma_start3A_138 : memref<40xi32, #tpu.memory_space<vmem>>) semaphore(%arg24 : memref<!tpu.dma_semaphore, #tpu.memory_space<semaphore_mem>>)
        } else {
        }
      } else {
      }
      %mul3A_80 = arith.constant 4 : i32
      %mul3A_81 = arith.muli %mul3A_80, %scan3A_71 : i32
      %add3A_82 = arith.constant 1 : i32
      %add3A_83 = arith.addi %mul3A_81, %add3A_82 : i32
      %lt3A_84 = arith.constant 250 : i32
      %lt3A_85 = arith.cmpi slt, %add3A_83, %lt3A_84 : i32
      %convert_element_type3A_86 = arith.extui %lt3A_85 : i1 to i32
      %cond3A_87 = arith.constant 0 : i32
      %cond3A_88 = arith.cmpi ne, %convert_element_type3A_86, %cond3A_87 : i32
      scf.if %cond3A_88 {
        %dma_wait3A_107 = arith.constant 0 : i32
        %dma_wait3A_108 = arith.constant 0 : i32
        %dma_wait3A_109 = tpu.memref_slice %arg2[%dma_wait3A_107, %dma_wait3A_108] : memref<10000x128xf32, #tpu.memory_space<hbm>> -> memref<40x128xf32, #tpu.memory_space<hbm>>
        %dma_wait3A_110 = arith.constant 0 : i32
        %dma_wait3A_111 = arith.constant 0 : i32
        %dma_wait3A_112 = tpu.memref_slice %arg2[%dma_wait3A_110, %dma_wait3A_111] : memref<10000x128xf32, #tpu.memory_space<hbm>> -> memref<40x128xf32, #tpu.memory_space<hbm>>
        tpu.wait_dma2 semaphore(%arg22 : memref<!tpu.dma_semaphore, #tpu.memory_space<semaphore_mem>>) src(%dma_wait3A_112 : memref<40x128xf32, #tpu.memory_space<hbm>>) dst(%arg13 : memref<40x128xf32, #tpu.memory_space<vmem>>)
        %dma_wait3A_113 = arith.constant 0 : i32
        %dma_wait3A_114 = tpu.memref_slice %arg4[%dma_wait3A_113] : memref<320000xi32, #tpu.memory_space<hbm>> -> memref<40xi32, #tpu.memory_space<hbm>>
        %dma_wait3A_115 = arith.constant 0 : i32
        %dma_wait3A_116 = tpu.memref_slice %arg4[%dma_wait3A_115] : memref<320000xi32, #tpu.memory_space<hbm>> -> memref<40xi32, #tpu.memory_space<hbm>>
        tpu.wait_dma2 semaphore(%arg18 : memref<!tpu.dma_semaphore, #tpu.memory_space<semaphore_mem>>) src(%dma_wait3A_116 : memref<40xi32, #tpu.memory_space<hbm>>) dst(%arg9 : memref<40xi32, #tpu.memory_space<vmem>>)
        %dma_start3A_117 = arith.constant 0 : i32
        %dma_start3A_118 = arith.constant 0 : i32
        %dma_start3A_119 = tpu.memref_slice %arg16[%dma_start3A_117, %dma_start3A_118] : memref<10000x128xf32, #tpu.memory_space<vmem_shared>> -> memref<10000x128xf32, #tpu.memory_space<vmem_shared>>
        tpu.enqueue_indirect_dma source(%arg13 : memref<40x128xf32, #tpu.memory_space<vmem>>) target(%dma_start3A_119 : memref<10000x128xf32, #tpu.memory_space<vmem_shared>>) offsets(%arg9 : memref<40xi32, #tpu.memory_space<vmem>>) semaphore(%arg26 : memref<!tpu.dma_semaphore, #tpu.memory_space<semaphore_mem>>) {add = true}
        %add3A_120 = arith.constant 3 : i32
        %add3A_121 = arith.addi %add3A_83, %add3A_120 : i32
        %lt3A_122 = arith.constant 250 : i32
        %lt3A_123 = arith.cmpi slt, %add3A_121, %lt3A_122 : i32
        %convert_element_type3A_124 = arith.extui %lt3A_123 : i1 to i32
        %cond3A_125 = arith.constant 0 : i32
        %cond3A_126 = arith.cmpi ne, %convert_element_type3A_124, %cond3A_125 : i32
        scf.if %cond3A_126 {
          %ge3A = arith.constant 4 : i32
          %ge3A_127 = arith.cmpi sge, %add3A_121, %ge3A : i32
          %convert_element_type3A_128 = arith.extui %ge3A_127 : i1 to i32
          %cond3A_129 = arith.constant 0 : i32
          %cond3A_130 = arith.cmpi ne, %convert_element_type3A_128, %cond3A_129 : i32
          scf.if %cond3A_130 {
            %dma_wait3A_142 = arith.constant 0 : i32
            %dma_wait3A_143 = arith.constant 0 : i32
            %dma_wait3A_144 = tpu.memref_slice %arg16[%dma_wait3A_142, %dma_wait3A_143] : memref<10000x128xf32, #tpu.memory_space<vmem_shared>> -> memref<40x128xf32, #tpu.memory_space<vmem_shared>>
            %dma_wait3A_145 = arith.constant 0 : i32
            %dma_wait3A_146 = arith.constant 0 : i32
            %dma_wait3A_147 = tpu.memref_slice %arg16[%dma_wait3A_145, %dma_wait3A_146] : memref<10000x128xf32, #tpu.memory_space<vmem_shared>> -> memref<40x128xf32, #tpu.memory_space<vmem_shared>>
            tpu.wait_dma2 semaphore(%arg25 : memref<!tpu.dma_semaphore, #tpu.memory_space<semaphore_mem>>) src(%arg12 : memref<40x128xf32, #tpu.memory_space<vmem>>) dst(%dma_wait3A_147 : memref<40x128xf32, #tpu.memory_space<vmem_shared>>)
          } else {
          }
          %mul3A_131 = arith.constant 40 : i32
          %mul3A_132 = arith.muli %add3A_121, %mul3A_131 : i32
          %add3A_133 = arith.addi %add3A_4, %mul3A_132 : i32
          %dma_start3A_134 = tpu.memref_slice %arg4[%add3A_133] : memref<320000xi32, #tpu.memory_space<hbm>> -> memref<40xi32, #tpu.memory_space<hbm>>
          %dma_start3A_135 = tpu.memref_slice %arg4[%add3A_133] : memref<320000xi32, #tpu.memory_space<hbm>> -> memref<40xi32, #tpu.memory_space<hbm>>
          tpu.enqueue_dma source(%dma_start3A_135 : memref<40xi32, #tpu.memory_space<hbm>>) target(%arg8 : memref<40xi32, #tpu.memory_space<vmem>>) target_semaphore(%arg17 : memref<!tpu.dma_semaphore, #tpu.memory_space<semaphore_mem>>)
          %mul3A_136 = arith.constant 40 : i32
          %mul3A_137 = arith.muli %add3A_121, %mul3A_136 : i32
          %dma_start3A_138 = tpu.memref_slice %arg7[%mul3A_137] : memref<10000xi32, #tpu.memory_space<vmem>> -> memref<40xi32, #tpu.memory_space<vmem>>
          %dma_start3A_139 = arith.constant 0 : i32
          %dma_start3A_140 = arith.constant 0 : i32
          %dma_start3A_141 = tpu.memref_slice %arg2[%dma_start3A_139, %dma_start3A_140] : memref<10000x128xf32, #tpu.memory_space<hbm>> -> memref<10000x128xf32, #tpu.memory_space<hbm>>
          tpu.enqueue_indirect_dma source(%dma_start3A_141 : memref<10000x128xf32, #tpu.memory_space<hbm>>) target(%arg12 : memref<40x128xf32, #tpu.memory_space<vmem>>) offsets(%dma_start3A_138 : memref<40xi32, #tpu.memory_space<vmem>>) semaphore(%arg21 : memref<!tpu.dma_semaphore, #tpu.memory_space<semaphore_mem>>)
        } else {
        }
      } else {
      }
      %mul3A_89 = arith.constant 4 : i32
      %mul3A_90 = arith.muli %mul3A_89, %scan3A_71 : i32
      %add3A_91 = arith.constant 2 : i32
      %add3A_92 = arith.addi %mul3A_90, %add3A_91 : i32
      %lt3A_93 = arith.constant 250 : i32
      %lt3A_94 = arith.cmpi slt, %add3A_92, %lt3A_93 : i32
      %convert_element_type3A_95 = arith.extui %lt3A_94 : i1 to i32
      %cond3A_96 = arith.constant 0 : i32
      %cond3A_97 = arith.cmpi ne, %convert_element_type3A_95, %cond3A_96 : i32
      scf.if %cond3A_97 {
        %dma_wait3A_107 = arith.constant 0 : i32
        %dma_wait3A_108 = arith.constant 0 : i32
        %dma_wait3A_109 = tpu.memref_slice %arg2[%dma_wait3A_107, %dma_wait3A_108] : memref<10000x128xf32, #tpu.memory_space<hbm>> -> memref<40x128xf32, #tpu.memory_space<hbm>>
        %dma_wait3A_110 = arith.constant 0 : i32
        %dma_wait3A_111 = arith.constant 0 : i32
        %dma_wait3A_112 = tpu.memref_slice %arg2[%dma_wait3A_110, %dma_wait3A_111] : memref<10000x128xf32, #tpu.memory_space<hbm>> -> memref<40x128xf32, #tpu.memory_space<hbm>>
        tpu.wait_dma2 semaphore(%arg23 : memref<!tpu.dma_semaphore, #tpu.memory_space<semaphore_mem>>) src(%dma_wait3A_112 : memref<40x128xf32, #tpu.memory_space<hbm>>) dst(%arg14 : memref<40x128xf32, #tpu.memory_space<vmem>>)
        %dma_wait3A_113 = arith.constant 0 : i32
        %dma_wait3A_114 = tpu.memref_slice %arg4[%dma_wait3A_113] : memref<320000xi32, #tpu.memory_space<hbm>> -> memref<40xi32, #tpu.memory_space<hbm>>
        %dma_wait3A_115 = arith.constant 0 : i32
        %dma_wait3A_116 = tpu.memref_slice %arg4[%dma_wait3A_115] : memref<320000xi32, #tpu.memory_space<hbm>> -> memref<40xi32, #tpu.memory_space<hbm>>
        tpu.wait_dma2 semaphore(%arg19 : memref<!tpu.dma_semaphore, #tpu.memory_space<semaphore_mem>>) src(%dma_wait3A_116 : memref<40xi32, #tpu.memory_space<hbm>>) dst(%arg10 : memref<40xi32, #tpu.memory_space<vmem>>)
        %dma_start3A_117 = arith.constant 0 : i32
        %dma_start3A_118 = arith.constant 0 : i32
        %dma_start3A_119 = tpu.memref_slice %arg16[%dma_start3A_117, %dma_start3A_118] : memref<10000x128xf32, #tpu.memory_space<vmem_shared>> -> memref<10000x128xf32, #tpu.memory_space<vmem_shared>>
        tpu.enqueue_indirect_dma source(%arg14 : memref<40x128xf32, #tpu.memory_space<vmem>>) target(%dma_start3A_119 : memref<10000x128xf32, #tpu.memory_space<vmem_shared>>) offsets(%arg10 : memref<40xi32, #tpu.memory_space<vmem>>) semaphore(%arg27 : memref<!tpu.dma_semaphore, #tpu.memory_space<semaphore_mem>>) {add = true}
        %add3A_120 = arith.constant 3 : i32
        %add3A_121 = arith.addi %add3A_92, %add3A_120 : i32
        %lt3A_122 = arith.constant 250 : i32
        %lt3A_123 = arith.cmpi slt, %add3A_121, %lt3A_122 : i32
        %convert_element_type3A_124 = arith.extui %lt3A_123 : i1 to i32
        %cond3A_125 = arith.constant 0 : i32
        %cond3A_126 = arith.cmpi ne, %convert_element_type3A_124, %cond3A_125 : i32
        scf.if %cond3A_126 {
          %ge3A = arith.constant 4 : i32
          %ge3A_127 = arith.cmpi sge, %add3A_121, %ge3A : i32
          %convert_element_type3A_128 = arith.extui %ge3A_127 : i1 to i32
          %cond3A_129 = arith.constant 0 : i32
          %cond3A_130 = arith.cmpi ne, %convert_element_type3A_128, %cond3A_129 : i32
          scf.if %cond3A_130 {
            %dma_wait3A_142 = arith.constant 0 : i32
            %dma_wait3A_143 = arith.constant 0 : i32
            %dma_wait3A_144 = tpu.memref_slice %arg16[%dma_wait3A_142, %dma_wait3A_143] : memref<10000x128xf32, #tpu.memory_space<vmem_shared>> -> memref<40x128xf32, #tpu.memory_space<vmem_shared>>
            %dma_wait3A_145 = arith.constant 0 : i32
            %dma_wait3A_146 = arith.constant 0 : i32
            %dma_wait3A_147 = tpu.memref_slice %arg16[%dma_wait3A_145, %dma_wait3A_146] : memref<10000x128xf32, #tpu.memory_space<vmem_shared>> -> memref<40x128xf32, #tpu.memory_space<vmem_shared>>
            tpu.wait_dma2 semaphore(%arg26 : memref<!tpu.dma_semaphore, #tpu.memory_space<semaphore_mem>>) src(%arg13 : memref<40x128xf32, #tpu.memory_space<vmem>>) dst(%dma_wait3A_147 : memref<40x128xf32, #tpu.memory_space<vmem_shared>>)
          } else {
          }
          %mul3A_131 = arith.constant 40 : i32
          %mul3A_132 = arith.muli %add3A_121, %mul3A_131 : i32
          %add3A_133 = arith.addi %add3A_4, %mul3A_132 : i32
          %dma_start3A_134 = tpu.memref_slice %arg4[%add3A_133] : memref<320000xi32, #tpu.memory_space<hbm>> -> memref<40xi32, #tpu.memory_space<hbm>>
          %dma_start3A_135 = tpu.memref_slice %arg4[%add3A_133] : memref<320000xi32, #tpu.memory_space<hbm>> -> memref<40xi32, #tpu.memory_space<hbm>>
          tpu.enqueue_dma source(%dma_start3A_135 : memref<40xi32, #tpu.memory_space<hbm>>) target(%arg9 : memref<40xi32, #tpu.memory_space<vmem>>) target_semaphore(%arg18 : memref<!tpu.dma_semaphore, #tpu.memory_space<semaphore_mem>>)
          %mul3A_136 = arith.constant 40 : i32
          %mul3A_137 = arith.muli %add3A_121, %mul3A_136 : i32
          %dma_start3A_138 = tpu.memref_slice %arg7[%mul3A_137] : memref<10000xi32, #tpu.memory_space<vmem>> -> memref<40xi32, #tpu.memory_space<vmem>>
          %dma_start3A_139 = arith.constant 0 : i32
          %dma_start3A_140 = arith.constant 0 : i32
          %dma_start3A_141 = tpu.memref_slice %arg2[%dma_start3A_139, %dma_start3A_140] : memref<10000x128xf32, #tpu.memory_space<hbm>> -> memref<10000x128xf32, #tpu.memory_space<hbm>>
          tpu.enqueue_indirect_dma source(%dma_start3A_141 : memref<10000x128xf32, #tpu.memory_space<hbm>>) target(%arg13 : memref<40x128xf32, #tpu.memory_space<vmem>>) offsets(%dma_start3A_138 : memref<40xi32, #tpu.memory_space<vmem>>) semaphore(%arg22 : memref<!tpu.dma_semaphore, #tpu.memory_space<semaphore_mem>>)
        } else {
        }
      } else {
      }
      %mul3A_98 = arith.constant 4 : i32
      %mul3A_99 = arith.muli %mul3A_98, %scan3A_71 : i32
      %add3A_100 = arith.constant 3 : i32
      %add3A_101 = arith.addi %mul3A_99, %add3A_100 : i32
      %lt3A_102 = arith.constant 250 : i32
      %lt3A_103 = arith.cmpi slt, %add3A_101, %lt3A_102 : i32
      %convert_element_type3A_104 = arith.extui %lt3A_103 : i1 to i32
      %cond3A_105 = arith.constant 0 : i32
      %cond3A_106 = arith.cmpi ne, %convert_element_type3A_104, %cond3A_105 : i32
      scf.if %cond3A_106 {
        %dma_wait3A_107 = arith.constant 0 : i32
        %dma_wait3A_108 = arith.constant 0 : i32
        %dma_wait3A_109 = tpu.memref_slice %arg2[%dma_wait3A_107, %dma_wait3A_108] : memref<10000x128xf32, #tpu.memory_space<hbm>> -> memref<40x128xf32, #tpu.memory_space<hbm>>
        %dma_wait3A_110 = arith.constant 0 : i32
        %dma_wait3A_111 = arith.constant 0 : i32
        %dma_wait3A_112 = tpu.memref_slice %arg2[%dma_wait3A_110, %dma_wait3A_111] : memref<10000x128xf32, #tpu.memory_space<hbm>> -> memref<40x128xf32, #tpu.memory_space<hbm>>
        tpu.wait_dma2 semaphore(%arg24 : memref<!tpu.dma_semaphore, #tpu.memory_space<semaphore_mem>>) src(%dma_wait3A_112 : memref<40x128xf32, #tpu.memory_space<hbm>>) dst(%arg15 : memref<40x128xf32, #tpu.memory_space<vmem>>)
        %dma_wait3A_113 = arith.constant 0 : i32
        %dma_wait3A_114 = tpu.memref_slice %arg4[%dma_wait3A_113] : memref<320000xi32, #tpu.memory_space<hbm>> -> memref<40xi32, #tpu.memory_space<hbm>>
        %dma_wait3A_115 = arith.constant 0 : i32
        %dma_wait3A_116 = tpu.memref_slice %arg4[%dma_wait3A_115] : memref<320000xi32, #tpu.memory_space<hbm>> -> memref<40xi32, #tpu.memory_space<hbm>>
        tpu.wait_dma2 semaphore(%arg20 : memref<!tpu.dma_semaphore, #tpu.memory_space<semaphore_mem>>) src(%dma_wait3A_116 : memref<40xi32, #tpu.memory_space<hbm>>) dst(%arg11 : memref<40xi32, #tpu.memory_space<vmem>>)
        %dma_start3A_117 = arith.constant 0 : i32
        %dma_start3A_118 = arith.constant 0 : i32
        %dma_start3A_119 = tpu.memref_slice %arg16[%dma_start3A_117, %dma_start3A_118] : memref<10000x128xf32, #tpu.memory_space<vmem_shared>> -> memref<10000x128xf32, #tpu.memory_space<vmem_shared>>
        tpu.enqueue_indirect_dma source(%arg15 : memref<40x128xf32, #tpu.memory_space<vmem>>) target(%dma_start3A_119 : memref<10000x128xf32, #tpu.memory_space<vmem_shared>>) offsets(%arg11 : memref<40xi32, #tpu.memory_space<vmem>>) semaphore(%arg28 : memref<!tpu.dma_semaphore, #tpu.memory_space<semaphore_mem>>) {add = true}
        %add3A_120 = arith.constant 3 : i32
        %add3A_121 = arith.addi %add3A_101, %add3A_120 : i32
        %lt3A_122 = arith.constant 250 : i32
        %lt3A_123 = arith.cmpi slt, %add3A_121, %lt3A_122 : i32
        %convert_element_type3A_124 = arith.extui %lt3A_123 : i1 to i32
        %cond3A_125 = arith.constant 0 : i32
        %cond3A_126 = arith.cmpi ne, %convert_element_type3A_124, %cond3A_125 : i32
        scf.if %cond3A_126 {
          %ge3A = arith.constant 4 : i32
          %ge3A_127 = arith.cmpi sge, %add3A_121, %ge3A : i32
          %convert_element_type3A_128 = arith.extui %ge3A_127 : i1 to i32
          %cond3A_129 = arith.constant 0 : i32
          %cond3A_130 = arith.cmpi ne, %convert_element_type3A_128, %cond3A_129 : i32
          scf.if %cond3A_130 {
            %dma_wait3A_142 = arith.constant 0 : i32
            %dma_wait3A_143 = arith.constant 0 : i32
            %dma_wait3A_144 = tpu.memref_slice %arg16[%dma_wait3A_142, %dma_wait3A_143] : memref<10000x128xf32, #tpu.memory_space<vmem_shared>> -> memref<40x128xf32, #tpu.memory_space<vmem_shared>>
            %dma_wait3A_145 = arith.constant 0 : i32
            %dma_wait3A_146 = arith.constant 0 : i32
            %dma_wait3A_147 = tpu.memref_slice %arg16[%dma_wait3A_145, %dma_wait3A_146] : memref<10000x128xf32, #tpu.memory_space<vmem_shared>> -> memref<40x128xf32, #tpu.memory_space<vmem_shared>>
            tpu.wait_dma2 semaphore(%arg27 : memref<!tpu.dma_semaphore, #tpu.memory_space<semaphore_mem>>) src(%arg14 : memref<40x128xf32, #tpu.memory_space<vmem>>) dst(%dma_wait3A_147 : memref<40x128xf32, #tpu.memory_space<vmem_shared>>)
          } else {
          }
          %mul3A_131 = arith.constant 40 : i32
          %mul3A_132 = arith.muli %add3A_121, %mul3A_131 : i32
          %add3A_133 = arith.addi %add3A_4, %mul3A_132 : i32
          %dma_start3A_134 = tpu.memref_slice %arg4[%add3A_133] : memref<320000xi32, #tpu.memory_space<hbm>> -> memref<40xi32, #tpu.memory_space<hbm>>
          %dma_start3A_135 = tpu.memref_slice %arg4[%add3A_133] : memref<320000xi32, #tpu.memory_space<hbm>> -> memref<40xi32, #tpu.memory_space<hbm>>
          tpu.enqueue_dma source(%dma_start3A_135 : memref<40xi32, #tpu.memory_space<hbm>>) target(%arg10 : memref<40xi32, #tpu.memory_space<vmem>>) target_semaphore(%arg19 : memref<!tpu.dma_semaphore, #tpu.memory_space<semaphore_mem>>)
          %mul3A_136 = arith.constant 40 : i32
          %mul3A_137 = arith.muli %add3A_121, %mul3A_136 : i32
          %dma_start3A_138 = tpu.memref_slice %arg7[%mul3A_137] : memref<10000xi32, #tpu.memory_space<vmem>> -> memref<40xi32, #tpu.memory_space<vmem>>
          %dma_start3A_139 = arith.constant 0 : i32
          %dma_start3A_140 = arith.constant 0 : i32
          %dma_start3A_141 = tpu.memref_slice %arg2[%dma_start3A_139, %dma_start3A_140] : memref<10000x128xf32, #tpu.memory_space<hbm>> -> memref<10000x128xf32, #tpu.memory_space<hbm>>
          tpu.enqueue_indirect_dma source(%dma_start3A_141 : memref<10000x128xf32, #tpu.memory_space<hbm>>) target(%arg14 : memref<40x128xf32, #tpu.memory_space<vmem>>) offsets(%dma_start3A_138 : memref<40xi32, #tpu.memory_space<vmem>>) semaphore(%arg23 : memref<!tpu.dma_semaphore, #tpu.memory_space<semaphore_mem>>)
        } else {
        }
      } else {
      }
    }
    %scan3A_41 = arith.constant 63 : i32
    %dma_wait3A = arith.constant 0 : i32
    %dma_wait3A_42 = arith.constant 0 : i32
    %dma_wait3A_43 = tpu.memref_slice %arg16[%dma_wait3A, %dma_wait3A_42] : memref<10000x128xf32, #tpu.memory_space<vmem_shared>> -> memref<40x128xf32, #tpu.memory_space<vmem_shared>>
    %dma_wait3A_44 = arith.constant 0 : i32
    %dma_wait3A_45 = arith.constant 0 : i32
    %dma_wait3A_46 = tpu.memref_slice %arg16[%dma_wait3A_44, %dma_wait3A_45] : memref<10000x128xf32, #tpu.memory_space<vmem_shared>> -> memref<40x128xf32, #tpu.memory_space<vmem_shared>>
    tpu.wait_dma2 semaphore(%arg25 : memref<!tpu.dma_semaphore, #tpu.memory_space<semaphore_mem>>) src(%arg12 : memref<40x128xf32, #tpu.memory_space<vmem>>) dst(%dma_wait3A_46 : memref<40x128xf32, #tpu.memory_space<vmem_shared>>)
    %dma_wait3A_47 = arith.constant 0 : i32
    %dma_wait3A_48 = arith.constant 0 : i32
    %dma_wait3A_49 = tpu.memref_slice %arg16[%dma_wait3A_47, %dma_wait3A_48] : memref<10000x128xf32, #tpu.memory_space<vmem_shared>> -> memref<40x128xf32, #tpu.memory_space<vmem_shared>>
    %dma_wait3A_50 = arith.constant 0 : i32
    %dma_wait3A_51 = arith.constant 0 : i32
    %dma_wait3A_52 = tpu.memref_slice %arg16[%dma_wait3A_50, %dma_wait3A_51] : memref<10000x128xf32, #tpu.memory_space<vmem_shared>> -> memref<40x128xf32, #tpu.memory_space<vmem_shared>>
    tpu.wait_dma2 semaphore(%arg26 : memref<!tpu.dma_semaphore, #tpu.memory_space<semaphore_mem>>) src(%arg13 : memref<40x128xf32, #tpu.memory_space<vmem>>) dst(%dma_wait3A_52 : memref<40x128xf32, #tpu.memory_space<vmem_shared>>)
    %dma_wait3A_53 = arith.constant 0 : i32
    %dma_wait3A_54 = arith.constant 0 : i32
    %dma_wait3A_55 = tpu.memref_slice %arg16[%dma_wait3A_53, %dma_wait3A_54] : memref<10000x128xf32, #tpu.memory_space<vmem_shared>> -> memref<40x128xf32, #tpu.memory_space<vmem_shared>>
    %dma_wait3A_56 = arith.constant 0 : i32
    %dma_wait3A_57 = arith.constant 0 : i32
    %dma_wait3A_58 = tpu.memref_slice %arg16[%dma_wait3A_56, %dma_wait3A_57] : memref<10000x128xf32, #tpu.memory_space<vmem_shared>> -> memref<40x128xf32, #tpu.memory_space<vmem_shared>>
    tpu.wait_dma2 semaphore(%arg27 : memref<!tpu.dma_semaphore, #tpu.memory_space<semaphore_mem>>) src(%arg14 : memref<40x128xf32, #tpu.memory_space<vmem>>) dst(%dma_wait3A_58 : memref<40x128xf32, #tpu.memory_space<vmem_shared>>)
    %dma_wait3A_59 = arith.constant 0 : i32
    %dma_wait3A_60 = arith.constant 0 : i32
    %dma_wait3A_61 = tpu.memref_slice %arg16[%dma_wait3A_59, %dma_wait3A_60] : memref<10000x128xf32, #tpu.memory_space<vmem_shared>> -> memref<40x128xf32, #tpu.memory_space<vmem_shared>>
    %dma_wait3A_62 = arith.constant 0 : i32
    %dma_wait3A_63 = arith.constant 0 : i32
    %dma_wait3A_64 = tpu.memref_slice %arg16[%dma_wait3A_62, %dma_wait3A_63] : memref<10000x128xf32, #tpu.memory_space<vmem_shared>> -> memref<40x128xf32, #tpu.memory_space<vmem_shared>>
    tpu.wait_dma2 semaphore(%arg28 : memref<!tpu.dma_semaphore, #tpu.memory_space<semaphore_mem>>) src(%arg15 : memref<40x128xf32, #tpu.memory_space<vmem>>) dst(%dma_wait3A_64 : memref<40x128xf32, #tpu.memory_space<vmem_shared>>)
    %barrier3A_65 = arith.constant 0 : index
    tpu.barrier barrier_id(%barrier3A_65)
    "tpu.region"() ({
      %run_scoped3A = tpu.sem_alloc : memref<!tpu.dma_semaphore, #tpu.memory_space<semaphore_mem>>
      %dma_start3A_71 = arith.constant 0 : i32
      %dma_start3A_72 = tpu.memref_slice %arg6[%arg0, %mul3A_8, %dma_start3A_71] : memref<2x10000x128xf32, #tpu.memory_space<hbm>> -> memref<1x624x128xf32, #tpu.memory_space<hbm>>
      %dma_start3A_73 = tpu.memref_squeeze %dma_start3A_72 : memref<1x624x128xf32, #tpu.memory_space<hbm>> -> memref<624x128xf32, #tpu.memory_space<hbm>>
      %dma_start3A_74 = arith.constant 0 : i32
      %dma_start3A_75 = tpu.memref_slice %arg16[%mul3A_8, %dma_start3A_74] : memref<10000x128xf32, #tpu.memory_space<vmem_shared>> -> memref<624x128xf32, #tpu.memory_space<vmem_shared>>
      tpu.enqueue_dma source(%dma_start3A_75 : memref<624x128xf32, #tpu.memory_space<vmem_shared>>) target(%dma_start3A_73 : memref<624x128xf32, #tpu.memory_space<hbm>>) target_semaphore(%run_scoped3A : memref<!tpu.dma_semaphore, #tpu.memory_space<semaphore_mem>>)
      %dma_wait3A_76 = arith.constant 0 : i32
      %dma_wait3A_77 = tpu.memref_slice %arg6[%arg0, %mul3A_8, %dma_wait3A_76] : memref<2x10000x128xf32, #tpu.memory_space<hbm>> -> memref<1x624x128xf32, #tpu.memory_space<hbm>>
      %dma_wait3A_78 = tpu.memref_squeeze %dma_wait3A_77 : memref<1x624x128xf32, #tpu.memory_space<hbm>> -> memref<624x128xf32, #tpu.memory_space<hbm>>
      %dma_wait3A_79 = arith.constant 0 : i32
      %dma_wait3A_80 = tpu.memref_slice %arg16[%mul3A_8, %dma_wait3A_79] : memref<10000x128xf32, #tpu.memory_space<vmem_shared>> -> memref<624x128xf32, #tpu.memory_space<vmem_shared>>
      tpu.wait_dma2 semaphore(%run_scoped3A : memref<!tpu.dma_semaphore, #tpu.memory_space<semaphore_mem>>) src(%dma_wait3A_80 : memref<624x128xf32, #tpu.memory_space<vmem_shared>>) dst(%dma_wait3A_78 : memref<624x128xf32, #tpu.memory_space<hbm>>)
      tpu.yield
    }) : () -> ()
    %eq3A_66 = arith.constant 0 : i32
    %eq3A_67 = arith.cmpi eq, %arg1, %eq3A_66 : i32
    %convert_element_type3A_68 = arith.extui %eq3A_67 : i1 to i32
    %cond3A_69 = arith.constant 0 : i32
    %cond3A_70 = arith.cmpi ne, %convert_element_type3A_68, %cond3A_69 : i32
    scf.if %cond3A_70 {
      "tpu.region"() ({
        %run_scoped3A = tpu.sem_alloc : memref<!tpu.dma_semaphore, #tpu.memory_space<semaphore_mem>>
        %dma_start3A_71 = arith.constant 9984 : i32
        %dma_start3A_72 = arith.constant 0 : i32
        %dma_start3A_73 = tpu.memref_slice %arg6[%arg0, %dma_start3A_71, %dma_start3A_72] : memref<2x10000x128xf32, #tpu.memory_space<hbm>> -> memref<1x16x128xf32, #tpu.memory_space<hbm>>
        %dma_start3A_74 = tpu.memref_squeeze %dma_start3A_73 : memref<1x16x128xf32, #tpu.memory_space<hbm>> -> memref<16x128xf32, #tpu.memory_space<hbm>>
        %dma_start3A_75 = arith.constant 9984 : i32
        %dma_start3A_76 = arith.constant 0 : i32
        %dma_start3A_77 = tpu.memref_slice %arg16[%dma_start3A_75, %dma_start3A_76] : memref<10000x128xf32, #tpu.memory_space<vmem_shared>> -> memref<16x128xf32, #tpu.memory_space<vmem_shared>>
        tpu.enqueue_dma source(%dma_start3A_77 : memref<16x128xf32, #tpu.memory_space<vmem_shared>>) target(%dma_start3A_74 : memref<16x128xf32, #tpu.memory_space<hbm>>) target_semaphore(%run_scoped3A : memref<!tpu.dma_semaphore, #tpu.memory_space<semaphore_mem>>)
        %dma_wait3A_78 = arith.constant 9984 : i32
        %dma_wait3A_79 = arith.constant 0 : i32
        %dma_wait3A_80 = tpu.memref_slice %arg6[%arg0, %dma_wait3A_78, %dma_wait3A_79] : memref<2x10000x128xf32, #tpu.memory_space<hbm>> -> memref<1x16x128xf32, #tpu.memory_space<hbm>>
        %dma_wait3A_81 = tpu.memref_squeeze %dma_wait3A_80 : memref<1x16x128xf32, #tpu.memory_space<hbm>> -> memref<16x128xf32, #tpu.memory_space<hbm>>
        %dma_wait3A_82 = arith.constant 9984 : i32
        %dma_wait3A_83 = arith.constant 0 : i32
        %dma_wait3A_84 = tpu.memref_slice %arg16[%dma_wait3A_82, %dma_wait3A_83] : memref<10000x128xf32, #tpu.memory_space<vmem_shared>> -> memref<16x128xf32, #tpu.memory_space<vmem_shared>>
        tpu.wait_dma2 semaphore(%run_scoped3A : memref<!tpu.dma_semaphore, #tpu.memory_space<semaphore_mem>>) src(%dma_wait3A_84 : memref<16x128xf32, #tpu.memory_space<vmem_shared>>) dst(%dma_wait3A_81 : memref<16x128xf32, #tpu.memory_space<hbm>>)
        tpu.yield
      }) : () -> ()
    } else {
    }
    return
  }
}

#map = affine_map<(d0, d1) -> (0, 0)>
#map1 = affine_map<(d0, d1) -> (0)>
#map2 = affine_map<(d0, d1) -> (0, 0, 0)>
module attributes {stable_mosaic.version = 14 : i64} {
  func.func @body(%arg0: i32, %arg1: i32, %arg2: memref<160000x128xf32, #tpu.memory_space<hbm>>, %arg3: memref<320000xi32, #tpu.memory_space<hbm>>, %arg4: memref<320000xi32, #tpu.memory_space<hbm>>, %arg5: memref<10000x128xf32, #tpu.memory_space<hbm>>, %arg6: memref<2x10000x128xf32, #tpu.memory_space<hbm>>, %arg7: memref<5000xi32, #tpu.memory_space<vmem>>, %arg8: memref<40xi32, #tpu.memory_space<vmem>>, %arg9: memref<40xi32, #tpu.memory_space<vmem>>, %arg10: memref<40xi32, #tpu.memory_space<vmem>>, %arg11: memref<40xi32, #tpu.memory_space<vmem>>, %arg12: memref<40x128xf32, #tpu.memory_space<vmem>>, %arg13: memref<40x128xf32, #tpu.memory_space<vmem>>, %arg14: memref<40x128xf32, #tpu.memory_space<vmem>>, %arg15: memref<40x128xf32, #tpu.memory_space<vmem>>, %arg16: memref<10000x128xf32, #tpu.memory_space<vmem_shared>>, %arg17: memref<!tpu.dma_semaphore, #tpu.memory_space<semaphore_mem>>, %arg18: memref<!tpu.dma_semaphore, #tpu.memory_space<semaphore_mem>>, %arg19: memref<!tpu.dma_semaphore, #tpu.memory_space<semaphore_mem>>, %arg20: memref<!tpu.dma_semaphore, #tpu.memory_space<semaphore_mem>>, %arg21: memref<!tpu.dma_semaphore, #tpu.memory_space<semaphore_mem>>, %arg22: memref<!tpu.dma_semaphore, #tpu.memory_space<semaphore_mem>>, %arg23: memref<!tpu.dma_semaphore, #tpu.memory_space<semaphore_mem>>, %arg24: memref<!tpu.dma_semaphore, #tpu.memory_space<semaphore_mem>>, %arg25: memref<!tpu.dma_semaphore, #tpu.memory_space<semaphore_mem>>, %arg26: memref<!tpu.dma_semaphore, #tpu.memory_space<semaphore_mem>>, %arg27: memref<!tpu.dma_semaphore, #tpu.memory_space<semaphore_mem>>, %arg28: memref<!tpu.dma_semaphore, #tpu.memory_space<semaphore_mem>>) attributes {dimension_semantics = [#tpu.dimension_semantics<core_parallel>, #tpu.dimension_semantics<subcore_parallel>], iteration_bounds = array<i64: 2, 16>, scalar_prefetch = 0 : i64, scratch_operands = 22 : i64, tpu.core_type = #tpu.core_type<sc_vector_subcore>, window_params = [{transform_indices = #map}, {transform_indices = #map1}, {transform_indices = #map1}, {transform_indices = #map}, {transform_indices = #map2}]} {
    %mul3A = arith.constant 2 : i32
    %mul3A_0 = arith.muli %arg1, %mul3A : i32
    %add3A = arith.addi %mul3A_0, %arg0 : i32
    %mul3A_1 = arith.constant 5000 : i32
    %mul3A_2 = arith.muli %add3A, %mul3A_1 : i32
    %add3A_3 = arith.constant 160000 : i32
    %add3A_4 = arith.addi %add3A_3, %mul3A_2 : i32
    %mul3A_5 = arith.constant 5000 : i32
    %mul3A_6 = arith.muli %add3A, %mul3A_5 : i32
    %mul3A_7 = arith.constant 624 : i32
    %mul3A_8 = arith.muli %arg1, %mul3A_7 : i32
    "tpu.region"() ({
      %run_scoped3A = tpu.sem_alloc : memref<!tpu.dma_semaphore, #tpu.memory_space<semaphore_mem>>
      %dma_start3A_74 = arith.constant 0 : i32
      %dma_start3A_75 = tpu.memref_slice %arg16[%mul3A_8, %dma_start3A_74] : memref<10000x128xf32, #tpu.memory_space<vmem_shared>> -> memref<624x128xf32, #tpu.memory_space<vmem_shared>>
      %dma_start3A_76 = arith.constant 0 : i32
      %dma_start3A_77 = tpu.memref_slice %arg5[%mul3A_8, %dma_start3A_76] : memref<10000x128xf32, #tpu.memory_space<hbm>> -> memref<624x128xf32, #tpu.memory_space<hbm>>
      tpu.enqueue_dma source(%dma_start3A_77 : memref<624x128xf32, #tpu.memory_space<hbm>>) target(%dma_start3A_75 : memref<624x128xf32, #tpu.memory_space<vmem_shared>>) target_semaphore(%run_scoped3A : memref<!tpu.dma_semaphore, #tpu.memory_space<semaphore_mem>>)
      %dma_wait3A_78 = arith.constant 0 : i32
      %dma_wait3A_79 = tpu.memref_slice %arg16[%mul3A_8, %dma_wait3A_78] : memref<10000x128xf32, #tpu.memory_space<vmem_shared>> -> memref<624x128xf32, #tpu.memory_space<vmem_shared>>
      %dma_wait3A_80 = arith.constant 0 : i32
      %dma_wait3A_81 = tpu.memref_slice %arg5[%mul3A_8, %dma_wait3A_80] : memref<10000x128xf32, #tpu.memory_space<hbm>> -> memref<624x128xf32, #tpu.memory_space<hbm>>
      tpu.wait_dma2 semaphore(%run_scoped3A : memref<!tpu.dma_semaphore, #tpu.memory_space<semaphore_mem>>) src(%dma_wait3A_81 : memref<624x128xf32, #tpu.memory_space<hbm>>) dst(%dma_wait3A_79 : memref<624x128xf32, #tpu.memory_space<vmem_shared>>)
      tpu.yield
    }) : () -> ()
    %eq3A = arith.constant 0 : i32
    %eq3A_9 = arith.cmpi eq, %arg1, %eq3A : i32
    %convert_element_type3A = arith.extui %eq3A_9 : i1 to i32
    %cond3A = arith.constant 0 : i32
    %cond3A_10 = arith.cmpi ne, %convert_element_type3A, %cond3A : i32
    scf.if %cond3A_10 {
      "tpu.region"() ({
        %run_scoped3A = tpu.sem_alloc : memref<!tpu.dma_semaphore, #tpu.memory_space<semaphore_mem>>
        %dma_start3A_74 = arith.constant 9984 : i32
        %dma_start3A_75 = arith.constant 0 : i32
        %dma_start3A_76 = tpu.memref_slice %arg16[%dma_start3A_74, %dma_start3A_75] : memref<10000x128xf32, #tpu.memory_space<vmem_shared>> -> memref<16x128xf32, #tpu.memory_space<vmem_shared>>
        %dma_start3A_77 = arith.constant 9984 : i32
        %dma_start3A_78 = arith.constant 0 : i32
        %dma_start3A_79 = tpu.memref_slice %arg5[%dma_start3A_77, %dma_start3A_78] : memref<10000x128xf32, #tpu.memory_space<hbm>> -> memref<16x128xf32, #tpu.memory_space<hbm>>
        tpu.enqueue_dma source(%dma_start3A_79 : memref<16x128xf32, #tpu.memory_space<hbm>>) target(%dma_start3A_76 : memref<16x128xf32, #tpu.memory_space<vmem_shared>>) target_semaphore(%run_scoped3A : memref<!tpu.dma_semaphore, #tpu.memory_space<semaphore_mem>>)
        %dma_wait3A_80 = arith.constant 9984 : i32
        %dma_wait3A_81 = arith.constant 0 : i32
        %dma_wait3A_82 = tpu.memref_slice %arg16[%dma_wait3A_80, %dma_wait3A_81] : memref<10000x128xf32, #tpu.memory_space<vmem_shared>> -> memref<16x128xf32, #tpu.memory_space<vmem_shared>>
        %dma_wait3A_83 = arith.constant 9984 : i32
        %dma_wait3A_84 = arith.constant 0 : i32
        %dma_wait3A_85 = tpu.memref_slice %arg5[%dma_wait3A_83, %dma_wait3A_84] : memref<10000x128xf32, #tpu.memory_space<hbm>> -> memref<16x128xf32, #tpu.memory_space<hbm>>
        tpu.wait_dma2 semaphore(%run_scoped3A : memref<!tpu.dma_semaphore, #tpu.memory_space<semaphore_mem>>) src(%dma_wait3A_85 : memref<16x128xf32, #tpu.memory_space<hbm>>) dst(%dma_wait3A_82 : memref<16x128xf32, #tpu.memory_space<vmem_shared>>)
        tpu.yield
      }) : () -> ()
    } else {
    }
    %barrier3A = arith.constant 0 : index
    tpu.barrier barrier_id(%barrier3A)
    %add3A_11 = arith.constant 0 : i32
    %add3A_12 = arith.addi %add3A_4, %add3A_11 : i32
    %dma_start3A = tpu.memref_slice %arg4[%add3A_12] : memref<320000xi32, #tpu.memory_space<hbm>> -> memref<40xi32, #tpu.memory_space<hbm>>
    %dma_start3A_13 = tpu.memref_slice %arg4[%add3A_12] : memref<320000xi32, #tpu.memory_space<hbm>> -> memref<40xi32, #tpu.memory_space<hbm>>
    tpu.enqueue_dma source(%dma_start3A_13 : memref<40xi32, #tpu.memory_space<hbm>>) target(%arg8 : memref<40xi32, #tpu.memory_space<vmem>>) target_semaphore(%arg17 : memref<!tpu.dma_semaphore, #tpu.memory_space<semaphore_mem>>)
    %add3A_14 = arith.constant 0 : i32
    %add3A_15 = arith.addi %mul3A_6, %add3A_14 : i32
    %dma_start3A_16 = arith.constant 0 : i32
    %dma_start3A_17 = tpu.memref_slice %arg2[%add3A_15, %dma_start3A_16] : memref<160000x128xf32, #tpu.memory_space<hbm>> -> memref<40x128xf32, #tpu.memory_space<hbm>>
    %dma_start3A_18 = arith.constant 0 : i32
    %dma_start3A_19 = tpu.memref_slice %arg2[%add3A_15, %dma_start3A_18] : memref<160000x128xf32, #tpu.memory_space<hbm>> -> memref<40x128xf32, #tpu.memory_space<hbm>>
    tpu.enqueue_dma source(%dma_start3A_19 : memref<40x128xf32, #tpu.memory_space<hbm>>) target(%arg12 : memref<40x128xf32, #tpu.memory_space<vmem>>) target_semaphore(%arg21 : memref<!tpu.dma_semaphore, #tpu.memory_space<semaphore_mem>>)
    %add3A_20 = arith.constant 40 : i32
    %add3A_21 = arith.addi %add3A_4, %add3A_20 : i32
    %dma_start3A_22 = tpu.memref_slice %arg4[%add3A_21] : memref<320000xi32, #tpu.memory_space<hbm>> -> memref<40xi32, #tpu.memory_space<hbm>>
    %dma_start3A_23 = tpu.memref_slice %arg4[%add3A_21] : memref<320000xi32, #tpu.memory_space<hbm>> -> memref<40xi32, #tpu.memory_space<hbm>>
    tpu.enqueue_dma source(%dma_start3A_23 : memref<40xi32, #tpu.memory_space<hbm>>) target(%arg9 : memref<40xi32, #tpu.memory_space<vmem>>) target_semaphore(%arg18 : memref<!tpu.dma_semaphore, #tpu.memory_space<semaphore_mem>>)
    %add3A_24 = arith.constant 40 : i32
    %add3A_25 = arith.addi %mul3A_6, %add3A_24 : i32
    %dma_start3A_26 = arith.constant 0 : i32
    %dma_start3A_27 = tpu.memref_slice %arg2[%add3A_25, %dma_start3A_26] : memref<160000x128xf32, #tpu.memory_space<hbm>> -> memref<40x128xf32, #tpu.memory_space<hbm>>
    %dma_start3A_28 = arith.constant 0 : i32
    %dma_start3A_29 = tpu.memref_slice %arg2[%add3A_25, %dma_start3A_28] : memref<160000x128xf32, #tpu.memory_space<hbm>> -> memref<40x128xf32, #tpu.memory_space<hbm>>
    tpu.enqueue_dma source(%dma_start3A_29 : memref<40x128xf32, #tpu.memory_space<hbm>>) target(%arg13 : memref<40x128xf32, #tpu.memory_space<vmem>>) target_semaphore(%arg22 : memref<!tpu.dma_semaphore, #tpu.memory_space<semaphore_mem>>)
    %add3A_30 = arith.constant 80 : i32
    %add3A_31 = arith.addi %add3A_4, %add3A_30 : i32
    %dma_start3A_32 = tpu.memref_slice %arg4[%add3A_31] : memref<320000xi32, #tpu.memory_space<hbm>> -> memref<40xi32, #tpu.memory_space<hbm>>
    %dma_start3A_33 = tpu.memref_slice %arg4[%add3A_31] : memref<320000xi32, #tpu.memory_space<hbm>> -> memref<40xi32, #tpu.memory_space<hbm>>
    tpu.enqueue_dma source(%dma_start3A_33 : memref<40xi32, #tpu.memory_space<hbm>>) target(%arg10 : memref<40xi32, #tpu.memory_space<vmem>>) target_semaphore(%arg19 : memref<!tpu.dma_semaphore, #tpu.memory_space<semaphore_mem>>)
    %add3A_34 = arith.constant 80 : i32
    %add3A_35 = arith.addi %mul3A_6, %add3A_34 : i32
    %dma_start3A_36 = arith.constant 0 : i32
    %dma_start3A_37 = tpu.memref_slice %arg2[%add3A_35, %dma_start3A_36] : memref<160000x128xf32, #tpu.memory_space<hbm>> -> memref<40x128xf32, #tpu.memory_space<hbm>>
    %dma_start3A_38 = arith.constant 0 : i32
    %dma_start3A_39 = tpu.memref_slice %arg2[%add3A_35, %dma_start3A_38] : memref<160000x128xf32, #tpu.memory_space<hbm>> -> memref<40x128xf32, #tpu.memory_space<hbm>>
    tpu.enqueue_dma source(%dma_start3A_39 : memref<40x128xf32, #tpu.memory_space<hbm>>) target(%arg14 : memref<40x128xf32, #tpu.memory_space<vmem>>) target_semaphore(%arg23 : memref<!tpu.dma_semaphore, #tpu.memory_space<semaphore_mem>>)
    %scan3A = arith.constant 0 : i32
    %scan3A_40 = arith.constant 0 : i32
    %scan3A_41 = arith.constant 32 : i32
    %scan3A_42 = arith.addi %scan3A_40, %scan3A_41 : i32
    %scan3A_43 = arith.constant 1 : i32
    scf.for %scan3A_74 = %scan3A_40 to %scan3A_42 step %scan3A_43  : i32 {
      %mul3A_75 = arith.constant 4 : i32
      %mul3A_76 = arith.muli %mul3A_75, %scan3A_74 : i32
      %add3A_77 = arith.constant 0 : i32
      %add3A_78 = arith.addi %mul3A_76, %add3A_77 : i32
      %lt3A = arith.constant 125 : i32
      %lt3A_79 = arith.cmpi slt, %add3A_78, %lt3A : i32
      %convert_element_type3A_80 = arith.extui %lt3A_79 : i1 to i32
      %cond3A_81 = arith.constant 0 : i32
      %cond3A_82 = arith.cmpi ne, %convert_element_type3A_80, %cond3A_81 : i32
      scf.if %cond3A_82 {
        %dma_wait3A_110 = arith.constant 0 : i32
        %dma_wait3A_111 = arith.constant 0 : i32
        %dma_wait3A_112 = tpu.memref_slice %arg2[%dma_wait3A_110, %dma_wait3A_111] : memref<160000x128xf32, #tpu.memory_space<hbm>> -> memref<40x128xf32, #tpu.memory_space<hbm>>
        %dma_wait3A_113 = arith.constant 0 : i32
        %dma_wait3A_114 = arith.constant 0 : i32
        %dma_wait3A_115 = tpu.memref_slice %arg2[%dma_wait3A_113, %dma_wait3A_114] : memref<160000x128xf32, #tpu.memory_space<hbm>> -> memref<40x128xf32, #tpu.memory_space<hbm>>
        tpu.wait_dma2 semaphore(%arg21 : memref<!tpu.dma_semaphore, #tpu.memory_space<semaphore_mem>>) src(%dma_wait3A_115 : memref<40x128xf32, #tpu.memory_space<hbm>>) dst(%arg12 : memref<40x128xf32, #tpu.memory_space<vmem>>)
        %dma_wait3A_116 = arith.constant 0 : i32
        %dma_wait3A_117 = tpu.memref_slice %arg4[%dma_wait3A_116] : memref<320000xi32, #tpu.memory_space<hbm>> -> memref<40xi32, #tpu.memory_space<hbm>>
        %dma_wait3A_118 = arith.constant 0 : i32
        %dma_wait3A_119 = tpu.memref_slice %arg4[%dma_wait3A_118] : memref<320000xi32, #tpu.memory_space<hbm>> -> memref<40xi32, #tpu.memory_space<hbm>>
        tpu.wait_dma2 semaphore(%arg17 : memref<!tpu.dma_semaphore, #tpu.memory_space<semaphore_mem>>) src(%dma_wait3A_119 : memref<40xi32, #tpu.memory_space<hbm>>) dst(%arg8 : memref<40xi32, #tpu.memory_space<vmem>>)
        %dma_start3A_120 = arith.constant 0 : i32
        %dma_start3A_121 = arith.constant 0 : i32
        %dma_start3A_122 = tpu.memref_slice %arg16[%dma_start3A_120, %dma_start3A_121] : memref<10000x128xf32, #tpu.memory_space<vmem_shared>> -> memref<10000x128xf32, #tpu.memory_space<vmem_shared>>
        tpu.enqueue_indirect_dma source(%arg12 : memref<40x128xf32, #tpu.memory_space<vmem>>) target(%dma_start3A_122 : memref<10000x128xf32, #tpu.memory_space<vmem_shared>>) offsets(%arg8 : memref<40xi32, #tpu.memory_space<vmem>>) semaphore(%arg25 : memref<!tpu.dma_semaphore, #tpu.memory_space<semaphore_mem>>) {add = true}
        %add3A_123 = arith.constant 3 : i32
        %add3A_124 = arith.addi %add3A_78, %add3A_123 : i32
        %lt3A_125 = arith.constant 125 : i32
        %lt3A_126 = arith.cmpi slt, %add3A_124, %lt3A_125 : i32
        %convert_element_type3A_127 = arith.extui %lt3A_126 : i1 to i32
        %cond3A_128 = arith.constant 0 : i32
        %cond3A_129 = arith.cmpi ne, %convert_element_type3A_127, %cond3A_128 : i32
        scf.if %cond3A_129 {
          %ge3A = arith.constant 4 : i32
          %ge3A_130 = arith.cmpi sge, %add3A_124, %ge3A : i32
          %convert_element_type3A_131 = arith.extui %ge3A_130 : i1 to i32
          %cond3A_132 = arith.constant 0 : i32
          %cond3A_133 = arith.cmpi ne, %convert_element_type3A_131, %cond3A_132 : i32
          scf.if %cond3A_133 {
            %dma_wait3A_146 = arith.constant 0 : i32
            %dma_wait3A_147 = arith.constant 0 : i32
            %dma_wait3A_148 = tpu.memref_slice %arg16[%dma_wait3A_146, %dma_wait3A_147] : memref<10000x128xf32, #tpu.memory_space<vmem_shared>> -> memref<40x128xf32, #tpu.memory_space<vmem_shared>>
            %dma_wait3A_149 = arith.constant 0 : i32
            %dma_wait3A_150 = arith.constant 0 : i32
            %dma_wait3A_151 = tpu.memref_slice %arg16[%dma_wait3A_149, %dma_wait3A_150] : memref<10000x128xf32, #tpu.memory_space<vmem_shared>> -> memref<40x128xf32, #tpu.memory_space<vmem_shared>>
            tpu.wait_dma2 semaphore(%arg28 : memref<!tpu.dma_semaphore, #tpu.memory_space<semaphore_mem>>) src(%arg15 : memref<40x128xf32, #tpu.memory_space<vmem>>) dst(%dma_wait3A_151 : memref<40x128xf32, #tpu.memory_space<vmem_shared>>)
          } else {
          }
          %mul3A_134 = arith.constant 40 : i32
          %mul3A_135 = arith.muli %add3A_124, %mul3A_134 : i32
          %add3A_136 = arith.addi %add3A_4, %mul3A_135 : i32
          %dma_start3A_137 = tpu.memref_slice %arg4[%add3A_136] : memref<320000xi32, #tpu.memory_space<hbm>> -> memref<40xi32, #tpu.memory_space<hbm>>
          %dma_start3A_138 = tpu.memref_slice %arg4[%add3A_136] : memref<320000xi32, #tpu.memory_space<hbm>> -> memref<40xi32, #tpu.memory_space<hbm>>
          tpu.enqueue_dma source(%dma_start3A_138 : memref<40xi32, #tpu.memory_space<hbm>>) target(%arg11 : memref<40xi32, #tpu.memory_space<vmem>>) target_semaphore(%arg20 : memref<!tpu.dma_semaphore, #tpu.memory_space<semaphore_mem>>)
          %mul3A_139 = arith.constant 40 : i32
          %mul3A_140 = arith.muli %add3A_124, %mul3A_139 : i32
          %add3A_141 = arith.addi %mul3A_6, %mul3A_140 : i32
          %dma_start3A_142 = arith.constant 0 : i32
          %dma_start3A_143 = tpu.memref_slice %arg2[%add3A_141, %dma_start3A_142] : memref<160000x128xf32, #tpu.memory_space<hbm>> -> memref<40x128xf32, #tpu.memory_space<hbm>>
          %dma_start3A_144 = arith.constant 0 : i32
          %dma_start3A_145 = tpu.memref_slice %arg2[%add3A_141, %dma_start3A_144] : memref<160000x128xf32, #tpu.memory_space<hbm>> -> memref<40x128xf32, #tpu.memory_space<hbm>>
          tpu.enqueue_dma source(%dma_start3A_145 : memref<40x128xf32, #tpu.memory_space<hbm>>) target(%arg15 : memref<40x128xf32, #tpu.memory_space<vmem>>) target_semaphore(%arg24 : memref<!tpu.dma_semaphore, #tpu.memory_space<semaphore_mem>>)
        } else {
        }
      } else {
      }
      %mul3A_83 = arith.constant 4 : i32
      %mul3A_84 = arith.muli %mul3A_83, %scan3A_74 : i32
      %add3A_85 = arith.constant 1 : i32
      %add3A_86 = arith.addi %mul3A_84, %add3A_85 : i32
      %lt3A_87 = arith.constant 125 : i32
      %lt3A_88 = arith.cmpi slt, %add3A_86, %lt3A_87 : i32
      %convert_element_type3A_89 = arith.extui %lt3A_88 : i1 to i32
      %cond3A_90 = arith.constant 0 : i32
      %cond3A_91 = arith.cmpi ne, %convert_element_type3A_89, %cond3A_90 : i32
      scf.if %cond3A_91 {
        %dma_wait3A_110 = arith.constant 0 : i32
        %dma_wait3A_111 = arith.constant 0 : i32
        %dma_wait3A_112 = tpu.memref_slice %arg2[%dma_wait3A_110, %dma_wait3A_111] : memref<160000x128xf32, #tpu.memory_space<hbm>> -> memref<40x128xf32, #tpu.memory_space<hbm>>
        %dma_wait3A_113 = arith.constant 0 : i32
        %dma_wait3A_114 = arith.constant 0 : i32
        %dma_wait3A_115 = tpu.memref_slice %arg2[%dma_wait3A_113, %dma_wait3A_114] : memref<160000x128xf32, #tpu.memory_space<hbm>> -> memref<40x128xf32, #tpu.memory_space<hbm>>
        tpu.wait_dma2 semaphore(%arg22 : memref<!tpu.dma_semaphore, #tpu.memory_space<semaphore_mem>>) src(%dma_wait3A_115 : memref<40x128xf32, #tpu.memory_space<hbm>>) dst(%arg13 : memref<40x128xf32, #tpu.memory_space<vmem>>)
        %dma_wait3A_116 = arith.constant 0 : i32
        %dma_wait3A_117 = tpu.memref_slice %arg4[%dma_wait3A_116] : memref<320000xi32, #tpu.memory_space<hbm>> -> memref<40xi32, #tpu.memory_space<hbm>>
        %dma_wait3A_118 = arith.constant 0 : i32
        %dma_wait3A_119 = tpu.memref_slice %arg4[%dma_wait3A_118] : memref<320000xi32, #tpu.memory_space<hbm>> -> memref<40xi32, #tpu.memory_space<hbm>>
        tpu.wait_dma2 semaphore(%arg18 : memref<!tpu.dma_semaphore, #tpu.memory_space<semaphore_mem>>) src(%dma_wait3A_119 : memref<40xi32, #tpu.memory_space<hbm>>) dst(%arg9 : memref<40xi32, #tpu.memory_space<vmem>>)
        %dma_start3A_120 = arith.constant 0 : i32
        %dma_start3A_121 = arith.constant 0 : i32
        %dma_start3A_122 = tpu.memref_slice %arg16[%dma_start3A_120, %dma_start3A_121] : memref<10000x128xf32, #tpu.memory_space<vmem_shared>> -> memref<10000x128xf32, #tpu.memory_space<vmem_shared>>
        tpu.enqueue_indirect_dma source(%arg13 : memref<40x128xf32, #tpu.memory_space<vmem>>) target(%dma_start3A_122 : memref<10000x128xf32, #tpu.memory_space<vmem_shared>>) offsets(%arg9 : memref<40xi32, #tpu.memory_space<vmem>>) semaphore(%arg26 : memref<!tpu.dma_semaphore, #tpu.memory_space<semaphore_mem>>) {add = true}
        %add3A_123 = arith.constant 3 : i32
        %add3A_124 = arith.addi %add3A_86, %add3A_123 : i32
        %lt3A_125 = arith.constant 125 : i32
        %lt3A_126 = arith.cmpi slt, %add3A_124, %lt3A_125 : i32
        %convert_element_type3A_127 = arith.extui %lt3A_126 : i1 to i32
        %cond3A_128 = arith.constant 0 : i32
        %cond3A_129 = arith.cmpi ne, %convert_element_type3A_127, %cond3A_128 : i32
        scf.if %cond3A_129 {
          %ge3A = arith.constant 4 : i32
          %ge3A_130 = arith.cmpi sge, %add3A_124, %ge3A : i32
          %convert_element_type3A_131 = arith.extui %ge3A_130 : i1 to i32
          %cond3A_132 = arith.constant 0 : i32
          %cond3A_133 = arith.cmpi ne, %convert_element_type3A_131, %cond3A_132 : i32
          scf.if %cond3A_133 {
            %dma_wait3A_146 = arith.constant 0 : i32
            %dma_wait3A_147 = arith.constant 0 : i32
            %dma_wait3A_148 = tpu.memref_slice %arg16[%dma_wait3A_146, %dma_wait3A_147] : memref<10000x128xf32, #tpu.memory_space<vmem_shared>> -> memref<40x128xf32, #tpu.memory_space<vmem_shared>>
            %dma_wait3A_149 = arith.constant 0 : i32
            %dma_wait3A_150 = arith.constant 0 : i32
            %dma_wait3A_151 = tpu.memref_slice %arg16[%dma_wait3A_149, %dma_wait3A_150] : memref<10000x128xf32, #tpu.memory_space<vmem_shared>> -> memref<40x128xf32, #tpu.memory_space<vmem_shared>>
            tpu.wait_dma2 semaphore(%arg25 : memref<!tpu.dma_semaphore, #tpu.memory_space<semaphore_mem>>) src(%arg12 : memref<40x128xf32, #tpu.memory_space<vmem>>) dst(%dma_wait3A_151 : memref<40x128xf32, #tpu.memory_space<vmem_shared>>)
          } else {
          }
          %mul3A_134 = arith.constant 40 : i32
          %mul3A_135 = arith.muli %add3A_124, %mul3A_134 : i32
          %add3A_136 = arith.addi %add3A_4, %mul3A_135 : i32
          %dma_start3A_137 = tpu.memref_slice %arg4[%add3A_136] : memref<320000xi32, #tpu.memory_space<hbm>> -> memref<40xi32, #tpu.memory_space<hbm>>
          %dma_start3A_138 = tpu.memref_slice %arg4[%add3A_136] : memref<320000xi32, #tpu.memory_space<hbm>> -> memref<40xi32, #tpu.memory_space<hbm>>
          tpu.enqueue_dma source(%dma_start3A_138 : memref<40xi32, #tpu.memory_space<hbm>>) target(%arg8 : memref<40xi32, #tpu.memory_space<vmem>>) target_semaphore(%arg17 : memref<!tpu.dma_semaphore, #tpu.memory_space<semaphore_mem>>)
          %mul3A_139 = arith.constant 40 : i32
          %mul3A_140 = arith.muli %add3A_124, %mul3A_139 : i32
          %add3A_141 = arith.addi %mul3A_6, %mul3A_140 : i32
          %dma_start3A_142 = arith.constant 0 : i32
          %dma_start3A_143 = tpu.memref_slice %arg2[%add3A_141, %dma_start3A_142] : memref<160000x128xf32, #tpu.memory_space<hbm>> -> memref<40x128xf32, #tpu.memory_space<hbm>>
          %dma_start3A_144 = arith.constant 0 : i32
          %dma_start3A_145 = tpu.memref_slice %arg2[%add3A_141, %dma_start3A_144] : memref<160000x128xf32, #tpu.memory_space<hbm>> -> memref<40x128xf32, #tpu.memory_space<hbm>>
          tpu.enqueue_dma source(%dma_start3A_145 : memref<40x128xf32, #tpu.memory_space<hbm>>) target(%arg12 : memref<40x128xf32, #tpu.memory_space<vmem>>) target_semaphore(%arg21 : memref<!tpu.dma_semaphore, #tpu.memory_space<semaphore_mem>>)
        } else {
        }
      } else {
      }
      %mul3A_92 = arith.constant 4 : i32
      %mul3A_93 = arith.muli %mul3A_92, %scan3A_74 : i32
      %add3A_94 = arith.constant 2 : i32
      %add3A_95 = arith.addi %mul3A_93, %add3A_94 : i32
      %lt3A_96 = arith.constant 125 : i32
      %lt3A_97 = arith.cmpi slt, %add3A_95, %lt3A_96 : i32
      %convert_element_type3A_98 = arith.extui %lt3A_97 : i1 to i32
      %cond3A_99 = arith.constant 0 : i32
      %cond3A_100 = arith.cmpi ne, %convert_element_type3A_98, %cond3A_99 : i32
      scf.if %cond3A_100 {
        %dma_wait3A_110 = arith.constant 0 : i32
        %dma_wait3A_111 = arith.constant 0 : i32
        %dma_wait3A_112 = tpu.memref_slice %arg2[%dma_wait3A_110, %dma_wait3A_111] : memref<160000x128xf32, #tpu.memory_space<hbm>> -> memref<40x128xf32, #tpu.memory_space<hbm>>
        %dma_wait3A_113 = arith.constant 0 : i32
        %dma_wait3A_114 = arith.constant 0 : i32
        %dma_wait3A_115 = tpu.memref_slice %arg2[%dma_wait3A_113, %dma_wait3A_114] : memref<160000x128xf32, #tpu.memory_space<hbm>> -> memref<40x128xf32, #tpu.memory_space<hbm>>
        tpu.wait_dma2 semaphore(%arg23 : memref<!tpu.dma_semaphore, #tpu.memory_space<semaphore_mem>>) src(%dma_wait3A_115 : memref<40x128xf32, #tpu.memory_space<hbm>>) dst(%arg14 : memref<40x128xf32, #tpu.memory_space<vmem>>)
        %dma_wait3A_116 = arith.constant 0 : i32
        %dma_wait3A_117 = tpu.memref_slice %arg4[%dma_wait3A_116] : memref<320000xi32, #tpu.memory_space<hbm>> -> memref<40xi32, #tpu.memory_space<hbm>>
        %dma_wait3A_118 = arith.constant 0 : i32
        %dma_wait3A_119 = tpu.memref_slice %arg4[%dma_wait3A_118] : memref<320000xi32, #tpu.memory_space<hbm>> -> memref<40xi32, #tpu.memory_space<hbm>>
        tpu.wait_dma2 semaphore(%arg19 : memref<!tpu.dma_semaphore, #tpu.memory_space<semaphore_mem>>) src(%dma_wait3A_119 : memref<40xi32, #tpu.memory_space<hbm>>) dst(%arg10 : memref<40xi32, #tpu.memory_space<vmem>>)
        %dma_start3A_120 = arith.constant 0 : i32
        %dma_start3A_121 = arith.constant 0 : i32
        %dma_start3A_122 = tpu.memref_slice %arg16[%dma_start3A_120, %dma_start3A_121] : memref<10000x128xf32, #tpu.memory_space<vmem_shared>> -> memref<10000x128xf32, #tpu.memory_space<vmem_shared>>
        tpu.enqueue_indirect_dma source(%arg14 : memref<40x128xf32, #tpu.memory_space<vmem>>) target(%dma_start3A_122 : memref<10000x128xf32, #tpu.memory_space<vmem_shared>>) offsets(%arg10 : memref<40xi32, #tpu.memory_space<vmem>>) semaphore(%arg27 : memref<!tpu.dma_semaphore, #tpu.memory_space<semaphore_mem>>) {add = true}
        %add3A_123 = arith.constant 3 : i32
        %add3A_124 = arith.addi %add3A_95, %add3A_123 : i32
        %lt3A_125 = arith.constant 125 : i32
        %lt3A_126 = arith.cmpi slt, %add3A_124, %lt3A_125 : i32
        %convert_element_type3A_127 = arith.extui %lt3A_126 : i1 to i32
        %cond3A_128 = arith.constant 0 : i32
        %cond3A_129 = arith.cmpi ne, %convert_element_type3A_127, %cond3A_128 : i32
        scf.if %cond3A_129 {
          %ge3A = arith.constant 4 : i32
          %ge3A_130 = arith.cmpi sge, %add3A_124, %ge3A : i32
          %convert_element_type3A_131 = arith.extui %ge3A_130 : i1 to i32
          %cond3A_132 = arith.constant 0 : i32
          %cond3A_133 = arith.cmpi ne, %convert_element_type3A_131, %cond3A_132 : i32
          scf.if %cond3A_133 {
            %dma_wait3A_146 = arith.constant 0 : i32
            %dma_wait3A_147 = arith.constant 0 : i32
            %dma_wait3A_148 = tpu.memref_slice %arg16[%dma_wait3A_146, %dma_wait3A_147] : memref<10000x128xf32, #tpu.memory_space<vmem_shared>> -> memref<40x128xf32, #tpu.memory_space<vmem_shared>>
            %dma_wait3A_149 = arith.constant 0 : i32
            %dma_wait3A_150 = arith.constant 0 : i32
            %dma_wait3A_151 = tpu.memref_slice %arg16[%dma_wait3A_149, %dma_wait3A_150] : memref<10000x128xf32, #tpu.memory_space<vmem_shared>> -> memref<40x128xf32, #tpu.memory_space<vmem_shared>>
            tpu.wait_dma2 semaphore(%arg26 : memref<!tpu.dma_semaphore, #tpu.memory_space<semaphore_mem>>) src(%arg13 : memref<40x128xf32, #tpu.memory_space<vmem>>) dst(%dma_wait3A_151 : memref<40x128xf32, #tpu.memory_space<vmem_shared>>)
          } else {
          }
          %mul3A_134 = arith.constant 40 : i32
          %mul3A_135 = arith.muli %add3A_124, %mul3A_134 : i32
          %add3A_136 = arith.addi %add3A_4, %mul3A_135 : i32
          %dma_start3A_137 = tpu.memref_slice %arg4[%add3A_136] : memref<320000xi32, #tpu.memory_space<hbm>> -> memref<40xi32, #tpu.memory_space<hbm>>
          %dma_start3A_138 = tpu.memref_slice %arg4[%add3A_136] : memref<320000xi32, #tpu.memory_space<hbm>> -> memref<40xi32, #tpu.memory_space<hbm>>
          tpu.enqueue_dma source(%dma_start3A_138 : memref<40xi32, #tpu.memory_space<hbm>>) target(%arg9 : memref<40xi32, #tpu.memory_space<vmem>>) target_semaphore(%arg18 : memref<!tpu.dma_semaphore, #tpu.memory_space<semaphore_mem>>)
          %mul3A_139 = arith.constant 40 : i32
          %mul3A_140 = arith.muli %add3A_124, %mul3A_139 : i32
          %add3A_141 = arith.addi %mul3A_6, %mul3A_140 : i32
          %dma_start3A_142 = arith.constant 0 : i32
          %dma_start3A_143 = tpu.memref_slice %arg2[%add3A_141, %dma_start3A_142] : memref<160000x128xf32, #tpu.memory_space<hbm>> -> memref<40x128xf32, #tpu.memory_space<hbm>>
          %dma_start3A_144 = arith.constant 0 : i32
          %dma_start3A_145 = tpu.memref_slice %arg2[%add3A_141, %dma_start3A_144] : memref<160000x128xf32, #tpu.memory_space<hbm>> -> memref<40x128xf32, #tpu.memory_space<hbm>>
          tpu.enqueue_dma source(%dma_start3A_145 : memref<40x128xf32, #tpu.memory_space<hbm>>) target(%arg13 : memref<40x128xf32, #tpu.memory_space<vmem>>) target_semaphore(%arg22 : memref<!tpu.dma_semaphore, #tpu.memory_space<semaphore_mem>>)
        } else {
        }
      } else {
      }
      %mul3A_101 = arith.constant 4 : i32
      %mul3A_102 = arith.muli %mul3A_101, %scan3A_74 : i32
      %add3A_103 = arith.constant 3 : i32
      %add3A_104 = arith.addi %mul3A_102, %add3A_103 : i32
      %lt3A_105 = arith.constant 125 : i32
      %lt3A_106 = arith.cmpi slt, %add3A_104, %lt3A_105 : i32
      %convert_element_type3A_107 = arith.extui %lt3A_106 : i1 to i32
      %cond3A_108 = arith.constant 0 : i32
      %cond3A_109 = arith.cmpi ne, %convert_element_type3A_107, %cond3A_108 : i32
      scf.if %cond3A_109 {
        %dma_wait3A_110 = arith.constant 0 : i32
        %dma_wait3A_111 = arith.constant 0 : i32
        %dma_wait3A_112 = tpu.memref_slice %arg2[%dma_wait3A_110, %dma_wait3A_111] : memref<160000x128xf32, #tpu.memory_space<hbm>> -> memref<40x128xf32, #tpu.memory_space<hbm>>
        %dma_wait3A_113 = arith.constant 0 : i32
        %dma_wait3A_114 = arith.constant 0 : i32
        %dma_wait3A_115 = tpu.memref_slice %arg2[%dma_wait3A_113, %dma_wait3A_114] : memref<160000x128xf32, #tpu.memory_space<hbm>> -> memref<40x128xf32, #tpu.memory_space<hbm>>
        tpu.wait_dma2 semaphore(%arg24 : memref<!tpu.dma_semaphore, #tpu.memory_space<semaphore_mem>>) src(%dma_wait3A_115 : memref<40x128xf32, #tpu.memory_space<hbm>>) dst(%arg15 : memref<40x128xf32, #tpu.memory_space<vmem>>)
        %dma_wait3A_116 = arith.constant 0 : i32
        %dma_wait3A_117 = tpu.memref_slice %arg4[%dma_wait3A_116] : memref<320000xi32, #tpu.memory_space<hbm>> -> memref<40xi32, #tpu.memory_space<hbm>>
        %dma_wait3A_118 = arith.constant 0 : i32
        %dma_wait3A_119 = tpu.memref_slice %arg4[%dma_wait3A_118] : memref<320000xi32, #tpu.memory_space<hbm>> -> memref<40xi32, #tpu.memory_space<hbm>>
        tpu.wait_dma2 semaphore(%arg20 : memref<!tpu.dma_semaphore, #tpu.memory_space<semaphore_mem>>) src(%dma_wait3A_119 : memref<40xi32, #tpu.memory_space<hbm>>) dst(%arg11 : memref<40xi32, #tpu.memory_space<vmem>>)
        %dma_start3A_120 = arith.constant 0 : i32
        %dma_start3A_121 = arith.constant 0 : i32
        %dma_start3A_122 = tpu.memref_slice %arg16[%dma_start3A_120, %dma_start3A_121] : memref<10000x128xf32, #tpu.memory_space<vmem_shared>> -> memref<10000x128xf32, #tpu.memory_space<vmem_shared>>
        tpu.enqueue_indirect_dma source(%arg15 : memref<40x128xf32, #tpu.memory_space<vmem>>) target(%dma_start3A_122 : memref<10000x128xf32, #tpu.memory_space<vmem_shared>>) offsets(%arg11 : memref<40xi32, #tpu.memory_space<vmem>>) semaphore(%arg28 : memref<!tpu.dma_semaphore, #tpu.memory_space<semaphore_mem>>) {add = true}
        %add3A_123 = arith.constant 3 : i32
        %add3A_124 = arith.addi %add3A_104, %add3A_123 : i32
        %lt3A_125 = arith.constant 125 : i32
        %lt3A_126 = arith.cmpi slt, %add3A_124, %lt3A_125 : i32
        %convert_element_type3A_127 = arith.extui %lt3A_126 : i1 to i32
        %cond3A_128 = arith.constant 0 : i32
        %cond3A_129 = arith.cmpi ne, %convert_element_type3A_127, %cond3A_128 : i32
        scf.if %cond3A_129 {
          %ge3A = arith.constant 4 : i32
          %ge3A_130 = arith.cmpi sge, %add3A_124, %ge3A : i32
          %convert_element_type3A_131 = arith.extui %ge3A_130 : i1 to i32
          %cond3A_132 = arith.constant 0 : i32
          %cond3A_133 = arith.cmpi ne, %convert_element_type3A_131, %cond3A_132 : i32
          scf.if %cond3A_133 {
            %dma_wait3A_146 = arith.constant 0 : i32
            %dma_wait3A_147 = arith.constant 0 : i32
            %dma_wait3A_148 = tpu.memref_slice %arg16[%dma_wait3A_146, %dma_wait3A_147] : memref<10000x128xf32, #tpu.memory_space<vmem_shared>> -> memref<40x128xf32, #tpu.memory_space<vmem_shared>>
            %dma_wait3A_149 = arith.constant 0 : i32
            %dma_wait3A_150 = arith.constant 0 : i32
            %dma_wait3A_151 = tpu.memref_slice %arg16[%dma_wait3A_149, %dma_wait3A_150] : memref<10000x128xf32, #tpu.memory_space<vmem_shared>> -> memref<40x128xf32, #tpu.memory_space<vmem_shared>>
            tpu.wait_dma2 semaphore(%arg27 : memref<!tpu.dma_semaphore, #tpu.memory_space<semaphore_mem>>) src(%arg14 : memref<40x128xf32, #tpu.memory_space<vmem>>) dst(%dma_wait3A_151 : memref<40x128xf32, #tpu.memory_space<vmem_shared>>)
          } else {
          }
          %mul3A_134 = arith.constant 40 : i32
          %mul3A_135 = arith.muli %add3A_124, %mul3A_134 : i32
          %add3A_136 = arith.addi %add3A_4, %mul3A_135 : i32
          %dma_start3A_137 = tpu.memref_slice %arg4[%add3A_136] : memref<320000xi32, #tpu.memory_space<hbm>> -> memref<40xi32, #tpu.memory_space<hbm>>
          %dma_start3A_138 = tpu.memref_slice %arg4[%add3A_136] : memref<320000xi32, #tpu.memory_space<hbm>> -> memref<40xi32, #tpu.memory_space<hbm>>
          tpu.enqueue_dma source(%dma_start3A_138 : memref<40xi32, #tpu.memory_space<hbm>>) target(%arg10 : memref<40xi32, #tpu.memory_space<vmem>>) target_semaphore(%arg19 : memref<!tpu.dma_semaphore, #tpu.memory_space<semaphore_mem>>)
          %mul3A_139 = arith.constant 40 : i32
          %mul3A_140 = arith.muli %add3A_124, %mul3A_139 : i32
          %add3A_141 = arith.addi %mul3A_6, %mul3A_140 : i32
          %dma_start3A_142 = arith.constant 0 : i32
          %dma_start3A_143 = tpu.memref_slice %arg2[%add3A_141, %dma_start3A_142] : memref<160000x128xf32, #tpu.memory_space<hbm>> -> memref<40x128xf32, #tpu.memory_space<hbm>>
          %dma_start3A_144 = arith.constant 0 : i32
          %dma_start3A_145 = tpu.memref_slice %arg2[%add3A_141, %dma_start3A_144] : memref<160000x128xf32, #tpu.memory_space<hbm>> -> memref<40x128xf32, #tpu.memory_space<hbm>>
          tpu.enqueue_dma source(%dma_start3A_145 : memref<40x128xf32, #tpu.memory_space<hbm>>) target(%arg14 : memref<40x128xf32, #tpu.memory_space<vmem>>) target_semaphore(%arg23 : memref<!tpu.dma_semaphore, #tpu.memory_space<semaphore_mem>>)
        } else {
        }
      } else {
      }
    }
    %scan3A_44 = arith.constant 32 : i32
    %dma_wait3A = arith.constant 0 : i32
    %dma_wait3A_45 = arith.constant 0 : i32
    %dma_wait3A_46 = tpu.memref_slice %arg16[%dma_wait3A, %dma_wait3A_45] : memref<10000x128xf32, #tpu.memory_space<vmem_shared>> -> memref<40x128xf32, #tpu.memory_space<vmem_shared>>
    %dma_wait3A_47 = arith.constant 0 : i32
    %dma_wait3A_48 = arith.constant 0 : i32
    %dma_wait3A_49 = tpu.memref_slice %arg16[%dma_wait3A_47, %dma_wait3A_48] : memref<10000x128xf32, #tpu.memory_space<vmem_shared>> -> memref<40x128xf32, #tpu.memory_space<vmem_shared>>
    tpu.wait_dma2 semaphore(%arg25 : memref<!tpu.dma_semaphore, #tpu.memory_space<semaphore_mem>>) src(%arg12 : memref<40x128xf32, #tpu.memory_space<vmem>>) dst(%dma_wait3A_49 : memref<40x128xf32, #tpu.memory_space<vmem_shared>>)
    %dma_wait3A_50 = arith.constant 0 : i32
    %dma_wait3A_51 = arith.constant 0 : i32
    %dma_wait3A_52 = tpu.memref_slice %arg16[%dma_wait3A_50, %dma_wait3A_51] : memref<10000x128xf32, #tpu.memory_space<vmem_shared>> -> memref<40x128xf32, #tpu.memory_space<vmem_shared>>
    %dma_wait3A_53 = arith.constant 0 : i32
    %dma_wait3A_54 = arith.constant 0 : i32
    %dma_wait3A_55 = tpu.memref_slice %arg16[%dma_wait3A_53, %dma_wait3A_54] : memref<10000x128xf32, #tpu.memory_space<vmem_shared>> -> memref<40x128xf32, #tpu.memory_space<vmem_shared>>
    tpu.wait_dma2 semaphore(%arg26 : memref<!tpu.dma_semaphore, #tpu.memory_space<semaphore_mem>>) src(%arg13 : memref<40x128xf32, #tpu.memory_space<vmem>>) dst(%dma_wait3A_55 : memref<40x128xf32, #tpu.memory_space<vmem_shared>>)
    %dma_wait3A_56 = arith.constant 0 : i32
    %dma_wait3A_57 = arith.constant 0 : i32
    %dma_wait3A_58 = tpu.memref_slice %arg16[%dma_wait3A_56, %dma_wait3A_57] : memref<10000x128xf32, #tpu.memory_space<vmem_shared>> -> memref<40x128xf32, #tpu.memory_space<vmem_shared>>
    %dma_wait3A_59 = arith.constant 0 : i32
    %dma_wait3A_60 = arith.constant 0 : i32
    %dma_wait3A_61 = tpu.memref_slice %arg16[%dma_wait3A_59, %dma_wait3A_60] : memref<10000x128xf32, #tpu.memory_space<vmem_shared>> -> memref<40x128xf32, #tpu.memory_space<vmem_shared>>
    tpu.wait_dma2 semaphore(%arg27 : memref<!tpu.dma_semaphore, #tpu.memory_space<semaphore_mem>>) src(%arg14 : memref<40x128xf32, #tpu.memory_space<vmem>>) dst(%dma_wait3A_61 : memref<40x128xf32, #tpu.memory_space<vmem_shared>>)
    %dma_wait3A_62 = arith.constant 0 : i32
    %dma_wait3A_63 = arith.constant 0 : i32
    %dma_wait3A_64 = tpu.memref_slice %arg16[%dma_wait3A_62, %dma_wait3A_63] : memref<10000x128xf32, #tpu.memory_space<vmem_shared>> -> memref<40x128xf32, #tpu.memory_space<vmem_shared>>
    %dma_wait3A_65 = arith.constant 0 : i32
    %dma_wait3A_66 = arith.constant 0 : i32
    %dma_wait3A_67 = tpu.memref_slice %arg16[%dma_wait3A_65, %dma_wait3A_66] : memref<10000x128xf32, #tpu.memory_space<vmem_shared>> -> memref<40x128xf32, #tpu.memory_space<vmem_shared>>
    tpu.wait_dma2 semaphore(%arg28 : memref<!tpu.dma_semaphore, #tpu.memory_space<semaphore_mem>>) src(%arg15 : memref<40x128xf32, #tpu.memory_space<vmem>>) dst(%dma_wait3A_67 : memref<40x128xf32, #tpu.memory_space<vmem_shared>>)
    %barrier3A_68 = arith.constant 0 : index
    tpu.barrier barrier_id(%barrier3A_68)
    "tpu.region"() ({
      %run_scoped3A = tpu.sem_alloc : memref<!tpu.dma_semaphore, #tpu.memory_space<semaphore_mem>>
      %dma_start3A_74 = arith.constant 0 : i32
      %dma_start3A_75 = tpu.memref_slice %arg6[%arg0, %mul3A_8, %dma_start3A_74] : memref<2x10000x128xf32, #tpu.memory_space<hbm>> -> memref<1x624x128xf32, #tpu.memory_space<hbm>>
      %dma_start3A_76 = tpu.memref_squeeze %dma_start3A_75 : memref<1x624x128xf32, #tpu.memory_space<hbm>> -> memref<624x128xf32, #tpu.memory_space<hbm>>
      %dma_start3A_77 = arith.constant 0 : i32
      %dma_start3A_78 = tpu.memref_slice %arg16[%mul3A_8, %dma_start3A_77] : memref<10000x128xf32, #tpu.memory_space<vmem_shared>> -> memref<624x128xf32, #tpu.memory_space<vmem_shared>>
      tpu.enqueue_dma source(%dma_start3A_78 : memref<624x128xf32, #tpu.memory_space<vmem_shared>>) target(%dma_start3A_76 : memref<624x128xf32, #tpu.memory_space<hbm>>) target_semaphore(%run_scoped3A : memref<!tpu.dma_semaphore, #tpu.memory_space<semaphore_mem>>)
      %dma_wait3A_79 = arith.constant 0 : i32
      %dma_wait3A_80 = tpu.memref_slice %arg6[%arg0, %mul3A_8, %dma_wait3A_79] : memref<2x10000x128xf32, #tpu.memory_space<hbm>> -> memref<1x624x128xf32, #tpu.memory_space<hbm>>
      %dma_wait3A_81 = tpu.memref_squeeze %dma_wait3A_80 : memref<1x624x128xf32, #tpu.memory_space<hbm>> -> memref<624x128xf32, #tpu.memory_space<hbm>>
      %dma_wait3A_82 = arith.constant 0 : i32
      %dma_wait3A_83 = tpu.memref_slice %arg16[%mul3A_8, %dma_wait3A_82] : memref<10000x128xf32, #tpu.memory_space<vmem_shared>> -> memref<624x128xf32, #tpu.memory_space<vmem_shared>>
      tpu.wait_dma2 semaphore(%run_scoped3A : memref<!tpu.dma_semaphore, #tpu.memory_space<semaphore_mem>>) src(%dma_wait3A_83 : memref<624x128xf32, #tpu.memory_space<vmem_shared>>) dst(%dma_wait3A_81 : memref<624x128xf32, #tpu.memory_space<hbm>>)
      tpu.yield
    }) : () -> ()
    %eq3A_69 = arith.constant 0 : i32
    %eq3A_70 = arith.cmpi eq, %arg1, %eq3A_69 : i32
    %convert_element_type3A_71 = arith.extui %eq3A_70 : i1 to i32
    %cond3A_72 = arith.constant 0 : i32
    %cond3A_73 = arith.cmpi ne, %convert_element_type3A_71, %cond3A_72 : i32
    scf.if %cond3A_73 {
      "tpu.region"() ({
        %run_scoped3A = tpu.sem_alloc : memref<!tpu.dma_semaphore, #tpu.memory_space<semaphore_mem>>
        %dma_start3A_74 = arith.constant 9984 : i32
        %dma_start3A_75 = arith.constant 0 : i32
        %dma_start3A_76 = tpu.memref_slice %arg6[%arg0, %dma_start3A_74, %dma_start3A_75] : memref<2x10000x128xf32, #tpu.memory_space<hbm>> -> memref<1x16x128xf32, #tpu.memory_space<hbm>>
        %dma_start3A_77 = tpu.memref_squeeze %dma_start3A_76 : memref<1x16x128xf32, #tpu.memory_space<hbm>> -> memref<16x128xf32, #tpu.memory_space<hbm>>
        %dma_start3A_78 = arith.constant 9984 : i32
        %dma_start3A_79 = arith.constant 0 : i32
        %dma_start3A_80 = tpu.memref_slice %arg16[%dma_start3A_78, %dma_start3A_79] : memref<10000x128xf32, #tpu.memory_space<vmem_shared>> -> memref<16x128xf32, #tpu.memory_space<vmem_shared>>
        tpu.enqueue_dma source(%dma_start3A_80 : memref<16x128xf32, #tpu.memory_space<vmem_shared>>) target(%dma_start3A_77 : memref<16x128xf32, #tpu.memory_space<hbm>>) target_semaphore(%run_scoped3A : memref<!tpu.dma_semaphore, #tpu.memory_space<semaphore_mem>>)
        %dma_wait3A_81 = arith.constant 9984 : i32
        %dma_wait3A_82 = arith.constant 0 : i32
        %dma_wait3A_83 = tpu.memref_slice %arg6[%arg0, %dma_wait3A_81, %dma_wait3A_82] : memref<2x10000x128xf32, #tpu.memory_space<hbm>> -> memref<1x16x128xf32, #tpu.memory_space<hbm>>
        %dma_wait3A_84 = tpu.memref_squeeze %dma_wait3A_83 : memref<1x16x128xf32, #tpu.memory_space<hbm>> -> memref<16x128xf32, #tpu.memory_space<hbm>>
        %dma_wait3A_85 = arith.constant 9984 : i32
        %dma_wait3A_86 = arith.constant 0 : i32
        %dma_wait3A_87 = tpu.memref_slice %arg16[%dma_wait3A_85, %dma_wait3A_86] : memref<10000x128xf32, #tpu.memory_space<vmem_shared>> -> memref<16x128xf32, #tpu.memory_space<vmem_shared>>
        tpu.wait_dma2 semaphore(%run_scoped3A : memref<!tpu.dma_semaphore, #tpu.memory_space<semaphore_mem>>) src(%dma_wait3A_87 : memref<16x128xf32, #tpu.memory_space<vmem_shared>>) dst(%dma_wait3A_84 : memref<16x128xf32, #tpu.memory_space<hbm>>)
        tpu.yield
      }) : () -> ()
    } else {
    }
    return
  }
}

#map = affine_map<(d0, d1) -> (0, 0)>
#map1 = affine_map<(d0, d1) -> (0)>
module attributes {stable_mosaic.version = 14 : i64} {
  func.func @body(%arg0: i32, %arg1: i32, %arg2: memref<10000x128xf32, #tpu.memory_space<hbm>>, %arg3: memref<10000xi32, #tpu.memory_space<hbm>>, %arg4: memref<320000xi32, #tpu.memory_space<hbm>>, %arg5: memref<320000xi32, #tpu.memory_space<hbm>>, %arg6: memref<160000x128xf32, #tpu.memory_space<hbm>>, %arg7: memref<160000xi32, #tpu.memory_space<hbm>>, %arg8: memref<5000xi32, #tpu.memory_space<vmem>>, %arg9: memref<5000xi32, #tpu.memory_space<vmem>>, %arg10: memref<10000xi32, #tpu.memory_space<vmem>>, %arg11: memref<5000xi32, #tpu.memory_space<vmem>>, %arg12: memref<40x128xf32, #tpu.memory_space<vmem>>, %arg13: memref<40x128xf32, #tpu.memory_space<vmem>>, %arg14: memref<40x128xf32, #tpu.memory_space<vmem>>, %arg15: memref<40x128xf32, #tpu.memory_space<vmem>>, %arg16: memref<40x128xf32, #tpu.memory_space<vmem>>, %arg17: memref<40x128xf32, #tpu.memory_space<vmem>>, %arg18: memref<!tpu.dma_semaphore, #tpu.memory_space<semaphore_mem>>, %arg19: memref<!tpu.dma_semaphore, #tpu.memory_space<semaphore_mem>>, %arg20: memref<!tpu.dma_semaphore, #tpu.memory_space<semaphore_mem>>, %arg21: memref<!tpu.dma_semaphore, #tpu.memory_space<semaphore_mem>>) attributes {dimension_semantics = [#tpu.dimension_semantics<core_parallel>, #tpu.dimension_semantics<subcore_parallel>], iteration_bounds = array<i64: 2, 16>, scalar_prefetch = 0 : i64, scratch_operands = 14 : i64, tpu.core_type = #tpu.core_type<sc_vector_subcore>, window_params = [{transform_indices = #map}, {transform_indices = #map1}, {transform_indices = #map1}, {transform_indices = #map1}, {transform_indices = #map}, {transform_indices = #map1}]} {
    %mul3A = arith.constant 2 : i32
    %mul3A_0 = arith.muli %arg1, %mul3A : i32
    %add3A = arith.addi %mul3A_0, %arg0 : i32
    %mul3A_1 = arith.constant 5000 : i32
    %mul3A_2 = arith.muli %add3A, %mul3A_1 : i32
    %add3A_3 = arith.constant 160000 : i32
    %add3A_4 = arith.addi %add3A_3, %mul3A_2 : i32
    %mul3A_5 = arith.constant 5000 : i32
    %mul3A_6 = arith.muli %add3A, %mul3A_5 : i32
    "tpu.region"() ({
      %run_scoped3A = tpu.sem_alloc : memref<!tpu.dma_semaphore, #tpu.memory_space<semaphore_mem>>
      %dma_start3A_70 = tpu.memref_slice %arg4[%add3A_4] : memref<320000xi32, #tpu.memory_space<hbm>> -> memref<5000xi32, #tpu.memory_space<hbm>>
      %dma_start3A_71 = tpu.memref_slice %arg4[%add3A_4] : memref<320000xi32, #tpu.memory_space<hbm>> -> memref<5000xi32, #tpu.memory_space<hbm>>
      tpu.enqueue_dma source(%dma_start3A_71 : memref<5000xi32, #tpu.memory_space<hbm>>) target(%arg8 : memref<5000xi32, #tpu.memory_space<vmem>>) target_semaphore(%run_scoped3A : memref<!tpu.dma_semaphore, #tpu.memory_space<semaphore_mem>>)
      %dma_wait3A_72 = tpu.memref_slice %arg4[%add3A_4] : memref<320000xi32, #tpu.memory_space<hbm>> -> memref<5000xi32, #tpu.memory_space<hbm>>
      %dma_wait3A_73 = tpu.memref_slice %arg4[%add3A_4] : memref<320000xi32, #tpu.memory_space<hbm>> -> memref<5000xi32, #tpu.memory_space<hbm>>
      tpu.wait_dma2 semaphore(%run_scoped3A : memref<!tpu.dma_semaphore, #tpu.memory_space<semaphore_mem>>) src(%dma_wait3A_73 : memref<5000xi32, #tpu.memory_space<hbm>>) dst(%arg8 : memref<5000xi32, #tpu.memory_space<vmem>>)
      tpu.yield
    }) : () -> ()
    "tpu.region"() ({
      %run_scoped3A = tpu.sem_alloc : memref<!tpu.dma_semaphore, #tpu.memory_space<semaphore_mem>>
      %dma_start3A_70 = tpu.memref_slice %arg5[%add3A_4] : memref<320000xi32, #tpu.memory_space<hbm>> -> memref<5000xi32, #tpu.memory_space<hbm>>
      %dma_start3A_71 = tpu.memref_slice %arg5[%add3A_4] : memref<320000xi32, #tpu.memory_space<hbm>> -> memref<5000xi32, #tpu.memory_space<hbm>>
      tpu.enqueue_dma source(%dma_start3A_71 : memref<5000xi32, #tpu.memory_space<hbm>>) target(%arg9 : memref<5000xi32, #tpu.memory_space<vmem>>) target_semaphore(%run_scoped3A : memref<!tpu.dma_semaphore, #tpu.memory_space<semaphore_mem>>)
      %dma_wait3A_72 = tpu.memref_slice %arg5[%add3A_4] : memref<320000xi32, #tpu.memory_space<hbm>> -> memref<5000xi32, #tpu.memory_space<hbm>>
      %dma_wait3A_73 = tpu.memref_slice %arg5[%add3A_4] : memref<320000xi32, #tpu.memory_space<hbm>> -> memref<5000xi32, #tpu.memory_space<hbm>>
      tpu.wait_dma2 semaphore(%run_scoped3A : memref<!tpu.dma_semaphore, #tpu.memory_space<semaphore_mem>>) src(%dma_wait3A_73 : memref<5000xi32, #tpu.memory_space<hbm>>) dst(%arg9 : memref<5000xi32, #tpu.memory_space<vmem>>)
      tpu.yield
    }) : () -> ()
    "tpu.region"() ({
      %run_scoped3A = tpu.sem_alloc : memref<!tpu.dma_semaphore, #tpu.memory_space<semaphore_mem>>
      tpu.enqueue_dma source(%arg3 : memref<10000xi32, #tpu.memory_space<hbm>>) target(%arg10 : memref<10000xi32, #tpu.memory_space<vmem>>) target_semaphore(%run_scoped3A : memref<!tpu.dma_semaphore, #tpu.memory_space<semaphore_mem>>)
      tpu.wait_dma2 semaphore(%run_scoped3A : memref<!tpu.dma_semaphore, #tpu.memory_space<semaphore_mem>>) src(%arg3 : memref<10000xi32, #tpu.memory_space<hbm>>) dst(%arg10 : memref<10000xi32, #tpu.memory_space<vmem>>)
      tpu.yield
    }) : () -> ()
    %dma_start3A = arith.constant 0 : i32
    %dma_start3A_7 = tpu.memref_slice %arg8[%dma_start3A] : memref<5000xi32, #tpu.memory_space<vmem>> -> memref<40xi32, #tpu.memory_space<vmem>>
    %dma_start3A_8 = arith.constant 0 : i32
    %dma_start3A_9 = arith.constant 0 : i32
    %dma_start3A_10 = tpu.memref_slice %arg2[%dma_start3A_8, %dma_start3A_9] : memref<10000x128xf32, #tpu.memory_space<hbm>> -> memref<10000x128xf32, #tpu.memory_space<hbm>>
    tpu.enqueue_indirect_dma source(%dma_start3A_10 : memref<10000x128xf32, #tpu.memory_space<hbm>>) target(%arg12 : memref<40x128xf32, #tpu.memory_space<vmem>>) offsets(%dma_start3A_7 : memref<40xi32, #tpu.memory_space<vmem>>) semaphore(%arg18 : memref<!tpu.dma_semaphore, #tpu.memory_space<semaphore_mem>>)
    %dma_start3A_11 = arith.constant 0 : i32
    %dma_start3A_12 = tpu.memref_slice %arg9[%dma_start3A_11] : memref<5000xi32, #tpu.memory_space<vmem>> -> memref<40xi32, #tpu.memory_space<vmem>>
    %dma_start3A_13 = arith.constant 0 : i32
    %dma_start3A_14 = arith.constant 0 : i32
    %dma_start3A_15 = tpu.memref_slice %arg2[%dma_start3A_13, %dma_start3A_14] : memref<10000x128xf32, #tpu.memory_space<hbm>> -> memref<10000x128xf32, #tpu.memory_space<hbm>>
    tpu.enqueue_indirect_dma source(%dma_start3A_15 : memref<10000x128xf32, #tpu.memory_space<hbm>>) target(%arg13 : memref<40x128xf32, #tpu.memory_space<vmem>>) offsets(%dma_start3A_12 : memref<40xi32, #tpu.memory_space<vmem>>) semaphore(%arg18 : memref<!tpu.dma_semaphore, #tpu.memory_space<semaphore_mem>>)
    %scan3A = arith.constant 0 : i32
    %scan3A_16 = arith.constant 0 : i32
    %scan3A_17 = arith.constant 312 : i32
    %scan3A_18 = arith.addi %scan3A_16, %scan3A_17 : i32
    %scan3A_19 = arith.constant 1 : i32
    scf.for %scan3A_70 = %scan3A_16 to %scan3A_18 step %scan3A_19  : i32 {
      %mul3A_71 = arith.constant 16 : i32
      %mul3A_72 = arith.muli %scan3A_70, %mul3A_71 : i32
      %get3A_73 = arith.index_cast %mul3A_72 : i32 to index
      %get3A_74 = tpu.vector_load %arg8[%get3A_73] {strides = array<i32>} : memref<5000xi32, #tpu.memory_space<vmem>>, vector<16xi32>,
      %gather3A_75 = tpu.vector_load_idx %arg10[%get3A_74] : memref<10000xi32, #tpu.memory_space<vmem>>[vector<16xi32>], vector<16xi32>,
      %swap3A_76 = arith.index_cast %mul3A_72 : i32 to index
      %swap3A_77 = tpu.vector_load %arg11[%swap3A_76] {strides = array<i32>} : memref<5000xi32, #tpu.memory_space<vmem>>, vector<16xi32>,
      tpu.vector_store %arg11[%swap3A_76], %gather3A_75 {strides = array<i32>} : memref<5000xi32, #tpu.memory_space<vmem>>, vector<16xi32>,
    }
    %scan3A_20 = arith.constant 312 : i32
    %get3A = arith.constant 4984 : index
    %get3A_21 = tpu.vector_load %arg8[%get3A] {strides = array<i32>} : memref<5000xi32, #tpu.memory_space<vmem>>, vector<16xi32>,
    %gather3A = tpu.vector_load_idx %arg10[%get3A_21] : memref<10000xi32, #tpu.memory_space<vmem>>[vector<16xi32>], vector<16xi32>,
    %swap3A = arith.constant 4984 : index
    %swap3A_22 = tpu.vector_load %arg11[%swap3A] {strides = array<i32>} : memref<5000xi32, #tpu.memory_space<vmem>>, vector<16xi32>,
    tpu.vector_store %arg11[%swap3A], %gather3A {strides = array<i32>} : memref<5000xi32, #tpu.memory_space<vmem>>, vector<16xi32>,
    "tpu.region"() ({
      %run_scoped3A = tpu.sem_alloc : memref<!tpu.dma_semaphore, #tpu.memory_space<semaphore_mem>>
      %dma_start3A_70 = tpu.memref_slice %arg7[%mul3A_6] : memref<160000xi32, #tpu.memory_space<hbm>> -> memref<5000xi32, #tpu.memory_space<hbm>>
      %dma_start3A_71 = tpu.memref_slice %arg7[%mul3A_6] : memref<160000xi32, #tpu.memory_space<hbm>> -> memref<5000xi32, #tpu.memory_space<hbm>>
      tpu.enqueue_dma source(%arg11 : memref<5000xi32, #tpu.memory_space<vmem>>) target(%dma_start3A_71 : memref<5000xi32, #tpu.memory_space<hbm>>) target_semaphore(%run_scoped3A : memref<!tpu.dma_semaphore, #tpu.memory_space<semaphore_mem>>)
      %dma_wait3A_72 = tpu.memref_slice %arg7[%mul3A_6] : memref<160000xi32, #tpu.memory_space<hbm>> -> memref<5000xi32, #tpu.memory_space<hbm>>
      %dma_wait3A_73 = tpu.memref_slice %arg7[%mul3A_6] : memref<160000xi32, #tpu.memory_space<hbm>> -> memref<5000xi32, #tpu.memory_space<hbm>>
      tpu.wait_dma2 semaphore(%run_scoped3A : memref<!tpu.dma_semaphore, #tpu.memory_space<semaphore_mem>>) src(%arg11 : memref<5000xi32, #tpu.memory_space<vmem>>) dst(%dma_wait3A_73 : memref<5000xi32, #tpu.memory_space<hbm>>)
      tpu.yield
    }) : () -> ()
    %scan3A_23 = arith.constant 0 : i32
    %scan3A_24 = arith.constant 0 : i32
    %scan3A_25 = arith.constant 62 : i32
    %scan3A_26 = arith.addi %scan3A_24, %scan3A_25 : i32
    %scan3A_27 = arith.constant 1 : i32
    scf.for %scan3A_70 = %scan3A_24 to %scan3A_26 step %scan3A_27  : i32 {
      %mul3A_71 = arith.constant 2 : i32
      %mul3A_72 = arith.muli %mul3A_71, %scan3A_70 : i32
      %add3A_73 = arith.constant 1 : i32
      %add3A_74 = arith.addi %mul3A_72, %add3A_73 : i32
      %mul3A_75 = arith.constant 40 : i32
      %mul3A_76 = arith.muli %add3A_74, %mul3A_75 : i32
      %dma_start3A_77 = tpu.memref_slice %arg8[%mul3A_76] : memref<5000xi32, #tpu.memory_space<vmem>> -> memref<40xi32, #tpu.memory_space<vmem>>
      %dma_start3A_78 = arith.constant 0 : i32
      %dma_start3A_79 = arith.constant 0 : i32
      %dma_start3A_80 = tpu.memref_slice %arg2[%dma_start3A_78, %dma_start3A_79] : memref<10000x128xf32, #tpu.memory_space<hbm>> -> memref<10000x128xf32, #tpu.memory_space<hbm>>
      tpu.enqueue_indirect_dma source(%dma_start3A_80 : memref<10000x128xf32, #tpu.memory_space<hbm>>) target(%arg14 : memref<40x128xf32, #tpu.memory_space<vmem>>) offsets(%dma_start3A_77 : memref<40xi32, #tpu.memory_space<vmem>>) semaphore(%arg19 : memref<!tpu.dma_semaphore, #tpu.memory_space<semaphore_mem>>)
      %mul3A_81 = arith.constant 40 : i32
      %mul3A_82 = arith.muli %add3A_74, %mul3A_81 : i32
      %dma_start3A_83 = tpu.memref_slice %arg9[%mul3A_82] : memref<5000xi32, #tpu.memory_space<vmem>> -> memref<40xi32, #tpu.memory_space<vmem>>
      %dma_start3A_84 = arith.constant 0 : i32
      %dma_start3A_85 = arith.constant 0 : i32
      %dma_start3A_86 = tpu.memref_slice %arg2[%dma_start3A_84, %dma_start3A_85] : memref<10000x128xf32, #tpu.memory_space<hbm>> -> memref<10000x128xf32, #tpu.memory_space<hbm>>
      tpu.enqueue_indirect_dma source(%dma_start3A_86 : memref<10000x128xf32, #tpu.memory_space<hbm>>) target(%arg15 : memref<40x128xf32, #tpu.memory_space<vmem>>) offsets(%dma_start3A_83 : memref<40xi32, #tpu.memory_space<vmem>>) semaphore(%arg19 : memref<!tpu.dma_semaphore, #tpu.memory_space<semaphore_mem>>)
      %dma_wait3A_87 = arith.constant 0 : i32
      %dma_wait3A_88 = arith.constant 0 : i32
      %dma_wait3A_89 = tpu.memref_slice %arg2[%dma_wait3A_87, %dma_wait3A_88] : memref<10000x128xf32, #tpu.memory_space<hbm>> -> memref<40x128xf32, #tpu.memory_space<hbm>>
      %dma_wait3A_90 = arith.constant 0 : i32
      %dma_wait3A_91 = arith.constant 0 : i32
      %dma_wait3A_92 = tpu.memref_slice %arg2[%dma_wait3A_90, %dma_wait3A_91] : memref<10000x128xf32, #tpu.memory_space<hbm>> -> memref<40x128xf32, #tpu.memory_space<hbm>>
      tpu.wait_dma2 semaphore(%arg18 : memref<!tpu.dma_semaphore, #tpu.memory_space<semaphore_mem>>) src(%dma_wait3A_92 : memref<40x128xf32, #tpu.memory_space<hbm>>) dst(%arg12 : memref<40x128xf32, #tpu.memory_space<vmem>>)
      %dma_wait3A_93 = arith.constant 0 : i32
      %dma_wait3A_94 = arith.constant 0 : i32
      %dma_wait3A_95 = tpu.memref_slice %arg2[%dma_wait3A_93, %dma_wait3A_94] : memref<10000x128xf32, #tpu.memory_space<hbm>> -> memref<40x128xf32, #tpu.memory_space<hbm>>
      %dma_wait3A_96 = arith.constant 0 : i32
      %dma_wait3A_97 = arith.constant 0 : i32
      %dma_wait3A_98 = tpu.memref_slice %arg2[%dma_wait3A_96, %dma_wait3A_97] : memref<10000x128xf32, #tpu.memory_space<hbm>> -> memref<40x128xf32, #tpu.memory_space<hbm>>
      tpu.wait_dma2 semaphore(%arg18 : memref<!tpu.dma_semaphore, #tpu.memory_space<semaphore_mem>>) src(%dma_wait3A_98 : memref<40x128xf32, #tpu.memory_space<hbm>>) dst(%arg13 : memref<40x128xf32, #tpu.memory_space<vmem>>)
      %gt3A = arith.constant 0 : i32
      %gt3A_99 = arith.cmpi sgt, %scan3A_70, %gt3A : i32
      %convert_element_type3A = arith.extui %gt3A_99 : i1 to i32
      %cond3A = arith.constant 0 : i32
      %cond3A_100 = arith.cmpi ne, %convert_element_type3A, %cond3A : i32
      scf.if %cond3A_100 {
        %dma_wait3A_158 = arith.constant 0 : i32
        %dma_wait3A_159 = arith.constant 0 : i32
        %dma_wait3A_160 = tpu.memref_slice %arg6[%dma_wait3A_158, %dma_wait3A_159] : memref<160000x128xf32, #tpu.memory_space<hbm>> -> memref<40x128xf32, #tpu.memory_space<hbm>>
        %dma_wait3A_161 = arith.constant 0 : i32
        %dma_wait3A_162 = arith.constant 0 : i32
        %dma_wait3A_163 = tpu.memref_slice %arg6[%dma_wait3A_161, %dma_wait3A_162] : memref<160000x128xf32, #tpu.memory_space<hbm>> -> memref<40x128xf32, #tpu.memory_space<hbm>>
        tpu.wait_dma2 semaphore(%arg20 : memref<!tpu.dma_semaphore, #tpu.memory_space<semaphore_mem>>) src(%arg16 : memref<40x128xf32, #tpu.memory_space<vmem>>) dst(%dma_wait3A_163 : memref<40x128xf32, #tpu.memory_space<hbm>>)
      } else {
      }
      %scan3A_101 = arith.constant 0 : i32
      %scan3A_102 = arith.constant 0 : i32
      %scan3A_103 = arith.constant 40 : i32
      %scan3A_104 = arith.addi %scan3A_102, %scan3A_103 : i32
      %scan3A_105 = arith.constant 1 : i32
      scf.for %scan3A_158 = %scan3A_102 to %scan3A_104 step %scan3A_105  : i32 {
        %scan3A_159 = arith.constant 0 : i32
        %scan3A_160 = arith.constant 8 : i32
        %scan3A_161 = arith.addi %scan3A_159, %scan3A_160 : i32
        %scan3A_162 = arith.constant 1 : i32
        scf.for %scan3A_164 = %scan3A_159 to %scan3A_161 step %scan3A_162  : i32 {
          %mul3A_165 = arith.constant 16 : i32
          %mul3A_166 = arith.muli %scan3A_164, %mul3A_165 : i32
          %get3A_167 = arith.index_cast %scan3A_158 : i32 to index
          %get3A_168 = arith.index_cast %mul3A_166 : i32 to index
          %get3A_169 = tpu.vector_load %arg12[%get3A_167, %get3A_168] {strides = array<i32>} : memref<40x128xf32, #tpu.memory_space<vmem>>, vector<16xf32>,
          %get3A_170 = arith.index_cast %scan3A_158 : i32 to index
          %get3A_171 = arith.index_cast %mul3A_166 : i32 to index
          %get3A_172 = tpu.vector_load %arg13[%get3A_170, %get3A_171] {strides = array<i32>} : memref<40x128xf32, #tpu.memory_space<vmem>>, vector<16xf32>,
          %add3A_173 = arith.addf %get3A_169, %get3A_172 : vector<16xf32>
          %swap3A_174 = arith.index_cast %scan3A_158 : i32 to index
          %swap3A_175 = arith.index_cast %mul3A_166 : i32 to index
          %swap3A_176 = tpu.vector_load %arg16[%swap3A_174, %swap3A_175] {strides = array<i32>} : memref<40x128xf32, #tpu.memory_space<vmem>>, vector<16xf32>,
          tpu.vector_store %arg16[%swap3A_174, %swap3A_175], %add3A_173 {strides = array<i32>} : memref<40x128xf32, #tpu.memory_space<vmem>>, vector<16xf32>,
        }
        %scan3A_163 = arith.constant 8 : i32
      }
      %scan3A_106 = arith.constant 40 : i32
      %mul3A_107 = arith.constant 40 : i32
      %mul3A_108 = arith.muli %mul3A_72, %mul3A_107 : i32
      %add3A_109 = arith.addi %mul3A_6, %mul3A_108 : i32
      %dma_start3A_110 = arith.constant 0 : i32
      %dma_start3A_111 = tpu.memref_slice %arg6[%add3A_109, %dma_start3A_110] : memref<160000x128xf32, #tpu.memory_space<hbm>> -> memref<40x128xf32, #tpu.memory_space<hbm>>
      %dma_start3A_112 = arith.constant 0 : i32
      %dma_start3A_113 = tpu.memref_slice %arg6[%add3A_109, %dma_start3A_112] : memref<160000x128xf32, #tpu.memory_space<hbm>> -> memref<40x128xf32, #tpu.memory_space<hbm>>
      tpu.enqueue_dma source(%arg16 : memref<40x128xf32, #tpu.memory_space<vmem>>) target(%dma_start3A_113 : memref<40x128xf32, #tpu.memory_space<hbm>>) target_semaphore(%arg20 : memref<!tpu.dma_semaphore, #tpu.memory_space<semaphore_mem>>)
      %add3A_114 = arith.constant 1 : i32
      %add3A_115 = arith.addi %add3A_74, %add3A_114 : i32
      %mul3A_116 = arith.constant 40 : i32
      %mul3A_117 = arith.muli %add3A_115, %mul3A_116 : i32
      %dma_start3A_118 = tpu.memref_slice %arg8[%mul3A_117] : memref<5000xi32, #tpu.memory_space<vmem>> -> memref<40xi32, #tpu.memory_space<vmem>>
      %dma_start3A_119 = arith.constant 0 : i32
      %dma_start3A_120 = arith.constant 0 : i32
      %dma_start3A_121 = tpu.memref_slice %arg2[%dma_start3A_119, %dma_start3A_120] : memref<10000x128xf32, #tpu.memory_space<hbm>> -> memref<10000x128xf32, #tpu.memory_space<hbm>>
      tpu.enqueue_indirect_dma source(%dma_start3A_121 : memref<10000x128xf32, #tpu.memory_space<hbm>>) target(%arg12 : memref<40x128xf32, #tpu.memory_space<vmem>>) offsets(%dma_start3A_118 : memref<40xi32, #tpu.memory_space<vmem>>) semaphore(%arg18 : memref<!tpu.dma_semaphore, #tpu.memory_space<semaphore_mem>>)
      %mul3A_122 = arith.constant 40 : i32
      %mul3A_123 = arith.muli %add3A_115, %mul3A_122 : i32
      %dma_start3A_124 = tpu.memref_slice %arg9[%mul3A_123] : memref<5000xi32, #tpu.memory_space<vmem>> -> memref<40xi32, #tpu.memory_space<vmem>>
      %dma_start3A_125 = arith.constant 0 : i32
      %dma_start3A_126 = arith.constant 0 : i32
      %dma_start3A_127 = tpu.memref_slice %arg2[%dma_start3A_125, %dma_start3A_126] : memref<10000x128xf32, #tpu.memory_space<hbm>> -> memref<10000x128xf32, #tpu.memory_space<hbm>>
      tpu.enqueue_indirect_dma source(%dma_start3A_127 : memref<10000x128xf32, #tpu.memory_space<hbm>>) target(%arg13 : memref<40x128xf32, #tpu.memory_space<vmem>>) offsets(%dma_start3A_124 : memref<40xi32, #tpu.memory_space<vmem>>) semaphore(%arg18 : memref<!tpu.dma_semaphore, #tpu.memory_space<semaphore_mem>>)
      %dma_wait3A_128 = arith.constant 0 : i32
      %dma_wait3A_129 = arith.constant 0 : i32
      %dma_wait3A_130 = tpu.memref_slice %arg2[%dma_wait3A_128, %dma_wait3A_129] : memref<10000x128xf32, #tpu.memory_space<hbm>> -> memref<40x128xf32, #tpu.memory_space<hbm>>
      %dma_wait3A_131 = arith.constant 0 : i32
      %dma_wait3A_132 = arith.constant 0 : i32
      %dma_wait3A_133 = tpu.memref_slice %arg2[%dma_wait3A_131, %dma_wait3A_132] : memref<10000x128xf32, #tpu.memory_space<hbm>> -> memref<40x128xf32, #tpu.memory_space<hbm>>
      tpu.wait_dma2 semaphore(%arg19 : memref<!tpu.dma_semaphore, #tpu.memory_space<semaphore_mem>>) src(%dma_wait3A_133 : memref<40x128xf32, #tpu.memory_space<hbm>>) dst(%arg14 : memref<40x128xf32, #tpu.memory_space<vmem>>)
      %dma_wait3A_134 = arith.constant 0 : i32
      %dma_wait3A_135 = arith.constant 0 : i32
      %dma_wait3A_136 = tpu.memref_slice %arg2[%dma_wait3A_134, %dma_wait3A_135] : memref<10000x128xf32, #tpu.memory_space<hbm>> -> memref<40x128xf32, #tpu.memory_space<hbm>>
      %dma_wait3A_137 = arith.constant 0 : i32
      %dma_wait3A_138 = arith.constant 0 : i32
      %dma_wait3A_139 = tpu.memref_slice %arg2[%dma_wait3A_137, %dma_wait3A_138] : memref<10000x128xf32, #tpu.memory_space<hbm>> -> memref<40x128xf32, #tpu.memory_space<hbm>>
      tpu.wait_dma2 semaphore(%arg19 : memref<!tpu.dma_semaphore, #tpu.memory_space<semaphore_mem>>) src(%dma_wait3A_139 : memref<40x128xf32, #tpu.memory_space<hbm>>) dst(%arg15 : memref<40x128xf32, #tpu.memory_space<vmem>>)
      %gt3A_140 = arith.constant 0 : i32
      %gt3A_141 = arith.cmpi sgt, %scan3A_70, %gt3A_140 : i32
      %convert_element_type3A_142 = arith.extui %gt3A_141 : i1 to i32
      %cond3A_143 = arith.constant 0 : i32
      %cond3A_144 = arith.cmpi ne, %convert_element_type3A_142, %cond3A_143 : i32
      scf.if %cond3A_144 {
        %dma_wait3A_158 = arith.constant 0 : i32
        %dma_wait3A_159 = arith.constant 0 : i32
        %dma_wait3A_160 = tpu.memref_slice %arg6[%dma_wait3A_158, %dma_wait3A_159] : memref<160000x128xf32, #tpu.memory_space<hbm>> -> memref<40x128xf32, #tpu.memory_space<hbm>>
        %dma_wait3A_161 = arith.constant 0 : i32
        %dma_wait3A_162 = arith.constant 0 : i32
        %dma_wait3A_163 = tpu.memref_slice %arg6[%dma_wait3A_161, %dma_wait3A_162] : memref<160000x128xf32, #tpu.memory_space<hbm>> -> memref<40x128xf32, #tpu.memory_space<hbm>>
        tpu.wait_dma2 semaphore(%arg21 : memref<!tpu.dma_semaphore, #tpu.memory_space<semaphore_mem>>) src(%arg17 : memref<40x128xf32, #tpu.memory_space<vmem>>) dst(%dma_wait3A_163 : memref<40x128xf32, #tpu.memory_space<hbm>>)
      } else {
      }
      %scan3A_145 = arith.constant 0 : i32
      %scan3A_146 = arith.constant 0 : i32
      %scan3A_147 = arith.constant 40 : i32
      %scan3A_148 = arith.addi %scan3A_146, %scan3A_147 : i32
      %scan3A_149 = arith.constant 1 : i32
      scf.for %scan3A_158 = %scan3A_146 to %scan3A_148 step %scan3A_149  : i32 {
        %scan3A_159 = arith.constant 0 : i32
        %scan3A_160 = arith.constant 8 : i32
        %scan3A_161 = arith.addi %scan3A_159, %scan3A_160 : i32
        %scan3A_162 = arith.constant 1 : i32
        scf.for %scan3A_164 = %scan3A_159 to %scan3A_161 step %scan3A_162  : i32 {
          %mul3A_165 = arith.constant 16 : i32
          %mul3A_166 = arith.muli %scan3A_164, %mul3A_165 : i32
          %get3A_167 = arith.index_cast %scan3A_158 : i32 to index
          %get3A_168 = arith.index_cast %mul3A_166 : i32 to index
          %get3A_169 = tpu.vector_load %arg14[%get3A_167, %get3A_168] {strides = array<i32>} : memref<40x128xf32, #tpu.memory_space<vmem>>, vector<16xf32>,
          %get3A_170 = arith.index_cast %scan3A_158 : i32 to index
          %get3A_171 = arith.index_cast %mul3A_166 : i32 to index
          %get3A_172 = tpu.vector_load %arg15[%get3A_170, %get3A_171] {strides = array<i32>} : memref<40x128xf32, #tpu.memory_space<vmem>>, vector<16xf32>,
          %add3A_173 = arith.addf %get3A_169, %get3A_172 : vector<16xf32>
          %swap3A_174 = arith.index_cast %scan3A_158 : i32 to index
          %swap3A_175 = arith.index_cast %mul3A_166 : i32 to index
          %swap3A_176 = tpu.vector_load %arg17[%swap3A_174, %swap3A_175] {strides = array<i32>} : memref<40x128xf32, #tpu.memory_space<vmem>>, vector<16xf32>,
          tpu.vector_store %arg17[%swap3A_174, %swap3A_175], %add3A_173 {strides = array<i32>} : memref<40x128xf32, #tpu.memory_space<vmem>>, vector<16xf32>,
        }
        %scan3A_163 = arith.constant 8 : i32
      }
      %scan3A_150 = arith.constant 40 : i32
      %mul3A_151 = arith.constant 40 : i32
      %mul3A_152 = arith.muli %add3A_74, %mul3A_151 : i32
      %add3A_153 = arith.addi %mul3A_6, %mul3A_152 : i32
      %dma_start3A_154 = arith.constant 0 : i32
      %dma_start3A_155 = tpu.memref_slice %arg6[%add3A_153, %dma_start3A_154] : memref<160000x128xf32, #tpu.memory_space<hbm>> -> memref<40x128xf32, #tpu.memory_space<hbm>>
      %dma_start3A_156 = arith.constant 0 : i32
      %dma_start3A_157 = tpu.memref_slice %arg6[%add3A_153, %dma_start3A_156] : memref<160000x128xf32, #tpu.memory_space<hbm>> -> memref<40x128xf32, #tpu.memory_space<hbm>>
      tpu.enqueue_dma source(%arg17 : memref<40x128xf32, #tpu.memory_space<vmem>>) target(%dma_start3A_157 : memref<40x128xf32, #tpu.memory_space<hbm>>) target_semaphore(%arg21 : memref<!tpu.dma_semaphore, #tpu.memory_space<semaphore_mem>>)
    }
    %scan3A_28 = arith.constant 62 : i32
    %dma_wait3A = arith.constant 0 : i32
    %dma_wait3A_29 = arith.constant 0 : i32
    %dma_wait3A_30 = tpu.memref_slice %arg2[%dma_wait3A, %dma_wait3A_29] : memref<10000x128xf32, #tpu.memory_space<hbm>> -> memref<40x128xf32, #tpu.memory_space<hbm>>
    %dma_wait3A_31 = arith.constant 0 : i32
    %dma_wait3A_32 = arith.constant 0 : i32
    %dma_wait3A_33 = tpu.memref_slice %arg2[%dma_wait3A_31, %dma_wait3A_32] : memref<10000x128xf32, #tpu.memory_space<hbm>> -> memref<40x128xf32, #tpu.memory_space<hbm>>
    tpu.wait_dma2 semaphore(%arg18 : memref<!tpu.dma_semaphore, #tpu.memory_space<semaphore_mem>>) src(%dma_wait3A_33 : memref<40x128xf32, #tpu.memory_space<hbm>>) dst(%arg12 : memref<40x128xf32, #tpu.memory_space<vmem>>)
    %dma_wait3A_34 = arith.constant 0 : i32
    %dma_wait3A_35 = arith.constant 0 : i32
    %dma_wait3A_36 = tpu.memref_slice %arg2[%dma_wait3A_34, %dma_wait3A_35] : memref<10000x128xf32, #tpu.memory_space<hbm>> -> memref<40x128xf32, #tpu.memory_space<hbm>>
    %dma_wait3A_37 = arith.constant 0 : i32
    %dma_wait3A_38 = arith.constant 0 : i32
    %dma_wait3A_39 = tpu.memref_slice %arg2[%dma_wait3A_37, %dma_wait3A_38] : memref<10000x128xf32, #tpu.memory_space<hbm>> -> memref<40x128xf32, #tpu.memory_space<hbm>>
    tpu.wait_dma2 semaphore(%arg18 : memref<!tpu.dma_semaphore, #tpu.memory_space<semaphore_mem>>) src(%dma_wait3A_39 : memref<40x128xf32, #tpu.memory_space<hbm>>) dst(%arg13 : memref<40x128xf32, #tpu.memory_space<vmem>>)
    %dma_wait3A_40 = arith.constant 0 : i32
    %dma_wait3A_41 = arith.constant 0 : i32
    %dma_wait3A_42 = tpu.memref_slice %arg6[%dma_wait3A_40, %dma_wait3A_41] : memref<160000x128xf32, #tpu.memory_space<hbm>> -> memref<40x128xf32, #tpu.memory_space<hbm>>
    %dma_wait3A_43 = arith.constant 0 : i32
    %dma_wait3A_44 = arith.constant 0 : i32
    %dma_wait3A_45 = tpu.memref_slice %arg6[%dma_wait3A_43, %dma_wait3A_44] : memref<160000x128xf32, #tpu.memory_space<hbm>> -> memref<40x128xf32, #tpu.memory_space<hbm>>
    tpu.wait_dma2 semaphore(%arg20 : memref<!tpu.dma_semaphore, #tpu.memory_space<semaphore_mem>>) src(%arg16 : memref<40x128xf32, #tpu.memory_space<vmem>>) dst(%dma_wait3A_45 : memref<40x128xf32, #tpu.memory_space<hbm>>)
    %scan3A_46 = arith.constant 0 : i32
    %scan3A_47 = arith.constant 0 : i32
    %scan3A_48 = arith.constant 40 : i32
    %scan3A_49 = arith.addi %scan3A_47, %scan3A_48 : i32
    %scan3A_50 = arith.constant 1 : i32
    scf.for %scan3A_70 = %scan3A_47 to %scan3A_49 step %scan3A_50  : i32 {
      %scan3A_71 = arith.constant 0 : i32
      %scan3A_72 = arith.constant 8 : i32
      %scan3A_73 = arith.addi %scan3A_71, %scan3A_72 : i32
      %scan3A_74 = arith.constant 1 : i32
      scf.for %scan3A_76 = %scan3A_71 to %scan3A_73 step %scan3A_74  : i32 {
        %mul3A_77 = arith.constant 16 : i32
        %mul3A_78 = arith.muli %scan3A_76, %mul3A_77 : i32
        %get3A_79 = arith.index_cast %scan3A_70 : i32 to index
        %get3A_80 = arith.index_cast %mul3A_78 : i32 to index
        %get3A_81 = tpu.vector_load %arg12[%get3A_79, %get3A_80] {strides = array<i32>} : memref<40x128xf32, #tpu.memory_space<vmem>>, vector<16xf32>,
        %get3A_82 = arith.index_cast %scan3A_70 : i32 to index
        %get3A_83 = arith.index_cast %mul3A_78 : i32 to index
        %get3A_84 = tpu.vector_load %arg13[%get3A_82, %get3A_83] {strides = array<i32>} : memref<40x128xf32, #tpu.memory_space<vmem>>, vector<16xf32>,
        %add3A_85 = arith.addf %get3A_81, %get3A_84 : vector<16xf32>
        %swap3A_86 = arith.index_cast %scan3A_70 : i32 to index
        %swap3A_87 = arith.index_cast %mul3A_78 : i32 to index
        %swap3A_88 = tpu.vector_load %arg16[%swap3A_86, %swap3A_87] {strides = array<i32>} : memref<40x128xf32, #tpu.memory_space<vmem>>, vector<16xf32>,
        tpu.vector_store %arg16[%swap3A_86, %swap3A_87], %add3A_85 {strides = array<i32>} : memref<40x128xf32, #tpu.memory_space<vmem>>, vector<16xf32>,
      }
      %scan3A_75 = arith.constant 8 : i32
    }
    %scan3A_51 = arith.constant 40 : i32
    %add3A_52 = arith.constant 4960 : i32
    %add3A_53 = arith.addi %mul3A_6, %add3A_52 : i32
    %dma_start3A_54 = arith.constant 0 : i32
    %dma_start3A_55 = tpu.memref_slice %arg6[%add3A_53, %dma_start3A_54] : memref<160000x128xf32, #tpu.memory_space<hbm>> -> memref<40x128xf32, #tpu.memory_space<hbm>>
    %dma_start3A_56 = arith.constant 0 : i32
    %dma_start3A_57 = tpu.memref_slice %arg6[%add3A_53, %dma_start3A_56] : memref<160000x128xf32, #tpu.memory_space<hbm>> -> memref<40x128xf32, #tpu.memory_space<hbm>>
    tpu.enqueue_dma source(%arg16 : memref<40x128xf32, #tpu.memory_space<vmem>>) target(%dma_start3A_57 : memref<40x128xf32, #tpu.memory_space<hbm>>) target_semaphore(%arg20 : memref<!tpu.dma_semaphore, #tpu.memory_space<semaphore_mem>>)
    %dma_wait3A_58 = arith.constant 0 : i32
    %dma_wait3A_59 = arith.constant 0 : i32
    %dma_wait3A_60 = tpu.memref_slice %arg6[%dma_wait3A_58, %dma_wait3A_59] : memref<160000x128xf32, #tpu.memory_space<hbm>> -> memref<40x128xf32, #tpu.memory_space<hbm>>
    %dma_wait3A_61 = arith.constant 0 : i32
    %dma_wait3A_62 = arith.constant 0 : i32
    %dma_wait3A_63 = tpu.memref_slice %arg6[%dma_wait3A_61, %dma_wait3A_62] : memref<160000x128xf32, #tpu.memory_space<hbm>> -> memref<40x128xf32, #tpu.memory_space<hbm>>
    tpu.wait_dma2 semaphore(%arg20 : memref<!tpu.dma_semaphore, #tpu.memory_space<semaphore_mem>>) src(%arg16 : memref<40x128xf32, #tpu.memory_space<vmem>>) dst(%dma_wait3A_63 : memref<40x128xf32, #tpu.memory_space<hbm>>)
    %dma_wait3A_64 = arith.constant 0 : i32
    %dma_wait3A_65 = arith.constant 0 : i32
    %dma_wait3A_66 = tpu.memref_slice %arg6[%dma_wait3A_64, %dma_wait3A_65] : memref<160000x128xf32, #tpu.memory_space<hbm>> -> memref<40x128xf32, #tpu.memory_space<hbm>>
    %dma_wait3A_67 = arith.constant 0 : i32
    %dma_wait3A_68 = arith.constant 0 : i32
    %dma_wait3A_69 = tpu.memref_slice %arg6[%dma_wait3A_67, %dma_wait3A_68] : memref<160000x128xf32, #tpu.memory_space<hbm>> -> memref<40x128xf32, #tpu.memory_space<hbm>>
    tpu.wait_dma2 semaphore(%arg21 : memref<!tpu.dma_semaphore, #tpu.memory_space<semaphore_mem>>) src(%arg17 : memref<40x128xf32, #tpu.memory_space<vmem>>) dst(%dma_wait3A_69 : memref<40x128xf32, #tpu.memory_space<hbm>>)
    return
  }
}

#map = affine_map<(d0, d1) -> (0, 0)>
#map1 = affine_map<(d0, d1) -> (0)>
#map2 = affine_map<(d0, d1) -> (0, 0, 0)>
module attributes {stable_mosaic.version = 14 : i64} {
  func.func @body(%arg0: i32, %arg1: i32, %arg2: memref<160000x128xf32, #tpu.memory_space<hbm>>, %arg3: memref<320000xi32, #tpu.memory_space<hbm>>, %arg4: memref<320000xi32, #tpu.memory_space<hbm>>, %arg5: memref<10000x128xf32, #tpu.memory_space<hbm>>, %arg6: memref<2x10000x128xf32, #tpu.memory_space<hbm>>, %arg7: memref<5000xi32, #tpu.memory_space<vmem>>, %arg8: memref<40xi32, #tpu.memory_space<vmem>>, %arg9: memref<40xi32, #tpu.memory_space<vmem>>, %arg10: memref<40xi32, #tpu.memory_space<vmem>>, %arg11: memref<40xi32, #tpu.memory_space<vmem>>, %arg12: memref<40x128xf32, #tpu.memory_space<vmem>>, %arg13: memref<40x128xf32, #tpu.memory_space<vmem>>, %arg14: memref<40x128xf32, #tpu.memory_space<vmem>>, %arg15: memref<40x128xf32, #tpu.memory_space<vmem>>, %arg16: memref<10000x128xf32, #tpu.memory_space<vmem_shared>>, %arg17: memref<!tpu.dma_semaphore, #tpu.memory_space<semaphore_mem>>, %arg18: memref<!tpu.dma_semaphore, #tpu.memory_space<semaphore_mem>>, %arg19: memref<!tpu.dma_semaphore, #tpu.memory_space<semaphore_mem>>, %arg20: memref<!tpu.dma_semaphore, #tpu.memory_space<semaphore_mem>>, %arg21: memref<!tpu.dma_semaphore, #tpu.memory_space<semaphore_mem>>, %arg22: memref<!tpu.dma_semaphore, #tpu.memory_space<semaphore_mem>>, %arg23: memref<!tpu.dma_semaphore, #tpu.memory_space<semaphore_mem>>, %arg24: memref<!tpu.dma_semaphore, #tpu.memory_space<semaphore_mem>>, %arg25: memref<!tpu.dma_semaphore, #tpu.memory_space<semaphore_mem>>, %arg26: memref<!tpu.dma_semaphore, #tpu.memory_space<semaphore_mem>>, %arg27: memref<!tpu.dma_semaphore, #tpu.memory_space<semaphore_mem>>, %arg28: memref<!tpu.dma_semaphore, #tpu.memory_space<semaphore_mem>>) attributes {dimension_semantics = [#tpu.dimension_semantics<core_parallel>, #tpu.dimension_semantics<subcore_parallel>], iteration_bounds = array<i64: 2, 16>, scalar_prefetch = 0 : i64, scratch_operands = 22 : i64, tpu.core_type = #tpu.core_type<sc_vector_subcore>, window_params = [{transform_indices = #map}, {transform_indices = #map1}, {transform_indices = #map1}, {transform_indices = #map}, {transform_indices = #map2}]} {
    %mul3A = arith.constant 2 : i32
    %mul3A_0 = arith.muli %arg1, %mul3A : i32
    %add3A = arith.addi %mul3A_0, %arg0 : i32
    %mul3A_1 = arith.constant 5000 : i32
    %mul3A_2 = arith.muli %add3A, %mul3A_1 : i32
    %add3A_3 = arith.constant 0 : i32
    %add3A_4 = arith.addi %add3A_3, %mul3A_2 : i32
    %mul3A_5 = arith.constant 5000 : i32
    %mul3A_6 = arith.muli %add3A, %mul3A_5 : i32
    %mul3A_7 = arith.constant 624 : i32
    %mul3A_8 = arith.muli %arg1, %mul3A_7 : i32
    "tpu.region"() ({
      %run_scoped3A = tpu.sem_alloc : memref<!tpu.dma_semaphore, #tpu.memory_space<semaphore_mem>>
      %dma_start3A_74 = arith.constant 0 : i32
      %dma_start3A_75 = tpu.memref_slice %arg16[%mul3A_8, %dma_start3A_74] : memref<10000x128xf32, #tpu.memory_space<vmem_shared>> -> memref<624x128xf32, #tpu.memory_space<vmem_shared>>
      %dma_start3A_76 = arith.constant 0 : i32
      %dma_start3A_77 = tpu.memref_slice %arg5[%mul3A_8, %dma_start3A_76] : memref<10000x128xf32, #tpu.memory_space<hbm>> -> memref<624x128xf32, #tpu.memory_space<hbm>>
      tpu.enqueue_dma source(%dma_start3A_77 : memref<624x128xf32, #tpu.memory_space<hbm>>) target(%dma_start3A_75 : memref<624x128xf32, #tpu.memory_space<vmem_shared>>) target_semaphore(%run_scoped3A : memref<!tpu.dma_semaphore, #tpu.memory_space<semaphore_mem>>)
      %dma_wait3A_78 = arith.constant 0 : i32
      %dma_wait3A_79 = tpu.memref_slice %arg16[%mul3A_8, %dma_wait3A_78] : memref<10000x128xf32, #tpu.memory_space<vmem_shared>> -> memref<624x128xf32, #tpu.memory_space<vmem_shared>>
      %dma_wait3A_80 = arith.constant 0 : i32
      %dma_wait3A_81 = tpu.memref_slice %arg5[%mul3A_8, %dma_wait3A_80] : memref<10000x128xf32, #tpu.memory_space<hbm>> -> memref<624x128xf32, #tpu.memory_space<hbm>>
      tpu.wait_dma2 semaphore(%run_scoped3A : memref<!tpu.dma_semaphore, #tpu.memory_space<semaphore_mem>>) src(%dma_wait3A_81 : memref<624x128xf32, #tpu.memory_space<hbm>>) dst(%dma_wait3A_79 : memref<624x128xf32, #tpu.memory_space<vmem_shared>>)
      tpu.yield
    }) : () -> ()
    %eq3A = arith.constant 0 : i32
    %eq3A_9 = arith.cmpi eq, %arg1, %eq3A : i32
    %convert_element_type3A = arith.extui %eq3A_9 : i1 to i32
    %cond3A = arith.constant 0 : i32
    %cond3A_10 = arith.cmpi ne, %convert_element_type3A, %cond3A : i32
    scf.if %cond3A_10 {
      "tpu.region"() ({
        %run_scoped3A = tpu.sem_alloc : memref<!tpu.dma_semaphore, #tpu.memory_space<semaphore_mem>>
        %dma_start3A_74 = arith.constant 9984 : i32
        %dma_start3A_75 = arith.constant 0 : i32
        %dma_start3A_76 = tpu.memref_slice %arg16[%dma_start3A_74, %dma_start3A_75] : memref<10000x128xf32, #tpu.memory_space<vmem_shared>> -> memref<16x128xf32, #tpu.memory_space<vmem_shared>>
        %dma_start3A_77 = arith.constant 9984 : i32
        %dma_start3A_78 = arith.constant 0 : i32
        %dma_start3A_79 = tpu.memref_slice %arg5[%dma_start3A_77, %dma_start3A_78] : memref<10000x128xf32, #tpu.memory_space<hbm>> -> memref<16x128xf32, #tpu.memory_space<hbm>>
        tpu.enqueue_dma source(%dma_start3A_79 : memref<16x128xf32, #tpu.memory_space<hbm>>) target(%dma_start3A_76 : memref<16x128xf32, #tpu.memory_space<vmem_shared>>) target_semaphore(%run_scoped3A : memref<!tpu.dma_semaphore, #tpu.memory_space<semaphore_mem>>)
        %dma_wait3A_80 = arith.constant 9984 : i32
        %dma_wait3A_81 = arith.constant 0 : i32
        %dma_wait3A_82 = tpu.memref_slice %arg16[%dma_wait3A_80, %dma_wait3A_81] : memref<10000x128xf32, #tpu.memory_space<vmem_shared>> -> memref<16x128xf32, #tpu.memory_space<vmem_shared>>
        %dma_wait3A_83 = arith.constant 9984 : i32
        %dma_wait3A_84 = arith.constant 0 : i32
        %dma_wait3A_85 = tpu.memref_slice %arg5[%dma_wait3A_83, %dma_wait3A_84] : memref<10000x128xf32, #tpu.memory_space<hbm>> -> memref<16x128xf32, #tpu.memory_space<hbm>>
        tpu.wait_dma2 semaphore(%run_scoped3A : memref<!tpu.dma_semaphore, #tpu.memory_space<semaphore_mem>>) src(%dma_wait3A_85 : memref<16x128xf32, #tpu.memory_space<hbm>>) dst(%dma_wait3A_82 : memref<16x128xf32, #tpu.memory_space<vmem_shared>>)
        tpu.yield
      }) : () -> ()
    } else {
    }
    %barrier3A = arith.constant 0 : index
    tpu.barrier barrier_id(%barrier3A)
    %add3A_11 = arith.constant 0 : i32
    %add3A_12 = arith.addi %add3A_4, %add3A_11 : i32
    %dma_start3A = tpu.memref_slice %arg4[%add3A_12] : memref<320000xi32, #tpu.memory_space<hbm>> -> memref<40xi32, #tpu.memory_space<hbm>>
    %dma_start3A_13 = tpu.memref_slice %arg4[%add3A_12] : memref<320000xi32, #tpu.memory_space<hbm>> -> memref<40xi32, #tpu.memory_space<hbm>>
    tpu.enqueue_dma source(%dma_start3A_13 : memref<40xi32, #tpu.memory_space<hbm>>) target(%arg8 : memref<40xi32, #tpu.memory_space<vmem>>) target_semaphore(%arg17 : memref<!tpu.dma_semaphore, #tpu.memory_space<semaphore_mem>>)
    %add3A_14 = arith.constant 0 : i32
    %add3A_15 = arith.addi %mul3A_6, %add3A_14 : i32
    %dma_start3A_16 = arith.constant 0 : i32
    %dma_start3A_17 = tpu.memref_slice %arg2[%add3A_15, %dma_start3A_16] : memref<160000x128xf32, #tpu.memory_space<hbm>> -> memref<40x128xf32, #tpu.memory_space<hbm>>
    %dma_start3A_18 = arith.constant 0 : i32
    %dma_start3A_19 = tpu.memref_slice %arg2[%add3A_15, %dma_start3A_18] : memref<160000x128xf32, #tpu.memory_space<hbm>> -> memref<40x128xf32, #tpu.memory_space<hbm>>
    tpu.enqueue_dma source(%dma_start3A_19 : memref<40x128xf32, #tpu.memory_space<hbm>>) target(%arg12 : memref<40x128xf32, #tpu.memory_space<vmem>>) target_semaphore(%arg21 : memref<!tpu.dma_semaphore, #tpu.memory_space<semaphore_mem>>)
    %add3A_20 = arith.constant 40 : i32
    %add3A_21 = arith.addi %add3A_4, %add3A_20 : i32
    %dma_start3A_22 = tpu.memref_slice %arg4[%add3A_21] : memref<320000xi32, #tpu.memory_space<hbm>> -> memref<40xi32, #tpu.memory_space<hbm>>
    %dma_start3A_23 = tpu.memref_slice %arg4[%add3A_21] : memref<320000xi32, #tpu.memory_space<hbm>> -> memref<40xi32, #tpu.memory_space<hbm>>
    tpu.enqueue_dma source(%dma_start3A_23 : memref<40xi32, #tpu.memory_space<hbm>>) target(%arg9 : memref<40xi32, #tpu.memory_space<vmem>>) target_semaphore(%arg18 : memref<!tpu.dma_semaphore, #tpu.memory_space<semaphore_mem>>)
    %add3A_24 = arith.constant 40 : i32
    %add3A_25 = arith.addi %mul3A_6, %add3A_24 : i32
    %dma_start3A_26 = arith.constant 0 : i32
    %dma_start3A_27 = tpu.memref_slice %arg2[%add3A_25, %dma_start3A_26] : memref<160000x128xf32, #tpu.memory_space<hbm>> -> memref<40x128xf32, #tpu.memory_space<hbm>>
    %dma_start3A_28 = arith.constant 0 : i32
    %dma_start3A_29 = tpu.memref_slice %arg2[%add3A_25, %dma_start3A_28] : memref<160000x128xf32, #tpu.memory_space<hbm>> -> memref<40x128xf32, #tpu.memory_space<hbm>>
    tpu.enqueue_dma source(%dma_start3A_29 : memref<40x128xf32, #tpu.memory_space<hbm>>) target(%arg13 : memref<40x128xf32, #tpu.memory_space<vmem>>) target_semaphore(%arg22 : memref<!tpu.dma_semaphore, #tpu.memory_space<semaphore_mem>>)
    %add3A_30 = arith.constant 80 : i32
    %add3A_31 = arith.addi %add3A_4, %add3A_30 : i32
    %dma_start3A_32 = tpu.memref_slice %arg4[%add3A_31] : memref<320000xi32, #tpu.memory_space<hbm>> -> memref<40xi32, #tpu.memory_space<hbm>>
    %dma_start3A_33 = tpu.memref_slice %arg4[%add3A_31] : memref<320000xi32, #tpu.memory_space<hbm>> -> memref<40xi32, #tpu.memory_space<hbm>>
    tpu.enqueue_dma source(%dma_start3A_33 : memref<40xi32, #tpu.memory_space<hbm>>) target(%arg10 : memref<40xi32, #tpu.memory_space<vmem>>) target_semaphore(%arg19 : memref<!tpu.dma_semaphore, #tpu.memory_space<semaphore_mem>>)
    %add3A_34 = arith.constant 80 : i32
    %add3A_35 = arith.addi %mul3A_6, %add3A_34 : i32
    %dma_start3A_36 = arith.constant 0 : i32
    %dma_start3A_37 = tpu.memref_slice %arg2[%add3A_35, %dma_start3A_36] : memref<160000x128xf32, #tpu.memory_space<hbm>> -> memref<40x128xf32, #tpu.memory_space<hbm>>
    %dma_start3A_38 = arith.constant 0 : i32
    %dma_start3A_39 = tpu.memref_slice %arg2[%add3A_35, %dma_start3A_38] : memref<160000x128xf32, #tpu.memory_space<hbm>> -> memref<40x128xf32, #tpu.memory_space<hbm>>
    tpu.enqueue_dma source(%dma_start3A_39 : memref<40x128xf32, #tpu.memory_space<hbm>>) target(%arg14 : memref<40x128xf32, #tpu.memory_space<vmem>>) target_semaphore(%arg23 : memref<!tpu.dma_semaphore, #tpu.memory_space<semaphore_mem>>)
    %scan3A = arith.constant 0 : i32
    %scan3A_40 = arith.constant 0 : i32
    %scan3A_41 = arith.constant 32 : i32
    %scan3A_42 = arith.addi %scan3A_40, %scan3A_41 : i32
    %scan3A_43 = arith.constant 1 : i32
    scf.for %scan3A_74 = %scan3A_40 to %scan3A_42 step %scan3A_43  : i32 {
      %mul3A_75 = arith.constant 4 : i32
      %mul3A_76 = arith.muli %mul3A_75, %scan3A_74 : i32
      %add3A_77 = arith.constant 0 : i32
      %add3A_78 = arith.addi %mul3A_76, %add3A_77 : i32
      %lt3A = arith.constant 125 : i32
      %lt3A_79 = arith.cmpi slt, %add3A_78, %lt3A : i32
      %convert_element_type3A_80 = arith.extui %lt3A_79 : i1 to i32
      %cond3A_81 = arith.constant 0 : i32
      %cond3A_82 = arith.cmpi ne, %convert_element_type3A_80, %cond3A_81 : i32
      scf.if %cond3A_82 {
        %dma_wait3A_110 = arith.constant 0 : i32
        %dma_wait3A_111 = arith.constant 0 : i32
        %dma_wait3A_112 = tpu.memref_slice %arg2[%dma_wait3A_110, %dma_wait3A_111] : memref<160000x128xf32, #tpu.memory_space<hbm>> -> memref<40x128xf32, #tpu.memory_space<hbm>>
        %dma_wait3A_113 = arith.constant 0 : i32
        %dma_wait3A_114 = arith.constant 0 : i32
        %dma_wait3A_115 = tpu.memref_slice %arg2[%dma_wait3A_113, %dma_wait3A_114] : memref<160000x128xf32, #tpu.memory_space<hbm>> -> memref<40x128xf32, #tpu.memory_space<hbm>>
        tpu.wait_dma2 semaphore(%arg21 : memref<!tpu.dma_semaphore, #tpu.memory_space<semaphore_mem>>) src(%dma_wait3A_115 : memref<40x128xf32, #tpu.memory_space<hbm>>) dst(%arg12 : memref<40x128xf32, #tpu.memory_space<vmem>>)
        %dma_wait3A_116 = arith.constant 0 : i32
        %dma_wait3A_117 = tpu.memref_slice %arg4[%dma_wait3A_116] : memref<320000xi32, #tpu.memory_space<hbm>> -> memref<40xi32, #tpu.memory_space<hbm>>
        %dma_wait3A_118 = arith.constant 0 : i32
        %dma_wait3A_119 = tpu.memref_slice %arg4[%dma_wait3A_118] : memref<320000xi32, #tpu.memory_space<hbm>> -> memref<40xi32, #tpu.memory_space<hbm>>
        tpu.wait_dma2 semaphore(%arg17 : memref<!tpu.dma_semaphore, #tpu.memory_space<semaphore_mem>>) src(%dma_wait3A_119 : memref<40xi32, #tpu.memory_space<hbm>>) dst(%arg8 : memref<40xi32, #tpu.memory_space<vmem>>)
        %dma_start3A_120 = arith.constant 0 : i32
        %dma_start3A_121 = arith.constant 0 : i32
        %dma_start3A_122 = tpu.memref_slice %arg16[%dma_start3A_120, %dma_start3A_121] : memref<10000x128xf32, #tpu.memory_space<vmem_shared>> -> memref<10000x128xf32, #tpu.memory_space<vmem_shared>>
        tpu.enqueue_indirect_dma source(%arg12 : memref<40x128xf32, #tpu.memory_space<vmem>>) target(%dma_start3A_122 : memref<10000x128xf32, #tpu.memory_space<vmem_shared>>) offsets(%arg8 : memref<40xi32, #tpu.memory_space<vmem>>) semaphore(%arg25 : memref<!tpu.dma_semaphore, #tpu.memory_space<semaphore_mem>>) {add = true}
        %add3A_123 = arith.constant 3 : i32
        %add3A_124 = arith.addi %add3A_78, %add3A_123 : i32
        %lt3A_125 = arith.constant 125 : i32
        %lt3A_126 = arith.cmpi slt, %add3A_124, %lt3A_125 : i32
        %convert_element_type3A_127 = arith.extui %lt3A_126 : i1 to i32
        %cond3A_128 = arith.constant 0 : i32
        %cond3A_129 = arith.cmpi ne, %convert_element_type3A_127, %cond3A_128 : i32
        scf.if %cond3A_129 {
          %ge3A = arith.constant 4 : i32
          %ge3A_130 = arith.cmpi sge, %add3A_124, %ge3A : i32
          %convert_element_type3A_131 = arith.extui %ge3A_130 : i1 to i32
          %cond3A_132 = arith.constant 0 : i32
          %cond3A_133 = arith.cmpi ne, %convert_element_type3A_131, %cond3A_132 : i32
          scf.if %cond3A_133 {
            %dma_wait3A_146 = arith.constant 0 : i32
            %dma_wait3A_147 = arith.constant 0 : i32
            %dma_wait3A_148 = tpu.memref_slice %arg16[%dma_wait3A_146, %dma_wait3A_147] : memref<10000x128xf32, #tpu.memory_space<vmem_shared>> -> memref<40x128xf32, #tpu.memory_space<vmem_shared>>
            %dma_wait3A_149 = arith.constant 0 : i32
            %dma_wait3A_150 = arith.constant 0 : i32
            %dma_wait3A_151 = tpu.memref_slice %arg16[%dma_wait3A_149, %dma_wait3A_150] : memref<10000x128xf32, #tpu.memory_space<vmem_shared>> -> memref<40x128xf32, #tpu.memory_space<vmem_shared>>
            tpu.wait_dma2 semaphore(%arg28 : memref<!tpu.dma_semaphore, #tpu.memory_space<semaphore_mem>>) src(%arg15 : memref<40x128xf32, #tpu.memory_space<vmem>>) dst(%dma_wait3A_151 : memref<40x128xf32, #tpu.memory_space<vmem_shared>>)
          } else {
          }
          %mul3A_134 = arith.constant 40 : i32
          %mul3A_135 = arith.muli %add3A_124, %mul3A_134 : i32
          %add3A_136 = arith.addi %add3A_4, %mul3A_135 : i32
          %dma_start3A_137 = tpu.memref_slice %arg4[%add3A_136] : memref<320000xi32, #tpu.memory_space<hbm>> -> memref<40xi32, #tpu.memory_space<hbm>>
          %dma_start3A_138 = tpu.memref_slice %arg4[%add3A_136] : memref<320000xi32, #tpu.memory_space<hbm>> -> memref<40xi32, #tpu.memory_space<hbm>>
          tpu.enqueue_dma source(%dma_start3A_138 : memref<40xi32, #tpu.memory_space<hbm>>) target(%arg11 : memref<40xi32, #tpu.memory_space<vmem>>) target_semaphore(%arg20 : memref<!tpu.dma_semaphore, #tpu.memory_space<semaphore_mem>>)
          %mul3A_139 = arith.constant 40 : i32
          %mul3A_140 = arith.muli %add3A_124, %mul3A_139 : i32
          %add3A_141 = arith.addi %mul3A_6, %mul3A_140 : i32
          %dma_start3A_142 = arith.constant 0 : i32
          %dma_start3A_143 = tpu.memref_slice %arg2[%add3A_141, %dma_start3A_142] : memref<160000x128xf32, #tpu.memory_space<hbm>> -> memref<40x128xf32, #tpu.memory_space<hbm>>
          %dma_start3A_144 = arith.constant 0 : i32
          %dma_start3A_145 = tpu.memref_slice %arg2[%add3A_141, %dma_start3A_144] : memref<160000x128xf32, #tpu.memory_space<hbm>> -> memref<40x128xf32, #tpu.memory_space<hbm>>
          tpu.enqueue_dma source(%dma_start3A_145 : memref<40x128xf32, #tpu.memory_space<hbm>>) target(%arg15 : memref<40x128xf32, #tpu.memory_space<vmem>>) target_semaphore(%arg24 : memref<!tpu.dma_semaphore, #tpu.memory_space<semaphore_mem>>)
        } else {
        }
      } else {
      }
      %mul3A_83 = arith.constant 4 : i32
      %mul3A_84 = arith.muli %mul3A_83, %scan3A_74 : i32
      %add3A_85 = arith.constant 1 : i32
      %add3A_86 = arith.addi %mul3A_84, %add3A_85 : i32
      %lt3A_87 = arith.constant 125 : i32
      %lt3A_88 = arith.cmpi slt, %add3A_86, %lt3A_87 : i32
      %convert_element_type3A_89 = arith.extui %lt3A_88 : i1 to i32
      %cond3A_90 = arith.constant 0 : i32
      %cond3A_91 = arith.cmpi ne, %convert_element_type3A_89, %cond3A_90 : i32
      scf.if %cond3A_91 {
        %dma_wait3A_110 = arith.constant 0 : i32
        %dma_wait3A_111 = arith.constant 0 : i32
        %dma_wait3A_112 = tpu.memref_slice %arg2[%dma_wait3A_110, %dma_wait3A_111] : memref<160000x128xf32, #tpu.memory_space<hbm>> -> memref<40x128xf32, #tpu.memory_space<hbm>>
        %dma_wait3A_113 = arith.constant 0 : i32
        %dma_wait3A_114 = arith.constant 0 : i32
        %dma_wait3A_115 = tpu.memref_slice %arg2[%dma_wait3A_113, %dma_wait3A_114] : memref<160000x128xf32, #tpu.memory_space<hbm>> -> memref<40x128xf32, #tpu.memory_space<hbm>>
        tpu.wait_dma2 semaphore(%arg22 : memref<!tpu.dma_semaphore, #tpu.memory_space<semaphore_mem>>) src(%dma_wait3A_115 : memref<40x128xf32, #tpu.memory_space<hbm>>) dst(%arg13 : memref<40x128xf32, #tpu.memory_space<vmem>>)
        %dma_wait3A_116 = arith.constant 0 : i32
        %dma_wait3A_117 = tpu.memref_slice %arg4[%dma_wait3A_116] : memref<320000xi32, #tpu.memory_space<hbm>> -> memref<40xi32, #tpu.memory_space<hbm>>
        %dma_wait3A_118 = arith.constant 0 : i32
        %dma_wait3A_119 = tpu.memref_slice %arg4[%dma_wait3A_118] : memref<320000xi32, #tpu.memory_space<hbm>> -> memref<40xi32, #tpu.memory_space<hbm>>
        tpu.wait_dma2 semaphore(%arg18 : memref<!tpu.dma_semaphore, #tpu.memory_space<semaphore_mem>>) src(%dma_wait3A_119 : memref<40xi32, #tpu.memory_space<hbm>>) dst(%arg9 : memref<40xi32, #tpu.memory_space<vmem>>)
        %dma_start3A_120 = arith.constant 0 : i32
        %dma_start3A_121 = arith.constant 0 : i32
        %dma_start3A_122 = tpu.memref_slice %arg16[%dma_start3A_120, %dma_start3A_121] : memref<10000x128xf32, #tpu.memory_space<vmem_shared>> -> memref<10000x128xf32, #tpu.memory_space<vmem_shared>>
        tpu.enqueue_indirect_dma source(%arg13 : memref<40x128xf32, #tpu.memory_space<vmem>>) target(%dma_start3A_122 : memref<10000x128xf32, #tpu.memory_space<vmem_shared>>) offsets(%arg9 : memref<40xi32, #tpu.memory_space<vmem>>) semaphore(%arg26 : memref<!tpu.dma_semaphore, #tpu.memory_space<semaphore_mem>>) {add = true}
        %add3A_123 = arith.constant 3 : i32
        %add3A_124 = arith.addi %add3A_86, %add3A_123 : i32
        %lt3A_125 = arith.constant 125 : i32
        %lt3A_126 = arith.cmpi slt, %add3A_124, %lt3A_125 : i32
        %convert_element_type3A_127 = arith.extui %lt3A_126 : i1 to i32
        %cond3A_128 = arith.constant 0 : i32
        %cond3A_129 = arith.cmpi ne, %convert_element_type3A_127, %cond3A_128 : i32
        scf.if %cond3A_129 {
          %ge3A = arith.constant 4 : i32
          %ge3A_130 = arith.cmpi sge, %add3A_124, %ge3A : i32
          %convert_element_type3A_131 = arith.extui %ge3A_130 : i1 to i32
          %cond3A_132 = arith.constant 0 : i32
          %cond3A_133 = arith.cmpi ne, %convert_element_type3A_131, %cond3A_132 : i32
          scf.if %cond3A_133 {
            %dma_wait3A_146 = arith.constant 0 : i32
            %dma_wait3A_147 = arith.constant 0 : i32
            %dma_wait3A_148 = tpu.memref_slice %arg16[%dma_wait3A_146, %dma_wait3A_147] : memref<10000x128xf32, #tpu.memory_space<vmem_shared>> -> memref<40x128xf32, #tpu.memory_space<vmem_shared>>
            %dma_wait3A_149 = arith.constant 0 : i32
            %dma_wait3A_150 = arith.constant 0 : i32
            %dma_wait3A_151 = tpu.memref_slice %arg16[%dma_wait3A_149, %dma_wait3A_150] : memref<10000x128xf32, #tpu.memory_space<vmem_shared>> -> memref<40x128xf32, #tpu.memory_space<vmem_shared>>
            tpu.wait_dma2 semaphore(%arg25 : memref<!tpu.dma_semaphore, #tpu.memory_space<semaphore_mem>>) src(%arg12 : memref<40x128xf32, #tpu.memory_space<vmem>>) dst(%dma_wait3A_151 : memref<40x128xf32, #tpu.memory_space<vmem_shared>>)
          } else {
          }
          %mul3A_134 = arith.constant 40 : i32
          %mul3A_135 = arith.muli %add3A_124, %mul3A_134 : i32
          %add3A_136 = arith.addi %add3A_4, %mul3A_135 : i32
          %dma_start3A_137 = tpu.memref_slice %arg4[%add3A_136] : memref<320000xi32, #tpu.memory_space<hbm>> -> memref<40xi32, #tpu.memory_space<hbm>>
          %dma_start3A_138 = tpu.memref_slice %arg4[%add3A_136] : memref<320000xi32, #tpu.memory_space<hbm>> -> memref<40xi32, #tpu.memory_space<hbm>>
          tpu.enqueue_dma source(%dma_start3A_138 : memref<40xi32, #tpu.memory_space<hbm>>) target(%arg8 : memref<40xi32, #tpu.memory_space<vmem>>) target_semaphore(%arg17 : memref<!tpu.dma_semaphore, #tpu.memory_space<semaphore_mem>>)
          %mul3A_139 = arith.constant 40 : i32
          %mul3A_140 = arith.muli %add3A_124, %mul3A_139 : i32
          %add3A_141 = arith.addi %mul3A_6, %mul3A_140 : i32
          %dma_start3A_142 = arith.constant 0 : i32
          %dma_start3A_143 = tpu.memref_slice %arg2[%add3A_141, %dma_start3A_142] : memref<160000x128xf32, #tpu.memory_space<hbm>> -> memref<40x128xf32, #tpu.memory_space<hbm>>
          %dma_start3A_144 = arith.constant 0 : i32
          %dma_start3A_145 = tpu.memref_slice %arg2[%add3A_141, %dma_start3A_144] : memref<160000x128xf32, #tpu.memory_space<hbm>> -> memref<40x128xf32, #tpu.memory_space<hbm>>
          tpu.enqueue_dma source(%dma_start3A_145 : memref<40x128xf32, #tpu.memory_space<hbm>>) target(%arg12 : memref<40x128xf32, #tpu.memory_space<vmem>>) target_semaphore(%arg21 : memref<!tpu.dma_semaphore, #tpu.memory_space<semaphore_mem>>)
        } else {
        }
      } else {
      }
      %mul3A_92 = arith.constant 4 : i32
      %mul3A_93 = arith.muli %mul3A_92, %scan3A_74 : i32
      %add3A_94 = arith.constant 2 : i32
      %add3A_95 = arith.addi %mul3A_93, %add3A_94 : i32
      %lt3A_96 = arith.constant 125 : i32
      %lt3A_97 = arith.cmpi slt, %add3A_95, %lt3A_96 : i32
      %convert_element_type3A_98 = arith.extui %lt3A_97 : i1 to i32
      %cond3A_99 = arith.constant 0 : i32
      %cond3A_100 = arith.cmpi ne, %convert_element_type3A_98, %cond3A_99 : i32
      scf.if %cond3A_100 {
        %dma_wait3A_110 = arith.constant 0 : i32
        %dma_wait3A_111 = arith.constant 0 : i32
        %dma_wait3A_112 = tpu.memref_slice %arg2[%dma_wait3A_110, %dma_wait3A_111] : memref<160000x128xf32, #tpu.memory_space<hbm>> -> memref<40x128xf32, #tpu.memory_space<hbm>>
        %dma_wait3A_113 = arith.constant 0 : i32
        %dma_wait3A_114 = arith.constant 0 : i32
        %dma_wait3A_115 = tpu.memref_slice %arg2[%dma_wait3A_113, %dma_wait3A_114] : memref<160000x128xf32, #tpu.memory_space<hbm>> -> memref<40x128xf32, #tpu.memory_space<hbm>>
        tpu.wait_dma2 semaphore(%arg23 : memref<!tpu.dma_semaphore, #tpu.memory_space<semaphore_mem>>) src(%dma_wait3A_115 : memref<40x128xf32, #tpu.memory_space<hbm>>) dst(%arg14 : memref<40x128xf32, #tpu.memory_space<vmem>>)
        %dma_wait3A_116 = arith.constant 0 : i32
        %dma_wait3A_117 = tpu.memref_slice %arg4[%dma_wait3A_116] : memref<320000xi32, #tpu.memory_space<hbm>> -> memref<40xi32, #tpu.memory_space<hbm>>
        %dma_wait3A_118 = arith.constant 0 : i32
        %dma_wait3A_119 = tpu.memref_slice %arg4[%dma_wait3A_118] : memref<320000xi32, #tpu.memory_space<hbm>> -> memref<40xi32, #tpu.memory_space<hbm>>
        tpu.wait_dma2 semaphore(%arg19 : memref<!tpu.dma_semaphore, #tpu.memory_space<semaphore_mem>>) src(%dma_wait3A_119 : memref<40xi32, #tpu.memory_space<hbm>>) dst(%arg10 : memref<40xi32, #tpu.memory_space<vmem>>)
        %dma_start3A_120 = arith.constant 0 : i32
        %dma_start3A_121 = arith.constant 0 : i32
        %dma_start3A_122 = tpu.memref_slice %arg16[%dma_start3A_120, %dma_start3A_121] : memref<10000x128xf32, #tpu.memory_space<vmem_shared>> -> memref<10000x128xf32, #tpu.memory_space<vmem_shared>>
        tpu.enqueue_indirect_dma source(%arg14 : memref<40x128xf32, #tpu.memory_space<vmem>>) target(%dma_start3A_122 : memref<10000x128xf32, #tpu.memory_space<vmem_shared>>) offsets(%arg10 : memref<40xi32, #tpu.memory_space<vmem>>) semaphore(%arg27 : memref<!tpu.dma_semaphore, #tpu.memory_space<semaphore_mem>>) {add = true}
        %add3A_123 = arith.constant 3 : i32
        %add3A_124 = arith.addi %add3A_95, %add3A_123 : i32
        %lt3A_125 = arith.constant 125 : i32
        %lt3A_126 = arith.cmpi slt, %add3A_124, %lt3A_125 : i32
        %convert_element_type3A_127 = arith.extui %lt3A_126 : i1 to i32
        %cond3A_128 = arith.constant 0 : i32
        %cond3A_129 = arith.cmpi ne, %convert_element_type3A_127, %cond3A_128 : i32
        scf.if %cond3A_129 {
          %ge3A = arith.constant 4 : i32
          %ge3A_130 = arith.cmpi sge, %add3A_124, %ge3A : i32
          %convert_element_type3A_131 = arith.extui %ge3A_130 : i1 to i32
          %cond3A_132 = arith.constant 0 : i32
          %cond3A_133 = arith.cmpi ne, %convert_element_type3A_131, %cond3A_132 : i32
          scf.if %cond3A_133 {
            %dma_wait3A_146 = arith.constant 0 : i32
            %dma_wait3A_147 = arith.constant 0 : i32
            %dma_wait3A_148 = tpu.memref_slice %arg16[%dma_wait3A_146, %dma_wait3A_147] : memref<10000x128xf32, #tpu.memory_space<vmem_shared>> -> memref<40x128xf32, #tpu.memory_space<vmem_shared>>
            %dma_wait3A_149 = arith.constant 0 : i32
            %dma_wait3A_150 = arith.constant 0 : i32
            %dma_wait3A_151 = tpu.memref_slice %arg16[%dma_wait3A_149, %dma_wait3A_150] : memref<10000x128xf32, #tpu.memory_space<vmem_shared>> -> memref<40x128xf32, #tpu.memory_space<vmem_shared>>
            tpu.wait_dma2 semaphore(%arg26 : memref<!tpu.dma_semaphore, #tpu.memory_space<semaphore_mem>>) src(%arg13 : memref<40x128xf32, #tpu.memory_space<vmem>>) dst(%dma_wait3A_151 : memref<40x128xf32, #tpu.memory_space<vmem_shared>>)
          } else {
          }
          %mul3A_134 = arith.constant 40 : i32
          %mul3A_135 = arith.muli %add3A_124, %mul3A_134 : i32
          %add3A_136 = arith.addi %add3A_4, %mul3A_135 : i32
          %dma_start3A_137 = tpu.memref_slice %arg4[%add3A_136] : memref<320000xi32, #tpu.memory_space<hbm>> -> memref<40xi32, #tpu.memory_space<hbm>>
          %dma_start3A_138 = tpu.memref_slice %arg4[%add3A_136] : memref<320000xi32, #tpu.memory_space<hbm>> -> memref<40xi32, #tpu.memory_space<hbm>>
          tpu.enqueue_dma source(%dma_start3A_138 : memref<40xi32, #tpu.memory_space<hbm>>) target(%arg9 : memref<40xi32, #tpu.memory_space<vmem>>) target_semaphore(%arg18 : memref<!tpu.dma_semaphore, #tpu.memory_space<semaphore_mem>>)
          %mul3A_139 = arith.constant 40 : i32
          %mul3A_140 = arith.muli %add3A_124, %mul3A_139 : i32
          %add3A_141 = arith.addi %mul3A_6, %mul3A_140 : i32
          %dma_start3A_142 = arith.constant 0 : i32
          %dma_start3A_143 = tpu.memref_slice %arg2[%add3A_141, %dma_start3A_142] : memref<160000x128xf32, #tpu.memory_space<hbm>> -> memref<40x128xf32, #tpu.memory_space<hbm>>
          %dma_start3A_144 = arith.constant 0 : i32
          %dma_start3A_145 = tpu.memref_slice %arg2[%add3A_141, %dma_start3A_144] : memref<160000x128xf32, #tpu.memory_space<hbm>> -> memref<40x128xf32, #tpu.memory_space<hbm>>
          tpu.enqueue_dma source(%dma_start3A_145 : memref<40x128xf32, #tpu.memory_space<hbm>>) target(%arg13 : memref<40x128xf32, #tpu.memory_space<vmem>>) target_semaphore(%arg22 : memref<!tpu.dma_semaphore, #tpu.memory_space<semaphore_mem>>)
        } else {
        }
      } else {
      }
      %mul3A_101 = arith.constant 4 : i32
      %mul3A_102 = arith.muli %mul3A_101, %scan3A_74 : i32
      %add3A_103 = arith.constant 3 : i32
      %add3A_104 = arith.addi %mul3A_102, %add3A_103 : i32
      %lt3A_105 = arith.constant 125 : i32
      %lt3A_106 = arith.cmpi slt, %add3A_104, %lt3A_105 : i32
      %convert_element_type3A_107 = arith.extui %lt3A_106 : i1 to i32
      %cond3A_108 = arith.constant 0 : i32
      %cond3A_109 = arith.cmpi ne, %convert_element_type3A_107, %cond3A_108 : i32
      scf.if %cond3A_109 {
        %dma_wait3A_110 = arith.constant 0 : i32
        %dma_wait3A_111 = arith.constant 0 : i32
        %dma_wait3A_112 = tpu.memref_slice %arg2[%dma_wait3A_110, %dma_wait3A_111] : memref<160000x128xf32, #tpu.memory_space<hbm>> -> memref<40x128xf32, #tpu.memory_space<hbm>>
        %dma_wait3A_113 = arith.constant 0 : i32
        %dma_wait3A_114 = arith.constant 0 : i32
        %dma_wait3A_115 = tpu.memref_slice %arg2[%dma_wait3A_113, %dma_wait3A_114] : memref<160000x128xf32, #tpu.memory_space<hbm>> -> memref<40x128xf32, #tpu.memory_space<hbm>>
        tpu.wait_dma2 semaphore(%arg24 : memref<!tpu.dma_semaphore, #tpu.memory_space<semaphore_mem>>) src(%dma_wait3A_115 : memref<40x128xf32, #tpu.memory_space<hbm>>) dst(%arg15 : memref<40x128xf32, #tpu.memory_space<vmem>>)
        %dma_wait3A_116 = arith.constant 0 : i32
        %dma_wait3A_117 = tpu.memref_slice %arg4[%dma_wait3A_116] : memref<320000xi32, #tpu.memory_space<hbm>> -> memref<40xi32, #tpu.memory_space<hbm>>
        %dma_wait3A_118 = arith.constant 0 : i32
        %dma_wait3A_119 = tpu.memref_slice %arg4[%dma_wait3A_118] : memref<320000xi32, #tpu.memory_space<hbm>> -> memref<40xi32, #tpu.memory_space<hbm>>
        tpu.wait_dma2 semaphore(%arg20 : memref<!tpu.dma_semaphore, #tpu.memory_space<semaphore_mem>>) src(%dma_wait3A_119 : memref<40xi32, #tpu.memory_space<hbm>>) dst(%arg11 : memref<40xi32, #tpu.memory_space<vmem>>)
        %dma_start3A_120 = arith.constant 0 : i32
        %dma_start3A_121 = arith.constant 0 : i32
        %dma_start3A_122 = tpu.memref_slice %arg16[%dma_start3A_120, %dma_start3A_121] : memref<10000x128xf32, #tpu.memory_space<vmem_shared>> -> memref<10000x128xf32, #tpu.memory_space<vmem_shared>>
        tpu.enqueue_indirect_dma source(%arg15 : memref<40x128xf32, #tpu.memory_space<vmem>>) target(%dma_start3A_122 : memref<10000x128xf32, #tpu.memory_space<vmem_shared>>) offsets(%arg11 : memref<40xi32, #tpu.memory_space<vmem>>) semaphore(%arg28 : memref<!tpu.dma_semaphore, #tpu.memory_space<semaphore_mem>>) {add = true}
        %add3A_123 = arith.constant 3 : i32
        %add3A_124 = arith.addi %add3A_104, %add3A_123 : i32
        %lt3A_125 = arith.constant 125 : i32
        %lt3A_126 = arith.cmpi slt, %add3A_124, %lt3A_125 : i32
        %convert_element_type3A_127 = arith.extui %lt3A_126 : i1 to i32
        %cond3A_128 = arith.constant 0 : i32
        %cond3A_129 = arith.cmpi ne, %convert_element_type3A_127, %cond3A_128 : i32
        scf.if %cond3A_129 {
          %ge3A = arith.constant 4 : i32
          %ge3A_130 = arith.cmpi sge, %add3A_124, %ge3A : i32
          %convert_element_type3A_131 = arith.extui %ge3A_130 : i1 to i32
          %cond3A_132 = arith.constant 0 : i32
          %cond3A_133 = arith.cmpi ne, %convert_element_type3A_131, %cond3A_132 : i32
          scf.if %cond3A_133 {
            %dma_wait3A_146 = arith.constant 0 : i32
            %dma_wait3A_147 = arith.constant 0 : i32
            %dma_wait3A_148 = tpu.memref_slice %arg16[%dma_wait3A_146, %dma_wait3A_147] : memref<10000x128xf32, #tpu.memory_space<vmem_shared>> -> memref<40x128xf32, #tpu.memory_space<vmem_shared>>
            %dma_wait3A_149 = arith.constant 0 : i32
            %dma_wait3A_150 = arith.constant 0 : i32
            %dma_wait3A_151 = tpu.memref_slice %arg16[%dma_wait3A_149, %dma_wait3A_150] : memref<10000x128xf32, #tpu.memory_space<vmem_shared>> -> memref<40x128xf32, #tpu.memory_space<vmem_shared>>
            tpu.wait_dma2 semaphore(%arg27 : memref<!tpu.dma_semaphore, #tpu.memory_space<semaphore_mem>>) src(%arg14 : memref<40x128xf32, #tpu.memory_space<vmem>>) dst(%dma_wait3A_151 : memref<40x128xf32, #tpu.memory_space<vmem_shared>>)
          } else {
          }
          %mul3A_134 = arith.constant 40 : i32
          %mul3A_135 = arith.muli %add3A_124, %mul3A_134 : i32
          %add3A_136 = arith.addi %add3A_4, %mul3A_135 : i32
          %dma_start3A_137 = tpu.memref_slice %arg4[%add3A_136] : memref<320000xi32, #tpu.memory_space<hbm>> -> memref<40xi32, #tpu.memory_space<hbm>>
          %dma_start3A_138 = tpu.memref_slice %arg4[%add3A_136] : memref<320000xi32, #tpu.memory_space<hbm>> -> memref<40xi32, #tpu.memory_space<hbm>>
          tpu.enqueue_dma source(%dma_start3A_138 : memref<40xi32, #tpu.memory_space<hbm>>) target(%arg10 : memref<40xi32, #tpu.memory_space<vmem>>) target_semaphore(%arg19 : memref<!tpu.dma_semaphore, #tpu.memory_space<semaphore_mem>>)
          %mul3A_139 = arith.constant 40 : i32
          %mul3A_140 = arith.muli %add3A_124, %mul3A_139 : i32
          %add3A_141 = arith.addi %mul3A_6, %mul3A_140 : i32
          %dma_start3A_142 = arith.constant 0 : i32
          %dma_start3A_143 = tpu.memref_slice %arg2[%add3A_141, %dma_start3A_142] : memref<160000x128xf32, #tpu.memory_space<hbm>> -> memref<40x128xf32, #tpu.memory_space<hbm>>
          %dma_start3A_144 = arith.constant 0 : i32
          %dma_start3A_145 = tpu.memref_slice %arg2[%add3A_141, %dma_start3A_144] : memref<160000x128xf32, #tpu.memory_space<hbm>> -> memref<40x128xf32, #tpu.memory_space<hbm>>
          tpu.enqueue_dma source(%dma_start3A_145 : memref<40x128xf32, #tpu.memory_space<hbm>>) target(%arg14 : memref<40x128xf32, #tpu.memory_space<vmem>>) target_semaphore(%arg23 : memref<!tpu.dma_semaphore, #tpu.memory_space<semaphore_mem>>)
        } else {
        }
      } else {
      }
    }
    %scan3A_44 = arith.constant 32 : i32
    %dma_wait3A = arith.constant 0 : i32
    %dma_wait3A_45 = arith.constant 0 : i32
    %dma_wait3A_46 = tpu.memref_slice %arg16[%dma_wait3A, %dma_wait3A_45] : memref<10000x128xf32, #tpu.memory_space<vmem_shared>> -> memref<40x128xf32, #tpu.memory_space<vmem_shared>>
    %dma_wait3A_47 = arith.constant 0 : i32
    %dma_wait3A_48 = arith.constant 0 : i32
    %dma_wait3A_49 = tpu.memref_slice %arg16[%dma_wait3A_47, %dma_wait3A_48] : memref<10000x128xf32, #tpu.memory_space<vmem_shared>> -> memref<40x128xf32, #tpu.memory_space<vmem_shared>>
    tpu.wait_dma2 semaphore(%arg25 : memref<!tpu.dma_semaphore, #tpu.memory_space<semaphore_mem>>) src(%arg12 : memref<40x128xf32, #tpu.memory_space<vmem>>) dst(%dma_wait3A_49 : memref<40x128xf32, #tpu.memory_space<vmem_shared>>)
    %dma_wait3A_50 = arith.constant 0 : i32
    %dma_wait3A_51 = arith.constant 0 : i32
    %dma_wait3A_52 = tpu.memref_slice %arg16[%dma_wait3A_50, %dma_wait3A_51] : memref<10000x128xf32, #tpu.memory_space<vmem_shared>> -> memref<40x128xf32, #tpu.memory_space<vmem_shared>>
    %dma_wait3A_53 = arith.constant 0 : i32
    %dma_wait3A_54 = arith.constant 0 : i32
    %dma_wait3A_55 = tpu.memref_slice %arg16[%dma_wait3A_53, %dma_wait3A_54] : memref<10000x128xf32, #tpu.memory_space<vmem_shared>> -> memref<40x128xf32, #tpu.memory_space<vmem_shared>>
    tpu.wait_dma2 semaphore(%arg26 : memref<!tpu.dma_semaphore, #tpu.memory_space<semaphore_mem>>) src(%arg13 : memref<40x128xf32, #tpu.memory_space<vmem>>) dst(%dma_wait3A_55 : memref<40x128xf32, #tpu.memory_space<vmem_shared>>)
    %dma_wait3A_56 = arith.constant 0 : i32
    %dma_wait3A_57 = arith.constant 0 : i32
    %dma_wait3A_58 = tpu.memref_slice %arg16[%dma_wait3A_56, %dma_wait3A_57] : memref<10000x128xf32, #tpu.memory_space<vmem_shared>> -> memref<40x128xf32, #tpu.memory_space<vmem_shared>>
    %dma_wait3A_59 = arith.constant 0 : i32
    %dma_wait3A_60 = arith.constant 0 : i32
    %dma_wait3A_61 = tpu.memref_slice %arg16[%dma_wait3A_59, %dma_wait3A_60] : memref<10000x128xf32, #tpu.memory_space<vmem_shared>> -> memref<40x128xf32, #tpu.memory_space<vmem_shared>>
    tpu.wait_dma2 semaphore(%arg27 : memref<!tpu.dma_semaphore, #tpu.memory_space<semaphore_mem>>) src(%arg14 : memref<40x128xf32, #tpu.memory_space<vmem>>) dst(%dma_wait3A_61 : memref<40x128xf32, #tpu.memory_space<vmem_shared>>)
    %dma_wait3A_62 = arith.constant 0 : i32
    %dma_wait3A_63 = arith.constant 0 : i32
    %dma_wait3A_64 = tpu.memref_slice %arg16[%dma_wait3A_62, %dma_wait3A_63] : memref<10000x128xf32, #tpu.memory_space<vmem_shared>> -> memref<40x128xf32, #tpu.memory_space<vmem_shared>>
    %dma_wait3A_65 = arith.constant 0 : i32
    %dma_wait3A_66 = arith.constant 0 : i32
    %dma_wait3A_67 = tpu.memref_slice %arg16[%dma_wait3A_65, %dma_wait3A_66] : memref<10000x128xf32, #tpu.memory_space<vmem_shared>> -> memref<40x128xf32, #tpu.memory_space<vmem_shared>>
    tpu.wait_dma2 semaphore(%arg28 : memref<!tpu.dma_semaphore, #tpu.memory_space<semaphore_mem>>) src(%arg15 : memref<40x128xf32, #tpu.memory_space<vmem>>) dst(%dma_wait3A_67 : memref<40x128xf32, #tpu.memory_space<vmem_shared>>)
    %barrier3A_68 = arith.constant 0 : index
    tpu.barrier barrier_id(%barrier3A_68)
    "tpu.region"() ({
      %run_scoped3A = tpu.sem_alloc : memref<!tpu.dma_semaphore, #tpu.memory_space<semaphore_mem>>
      %dma_start3A_74 = arith.constant 0 : i32
      %dma_start3A_75 = tpu.memref_slice %arg6[%arg0, %mul3A_8, %dma_start3A_74] : memref<2x10000x128xf32, #tpu.memory_space<hbm>> -> memref<1x624x128xf32, #tpu.memory_space<hbm>>
      %dma_start3A_76 = tpu.memref_squeeze %dma_start3A_75 : memref<1x624x128xf32, #tpu.memory_space<hbm>> -> memref<624x128xf32, #tpu.memory_space<hbm>>
      %dma_start3A_77 = arith.constant 0 : i32
      %dma_start3A_78 = tpu.memref_slice %arg16[%mul3A_8, %dma_start3A_77] : memref<10000x128xf32, #tpu.memory_space<vmem_shared>> -> memref<624x128xf32, #tpu.memory_space<vmem_shared>>
      tpu.enqueue_dma source(%dma_start3A_78 : memref<624x128xf32, #tpu.memory_space<vmem_shared>>) target(%dma_start3A_76 : memref<624x128xf32, #tpu.memory_space<hbm>>) target_semaphore(%run_scoped3A : memref<!tpu.dma_semaphore, #tpu.memory_space<semaphore_mem>>)
      %dma_wait3A_79 = arith.constant 0 : i32
      %dma_wait3A_80 = tpu.memref_slice %arg6[%arg0, %mul3A_8, %dma_wait3A_79] : memref<2x10000x128xf32, #tpu.memory_space<hbm>> -> memref<1x624x128xf32, #tpu.memory_space<hbm>>
      %dma_wait3A_81 = tpu.memref_squeeze %dma_wait3A_80 : memref<1x624x128xf32, #tpu.memory_space<hbm>> -> memref<624x128xf32, #tpu.memory_space<hbm>>
      %dma_wait3A_82 = arith.constant 0 : i32
      %dma_wait3A_83 = tpu.memref_slice %arg16[%mul3A_8, %dma_wait3A_82] : memref<10000x128xf32, #tpu.memory_space<vmem_shared>> -> memref<624x128xf32, #tpu.memory_space<vmem_shared>>
      tpu.wait_dma2 semaphore(%run_scoped3A : memref<!tpu.dma_semaphore, #tpu.memory_space<semaphore_mem>>) src(%dma_wait3A_83 : memref<624x128xf32, #tpu.memory_space<vmem_shared>>) dst(%dma_wait3A_81 : memref<624x128xf32, #tpu.memory_space<hbm>>)
      tpu.yield
    }) : () -> ()
    %eq3A_69 = arith.constant 0 : i32
    %eq3A_70 = arith.cmpi eq, %arg1, %eq3A_69 : i32
    %convert_element_type3A_71 = arith.extui %eq3A_70 : i1 to i32
    %cond3A_72 = arith.constant 0 : i32
    %cond3A_73 = arith.cmpi ne, %convert_element_type3A_71, %cond3A_72 : i32
    scf.if %cond3A_73 {
      "tpu.region"() ({
        %run_scoped3A = tpu.sem_alloc : memref<!tpu.dma_semaphore, #tpu.memory_space<semaphore_mem>>
        %dma_start3A_74 = arith.constant 9984 : i32
        %dma_start3A_75 = arith.constant 0 : i32
        %dma_start3A_76 = tpu.memref_slice %arg6[%arg0, %dma_start3A_74, %dma_start3A_75] : memref<2x10000x128xf32, #tpu.memory_space<hbm>> -> memref<1x16x128xf32, #tpu.memory_space<hbm>>
        %dma_start3A_77 = tpu.memref_squeeze %dma_start3A_76 : memref<1x16x128xf32, #tpu.memory_space<hbm>> -> memref<16x128xf32, #tpu.memory_space<hbm>>
        %dma_start3A_78 = arith.constant 9984 : i32
        %dma_start3A_79 = arith.constant 0 : i32
        %dma_start3A_80 = tpu.memref_slice %arg16[%dma_start3A_78, %dma_start3A_79] : memref<10000x128xf32, #tpu.memory_space<vmem_shared>> -> memref<16x128xf32, #tpu.memory_space<vmem_shared>>
        tpu.enqueue_dma source(%dma_start3A_80 : memref<16x128xf32, #tpu.memory_space<vmem_shared>>) target(%dma_start3A_77 : memref<16x128xf32, #tpu.memory_space<hbm>>) target_semaphore(%run_scoped3A : memref<!tpu.dma_semaphore, #tpu.memory_space<semaphore_mem>>)
        %dma_wait3A_81 = arith.constant 9984 : i32
        %dma_wait3A_82 = arith.constant 0 : i32
        %dma_wait3A_83 = tpu.memref_slice %arg6[%arg0, %dma_wait3A_81, %dma_wait3A_82] : memref<2x10000x128xf32, #tpu.memory_space<hbm>> -> memref<1x16x128xf32, #tpu.memory_space<hbm>>
        %dma_wait3A_84 = tpu.memref_squeeze %dma_wait3A_83 : memref<1x16x128xf32, #tpu.memory_space<hbm>> -> memref<16x128xf32, #tpu.memory_space<hbm>>
        %dma_wait3A_85 = arith.constant 9984 : i32
        %dma_wait3A_86 = arith.constant 0 : i32
        %dma_wait3A_87 = tpu.memref_slice %arg16[%dma_wait3A_85, %dma_wait3A_86] : memref<10000x128xf32, #tpu.memory_space<vmem_shared>> -> memref<16x128xf32, #tpu.memory_space<vmem_shared>>
        tpu.wait_dma2 semaphore(%run_scoped3A : memref<!tpu.dma_semaphore, #tpu.memory_space<semaphore_mem>>) src(%dma_wait3A_87 : memref<16x128xf32, #tpu.memory_space<vmem_shared>>) dst(%dma_wait3A_84 : memref<16x128xf32, #tpu.memory_space<hbm>>)
        tpu.yield
      }) : () -> ()
    } else {
    }
    return
  }
}

module attributes {stable_mosaic.version = 14 : i64} {
  func.func @_tc_edge_body(%arg0: i32, %arg1: memref<1280x128xf32, #tpu.memory_space<vmem>>, %arg2: memref<1280x128xf32, #tpu.memory_space<vmem>>, %arg3: memref<1x1x1280xi32, #tpu.memory_space<vmem>>, %arg4: memref<256x128xf32, #tpu.memory_space<vmem>>, %arg5: memref<384x384xbf16, #tpu.memory_space<vmem>>, %arg6: memref<1x384xf32, #tpu.memory_space<vmem>>, %arg7: memref<384x128xbf16, #tpu.memory_space<vmem>>, %arg8: memref<1x128xf32, #tpu.memory_space<vmem>>, %arg9: memref<1280x128xf32, #tpu.memory_space<vmem>>, %arg10: memref<256x384xbf16, #tpu.memory_space<vmem>>) attributes {dimension_semantics = [#tpu.dimension_semantics<arbitrary>], iteration_bounds = array<i64: 125>, scalar_prefetch = 0 : i64, scratch_operands = 1 : i64, tpu.core_type = #tpu.core_type<tc>, window_params = [{transform_indices = @transform_0, window_bounds = array<i64: 1280, 128>}, {transform_indices = @transform_1, window_bounds = array<i64: 1280, 128>}, {transform_indices = @transform_2, window_bounds = array<i64: 1, 1, 1280>}, {pipeline_mode = #tpu.pipeline_mode<synchronous>, transform_indices = @transform_3, window_bounds = array<i64: 256, 128>}, {pipeline_mode = #tpu.pipeline_mode<synchronous>, transform_indices = @transform_4, window_bounds = array<i64: 384, 384>}, {pipeline_mode = #tpu.pipeline_mode<synchronous>, transform_indices = @transform_5, window_bounds = array<i64: 1, 384>}, {pipeline_mode = #tpu.pipeline_mode<synchronous>, transform_indices = @transform_6, window_bounds = array<i64: 384, 128>}, {pipeline_mode = #tpu.pipeline_mode<synchronous>, transform_indices = @transform_7, window_bounds = array<i64: 1, 128>}, {transform_indices = @transform_8, window_bounds = array<i64: 1280, 128>}]} {
    %eq3A = arith.constant 0 : i32
    %eq3A_0 = arith.cmpi eq, %arg0, %eq3A : i32
    %convert_element_type3A = arith.extui %eq3A_0 : i1 to i32
    %cond3A = arith.constant 0 : i32
    %cond3A_1 = arith.cmpi ne, %convert_element_type3A, %cond3A : i32
    scf.if %cond3A_1 {
      %get3A_43 = arith.constant 0 : index
      %get3A_44 = arith.constant 0 : index
      %get3A_45 = vector.load %arg4[%get3A_43, %get3A_44] : memref<256x128xf32, #tpu.memory_space<vmem>>, vector<256x128xf32>
      %convert_element_type3A_46 = arith.truncf %get3A_45 : vector<256x128xf32> to vector<256x128xbf16>
      %get3A_47 = arith.constant 256 : index
      %get3A_48 = arith.constant 0 : index
      %get3A_49 = vector.load %arg5[%get3A_47, %get3A_48] : memref<384x384xbf16, #tpu.memory_space<vmem>>, vector<128x384xbf16>
      %dot_general3A_50 = arith.constant dense<0.000000e+00> : vector<256x384xf32>
      %dot_general3A_51 = tpu.matmul %convert_element_type3A_46, %get3A_49, %dot_general3A_50 {dimension_numbers = #tpu.dot_dimension_numbers<[1], [0], [0], [1], [0, 0, 1, 1], [], []>, transpose_lhs_hint = false} : vector<256x128xbf16>, vector<128x384xbf16>, vector<256x384xf32> -> vector<256x384xf32>
      %get3A_52 = arith.constant 0 : index
      %get3A_53 = arith.constant 0 : index
      %get3A_54 = vector.load %arg6[%get3A_52, %get3A_53] : memref<1x384xf32, #tpu.memory_space<vmem>>, vector<1x384xf32>
      %add3A_55 = vector.broadcast %get3A_54 : vector<1x384xf32> to vector<256x384xf32>
      %add3A_56 = arith.addf %dot_general3A_51, %add3A_55 : vector<256x384xf32>
      %convert_element_type3A_57 = arith.truncf %add3A_56 : vector<256x384xf32> to vector<256x384xbf16>
      %swap3A_58 = arith.constant 0 : index
      %swap3A_59 = arith.constant 0 : index
      %swap3A_60 = vector.load %arg10[%swap3A_58, %swap3A_59] : memref<256x384xbf16, #tpu.memory_space<vmem>>, vector<256x384xbf16>
      tpu.vector_store %arg10[%swap3A_58, %swap3A_59], %convert_element_type3A_57 {strides = array<i32>} : memref<256x384xbf16, #tpu.memory_space<vmem>>, vector<256x384xbf16>,
    } else {
    }
    %get3A = arith.constant 0 : index
    %get3A_2 = arith.constant 0 : index
    %get3A_3 = arith.constant 0 : index
    %get3A_4 = vector.load %arg3[%get3A, %get3A_2, %get3A_3] : memref<1x1x1280xi32, #tpu.memory_space<vmem>>, vector<1x1x1280xi32>
    %get3A_5 = vector.shape_cast %get3A_4 : vector<1x1x1280xi32> to vector<1x1280xi32>
    %iota3A = tpu.iota {dimensions = array<i32: 0>} : vector<256x1280xi32>
    %eq3A_6 = vector.broadcast %get3A_5 : vector<1x1280xi32> to vector<256x1280xi32>
    %eq3A_7 = arith.cmpi eq, %iota3A, %eq3A_6 : vector<256x1280xi32>
    %convert_element_type3A_8 = arith.extui %eq3A_7 : vector<256x1280xi1> to vector<256x1280xi32>
    %convert_element_type3A_9 = arith.sitofp %convert_element_type3A_8 : vector<256x1280xi32> to vector<256x1280xf32>
    %convert_element_type3A_10 = arith.truncf %convert_element_type3A_9 : vector<256x1280xf32> to vector<256x1280xbf16>
    %get3A_11 = arith.constant 0 : index
    %get3A_12 = arith.constant 0 : index
    %get3A_13 = vector.load %arg10[%get3A_11, %get3A_12] : memref<256x384xbf16, #tpu.memory_space<vmem>>, vector<256x384xbf16>
    %dot_general3A = arith.constant dense<0.000000e+00> : vector<1280x384xf32>
    %dot_general3A_14 = tpu.matmul %convert_element_type3A_10, %get3A_13, %dot_general3A {dimension_numbers = #tpu.dot_dimension_numbers<[0], [0], [1], [1], [0, 1, 1, 1], [], []>, transpose_lhs_hint = false} : vector<256x1280xbf16>, vector<256x384xbf16>, vector<1280x384xf32> -> vector<1280x384xf32>
    %get3A_15 = arith.constant 0 : index
    %get3A_16 = arith.constant 0 : index
    %get3A_17 = vector.load %arg1[%get3A_15, %get3A_16] : memref<1280x128xf32, #tpu.memory_space<vmem>>, vector<1280x128xf32>
    %convert_element_type3A_18 = arith.truncf %get3A_17 : vector<1280x128xf32> to vector<1280x128xbf16>
    %get3A_19 = arith.constant 0 : index
    %get3A_20 = arith.constant 0 : index
    %get3A_21 = vector.load %arg2[%get3A_19, %get3A_20] : memref<1280x128xf32, #tpu.memory_space<vmem>>, vector<1280x128xf32>
    %convert_element_type3A_22 = arith.truncf %get3A_21 : vector<1280x128xf32> to vector<1280x128xbf16>
    %concatenate3A = tpu.concatenate %convert_element_type3A_18, %convert_element_type3A_22 in 1 : vector<1280x128xbf16>, vector<1280x128xbf16> -> vector<1280x256xbf16>
    %get3A_23 = arith.constant 0 : index
    %get3A_24 = arith.constant 0 : index
    %get3A_25 = vector.load %arg5[%get3A_23, %get3A_24] : memref<384x384xbf16, #tpu.memory_space<vmem>>, vector<256x384xbf16>
    %dot_general3A_26 = arith.constant dense<0.000000e+00> : vector<1280x384xf32>
    %dot_general3A_27 = tpu.matmul %concatenate3A, %get3A_25, %dot_general3A_26 {dimension_numbers = #tpu.dot_dimension_numbers<[1], [0], [0], [1], [0, 0, 1, 1], [], []>, transpose_lhs_hint = false} : vector<1280x256xbf16>, vector<256x384xbf16>, vector<1280x384xf32> -> vector<1280x384xf32>
    %add3A = arith.addf %dot_general3A_27, %dot_general3A_14 : vector<1280x384xf32>
    %max3A = arith.constant 0.000000e+00 : f32
    %max3A_28 = vector.broadcast %max3A : f32 to vector<1280x384xf32>
    %max3A_29 = arith.maximumf %add3A, %max3A_28 : vector<1280x384xf32>
    %convert_element_type3A_30 = arith.truncf %max3A_29 : vector<1280x384xf32> to vector<1280x384xbf16>
    %get3A_31 = arith.constant 0 : index
    %get3A_32 = arith.constant 0 : index
    %get3A_33 = vector.load %arg7[%get3A_31, %get3A_32] : memref<384x128xbf16, #tpu.memory_space<vmem>>, vector<384x128xbf16>
    %dot_general3A_34 = arith.constant dense<0.000000e+00> : vector<1280x128xf32>
    %dot_general3A_35 = tpu.matmul %convert_element_type3A_30, %get3A_33, %dot_general3A_34 {dimension_numbers = #tpu.dot_dimension_numbers<[1], [0], [0], [1], [0, 0, 1, 1], [], []>, transpose_lhs_hint = false} : vector<1280x384xbf16>, vector<384x128xbf16>, vector<1280x128xf32> -> vector<1280x128xf32>
    %get3A_36 = arith.constant 0 : index
    %get3A_37 = arith.constant 0 : index
    %get3A_38 = vector.load %arg8[%get3A_36, %get3A_37] : memref<1x128xf32, #tpu.memory_space<vmem>>, vector<1x128xf32>
    %add3A_39 = vector.broadcast %get3A_38 : vector<1x128xf32> to vector<1280x128xf32>
    %add3A_40 = arith.addf %dot_general3A_35, %add3A_39 : vector<1280x128xf32>
    %swap3A = arith.constant 0 : index
    %swap3A_41 = arith.constant 0 : index
    %swap3A_42 = vector.load %arg9[%swap3A, %swap3A_41] : memref<1280x128xf32, #tpu.memory_space<vmem>>, vector<1280x128xf32>
    tpu.vector_store %arg9[%swap3A, %swap3A_41], %add3A_40 {strides = array<i32>} : memref<1280x128xf32, #tpu.memory_space<vmem>>, vector<1280x128xf32>,
    return
  }
  func.func @transform_0(%arg0: i32) -> (i32, i32) {
    %c0_i32 = arith.constant 0 : i32
    %c0_i32_0 = arith.constant 0 : i32
    return %arg0, %c0_i32 : i32, i32
  }
  func.func @transform_1(%arg0: i32) -> (i32, i32) {
    %add3A = arith.constant 125 : i32
    %add3A_0 = arith.addi %arg0, %add3A : i32
    %c0_i32 = arith.constant 0 : i32
    %c0_i32_1 = arith.constant 0 : i32
    return %add3A_0, %c0_i32 : i32, i32
  }
  func.func @transform_2(%arg0: i32) -> (i32, i32, i32) {
    %c0_i32 = arith.constant 0 : i32
    %c0_i32_0 = arith.constant 0 : i32
    %c0_i32_1 = arith.constant 0 : i32
    return %arg0, %c0_i32, %c0_i32_0 : i32, i32, i32
  }
  func.func @transform_3(%arg0: i32) -> (i32, i32) {
    %c0_i32 = arith.constant 0 : i32
    %c0_i32_0 = arith.constant 0 : i32
    %c0_i32_1 = arith.constant 0 : i32
    return %c0_i32, %c0_i32_0 : i32, i32
  }
  func.func @transform_4(%arg0: i32) -> (i32, i32) {
    %c0_i32 = arith.constant 0 : i32
    %c0_i32_0 = arith.constant 0 : i32
    %c0_i32_1 = arith.constant 0 : i32
    return %c0_i32, %c0_i32_0 : i32, i32
  }
  func.func @transform_5(%arg0: i32) -> (i32, i32) {
    %c0_i32 = arith.constant 0 : i32
    %c0_i32_0 = arith.constant 0 : i32
    %c0_i32_1 = arith.constant 0 : i32
    return %c0_i32, %c0_i32_0 : i32, i32
  }
  func.func @transform_6(%arg0: i32) -> (i32, i32) {
    %c0_i32 = arith.constant 0 : i32
    %c0_i32_0 = arith.constant 0 : i32
    %c0_i32_1 = arith.constant 0 : i32
    return %c0_i32, %c0_i32_0 : i32, i32
  }
  func.func @transform_7(%arg0: i32) -> (i32, i32) {
    %c0_i32 = arith.constant 0 : i32
    %c0_i32_0 = arith.constant 0 : i32
    %c0_i32_1 = arith.constant 0 : i32
    return %c0_i32, %c0_i32_0 : i32, i32
  }
  func.func @transform_8(%arg0: i32) -> (i32, i32) {
    %c0_i32 = arith.constant 0 : i32
    %c0_i32_0 = arith.constant 0 : i32
    return %arg0, %c0_i32 : i32, i32
  }
}

module attributes {stable_mosaic.version = 14 : i64} {
  func.func @_tc_edge_body(%arg0: i32, %arg1: memref<1280x128xf32, #tpu.memory_space<vmem>>, %arg2: memref<1280x128xf32, #tpu.memory_space<vmem>>, %arg3: memref<1x1x1280xi32, #tpu.memory_space<vmem>>, %arg4: memref<256x128xf32, #tpu.memory_space<vmem>>, %arg5: memref<384x384xbf16, #tpu.memory_space<vmem>>, %arg6: memref<1x384xf32, #tpu.memory_space<vmem>>, %arg7: memref<384x128xbf16, #tpu.memory_space<vmem>>, %arg8: memref<1x128xf32, #tpu.memory_space<vmem>>, %arg9: memref<1280x128xf32, #tpu.memory_space<vmem>>, %arg10: memref<256x384xbf16, #tpu.memory_space<vmem>>) attributes {dimension_semantics = [#tpu.dimension_semantics<arbitrary>], iteration_bounds = array<i64: 125>, scalar_prefetch = 0 : i64, scratch_operands = 1 : i64, tpu.core_type = #tpu.core_type<tc>, window_params = [{transform_indices = @transform_0, window_bounds = array<i64: 1280, 128>}, {transform_indices = @transform_1, window_bounds = array<i64: 1280, 128>}, {transform_indices = @transform_2, window_bounds = array<i64: 1, 1, 1280>}, {pipeline_mode = #tpu.pipeline_mode<synchronous>, transform_indices = @transform_3, window_bounds = array<i64: 256, 128>}, {pipeline_mode = #tpu.pipeline_mode<synchronous>, transform_indices = @transform_4, window_bounds = array<i64: 384, 384>}, {pipeline_mode = #tpu.pipeline_mode<synchronous>, transform_indices = @transform_5, window_bounds = array<i64: 1, 384>}, {pipeline_mode = #tpu.pipeline_mode<synchronous>, transform_indices = @transform_6, window_bounds = array<i64: 384, 128>}, {pipeline_mode = #tpu.pipeline_mode<synchronous>, transform_indices = @transform_7, window_bounds = array<i64: 1, 128>}, {transform_indices = @transform_8, window_bounds = array<i64: 1280, 128>}]} {
    %eq3A = arith.constant 0 : i32
    %eq3A_0 = arith.cmpi eq, %arg0, %eq3A : i32
    %convert_element_type3A = arith.extui %eq3A_0 : i1 to i32
    %cond3A = arith.constant 0 : i32
    %cond3A_1 = arith.cmpi ne, %convert_element_type3A, %cond3A : i32
    scf.if %cond3A_1 {
      %get3A_43 = arith.constant 0 : index
      %get3A_44 = arith.constant 0 : index
      %get3A_45 = vector.load %arg4[%get3A_43, %get3A_44] : memref<256x128xf32, #tpu.memory_space<vmem>>, vector<256x128xf32>
      %convert_element_type3A_46 = arith.truncf %get3A_45 : vector<256x128xf32> to vector<256x128xbf16>
      %get3A_47 = arith.constant 256 : index
      %get3A_48 = arith.constant 0 : index
      %get3A_49 = vector.load %arg5[%get3A_47, %get3A_48] : memref<384x384xbf16, #tpu.memory_space<vmem>>, vector<128x384xbf16>
      %dot_general3A_50 = arith.constant dense<0.000000e+00> : vector<256x384xf32>
      %dot_general3A_51 = tpu.matmul %convert_element_type3A_46, %get3A_49, %dot_general3A_50 {dimension_numbers = #tpu.dot_dimension_numbers<[1], [0], [0], [1], [0, 0, 1, 1], [], []>, transpose_lhs_hint = false} : vector<256x128xbf16>, vector<128x384xbf16>, vector<256x384xf32> -> vector<256x384xf32>
      %get3A_52 = arith.constant 0 : index
      %get3A_53 = arith.constant 0 : index
      %get3A_54 = vector.load %arg6[%get3A_52, %get3A_53] : memref<1x384xf32, #tpu.memory_space<vmem>>, vector<1x384xf32>
      %add3A_55 = vector.broadcast %get3A_54 : vector<1x384xf32> to vector<256x384xf32>
      %add3A_56 = arith.addf %dot_general3A_51, %add3A_55 : vector<256x384xf32>
      %convert_element_type3A_57 = arith.truncf %add3A_56 : vector<256x384xf32> to vector<256x384xbf16>
      %swap3A_58 = arith.constant 0 : index
      %swap3A_59 = arith.constant 0 : index
      %swap3A_60 = vector.load %arg10[%swap3A_58, %swap3A_59] : memref<256x384xbf16, #tpu.memory_space<vmem>>, vector<256x384xbf16>
      tpu.vector_store %arg10[%swap3A_58, %swap3A_59], %convert_element_type3A_57 {strides = array<i32>} : memref<256x384xbf16, #tpu.memory_space<vmem>>, vector<256x384xbf16>,
    } else {
    }
    %get3A = arith.constant 0 : index
    %get3A_2 = arith.constant 0 : index
    %get3A_3 = arith.constant 0 : index
    %get3A_4 = vector.load %arg3[%get3A, %get3A_2, %get3A_3] : memref<1x1x1280xi32, #tpu.memory_space<vmem>>, vector<1x1x1280xi32>
    %get3A_5 = vector.shape_cast %get3A_4 : vector<1x1x1280xi32> to vector<1x1280xi32>
    %iota3A = tpu.iota {dimensions = array<i32: 0>} : vector<256x1280xi32>
    %eq3A_6 = vector.broadcast %get3A_5 : vector<1x1280xi32> to vector<256x1280xi32>
    %eq3A_7 = arith.cmpi eq, %iota3A, %eq3A_6 : vector<256x1280xi32>
    %convert_element_type3A_8 = arith.extui %eq3A_7 : vector<256x1280xi1> to vector<256x1280xi32>
    %convert_element_type3A_9 = arith.sitofp %convert_element_type3A_8 : vector<256x1280xi32> to vector<256x1280xf32>
    %convert_element_type3A_10 = arith.truncf %convert_element_type3A_9 : vector<256x1280xf32> to vector<256x1280xbf16>
    %get3A_11 = arith.constant 0 : index
    %get3A_12 = arith.constant 0 : index
    %get3A_13 = vector.load %arg10[%get3A_11, %get3A_12] : memref<256x384xbf16, #tpu.memory_space<vmem>>, vector<256x384xbf16>
    %dot_general3A = arith.constant dense<0.000000e+00> : vector<1280x384xf32>
    %dot_general3A_14 = tpu.matmul %convert_element_type3A_10, %get3A_13, %dot_general3A {dimension_numbers = #tpu.dot_dimension_numbers<[0], [0], [1], [1], [0, 1, 1, 1], [], []>, transpose_lhs_hint = false} : vector<256x1280xbf16>, vector<256x384xbf16>, vector<1280x384xf32> -> vector<1280x384xf32>
    %get3A_15 = arith.constant 0 : index
    %get3A_16 = arith.constant 0 : index
    %get3A_17 = vector.load %arg1[%get3A_15, %get3A_16] : memref<1280x128xf32, #tpu.memory_space<vmem>>, vector<1280x128xf32>
    %convert_element_type3A_18 = arith.truncf %get3A_17 : vector<1280x128xf32> to vector<1280x128xbf16>
    %get3A_19 = arith.constant 0 : index
    %get3A_20 = arith.constant 0 : index
    %get3A_21 = vector.load %arg2[%get3A_19, %get3A_20] : memref<1280x128xf32, #tpu.memory_space<vmem>>, vector<1280x128xf32>
    %convert_element_type3A_22 = arith.truncf %get3A_21 : vector<1280x128xf32> to vector<1280x128xbf16>
    %concatenate3A = tpu.concatenate %convert_element_type3A_18, %convert_element_type3A_22 in 1 : vector<1280x128xbf16>, vector<1280x128xbf16> -> vector<1280x256xbf16>
    %get3A_23 = arith.constant 0 : index
    %get3A_24 = arith.constant 0 : index
    %get3A_25 = vector.load %arg5[%get3A_23, %get3A_24] : memref<384x384xbf16, #tpu.memory_space<vmem>>, vector<256x384xbf16>
    %dot_general3A_26 = arith.constant dense<0.000000e+00> : vector<1280x384xf32>
    %dot_general3A_27 = tpu.matmul %concatenate3A, %get3A_25, %dot_general3A_26 {dimension_numbers = #tpu.dot_dimension_numbers<[1], [0], [0], [1], [0, 0, 1, 1], [], []>, transpose_lhs_hint = false} : vector<1280x256xbf16>, vector<256x384xbf16>, vector<1280x384xf32> -> vector<1280x384xf32>
    %add3A = arith.addf %dot_general3A_27, %dot_general3A_14 : vector<1280x384xf32>
    %max3A = arith.constant 0.000000e+00 : f32
    %max3A_28 = vector.broadcast %max3A : f32 to vector<1280x384xf32>
    %max3A_29 = arith.maximumf %add3A, %max3A_28 : vector<1280x384xf32>
    %convert_element_type3A_30 = arith.truncf %max3A_29 : vector<1280x384xf32> to vector<1280x384xbf16>
    %get3A_31 = arith.constant 0 : index
    %get3A_32 = arith.constant 0 : index
    %get3A_33 = vector.load %arg7[%get3A_31, %get3A_32] : memref<384x128xbf16, #tpu.memory_space<vmem>>, vector<384x128xbf16>
    %dot_general3A_34 = arith.constant dense<0.000000e+00> : vector<1280x128xf32>
    %dot_general3A_35 = tpu.matmul %convert_element_type3A_30, %get3A_33, %dot_general3A_34 {dimension_numbers = #tpu.dot_dimension_numbers<[1], [0], [0], [1], [0, 0, 1, 1], [], []>, transpose_lhs_hint = false} : vector<1280x384xbf16>, vector<384x128xbf16>, vector<1280x128xf32> -> vector<1280x128xf32>
    %get3A_36 = arith.constant 0 : index
    %get3A_37 = arith.constant 0 : index
    %get3A_38 = vector.load %arg8[%get3A_36, %get3A_37] : memref<1x128xf32, #tpu.memory_space<vmem>>, vector<1x128xf32>
    %add3A_39 = vector.broadcast %get3A_38 : vector<1x128xf32> to vector<1280x128xf32>
    %add3A_40 = arith.addf %dot_general3A_35, %add3A_39 : vector<1280x128xf32>
    %swap3A = arith.constant 0 : index
    %swap3A_41 = arith.constant 0 : index
    %swap3A_42 = vector.load %arg9[%swap3A, %swap3A_41] : memref<1280x128xf32, #tpu.memory_space<vmem>>, vector<1280x128xf32>
    tpu.vector_store %arg9[%swap3A, %swap3A_41], %add3A_40 {strides = array<i32>} : memref<1280x128xf32, #tpu.memory_space<vmem>>, vector<1280x128xf32>,
    return
  }
  func.func @transform_0(%arg0: i32) -> (i32, i32) {
    %c0_i32 = arith.constant 0 : i32
    %c0_i32_0 = arith.constant 0 : i32
    return %arg0, %c0_i32 : i32, i32
  }
  func.func @transform_1(%arg0: i32) -> (i32, i32) {
    %add3A = arith.constant 0 : i32
    %add3A_0 = arith.addi %arg0, %add3A : i32
    %c0_i32 = arith.constant 0 : i32
    %c0_i32_1 = arith.constant 0 : i32
    return %add3A_0, %c0_i32 : i32, i32
  }
  func.func @transform_2(%arg0: i32) -> (i32, i32, i32) {
    %c0_i32 = arith.constant 0 : i32
    %c0_i32_0 = arith.constant 0 : i32
    %c0_i32_1 = arith.constant 0 : i32
    return %arg0, %c0_i32, %c0_i32_0 : i32, i32, i32
  }
  func.func @transform_3(%arg0: i32) -> (i32, i32) {
    %c0_i32 = arith.constant 0 : i32
    %c0_i32_0 = arith.constant 0 : i32
    %c0_i32_1 = arith.constant 0 : i32
    return %c0_i32, %c0_i32_0 : i32, i32
  }
  func.func @transform_4(%arg0: i32) -> (i32, i32) {
    %c0_i32 = arith.constant 0 : i32
    %c0_i32_0 = arith.constant 0 : i32
    %c0_i32_1 = arith.constant 0 : i32
    return %c0_i32, %c0_i32_0 : i32, i32
  }
  func.func @transform_5(%arg0: i32) -> (i32, i32) {
    %c0_i32 = arith.constant 0 : i32
    %c0_i32_0 = arith.constant 0 : i32
    %c0_i32_1 = arith.constant 0 : i32
    return %c0_i32, %c0_i32_0 : i32, i32
  }
  func.func @transform_6(%arg0: i32) -> (i32, i32) {
    %c0_i32 = arith.constant 0 : i32
    %c0_i32_0 = arith.constant 0 : i32
    %c0_i32_1 = arith.constant 0 : i32
    return %c0_i32, %c0_i32_0 : i32, i32
  }
  func.func @transform_7(%arg0: i32) -> (i32, i32) {
    %c0_i32 = arith.constant 0 : i32
    %c0_i32_0 = arith.constant 0 : i32
    %c0_i32_1 = arith.constant 0 : i32
    return %c0_i32, %c0_i32_0 : i32, i32
  }
  func.func @transform_8(%arg0: i32) -> (i32, i32) {
    %c0_i32 = arith.constant 0 : i32
    %c0_i32_0 = arith.constant 0 : i32
    return %arg0, %c0_i32 : i32, i32
  }
}

module attributes {stable_mosaic.version = 14 : i64} {
  func.func @_tc_final_body(%arg0: i32, %arg1: memref<1000x128xf32, #tpu.memory_space<vmem>>, %arg2: memref<2x1000x128xf32, #tpu.memory_space<vmem>>, %arg3: memref<2x1000x128xf32, #tpu.memory_space<vmem>>, %arg4: memref<2x1000x128xf32, #tpu.memory_space<vmem>>, %arg5: memref<1x1x1000xi32, #tpu.memory_space<vmem>>, %arg6: memref<256x128xf32, #tpu.memory_space<vmem>>, %arg7: memref<384x384xf32, #tpu.memory_space<vmem>>, %arg8: memref<1x384xf32, #tpu.memory_space<vmem>>, %arg9: memref<384x128xf32, #tpu.memory_space<vmem>>, %arg10: memref<1x128xf32, #tpu.memory_space<vmem>>, %arg11: memref<384x384xf32, #tpu.memory_space<vmem>>, %arg12: memref<1x384xf32, #tpu.memory_space<vmem>>, %arg13: memref<384x128xf32, #tpu.memory_space<vmem>>, %arg14: memref<1x128xf32, #tpu.memory_space<vmem>>, %arg15: memref<1000x128xf32, #tpu.memory_space<vmem>>, %arg16: memref<256x128xf32, #tpu.memory_space<vmem>>, %arg17: memref<256x128xf32, #tpu.memory_space<vmem>>, %arg18: memref<256x128xf32, #tpu.memory_space<vmem>>, %arg19: memref<256x384xf32, #tpu.memory_space<vmem>>) attributes {dimension_semantics = [#tpu.dimension_semantics<arbitrary>], iteration_bounds = array<i64: 10>, scalar_prefetch = 0 : i64, scratch_operands = 3 : i64, tpu.core_type = #tpu.core_type<tc>, window_params = [{transform_indices = @transform_0, window_bounds = array<i64: 1000, 128>}, {transform_indices = @transform_1, window_bounds = array<i64: 2, 1000, 128>}, {transform_indices = @transform_2, window_bounds = array<i64: 2, 1000, 128>}, {transform_indices = @transform_3, window_bounds = array<i64: 2, 1000, 128>}, {transform_indices = @transform_4, window_bounds = array<i64: 1, 1, 1000>}, {pipeline_mode = #tpu.pipeline_mode<synchronous>, transform_indices = @transform_5, window_bounds = array<i64: 256, 128>}, {pipeline_mode = #tpu.pipeline_mode<synchronous>, transform_indices = @transform_6, window_bounds = array<i64: 384, 384>}, {pipeline_mode = #tpu.pipeline_mode<synchronous>, transform_indices = @transform_7, window_bounds = array<i64: 1, 384>}, {pipeline_mode = #tpu.pipeline_mode<synchronous>, transform_indices = @transform_8, window_bounds = array<i64: 384, 128>}, {pipeline_mode = #tpu.pipeline_mode<synchronous>, transform_indices = @transform_9, window_bounds = array<i64: 1, 128>}, {pipeline_mode = #tpu.pipeline_mode<synchronous>, transform_indices = @transform_10, window_bounds = array<i64: 384, 384>}, {pipeline_mode = #tpu.pipeline_mode<synchronous>, transform_indices = @transform_11, window_bounds = array<i64: 1, 384>}, {pipeline_mode = #tpu.pipeline_mode<synchronous>, transform_indices = @transform_12, window_bounds = array<i64: 384, 128>}, {pipeline_mode = #tpu.pipeline_mode<synchronous>, transform_indices = @transform_13, window_bounds = array<i64: 1, 128>}, {transform_indices = @transform_14, window_bounds = array<i64: 1000, 128>}, {pipeline_mode = #tpu.pipeline_mode<synchronous>, transform_indices = @transform_15, window_bounds = array<i64: 256, 128>}]} {
    %eq3A = arith.constant 0 : i32
    %eq3A_0 = arith.cmpi eq, %arg0, %eq3A : i32
    %convert_element_type3A = arith.extui %eq3A_0 : i1 to i32
    %cond3A = arith.constant 0 : i32
    %cond3A_1 = arith.cmpi ne, %convert_element_type3A, %cond3A : i32
    scf.if %cond3A_1 {
      %broadcast_in_dim3A = arith.constant 0.000000e+00 : f32
      %broadcast_in_dim3A_100 = vector.broadcast %broadcast_in_dim3A : f32 to vector<256x128xf32>
      %swap3A_101 = arith.constant 0 : index
      %swap3A_102 = arith.constant 0 : index
      %swap3A_103 = vector.load %arg17[%swap3A_101, %swap3A_102] : memref<256x128xf32, #tpu.memory_space<vmem>>, vector<256x128xf32>
      tpu.vector_store %arg17[%swap3A_101, %swap3A_102], %broadcast_in_dim3A_100 {strides = array<i32>} : memref<256x128xf32, #tpu.memory_space<vmem>>, vector<256x128xf32>,
      %broadcast_in_dim3A_104 = arith.constant 0.000000e+00 : f32
      %broadcast_in_dim3A_105 = vector.broadcast %broadcast_in_dim3A_104 : f32 to vector<256x128xf32>
      %swap3A_106 = arith.constant 0 : index
      %swap3A_107 = arith.constant 0 : index
      %swap3A_108 = vector.load %arg18[%swap3A_106, %swap3A_107] : memref<256x128xf32, #tpu.memory_space<vmem>>, vector<256x128xf32>
      tpu.vector_store %arg18[%swap3A_106, %swap3A_107], %broadcast_in_dim3A_105 {strides = array<i32>} : memref<256x128xf32, #tpu.memory_space<vmem>>, vector<256x128xf32>,
      %get3A_109 = arith.constant 0 : index
      %get3A_110 = arith.constant 0 : index
      %get3A_111 = vector.load %arg6[%get3A_109, %get3A_110] : memref<256x128xf32, #tpu.memory_space<vmem>>, vector<256x128xf32>
      %get3A_112 = arith.constant 256 : index
      %get3A_113 = arith.constant 0 : index
      %get3A_114 = vector.load %arg7[%get3A_112, %get3A_113] : memref<384x384xf32, #tpu.memory_space<vmem>>, vector<128x384xf32>
      %dot_general3A_115 = arith.constant dense<0.000000e+00> : vector<256x384xf32>
      %dot_general3A_116 = tpu.matmul %get3A_111, %get3A_114, %dot_general3A_115 {dimension_numbers = #tpu.dot_dimension_numbers<[1], [0], [0], [1], [0, 0, 1, 1], [], []>, transpose_lhs_hint = false} : vector<256x128xf32>, vector<128x384xf32>, vector<256x384xf32> -> vector<256x384xf32>
      %get3A_117 = arith.constant 0 : index
      %get3A_118 = arith.constant 0 : index
      %get3A_119 = vector.load %arg8[%get3A_117, %get3A_118] : memref<1x384xf32, #tpu.memory_space<vmem>>, vector<1x384xf32>
      %add3A_120 = vector.broadcast %get3A_119 : vector<1x384xf32> to vector<256x384xf32>
      %add3A_121 = arith.addf %dot_general3A_116, %add3A_120 : vector<256x384xf32>
      %swap3A_122 = arith.constant 0 : index
      %swap3A_123 = arith.constant 0 : index
      %swap3A_124 = vector.load %arg19[%swap3A_122, %swap3A_123] : memref<256x384xf32, #tpu.memory_space<vmem>>, vector<256x384xf32>
      tpu.vector_store %arg19[%swap3A_122, %swap3A_123], %add3A_121 {strides = array<i32>} : memref<256x384xf32, #tpu.memory_space<vmem>>, vector<256x384xf32>,
    } else {
    }
    %get3A = arith.constant 0 : index
    %get3A_2 = arith.constant 0 : index
    %get3A_3 = arith.constant 0 : index
    %get3A_4 = vector.load %arg2[%get3A, %get3A_2, %get3A_3] : memref<2x1000x128xf32, #tpu.memory_space<vmem>>, vector<1x1000x128xf32>
    %get3A_5 = vector.shape_cast %get3A_4 : vector<1x1000x128xf32> to vector<1000x128xf32>
    %get3A_6 = arith.constant 1 : index
    %get3A_7 = arith.constant 0 : index
    %get3A_8 = arith.constant 0 : index
    %get3A_9 = vector.load %arg2[%get3A_6, %get3A_7, %get3A_8] : memref<2x1000x128xf32, #tpu.memory_space<vmem>>, vector<1x1000x128xf32>
    %get3A_10 = vector.shape_cast %get3A_9 : vector<1x1000x128xf32> to vector<1000x128xf32>
    %add3A = arith.addf %get3A_5, %get3A_10 : vector<1000x128xf32>
    %get3A_11 = arith.constant 0 : index
    %get3A_12 = arith.constant 0 : index
    %get3A_13 = vector.load %arg1[%get3A_11, %get3A_12] : memref<1000x128xf32, #tpu.memory_space<vmem>>, vector<1000x128xf32>
    %add3A_14 = arith.addf %add3A, %get3A_13 : vector<1000x128xf32>
    %get3A_15 = arith.constant 0 : index
    %get3A_16 = arith.constant 0 : index
    %get3A_17 = arith.constant 0 : index
    %get3A_18 = vector.load %arg3[%get3A_15, %get3A_16, %get3A_17] : memref<2x1000x128xf32, #tpu.memory_space<vmem>>, vector<1x1000x128xf32>
    %get3A_19 = vector.shape_cast %get3A_18 : vector<1x1000x128xf32> to vector<1000x128xf32>
    %get3A_20 = arith.constant 1 : index
    %get3A_21 = arith.constant 0 : index
    %get3A_22 = arith.constant 0 : index
    %get3A_23 = vector.load %arg3[%get3A_20, %get3A_21, %get3A_22] : memref<2x1000x128xf32, #tpu.memory_space<vmem>>, vector<1x1000x128xf32>
    %get3A_24 = vector.shape_cast %get3A_23 : vector<1x1000x128xf32> to vector<1000x128xf32>
    %add3A_25 = arith.addf %get3A_19, %get3A_24 : vector<1000x128xf32>
    %get3A_26 = arith.constant 0 : index
    %get3A_27 = arith.constant 0 : index
    %get3A_28 = arith.constant 0 : index
    %get3A_29 = vector.load %arg4[%get3A_26, %get3A_27, %get3A_28] : memref<2x1000x128xf32, #tpu.memory_space<vmem>>, vector<1x1000x128xf32>
    %get3A_30 = vector.shape_cast %get3A_29 : vector<1x1000x128xf32> to vector<1000x128xf32>
    %get3A_31 = arith.constant 1 : index
    %get3A_32 = arith.constant 0 : index
    %get3A_33 = arith.constant 0 : index
    %get3A_34 = vector.load %arg4[%get3A_31, %get3A_32, %get3A_33] : memref<2x1000x128xf32, #tpu.memory_space<vmem>>, vector<1x1000x128xf32>
    %get3A_35 = vector.shape_cast %get3A_34 : vector<1x1000x128xf32> to vector<1000x128xf32>
    %add3A_36 = arith.addf %get3A_30, %get3A_35 : vector<1000x128xf32>
    %add3A_37 = arith.addf %add3A_25, %add3A_36 : vector<1000x128xf32>
    %get3A_38 = arith.constant 0 : index
    %get3A_39 = arith.constant 0 : index
    %get3A_40 = arith.constant 0 : index
    %get3A_41 = vector.load %arg5[%get3A_38, %get3A_39, %get3A_40] : memref<1x1x1000xi32, #tpu.memory_space<vmem>>, vector<1x1x1000xi32>
    %get3A_42 = vector.shape_cast %get3A_41 : vector<1x1x1000xi32> to vector<1x1000xi32>
    %iota3A = tpu.iota {dimensions = array<i32: 0>} : vector<256x1000xi32>
    %eq3A_43 = vector.broadcast %get3A_42 : vector<1x1000xi32> to vector<256x1000xi32>
    %eq3A_44 = arith.cmpi eq, %iota3A, %eq3A_43 : vector<256x1000xi32>
    %convert_element_type3A_45 = arith.extui %eq3A_44 : vector<256x1000xi1> to vector<256x1000xi32>
    %convert_element_type3A_46 = arith.sitofp %convert_element_type3A_45 : vector<256x1000xi32> to vector<256x1000xf32>
    %get3A_47 = arith.constant 0 : index
    %get3A_48 = arith.constant 0 : index
    %get3A_49 = vector.load %arg19[%get3A_47, %get3A_48] : memref<256x384xf32, #tpu.memory_space<vmem>>, vector<256x384xf32>
    %dot_general3A = arith.constant dense<0.000000e+00> : vector<1000x384xf32>
    %dot_general3A_50 = tpu.matmul %convert_element_type3A_46, %get3A_49, %dot_general3A {dimension_numbers = #tpu.dot_dimension_numbers<[0], [0], [1], [1], [0, 1, 1, 1], [], []>, transpose_lhs_hint = false} : vector<256x1000xf32>, vector<256x384xf32>, vector<1000x384xf32> -> vector<1000x384xf32>
    %get3A_51 = arith.constant 0 : index
    %get3A_52 = arith.constant 0 : index
    %get3A_53 = vector.load %arg7[%get3A_51, %get3A_52] : memref<384x384xf32, #tpu.memory_space<vmem>>, vector<128x384xf32>
    %dot_general3A_54 = arith.constant dense<0.000000e+00> : vector<1000x384xf32>
    %dot_general3A_55 = tpu.matmul %add3A_14, %get3A_53, %dot_general3A_54 {dimension_numbers = #tpu.dot_dimension_numbers<[1], [0], [0], [1], [0, 0, 1, 1], [], []>, transpose_lhs_hint = false} : vector<1000x128xf32>, vector<128x384xf32>, vector<1000x384xf32> -> vector<1000x384xf32>
    %get3A_56 = arith.constant 128 : index
    %get3A_57 = arith.constant 0 : index
    %get3A_58 = vector.load %arg7[%get3A_56, %get3A_57] : memref<384x384xf32, #tpu.memory_space<vmem>>, vector<128x384xf32>
    %dot_general3A_59 = arith.constant dense<0.000000e+00> : vector<1000x384xf32>
    %dot_general3A_60 = tpu.matmul %add3A_37, %get3A_58, %dot_general3A_59 {dimension_numbers = #tpu.dot_dimension_numbers<[1], [0], [0], [1], [0, 0, 1, 1], [], []>, transpose_lhs_hint = false} : vector<1000x128xf32>, vector<128x384xf32>, vector<1000x384xf32> -> vector<1000x384xf32>
    %add3A_61 = arith.addf %dot_general3A_55, %dot_general3A_60 : vector<1000x384xf32>
    %add3A_62 = arith.addf %add3A_61, %dot_general3A_50 : vector<1000x384xf32>
    %max3A = arith.constant 0.000000e+00 : f32
    %max3A_63 = vector.broadcast %max3A : f32 to vector<1000x384xf32>
    %max3A_64 = arith.maximumf %add3A_62, %max3A_63 : vector<1000x384xf32>
    %get3A_65 = arith.constant 0 : index
    %get3A_66 = arith.constant 0 : index
    %get3A_67 = vector.load %arg9[%get3A_65, %get3A_66] : memref<384x128xf32, #tpu.memory_space<vmem>>, vector<384x128xf32>
    %dot_general3A_68 = arith.constant dense<0.000000e+00> : vector<1000x128xf32>
    %dot_general3A_69 = tpu.matmul %max3A_64, %get3A_67, %dot_general3A_68 {dimension_numbers = #tpu.dot_dimension_numbers<[1], [0], [0], [1], [0, 0, 1, 1], [], []>, transpose_lhs_hint = false} : vector<1000x384xf32>, vector<384x128xf32>, vector<1000x128xf32> -> vector<1000x128xf32>
    %get3A_70 = arith.constant 0 : index
    %get3A_71 = arith.constant 0 : index
    %get3A_72 = vector.load %arg10[%get3A_70, %get3A_71] : memref<1x128xf32, #tpu.memory_space<vmem>>, vector<1x128xf32>
    %add3A_73 = vector.broadcast %get3A_72 : vector<1x128xf32> to vector<1000x128xf32>
    %add3A_74 = arith.addf %dot_general3A_69, %add3A_73 : vector<1000x128xf32>
    %swap3A = arith.constant 0 : index
    %swap3A_75 = arith.constant 0 : index
    %swap3A_76 = vector.load %arg15[%swap3A, %swap3A_75] : memref<1000x128xf32, #tpu.memory_space<vmem>>, vector<1000x128xf32>
    tpu.vector_store %arg15[%swap3A, %swap3A_75], %add3A_74 {strides = array<i32>} : memref<1000x128xf32, #tpu.memory_space<vmem>>, vector<1000x128xf32>,
    %get3A_77 = arith.constant 0 : index
    %get3A_78 = arith.constant 0 : index
    %get3A_79 = vector.load %arg17[%get3A_77, %get3A_78] : memref<256x128xf32, #tpu.memory_space<vmem>>, vector<256x128xf32>
    %dot_general3A_80 = arith.constant dense<0.000000e+00> : vector<256x128xf32>
    %dot_general3A_81 = tpu.matmul %convert_element_type3A_46, %add3A_74, %dot_general3A_80 {dimension_numbers = #tpu.dot_dimension_numbers<[1], [0], [0], [1], [0, 0, 1, 1], [], []>, transpose_lhs_hint = false} : vector<256x1000xf32>, vector<1000x128xf32>, vector<256x128xf32> -> vector<256x128xf32>
    %add3A_82 = arith.addf %get3A_79, %dot_general3A_81 : vector<256x128xf32>
    %swap3A_83 = arith.constant 0 : index
    %swap3A_84 = arith.constant 0 : index
    %swap3A_85 = vector.load %arg17[%swap3A_83, %swap3A_84] : memref<256x128xf32, #tpu.memory_space<vmem>>, vector<256x128xf32>
    tpu.vector_store %arg17[%swap3A_83, %swap3A_84], %add3A_82 {strides = array<i32>} : memref<256x128xf32, #tpu.memory_space<vmem>>, vector<256x128xf32>,
    %get3A_86 = arith.constant 0 : index
    %get3A_87 = arith.constant 0 : index
    %get3A_88 = vector.load %arg18[%get3A_86, %get3A_87] : memref<256x128xf32, #tpu.memory_space<vmem>>, vector<256x128xf32>
    %dot_general3A_89 = arith.constant dense<0.000000e+00> : vector<256x128xf32>
    %dot_general3A_90 = tpu.matmul %convert_element_type3A_46, %add3A_37, %dot_general3A_89 {dimension_numbers = #tpu.dot_dimension_numbers<[1], [0], [0], [1], [0, 0, 1, 1], [], []>, transpose_lhs_hint = false} : vector<256x1000xf32>, vector<1000x128xf32>, vector<256x128xf32> -> vector<256x128xf32>
    %add3A_91 = arith.addf %get3A_88, %dot_general3A_90 : vector<256x128xf32>
    %swap3A_92 = arith.constant 0 : index
    %swap3A_93 = arith.constant 0 : index
    %swap3A_94 = vector.load %arg18[%swap3A_92, %swap3A_93] : memref<256x128xf32, #tpu.memory_space<vmem>>, vector<256x128xf32>
    tpu.vector_store %arg18[%swap3A_92, %swap3A_93], %add3A_91 {strides = array<i32>} : memref<256x128xf32, #tpu.memory_space<vmem>>, vector<256x128xf32>,
    %eq3A_95 = arith.constant 9 : i32
    %eq3A_96 = arith.cmpi eq, %arg0, %eq3A_95 : i32
    %convert_element_type3A_97 = arith.extui %eq3A_96 : i1 to i32
    %cond3A_98 = arith.constant 0 : i32
    %cond3A_99 = arith.cmpi ne, %convert_element_type3A_97, %cond3A_98 : i32
    scf.if %cond3A_99 {
      %get3A_100 = arith.constant 0 : index
      %get3A_101 = arith.constant 0 : index
      %get3A_102 = vector.load %arg17[%get3A_100, %get3A_101] : memref<256x128xf32, #tpu.memory_space<vmem>>, vector<256x128xf32>
      %get3A_103 = arith.constant 0 : index
      %get3A_104 = arith.constant 0 : index
      %get3A_105 = vector.load %arg11[%get3A_103, %get3A_104] : memref<384x384xf32, #tpu.memory_space<vmem>>, vector<128x384xf32>
      %dot_general3A_106 = arith.constant dense<0.000000e+00> : vector<256x384xf32>
      %dot_general3A_107 = tpu.matmul %get3A_102, %get3A_105, %dot_general3A_106 {dimension_numbers = #tpu.dot_dimension_numbers<[1], [0], [0], [1], [0, 0, 1, 1], [], []>, transpose_lhs_hint = false} : vector<256x128xf32>, vector<128x384xf32>, vector<256x384xf32> -> vector<256x384xf32>
      %get3A_108 = arith.constant 0 : index
      %get3A_109 = arith.constant 0 : index
      %get3A_110 = vector.load %arg18[%get3A_108, %get3A_109] : memref<256x128xf32, #tpu.memory_space<vmem>>, vector<256x128xf32>
      %mul3A = arith.constant 5.000000e-01 : f32
      %mul3A_111 = vector.broadcast %mul3A : f32 to vector<256x128xf32>
      %mul3A_112 = arith.mulf %mul3A_111, %get3A_110 : vector<256x128xf32>
      %get3A_113 = arith.constant 128 : index
      %get3A_114 = arith.constant 0 : index
      %get3A_115 = vector.load %arg11[%get3A_113, %get3A_114] : memref<384x384xf32, #tpu.memory_space<vmem>>, vector<128x384xf32>
      %dot_general3A_116 = arith.constant dense<0.000000e+00> : vector<256x384xf32>
      %dot_general3A_117 = tpu.matmul %mul3A_112, %get3A_115, %dot_general3A_116 {dimension_numbers = #tpu.dot_dimension_numbers<[1], [0], [0], [1], [0, 0, 1, 1], [], []>, transpose_lhs_hint = false} : vector<256x128xf32>, vector<128x384xf32>, vector<256x384xf32> -> vector<256x384xf32>
      %add3A_118 = arith.addf %dot_general3A_107, %dot_general3A_117 : vector<256x384xf32>
      %get3A_119 = arith.constant 0 : index
      %get3A_120 = arith.constant 0 : index
      %get3A_121 = vector.load %arg6[%get3A_119, %get3A_120] : memref<256x128xf32, #tpu.memory_space<vmem>>, vector<256x128xf32>
      %get3A_122 = arith.constant 256 : index
      %get3A_123 = arith.constant 0 : index
      %get3A_124 = vector.load %arg11[%get3A_122, %get3A_123] : memref<384x384xf32, #tpu.memory_space<vmem>>, vector<128x384xf32>
      %dot_general3A_125 = arith.constant dense<0.000000e+00> : vector<256x384xf32>
      %dot_general3A_126 = tpu.matmul %get3A_121, %get3A_124, %dot_general3A_125 {dimension_numbers = #tpu.dot_dimension_numbers<[1], [0], [0], [1], [0, 0, 1, 1], [], []>, transpose_lhs_hint = false} : vector<256x128xf32>, vector<128x384xf32>, vector<256x384xf32> -> vector<256x384xf32>
      %add3A_127 = arith.addf %add3A_118, %dot_general3A_126 : vector<256x384xf32>
      %get3A_128 = arith.constant 0 : index
      %get3A_129 = arith.constant 0 : index
      %get3A_130 = vector.load %arg12[%get3A_128, %get3A_129] : memref<1x384xf32, #tpu.memory_space<vmem>>, vector<1x384xf32>
      %add3A_131 = vector.broadcast %get3A_130 : vector<1x384xf32> to vector<256x384xf32>
      %add3A_132 = arith.addf %add3A_127, %add3A_131 : vector<256x384xf32>
      %max3A_133 = arith.constant 0.000000e+00 : f32
      %max3A_134 = vector.broadcast %max3A_133 : f32 to vector<256x384xf32>
      %max3A_135 = arith.maximumf %add3A_132, %max3A_134 : vector<256x384xf32>
      %get3A_136 = arith.constant 0 : index
      %get3A_137 = arith.constant 0 : index
      %get3A_138 = vector.load %arg13[%get3A_136, %get3A_137] : memref<384x128xf32, #tpu.memory_space<vmem>>, vector<384x128xf32>
      %dot_general3A_139 = arith.constant dense<0.000000e+00> : vector<256x128xf32>
      %dot_general3A_140 = tpu.matmul %max3A_135, %get3A_138, %dot_general3A_139 {dimension_numbers = #tpu.dot_dimension_numbers<[1], [0], [0], [1], [0, 0, 1, 1], [], []>, transpose_lhs_hint = false} : vector<256x384xf32>, vector<384x128xf32>, vector<256x128xf32> -> vector<256x128xf32>
      %get3A_141 = arith.constant 0 : index
      %get3A_142 = arith.constant 0 : index
      %get3A_143 = vector.load %arg14[%get3A_141, %get3A_142] : memref<1x128xf32, #tpu.memory_space<vmem>>, vector<1x128xf32>
      %add3A_144 = vector.broadcast %get3A_143 : vector<1x128xf32> to vector<256x128xf32>
      %add3A_145 = arith.addf %dot_general3A_140, %add3A_144 : vector<256x128xf32>
      %swap3A_146 = arith.constant 0 : index
      %swap3A_147 = arith.constant 0 : index
      %swap3A_148 = vector.load %arg16[%swap3A_146, %swap3A_147] : memref<256x128xf32, #tpu.memory_space<vmem>>, vector<256x128xf32>
      tpu.vector_store %arg16[%swap3A_146, %swap3A_147], %add3A_145 {strides = array<i32>} : memref<256x128xf32, #tpu.memory_space<vmem>>, vector<256x128xf32>,
    } else {
    }
    return
  }
  func.func @transform_0(%arg0: i32) -> (i32, i32) {
    %c0_i32 = arith.constant 0 : i32
    %c0_i32_0 = arith.constant 0 : i32
    return %arg0, %c0_i32 : i32, i32
  }
  func.func @transform_1(%arg0: i32) -> (i32, i32, i32) {
    %c0_i32 = arith.constant 0 : i32
    %c0_i32_0 = arith.constant 0 : i32
    %c0_i32_1 = arith.constant 0 : i32
    return %c0_i32, %arg0, %c0_i32_0 : i32, i32, i32
  }
  func.func @transform_2(%arg0: i32) -> (i32, i32, i32) {
    %c0_i32 = arith.constant 0 : i32
    %c0_i32_0 = arith.constant 0 : i32
    %c0_i32_1 = arith.constant 0 : i32
    return %c0_i32, %arg0, %c0_i32_0 : i32, i32, i32
  }
  func.func @transform_3(%arg0: i32) -> (i32, i32, i32) {
    %c0_i32 = arith.constant 0 : i32
    %c0_i32_0 = arith.constant 0 : i32
    %c0_i32_1 = arith.constant 0 : i32
    return %c0_i32, %arg0, %c0_i32_0 : i32, i32, i32
  }
  func.func @transform_4(%arg0: i32) -> (i32, i32, i32) {
    %c0_i32 = arith.constant 0 : i32
    %c0_i32_0 = arith.constant 0 : i32
    %c0_i32_1 = arith.constant 0 : i32
    return %arg0, %c0_i32, %c0_i32_0 : i32, i32, i32
  }
  func.func @transform_5(%arg0: i32) -> (i32, i32) {
    %c0_i32 = arith.constant 0 : i32
    %c0_i32_0 = arith.constant 0 : i32
    %c0_i32_1 = arith.constant 0 : i32
    return %c0_i32, %c0_i32_0 : i32, i32
  }
  func.func @transform_6(%arg0: i32) -> (i32, i32) {
    %c0_i32 = arith.constant 0 : i32
    %c0_i32_0 = arith.constant 0 : i32
    %c0_i32_1 = arith.constant 0 : i32
    return %c0_i32, %c0_i32_0 : i32, i32
  }
  func.func @transform_7(%arg0: i32) -> (i32, i32) {
    %c0_i32 = arith.constant 0 : i32
    %c0_i32_0 = arith.constant 0 : i32
    %c0_i32_1 = arith.constant 0 : i32
    return %c0_i32, %c0_i32_0 : i32, i32
  }
  func.func @transform_8(%arg0: i32) -> (i32, i32) {
    %c0_i32 = arith.constant 0 : i32
    %c0_i32_0 = arith.constant 0 : i32
    %c0_i32_1 = arith.constant 0 : i32
    return %c0_i32, %c0_i32_0 : i32, i32
  }
  func.func @transform_9(%arg0: i32) -> (i32, i32) {
    %c0_i32 = arith.constant 0 : i32
    %c0_i32_0 = arith.constant 0 : i32
    %c0_i32_1 = arith.constant 0 : i32
    return %c0_i32, %c0_i32_0 : i32, i32
  }
  func.func @transform_10(%arg0: i32) -> (i32, i32) {
    %c0_i32 = arith.constant 0 : i32
    %c0_i32_0 = arith.constant 0 : i32
    %c0_i32_1 = arith.constant 0 : i32
    return %c0_i32, %c0_i32_0 : i32, i32
  }
  func.func @transform_11(%arg0: i32) -> (i32, i32) {
    %c0_i32 = arith.constant 0 : i32
    %c0_i32_0 = arith.constant 0 : i32
    %c0_i32_1 = arith.constant 0 : i32
    return %c0_i32, %c0_i32_0 : i32, i32
  }
  func.func @transform_12(%arg0: i32) -> (i32, i32) {
    %c0_i32 = arith.constant 0 : i32
    %c0_i32_0 = arith.constant 0 : i32
    %c0_i32_1 = arith.constant 0 : i32
    return %c0_i32, %c0_i32_0 : i32, i32
  }
  func.func @transform_13(%arg0: i32) -> (i32, i32) {
    %c0_i32 = arith.constant 0 : i32
    %c0_i32_0 = arith.constant 0 : i32
    %c0_i32_1 = arith.constant 0 : i32
    return %c0_i32, %c0_i32_0 : i32, i32
  }
  func.func @transform_14(%arg0: i32) -> (i32, i32) {
    %c0_i32 = arith.constant 0 : i32
    %c0_i32_0 = arith.constant 0 : i32
    return %arg0, %c0_i32 : i32, i32
  }
  func.func @transform_15(%arg0: i32) -> (i32, i32) {
    %c0_i32 = arith.constant 0 : i32
    %c0_i32_0 = arith.constant 0 : i32
    %c0_i32_1 = arith.constant 0 : i32
    return %c0_i32, %c0_i32_0 : i32, i32
  }
}

</mosaic_0001>

<sc_bundles>
// kernel: kernel.10.cloned.1.call-start
scs
__scs_entry_jumppad:
0x0: {  	(pc) =	sbr.rel $0x88, $3  }
0x1: {  	(tag) =	ssettag $0x0;
	lr =	simm.s32 $0x1  }
0x2: {  	[smem:$0x3F90] =	sst lr;
	_ =	strace $0xD0000000  }
0x3: {  	_ = 	snop  }
0x4: {  	_ = 	snop  }
0x5: {  	_ = 	snop  }
0x6: {  	_ = 	snop  }
0x7: {  	_ = 	snop  }
__scs_overlays_trampoline_lowered:
0x8: {  	[smem:$0x3F9F] =	sst s0  }
0x9: {  	[smem:$0x3FA0] =	sst s1  }
0xa: {  	[smem:$0x3FA1] =	sst s2  }
0xb: {  	[smem:$0x3FA2] =	sst s3  }
0xc: {  	[smem:$0x3FA3] =	sst s4  }
0xd: {  	[smem:$0x3FA4] =	sst s5  }
0xe: {  	[smem:$0x3FA5] =	sst s6  }
0xf: {  	[smem:$0x3FA6] =	sst s7  }
0x10: {  	[smem:$0x3FA7] =	sst s8  }
0x11: {  	[smem:$0x3FA8] =	sst s9;
	s0 =	simm.s32 @!p0 $0x0  }
0x12: {  	s1 =	sld [smem:$0x3F8E];
	s0 =	simm.s32 @p0 $0x1  }
0x13: {  	[smem:$0x3FA9] =	sst s0;
	s0 =	simm.s32 @!p1 $0x0  }
0x14: {  	s2 =	sld [smem:$0x3F8D];
	s0 =	simm.s32 @p1 $0x1  }
0x15: {  	[smem:$0x3FAA] =	sst s0;
	s0 =	simm.s32 @!p2 $0x0  }
0x16: {  	s3 =	sld [smem:$0x3FDB];
	s0 =	simm.s32 @p2 $0x1  }
0x17: {  	s4 =	simm.s32 $0x1BF5;
	[smem:$0x3FAC] =	sst s0  }
0x18: {  	s0 =	sld [smem:$0x3F8F];
	_ =	swait.ge [sflag:s4], $0x0  }
0x19: {  	s7 =	sld [smem:$0x3F90]  }
0x1a: {  	s8 =	sadd.s32 $0xFFFFE003, lr  }
0x1b: {  	s9 =	sadd.s32 $0xFFFFFEF7, lr;
	s5 =	simm.s32 $0xFFFFFFFF;
	p2 =	slt.u32 s8, $0xFFFFF086  }
0x1c: {  	p1 =	slt.u32 s9, $0xF7A;
	s5 =	simm.s32 @!p2 $0x0  }
0x1d: {  	s5 =	simm.s32 @p1 $0x1;
	p0 =	seq.s32 s7, s2  }
0x1e: {  	s7 =	smul.u32 @!p0 $0xF7A, s2;
	p2 =	seq.s32 @!p0 s5, $0x0  }
0x1f: {  	s9 =	smul.u32 $0xF7A, s1;
	s8 =	simm.s32 @!p0 $0x1BF5;
	p2 =	por !p2, p0  }
0x20: {  	[sflag:s8] =	ssyncset.s32 @!p0 $0xFFFFF086;
	s6 =	sadd.s32 @!p0 s3, s7;
	s7 =	simm.s32 @!p0 $0x108  }
0x21: {  	s3 =	sadd.s32 s3, s9;
	s6 =	sadd.s32 @!p0 $0x88, s6;
	s7 =	simm.s32 @p2 $0x1082  }
0x22: {  	[simem:s7], [sflag:s8] =	dma.local @!p0 [hbm:s6], $0xF7A  }
0x23: {  	s9 =	sor.u32 $0xD0000000, s2;
	s6 =	simm.s32 $0x108;
	_ =	swait.ge @!p0 [sflag:s8], $0x0  }
0x24: {  	s3 =	sadd.s32 $0x88, s3;
	s6 =	simm.s32 @!p1 $0x1082;
	[sflag:s4] =	ssyncset.s32 $0xFFFFF086  }
0x25: {  	[simem:s6], [sflag:s4] =	dma.local [hbm:s3], $0xF7A  }
0x26: {  	[smem:$0x3F90] =	sst s1;
	(tag) =	ssettag s2;
	_ =	strace s9  }
0x27: {  	s1 =	sld [smem:$0x3FA0]  }
0x28: {  	s2 =	sld [smem:$0x3FA1]  }
0x29: {  	s4 =	sld [smem:$0x3FA3]  }
0x2a: {  	p0 =	seq.s32 s5, $0x0;
	s5 =	sld [smem:$0x3FA4]  }
0x2b: {  	s6 =	sld [smem:$0x3FA5]  }
0x2c: {  	s7 =	sld [smem:$0x3FA6]  }
0x2d: {  	s3 =	simm.s32 $0x108;
	s8 =	sld [smem:$0x3FA7]  }
0x2e: {  	s3 =	simm.s32 @!p0 $0x1082;
	s9 =	sld [smem:$0x3FA8]  }
0x2f: {  	lr =	sadd.s32 s0, s3;
	s0 =	sld [smem:$0x3F9F]  }
0x30: {  	s3 =	sld [smem:$0x3FA2]  }
0x31: {  	[smem:$0x3FAB] =	sst s10  }
0x32: {  	s10 =	sld [smem:$0x3FA9];
	_ =	sdelay $0x3  }
0x33: {  	p0 =	seq.s32 s10, $0x1;
	s10 =	sld [smem:$0x3FAB];
	_ =	sdelay $0x3  }
0x34: {  	[smem:$0x3FAB] =	sst s10  }
0x35: {  	s10 =	sld [smem:$0x3FAA];
	_ =	sdelay $0x3  }
0x36: {  	p1 =	seq.s32 s10, $0x1;
	s10 =	sld [smem:$0x3FAB];
	_ =	sdelay $0x3  }
0x37: {  	[smem:$0x3FAB] =	sst s10  }
0x38: {  	s10 =	sld [smem:$0x3FAC]  }
0x39: {  	_ = 	snop;
	(pc) =	sbr.ind lr, $3  }
0x3a: {  	_ = 	snop  }
0x3b: {  	_ = 	snop  }
0x3c: {  	p2 =	seq.s32 s10, $0x1;
	s10 =	sld [smem:$0x3FAB]  }
0x3d: {  	_ =	shalt  }
0x3e: {  	_ =	shalt  }
0x3f: {  	_ =	shalt  }
0x40: {  	_ =	shalt  }
0x41: {  	_ =	shalt  }
0x42: {  	_ =	shalt  }
0x43: {  	_ =	shalt  }
0x44: {  	_ =	shalt  }
0x45: {  	_ =	shalt  }
0x46: {  	_ =	shalt  }
0x47: {  	_ =	shalt  }
0x48: {  	_ =	shalt  }
0x49: {  	_ =	shalt  }
0x4a: {  	_ =	shalt  }
0x4b: {  	_ =	shalt  }
0x4c: {  	_ =	shalt  }
0x4d: {  	_ =	shalt  }
0x4e: {  	_ =	shalt  }
0x4f: {  	_ =	shalt  }
0x50: {  	_ =	shalt  }
0x51: {  	_ =	shalt  }
0x52: {  	_ =	shalt  }
0x53: {  	_ =	shalt  }
0x54: {  	_ =	shalt  }
0x55: {  	_ =	shalt  }
0x56: {  	_ =	shalt  }
0x57: {  	_ =	shalt  }
0x58: {  	_ =	shalt  }
0x59: {  	_ =	shalt  }
0x5a: {  	_ =	shalt  }
0x5b: {  	_ =	shalt  }
0x5c: {  	_ =	shalt  }
0x5d: {  	_ =	shalt  }
0x5e: {  	_ =	shalt  }
0x5f: {  	_ =	shalt  }
0x60: {  	_ =	shalt  }
0x61: {  	_ =	shalt  }
0x62: {  	_ =	shalt  }
0x63: {  	_ =	shalt  }
0x64: {  	_ =	shalt  }
0x65: {  	_ =	shalt  }
0x66: {  	_ =	shalt  }
0x67: {  	_ =	shalt  }
0x68: {  	_ =	shalt  }
0x69: {  	_ =	shalt  }
0x6a: {  	_ =	shalt  }
0x6b: {  	_ =	shalt  }
0x6c: {  	_ =	shalt  }
0x6d: {  	_ =	shalt  }
0x6e: {  	_ =	shalt  }
0x6f: {  	_ =	shalt  }
0x70: {  	_ =	shalt  }
0x71: {  	_ =	shalt  }
0x72: {  	_ =	shalt  }
0x73: {  	_ =	shalt  }
0x74: {  	_ =	shalt  }
0x75: {  	_ =	shalt  }
0x76: {  	_ =	shalt  }
0x77: {  	_ =	shalt  }
0x78: {  	_ =	shalt  }
0x79: {  	_ =	shalt  }
0x7a: {  	_ =	shalt  }
0x7b: {  	_ =	shalt  }
0x7c: {  	_ =	shalt  }
0x7d: {  	_ =	shalt  }
0x7e: {  	_ =	shalt  }
0x7f: {  	_ =	shalt  }
0x80: {  	_ =	shalt  }
0x81: {  	_ =	shalt  }
0x82: {  	_ =	shalt  }
0x83: {  	_ =	shalt  }
0x84: {  	_ =	shalt  }
0x85: {  	_ =	shalt  }
0x86: {  	_ =	shalt  }
0x87: {  	_ =	shalt  }
.Lfunc_end0:
.L_simem_size_0:
called_computation_lowered:
.L_overlay_start_0:
0x88: {  	s2 =	sld [smem:$0x3FD9]  }
0x89: {  	s3 =	sld [smem:$0x3FFE];
	_ =	sdelay $0x1  }
0x8a: {  	s1 =	srdreg.scid  }
0x8b: {  	s0 =	sand.u32 $0x1, s1  }
0x8c: {  	s15 =	sshll.u32 s0, $0xA;
	s2 =	sadd.s32 s3, s2  }
0x8d: {  	s2 =	sadd.s32 s2, s15  }
0x8e: {  	[smem:$0x3FB7] =	sst s2  }
0x8f: {  	_ = 	snop  }
0x90: {  	s4 =	sld [smem:$0x3FD0];
	_ =	sdelay $0x1  }
0x91: {  	s2 =	sld [smem:$0x3FC9]  }
0x92: {  	s5 =	simm.s32 $0xC;
	s6 =	simm.s32 $0x10;
	s16 =	sld [smem:$0x3FC5]  }
0x93: {  	[smem:s6], [sflag:s5] =	dma.local [hbm:s4], $0x1  }
0x94: {  	_ =	swait.eq [sflag:s5], $0x1  }
0x95: {  	[sflag:s5] =	ssyncset.done $0x0  }
0x96: {  	[sflag:s5] =	ssyncadd.s32 $0xFFFFFFFF  }
0x97: {  	s17 =	sld [smem:$0x11];
	(tm) =	ssettm $0x1  }
0x98: {  	s18 =	sld [smem:$0x3FFB];
	_ =	sdelay $0x3  }
0x99: {  	_ =	strace s18  }
0x9a: {  	s4 =	sld [smem:$0x3FFC];
	_ =	sdelay $0x3  }
0x9b: {  	_ =	strace s4  }
0x9c: {  	s4 =	sld [smem:$0x3FFD];
	_ =	sdelay $0x3  }
0x9d: {  	_ =	strace s4  }
0x9e: {  	_ =	strace $0x8FFFFFFF  }
0x9f: {  	s19 =	sld [smem:$0x3FDB];
	_ =	sdelay $0x1  }
0xa0: {  	s20 =	simm.s32 $_scs_section_size  }
0xa1: {  	s7 =	simm.s32 $_size__tile_overlayer_lowered;
	s8 =	simm.s32 $_tile_overlayer_lowered  }
0xa2: {  	s9 =	simm.s32 $0x1BFF;
	s21 =	sshll.u32 s8, $0x1;
	s6 =	sadd.s32 s20, s19  }
0xa3: {  	s22 =	simm.s32 $0x0;
	s7 =	sshll.u32 s7, $0x1;
	s8 =	sadd.s32 s21, s6  }
0xa4: {  	[timem:s22], [sflag:s9] =	dma.local [hbm:s8], s7  }
0xa5: {  	_ =	swait.ge [sflag:s9], s7  }
0xa6: {  	s7 =	ssub.s32 $0x0, s7;
	[sflag:s9] =	ssyncset.done $0x0  }
0xa7: {  	[sflag:s9] =	ssyncadd.s32 s7;
	_ =	sdelay $0x1  }
0xa8: {  	s23 =	simm.s32 $0x1B8B  }
0xa9: {  	_ =	swait.ge [sflag:s23], $0x1  }
0xaa: {  	[sflag:s23] =	ssyncset.done $0x0  }
0xab: {  	[sflag:s23] =	ssyncadd.s32 $0xFFFFFFFF  }
0xac: {  	s7 =	sld [smem:$0x0]  }
0xad: {  	s8 =	sand.u32 $0xFFFFFFFE, s1  }
0xae: {  	p0 =	sne.s32 s1, s8  }
0xaf: {  	s8 =	sshll.u32 @p0 s8, $0xE  }
0xb0: {  	s8 =	sadd.s32 @p0 $0x11B8D, s8;
	s9 =	sshll.u32 @p0 s7, $0x11  }
0xb1: {  	s8 =	sor.u32 @p0 s9, s8  }
0xb2: {  	[sflag:s8] =	ssyncadd.remote.s32 @p0 $0x1;
	_ =	sdelay $0x1  }
0xb3: {  	s8 =	simm.s32 @p0 $0x1B8D  }
0xb4: {  	_ =	swait.eq @p0 [sflag:s8], $0x1  }
0xb5: {  	[sflag:s8] =	ssyncadd.s32 @p0 $0xFFFFFFFF  }
0xb6: {  	s9 =	sshll.u32 @!p0 s1, $0xE  }
0xb7: {  	s9 =	sor.u32 @!p0 $0x4000, s9;
	s8 =	simm.s32 @!p0 $0x1B8D  }
0xb8: {  	s7 =	sshll.u32 @!p0 s7, $0x11;
	s9 =	sadd.s32 @!p0 $0x11B8D, s9;
	_ =	swait.eq @!p0 [sflag:s8], $0x1  }
0xb9: {  	s7 =	sor.u32 @!p0 s7, s9;
	[sflag:s8] =	ssyncadd.s32 @!p0 $0xFFFFFFFF  }
0xba: {  	s25 =	simm.s32 $0x1B8E;
	s24 =	sld [smem:$0x3FFE];
	[sflag:s7] =	ssyncadd.remote.s32 @!p0 $0x1  }
0xbb: {  	s26 =	simm.s32 $execute0_lowered;
	[smem:$0x3FD2] =	sst s25  }
0xbc: {  	s8 =	sshll.u32 s26, $0x1;
	_ =	strace $0x80000049;
	[dreg:$0x1] =	wrdreg $0xFFFFFFFF  }
0xbd: {  	s28 =	simm.s32 $_size_execute0_lowered;
	s6 =	sadd.s32 s6, s8;
	[dreg:$0x0] =	wrdreg $0x0  }
0xbe: {  	s8 =	sshll.u32 s28, $0x1;
	[dreg:$0x2] =	wrdreg s6  }
0xbf: {  	[dreg:$0x3] =	wrdreg s8  }
0xc0: {  	[dreg:$0x4] =	wrdreg $0xC0  }
0xc1: {  	_ =	task [dreg:s22], $0x5FFFF  }
0xc2: {  	[dreg:$0x1] =	wrdreg $0xFFFFFFFF  }
0xc3: {  	[dreg:$0x0] =	wrdreg $0x60  }
0xc4: {  	[dreg:$0x2] =	wrdreg s2  }
0xc5: {  	[dreg:$0x3] =	wrdreg s16  }
0xc6: {  	[dreg:$0x4] =	wrdreg s24  }
0xc7: {  	[dreg:$0x5] =	wrdreg s17  }
0xc8: {  	[dreg:$0x6] =	wrdreg $0xA  }
0xc9: {  	_ =	task.clear_ibuf [dreg:s22], $0x7FFFF;
	_ =	strace $0x90000049  }
0xca: {  	s29 =	simm.s32 $0xA;
	_ =	strace $0x8000004B  }
0xcb: {  	_ =	swait.ge [sflag:s29], $0x1  }
0xcc: {  	[sflag:s29] =	ssyncadd.s32 $0xFFFFFFFF  }
0xcd: {  	_ =	strace $0x9000004B  }
0xce: {  	_ =	sfence  }
0xcf: {  	s30 =	sld [smem:$0x0];
	_ =	sdelay $0x2  }
0xd0: {  	s31 =	sshll.u32 s1, $0xD;
	s1 =	sshrl.u32 s1, $0x2  }
0xd1: {  	s3 =	sand.u32 $0x4000, s31;
	s1 =	sadd.s32 s1, s30  }
0xd2: {  	s0 =	sor.u32 s3, s0;
	s1 =	sshll.u32 s1, $0x11  }
0xd3: {  	s0 =	sor.u32 s1, s0  }
0xd4: {  	s0 =	sadd.s32 $0x8F2B, s0  }
0xd5: {  	[sflag:s0] =	ssyncadd.remote.s32 $0x1  }
0xd6: {  	_ =	sfence.sel $0xFFFF  }
0xd7: {  	[dreg:$0x0] =	wrdreg $0xFFFFFFFF;
	(pc) =	sbr.abs _section_cstart, $3  }
0xd8: {  	[dreg:$0x1] =	wrdreg $0xFFFFFFFF  }
0xd9: {  	_ =	task.clear_ibuf [dreg:s22], $0x2FFFF;
	_ =	strace $0x9FFFFFFF  }
0xda: {  	(tm) =	ssettm $0x7FFFFFFF  }
0xdb: {  	_ =	shalt  }
tec
execute0_lowered:
.L_overlay_start_1:
0x0: {  	(tag) =	ssettag $0x1  }
0x1: {  	s1 =	rddreg [dreg:$0x0]  }
0x2: {  	s0 =	srdreg.scid;
	s2 =	rddreg [dreg:$0x2]  }
0x3: {  	s3 =	stileid.u32;
	s4 =	rddreg [dreg:$0x3]  }
0x4: {  	s5 =	simm.s32 $0x0;
	s12 =	simm.s32 $0x5;
	s13 =	simm.s32 $0x1400  }
0x5: {  	s14 =	simm.s32 $0x2800;
	s15 =	simm.s32 $0x28;
	s16 =	simm.s32 $0x6380  }
0x6: {  	s17 =	simm.s32 $0x7780;
	s18 =	simm.s32 $0x4F80;
	s19 =	simm.s32 $0x8B80  }
0x7: {  	s20 =	simm.s32 $0x9F80;
	s21 =	simm.s32 $0x1;
	s22 =	simm.s32 $0xB380  }
0x8: {  	s23 =	simm.s32 $0x2;
	s0 =	sand.u32 $0x1, s0;
	s3 =	sshll.u32 s3, $0x1  }
0x9: {  	s24 =	simm.s32 $0xC780;
	s25 =	simm.s32 $0x3;
	s3 =	sor.u32 s0, s3  }
0xa: {  	s26 =	simm.s32 $0x4;
	s28 =	simm.s32 $0x0;
	s6 =	smul.u32 $0x1388, s3  }
0xb: {  	[smem:$0x7FF] =	sst s5;
	s0 =	ssub.s32 $0x2, s0;
	s3 =	smul.u32 $0x9C400, s3  }
0xc: {  	_ =	strace $0x8000004A;
	s30 =	sshrl.u32 s0, $0x1;
	s7 =	sshrl.u32 s6, $0x3  }
0xd: {  	s0 =	ssub.s32 s0, s30;
	s3 =	sshrl.u32 s3, $0x3;
	s2 =	sadd.s32 s7, s2  }
0xe: {  	s11 =	smax.u32 s0, $0x1;
	s31 =	sadd.s32 s4, s3;
	s7 =	sadd.s32 $0xD600, s2  }
0xf: {  	s8 =	sadd.s32 $0x3800, s2;
	s9 =	sadd.s32 $0x28D400, s2;
	s10 =	sadd.s32 $0x13600, s31  }
.LBB2_1:
0x10: {  	[tilespmem:s5], [sflag:$0x5] =	stream.linear.gather [hbm4b:s7+s5], $0x1388, $0x38;
	[tilespmem:$0xDB80] =	vst v63  }
0x11: {  	_ =	swait.ge [sflag:s12], $0x1388  }
0x12: {  	[sflag:s12] =	ssyncset.done $0x0  }
0x13: {  	[sflag:s12] =	ssyncadd.s32 $0xFFFFEC78  }
0x14: {  	[tilespmem:s13], [sflag:$0x5] =	stream.linear.gather [hbm4b:s8+s5], $0x1388, $0x38;
	[tilespmem:$0xDB80] =	vst v63  }
0x15: {  	_ =	swait.ge [sflag:s12], $0x1388  }
0x16: {  	[sflag:s12] =	ssyncset.done $0x0  }
0x17: {  	[sflag:s12] =	ssyncadd.s32 $0xFFFFEC78  }
0x18: {  	s0 =	rddreg [dreg:$0x1]  }
0x19: {  	[tilespmem:s14], [sflag:$0x5] =	stream.linear.gather [hbm4b:s0+s5], $0x2780, $0x38;
	[tilespmem:$0xDB80] =	vst v63  }
0x1a: {  	_ =	swait.ge [sflag:s12], $0x2780  }
0x1b: {  	[sflag:s12] =	ssyncset.done $0x0  }
0x1c: {  	[sflag:s12] =	ssyncadd.s32 $0xFFFFD880  }
0x1d: {  	[tilespmem:s16], [sflag:$0x1] =	stream.indirect.gather [hbm4b:s1+s15], $0x80, s5, s15, $0xb8;
	[tilespmem:$0xDB80] =	vst v63  }
0x1e: {  	s0 =	simm.s32 $0x0  }
0x1f: {  	[tilespmem:s17], [sflag:$0x1] =	stream.indirect.gather [hbm4b:s1+s15], $0x80, s13, s15, $0xb8;
	[tilespmem:$0xDB80] =	vst v63  }
0x20: {  	v0 =	vld [tilespmem:s0+$0x0];
	_ =	sdelay $0x7  }
0x21: {  	s2 =	simm.s32 $0x10;
	s3 =	simm.s32 $0x80;
	v0 =	vld.idx.msk [tilespmem:v0+s14+$0x0], $0xffff  }
.LBB2_2:
0x22: {  	p0 =	sne.s32 s3, $0x4DC0;
	v1 =	vld [tilespmem:s2+$0x0];
	_ =	sdelay $0x3  }
.Ltmp0:
0x23: {  	(pc) =	sbr.rel @p0 .LBB2_2-.Ltmp0, $2  }
0x24: {  	[tilespmem:s0+$0x4F80] =	vst v0;
	s0 =	smov.u32 s2;
	_ =	sdelay $0x2  }
0x25: {  	s2 =	sshra.s32 s3, $0x2;
	s3 =	sadd.s32 $0x40, s3;
	v0 =	vld.idx.msk [tilespmem:v1+s14+$0x0], $0xffff  }
0x26: {  	v1 =	vld [tilespmem:s2+$0x0];
	_ =	sdelay $0x6  }
0x27: {  	[tilespmem:s0+$0x4F80] =	vst v0  }
0x28: {  	v0 =	vld.idx.msk [tilespmem:v1+s14+$0x0], $0xffff;
	_ =	sdelay $0x4  }
0x29: {  	[tilespmem:s2+$0x4F80] =	vst v0  }
0x2a: {  	v0 =	vld [tilespmem:$0x1378];
	_ =	sdelay $0x7  }
0x2b: {  	v0 =	vld.idx.msk [tilespmem:v0+s14+$0x0], $0xffff;
	_ =	sdelay $0x4  }
0x2c: {  	s29 =	simm.s32 $0x0;
	[tilespmem:$0x62F8] =	vst v0  }
0x2d: {  	[hbm4b:s9+s29] =	stream.linear.scatter [tilespmem:s18], [sflag:$0x5], $0x1388, $0x38;
	[tilespmem:$0xDB80] =	vst v63  }
0x2e: {  	_ =	swait.ge [sflag:s12], $0x1388  }
0x2f: {  	[sflag:s12] =	ssyncset.done $0x0  }
0x30: {  	[sflag:s12] =	ssyncadd.s32 $0xFFFFEC78  }
.LBB2_4:
0x31: {  	s31 =	smul.u32 $0x50, s29;
	_ =	sdelay $0x1  }
0x32: {  	s30 =	sadd.s32 $0x28, s31  }
0x33: {  	[tilespmem:s19], [sflag:$0x2] =	stream.indirect.gather [hbm4b:s1+s15], $0x80, s30, s15, $0xb8;
	[tilespmem:$0xDB80] =	vst v63  }
0x34: {  	s0 =	sadd.s32 $0x1428, s31  }
0x35: {  	[tilespmem:s20], [sflag:$0x2] =	stream.indirect.gather [hbm4b:s1+s15], $0x80, s0, s15, $0xb8;
	[tilespmem:$0xDB80] =	vst v63  }
0x36: {  	_ =	swait.ge [sflag:s21], $0x1400  }
0x37: {  	[sflag:s21] =	ssyncset.done $0x0  }
0x38: {  	[sflag:s21] =	ssyncadd.s32 $0xFFFFEC00  }
0x39: {  	_ =	swait.ge [sflag:s21], $0x1400  }
0x3a: {  	p0 =	seq.s32 s29, $0x0;
	[sflag:s21] =	ssyncset.done $0x0  }
0x3b: {  	s0 =	simm.s32 @!p0 $0x3;
	[sflag:s21] =	ssyncadd.s32 $0xFFFFEC00  }
0x3c: {  	_ =	swait.ge @!p0 [sflag:s0], $0x1400  }
0x3d: {  	[sflag:s0] =	ssyncset.done @!p0 $0x0  }
0x3e: {  	s3 =	simm.s32 $0x0;
	[sflag:s0] =	ssyncadd.s32 @!p0 $0xFFFFEC00  }
0x3f: {  	v0 =	vld [tilespmem:s3+$0x63F0]  }
0x40: {  	v1 =	vld [tilespmem:s3+$0x77F0]  }
0x41: {  	v2 =	vld [tilespmem:s3+$0x6380]  }
0x42: {  	v3 =	vld [tilespmem:s3+$0x7780]  }
0x43: {  	v4 =	vld [tilespmem:s3+$0x6390]  }
0x44: {  	v5 =	vld [tilespmem:s3+$0x7790]  }
0x45: {  	v6 =	vld [tilespmem:s3+$0x63A0]  }
0x46: {  	v7 =	vld [tilespmem:s3+$0x63B0]  }
0x47: {  	v0 =	vadd.f32 v1, v0;
	v1 =	vld [tilespmem:s3+$0x77A0]  }
0x48: {  	v8 =	vld [tilespmem:s3+$0x77B0]  }
0x49: {  	v9 =	vld [tilespmem:s3+$0x77C0];
	v2 =	vadd.f32 v3, v2  }
0x4a: {  	[tilespmem:s3+$0xB3F0] =	vst v0;
	v0 =	vadd.f32 v5, v4;
	v5 =	vld [tilespmem:s3+$0x63C0]  }
0x4b: {  	v3 =	vld [tilespmem:s3+$0x77D0];
	[tilespmem:s3+$0xB380] =	vst v2  }
0x4c: {  	v2 =	vld [tilespmem:s3+$0x63D0];
	[tilespmem:s3+$0xB390] =	vst v0;
	v0 =	vadd.f32 v1, v6  }
0x4d: {  	v4 =	vld [tilespmem:s3+$0x77E0];
	v6 =	vadd.f32 v8, v7  }
0x4e: {  	s0 =	simm.s32 $0x80;
	[tilespmem:s3+$0xB3A0] =	vst v0;
	v0 =	vld [tilespmem:s3+$0x63E0]  }
0x4f: {  	s2 =	simm.s32 $0x400;
	v5 =	vadd.f32 v9, v5;
	v1 =	vld [tilespmem:s0+$0x63F0];
	[tilespmem:s3+$0xB3B0] =	vst v6  }
.LBB2_5:
0x50: {  	p1 =	sne.s32 s2, $0x4E00;
	v6 =	vld [tilespmem:s0+$0x77F0]  }
0x51: {  	v7 =	vld [tilespmem:s0+$0x6380];
	[tilespmem:s3+$0xB3C0] =	vst v5;
	v2 =	vadd.f32 v3, v2  }
0x52: {  	v3 =	vld [tilespmem:s0+$0x7780]  }
0x53: {  	v5 =	vld [tilespmem:s0+$0x6390];
	[tilespmem:s3+$0xB3D0] =	vst v2;
	v0 =	vadd.f32 v4, v0  }
0x54: {  	v2 =	vld [tilespmem:s0+$0x7790]  }
0x55: {  	v4 =	vld [tilespmem:s0+$0x63A0];
	v1 =	vadd.f32 v6, v1;
	[tilespmem:s3+$0xB3E0] =	vst v0;
	s3 =	smov.u32 s0  }
0x56: {  	v0 =	vld [tilespmem:s3+$0x77A0]  }
0x57: {  	v3 =	vadd.f32 v3, v7;
	v6 =	vld [tilespmem:s3+$0x63B0];
	[tilespmem:s3+$0xB3F0] =	vst v1  }
0x58: {  	v1 =	vld [tilespmem:s3+$0x77B0]  }
0x59: {  	[tilespmem:s3+$0xB380] =	vst v3;
	v2 =	vadd.f32 v2, v5;
	v5 =	vld [tilespmem:s3+$0x63C0]  }
0x5a: {  	v7 =	vld [tilespmem:s3+$0x77C0]  }
.Ltmp1:
0x5b: {  	[tilespmem:s3+$0xB390] =	vst v2;
	v0 =	vadd.f32 v0, v4;
	v2 =	vld [tilespmem:s3+$0x63D0];
	(pc) =	sbr.rel @p1 .LBB2_5-.Ltmp1, $4  }
0x5c: {  	v3 =	vld [tilespmem:s3+$0x77D0]  }
0x5d: {  	[tilespmem:s3+$0xB3A0] =	vst v0;
	v6 =	vadd.f32 v1, v6;
	v0 =	vld [tilespmem:s3+$0x63E0]  }
0x5e: {  	s0 =	sshra.s32 s2, $0x2;
	v4 =	vld [tilespmem:s3+$0x77E0]  }
0x5f: {  	s2 =	sadd.s32 $0x200, s2;
	v1 =	vld [tilespmem:s0+$0x63F0];
	[tilespmem:s3+$0xB3B0] =	vst v6;
	v5 =	vadd.f32 v7, v5  }
0x60: {  	v6 =	vld [tilespmem:s0+$0x77F0]  }
0x61: {  	v7 =	vld [tilespmem:s0+$0x6380];
	[tilespmem:s3+$0xB3C0] =	vst v5;
	v2 =	vadd.f32 v3, v2  }
0x62: {  	v3 =	vld [tilespmem:s0+$0x7780]  }
0x63: {  	v5 =	vld [tilespmem:s0+$0x6390];
	[tilespmem:s3+$0xB3D0] =	vst v2;
	v0 =	vadd.f32 v4, v0  }
0x64: {  	v2 =	vld [tilespmem:s0+$0x7790]  }
0x65: {  	v4 =	vld [tilespmem:s0+$0x63A0];
	[tilespmem:s3+$0xB3E0] =	vst v0  }
0x66: {  	v0 =	vadd.f32 v6, v1;
	v1 =	vld [tilespmem:s0+$0x77A0]  }
0x67: {  	v6 =	vld [tilespmem:s0+$0x63B0]  }
0x68: {  	v3 =	vadd.f32 v3, v7;
	[tilespmem:s0+$0xB3F0] =	vst v0;
	v0 =	vld [tilespmem:s0+$0x77B0]  }
0x69: {  	v7 =	vld [tilespmem:s0+$0x77E0]  }
0x6a: {  	[tilespmem:s0+$0xB380] =	vst v3;
	v2 =	vadd.f32 v2, v5;
	v3 =	vld [tilespmem:s0+$0x63C0]  }
0x6b: {  	v5 =	vld [tilespmem:s0+$0x77C0]  }
0x6c: {  	[tilespmem:s0+$0xB390] =	vst v2;
	v1 =	vadd.f32 v1, v4;
	v2 =	vld [tilespmem:s0+$0x63D0]  }
0x6d: {  	v4 =	vld [tilespmem:s0+$0x77D0]  }
0x6e: {  	[tilespmem:s0+$0xB3A0] =	vst v1;
	v1 =	vld [tilespmem:s0+$0x63E0];
	_ =	sdelay $0x1  }
0x6f: {  	v0 =	vadd.f32 v0, v6  }
0x70: {  	v3 =	vadd.f32 v5, v3  }
0x71: {  	[tilespmem:s0+$0xB3B0] =	vst v0;
	v0 =	vadd.f32 v4, v2  }
0x72: {  	s2 =	sadd.s32 s6, s31;
	[tilespmem:s0+$0xB3C0] =	vst v3;
	v1 =	vadd.f32 v7, v1  }
0x73: {  	s2 =	sshll.u32 s2, $0x4;
	[tilespmem:s0+$0xB3D0] =	vst v0  }
0x74: {  	s2 =	sadd.s32 s4, s2;
	[tilespmem:s0+$0xB3E0] =	vst v1  }
0x75: {  	[hbm4b:s2+s5] =	stream.linear.scatter [tilespmem:s22], [sflag:$0x3], $0x1400, $0x38;
	[tilespmem:$0xDB80] =	vst v63  }
0x76: {  	s3 =	sadd.s32 $0x50, s31  }
0x77: {  	[tilespmem:s16], [sflag:$0x1] =	stream.indirect.gather [hbm4b:s1+s15], $0x80, s3, s15, $0xb8;
	[tilespmem:$0xDB80] =	vst v63  }
0x78: {  	s31 =	sadd.s32 $0x1450, s31  }
0x79: {  	[tilespmem:s17], [sflag:$0x1] =	stream.indirect.gather [hbm4b:s1+s15], $0x80, s31, s15, $0xb8;
	[tilespmem:$0xDB80] =	vst v63  }
0x7a: {  	_ =	swait.ge [sflag:s23], $0x1400  }
0x7b: {  	[sflag:s23] =	ssyncset.done $0x0  }
0x7c: {  	[sflag:s23] =	ssyncadd.s32 $0xFFFFEC00  }
0x7d: {  	_ =	swait.ge [sflag:s23], $0x1400  }
0x7e: {  	[sflag:s23] =	ssyncset.done $0x0  }
0x7f: {  	s0 =	simm.s32 @!p0 $0x4;
	[sflag:s23] =	ssyncadd.s32 $0xFFFFEC00  }
0x80: {  	_ =	swait.ge @!p0 [sflag:s0], $0x1400  }
0x81: {  	[sflag:s0] =	ssyncset.done @!p0 $0x0  }
0x82: {  	s3 =	simm.s32 $0x0;
	[sflag:s0] =	ssyncadd.s32 @!p0 $0xFFFFEC00  }
0x83: {  	v0 =	vld [tilespmem:s3+$0x8BF0]  }
0x84: {  	v1 =	vld [tilespmem:s3+$0x9FF0]  }
0x85: {  	v2 =	vld [tilespmem:s3+$0x8B80]  }
0x86: {  	v3 =	vld [tilespmem:s3+$0x9F80]  }
0x87: {  	v4 =	vld [tilespmem:s3+$0x8B90]  }
0x88: {  	v5 =	vld [tilespmem:s3+$0x9F90]  }
0x89: {  	v6 =	vld [tilespmem:s3+$0x8BA0]  }
0x8a: {  	v7 =	vld [tilespmem:s3+$0x8BB0]  }
0x8b: {  	v0 =	vadd.f32 v1, v0;
	v1 =	vld [tilespmem:s3+$0x9FA0]  }
0x8c: {  	v8 =	vld [tilespmem:s3+$0x9FB0]  }
0x8d: {  	v9 =	vld [tilespmem:s3+$0x9FC0];
	v2 =	vadd.f32 v3, v2  }
0x8e: {  	[tilespmem:s3+$0xC7F0] =	vst v0;
	v0 =	vadd.f32 v5, v4;
	v5 =	vld [tilespmem:s3+$0x8BC0]  }
0x8f: {  	v3 =	vld [tilespmem:s3+$0x9FD0];
	[tilespmem:s3+$0xC780] =	vst v2  }
0x90: {  	v2 =	vld [tilespmem:s3+$0x8BD0];
	[tilespmem:s3+$0xC790] =	vst v0;
	v0 =	vadd.f32 v1, v6  }
0x91: {  	v4 =	vld [tilespmem:s3+$0x9FE0];
	v6 =	vadd.f32 v8, v7  }
0x92: {  	s0 =	simm.s32 $0x80;
	[tilespmem:s3+$0xC7A0] =	vst v0;
	v0 =	vld [tilespmem:s3+$0x8BE0]  }
0x93: {  	s2 =	simm.s32 $0x400;
	v5 =	vadd.f32 v9, v5;
	v1 =	vld [tilespmem:s0+$0x8BF0];
	[tilespmem:s3+$0xC7B0] =	vst v6  }
.LBB2_7:
0x94: {  	p0 =	sne.s32 s2, $0x4E00;
	v6 =	vld [tilespmem:s0+$0x9FF0]  }
0x95: {  	v7 =	vld [tilespmem:s0+$0x8B80];
	[tilespmem:s3+$0xC7C0] =	vst v5;
	v2 =	vadd.f32 v3, v2  }
0x96: {  	v3 =	vld [tilespmem:s0+$0x9F80]  }
0x97: {  	v5 =	vld [tilespmem:s0+$0x8B90];
	[tilespmem:s3+$0xC7D0] =	vst v2;
	v0 =	vadd.f32 v4, v0  }
0x98: {  	v2 =	vld [tilespmem:s0+$0x9F90]  }
0x99: {  	v4 =	vld [tilespmem:s0+$0x8BA0];
	v1 =	vadd.f32 v6, v1;
	[tilespmem:s3+$0xC7E0] =	vst v0;
	s3 =	smov.u32 s0  }
0x9a: {  	v0 =	vld [tilespmem:s3+$0x9FA0]  }
0x9b: {  	v3 =	vadd.f32 v3, v7;
	v6 =	vld [tilespmem:s3+$0x8BB0];
	[tilespmem:s3+$0xC7F0] =	vst v1  }
0x9c: {  	v1 =	vld [tilespmem:s3+$0x9FB0]  }
0x9d: {  	[tilespmem:s3+$0xC780] =	vst v3;
	v2 =	vadd.f32 v2, v5;
	v5 =	vld [tilespmem:s3+$0x8BC0]  }
0x9e: {  	v7 =	vld [tilespmem:s3+$0x9FC0]  }
.Ltmp2:
0x9f: {  	[tilespmem:s3+$0xC790] =	vst v2;
	v0 =	vadd.f32 v0, v4;
	v2 =	vld [tilespmem:s3+$0x8BD0];
	(pc) =	sbr.rel @p0 .LBB2_7-.Ltmp2, $4  }
0xa0: {  	v3 =	vld [tilespmem:s3+$0x9FD0]  }
0xa1: {  	[tilespmem:s3+$0xC7A0] =	vst v0;
	v6 =	vadd.f32 v1, v6;
	v0 =	vld [tilespmem:s3+$0x8BE0]  }
0xa2: {  	s0 =	sshra.s32 s2, $0x2;
	v4 =	vld [tilespmem:s3+$0x9FE0]  }
0xa3: {  	s2 =	sadd.s32 $0x200, s2;
	v1 =	vld [tilespmem:s0+$0x8BF0];
	[tilespmem:s3+$0xC7B0] =	vst v6;
	v5 =	vadd.f32 v7, v5  }
0xa4: {  	v6 =	vld [tilespmem:s0+$0x9FF0]  }
0xa5: {  	v7 =	vld [tilespmem:s0+$0x8B80];
	[tilespmem:s3+$0xC7C0] =	vst v5;
	v2 =	vadd.f32 v3, v2  }
0xa6: {  	v51 =	vld [tilespmem:s0+$0x9F80]  }
0xa7: {  	v5 =	vld [tilespmem:s0+$0x8B90];
	[tilespmem:s3+$0xC7D0] =	vst v2;
	v0 =	vadd.f32 v4, v0  }
0xa8: {  	v2 =	vld [tilespmem:s0+$0x9F90]  }
0xa9: {  	v52 =	vld [tilespmem:s0+$0x8BA0];
	[tilespmem:s3+$0xC7E0] =	vst v0  }
0xaa: {  	v54 =	vld [tilespmem:s0+$0x9FA0]  }
0xab: {  	v55 =	vld [tilespmem:s0+$0x8BB0]  }
0xac: {  	v56 =	vld [tilespmem:s0+$0x9FB0]  }
0xad: {  	v57 =	vld [tilespmem:s0+$0x8BC0]  }
0xae: {  	v58 =	vld [tilespmem:s0+$0x9FC0]  }
0xaf: {  	v59 =	vld [tilespmem:s0+$0x8BD0]  }
0xb0: {  	v53 =	vadd.f32 v6, v1;
	v60 =	vld [tilespmem:s0+$0x9FD0]  }
0xb1: {  	v61 =	vld [tilespmem:s0+$0x8BE0];
	v3 =	vadd.f32 v51, v7  }
0xb2: {  	v62 =	vld [tilespmem:s0+$0x9FE0];
	[tilespmem:s0+$0xC7F0] =	vst v53;
	v2 =	vadd.f32 v2, v5  }
0xb3: {  	[tilespmem:s0+$0xC780] =	vst v3;
	v1 =	vadd.f32 v54, v52  }
0xb4: {  	s29 =	sadd.s32 $0x1, s29;
	[tilespmem:s0+$0xC790] =	vst v2;
	v0 =	vadd.f32 v56, v55  }
0xb5: {  	p0 =	sne.s32 s29, $0x3E;
	v3 =	vadd.f32 v58, v57;
	[tilespmem:s0+$0xC7A0] =	vst v1  }
.Ltmp3:
0xb6: {  	v63 =	vadd.f32 v60, v59;
	[tilespmem:s0+$0xC7B0] =	vst v0;
	(pc) =	sbr.rel @p0 .LBB2_4-.Ltmp3, $4  }
0xb7: {  	s2 =	sadd.s32 s6, s30;
	[tilespmem:s0+$0xC7C0] =	vst v3;
	v1 =	vadd.f32 v62, v61  }
0xb8: {  	s2 =	sshll.u32 s2, $0x4;
	[tilespmem:s0+$0xC7D0] =	vst v63  }
0xb9: {  	s31 =	sadd.s32 s4, s2;
	[tilespmem:s0+$0xC7E0] =	vst v1  }
0xba: {  	[hbm4b:s31+s5] =	stream.linear.scatter [tilespmem:s24], [sflag:$0x4], $0x1400, $0x38;
	[tilespmem:$0xDB80] =	vst v63  }
0xbb: {  	_ =	swait.ge [sflag:s21], $0x1400  }
0xbc: {  	[sflag:s21] =	ssyncset.done $0x0  }
0xbd: {  	[sflag:s21] =	ssyncadd.s32 $0xFFFFEC00  }
0xbe: {  	_ =	swait.ge [sflag:s21], $0x1400  }
0xbf: {  	[sflag:s21] =	ssyncset.done $0x0  }
0xc0: {  	[sflag:s21] =	ssyncadd.s32 $0xFFFFEC00  }
0xc1: {  	_ =	swait.ge [sflag:s25], $0x1400  }
0xc2: {  	[sflag:s25] =	ssyncset.done $0x0  }
0xc3: {  	s3 =	simm.s32 $0x0;
	[sflag:s25] =	ssyncadd.s32 $0xFFFFEC00  }
0xc4: {  	v0 =	vld [tilespmem:s3+$0x63F0]  }
0xc5: {  	v1 =	vld [tilespmem:s3+$0x77F0]  }
0xc6: {  	v2 =	vld [tilespmem:s3+$0x6380]  }
0xc7: {  	v3 =	vld [tilespmem:s3+$0x7780]  }
0xc8: {  	v4 =	vld [tilespmem:s3+$0x6390]  }
0xc9: {  	v5 =	vld [tilespmem:s3+$0x7790]  }
0xca: {  	v6 =	vld [tilespmem:s3+$0x63A0]  }
0xcb: {  	v7 =	vld [tilespmem:s3+$0x63B0]  }
0xcc: {  	v0 =	vadd.f32 v1, v0;
	v1 =	vld [tilespmem:s3+$0x77A0]  }
0xcd: {  	v8 =	vld [tilespmem:s3+$0x77B0]  }
0xce: {  	v9 =	vld [tilespmem:s3+$0x77C0];
	v2 =	vadd.f32 v3, v2  }
0xcf: {  	[tilespmem:s3+$0xB3F0] =	vst v0;
	v0 =	vadd.f32 v5, v4;
	v5 =	vld [tilespmem:s3+$0x63C0]  }
0xd0: {  	v3 =	vld [tilespmem:s3+$0x77D0];
	[tilespmem:s3+$0xB380] =	vst v2  }
0xd1: {  	v2 =	vld [tilespmem:s3+$0x63D0];
	[tilespmem:s3+$0xB390] =	vst v0;
	v0 =	vadd.f32 v1, v6  }
0xd2: {  	v4 =	vld [tilespmem:s3+$0x77E0];
	v6 =	vadd.f32 v8, v7  }
0xd3: {  	s0 =	simm.s32 $0x80;
	[tilespmem:s3+$0xB3A0] =	vst v0;
	v0 =	vld [tilespmem:s3+$0x63E0]  }
0xd4: {  	s2 =	simm.s32 $0x400;
	v5 =	vadd.f32 v9, v5;
	v1 =	vld [tilespmem:s0+$0x63F0];
	[tilespmem:s3+$0xB3B0] =	vst v6  }
.LBB2_10:
0xd5: {  	p0 =	sne.s32 s2, $0x4E00;
	v6 =	vld [tilespmem:s0+$0x77F0]  }
0xd6: {  	v7 =	vld [tilespmem:s0+$0x6380];
	[tilespmem:s3+$0xB3C0] =	vst v5;
	v2 =	vadd.f32 v3, v2  }
0xd7: {  	v3 =	vld [tilespmem:s0+$0x7780]  }
0xd8: {  	v5 =	vld [tilespmem:s0+$0x6390];
	[tilespmem:s3+$0xB3D0] =	vst v2;
	v0 =	vadd.f32 v4, v0  }
0xd9: {  	v2 =	vld [tilespmem:s0+$0x7790]  }
0xda: {  	v4 =	vld [tilespmem:s0+$0x63A0];
	v1 =	vadd.f32 v6, v1;
	[tilespmem:s3+$0xB3E0] =	vst v0;
	s3 =	smov.u32 s0  }
0xdb: {  	v0 =	vld [tilespmem:s3+$0x77A0]  }
0xdc: {  	v3 =	vadd.f32 v3, v7;
	v6 =	vld [tilespmem:s3+$0x63B0];
	[tilespmem:s3+$0xB3F0] =	vst v1  }
0xdd: {  	v1 =	vld [tilespmem:s3+$0x77B0]  }
0xde: {  	[tilespmem:s3+$0xB380] =	vst v3;
	v2 =	vadd.f32 v2, v5;
	v5 =	vld [tilespmem:s3+$0x63C0]  }
0xdf: {  	v7 =	vld [tilespmem:s3+$0x77C0]  }
.Ltmp4:
0xe0: {  	[tilespmem:s3+$0xB390] =	vst v2;
	v0 =	vadd.f32 v0, v4;
	v2 =	vld [tilespmem:s3+$0x63D0];
	(pc) =	sbr.rel @p0 .LBB2_10-.Ltmp4, $4  }
0xe1: {  	v3 =	vld [tilespmem:s3+$0x77D0]  }
0xe2: {  	[tilespmem:s3+$0xB3A0] =	vst v0;
	v6 =	vadd.f32 v1, v6;
	v0 =	vld [tilespmem:s3+$0x63E0]  }
0xe3: {  	s0 =	sshra.s32 s2, $0x2;
	v4 =	vld [tilespmem:s3+$0x77E0]  }
0xe4: {  	s2 =	sadd.s32 $0x200, s2;
	v1 =	vld [tilespmem:s0+$0x63F0];
	[tilespmem:s3+$0xB3B0] =	vst v6;
	v5 =	vadd.f32 v7, v5  }
0xe5: {  	v6 =	vld [tilespmem:s0+$0x77F0]  }
0xe6: {  	v7 =	vld [tilespmem:s0+$0x6380];
	[tilespmem:s3+$0xB3C0] =	vst v5;
	v2 =	vadd.f32 v3, v2  }
0xe7: {  	v51 =	vld [tilespmem:s0+$0x7780]  }
0xe8: {  	v5 =	vld [tilespmem:s0+$0x6390];
	[tilespmem:s3+$0xB3D0] =	vst v2;
	v0 =	vadd.f32 v4, v0  }
0xe9: {  	v2 =	vld [tilespmem:s0+$0x7790]  }
0xea: {  	v52 =	vld [tilespmem:s0+$0x63A0];
	[tilespmem:s3+$0xB3E0] =	vst v0  }
0xeb: {  	v54 =	vld [tilespmem:s0+$0x77A0]  }
0xec: {  	v55 =	vld [tilespmem:s0+$0x63B0]  }
0xed: {  	v56 =	vld [tilespmem:s0+$0x77B0]  }
0xee: {  	v57 =	vld [tilespmem:s0+$0x63C0]  }
0xef: {  	v58 =	vld [tilespmem:s0+$0x77C0]  }
0xf0: {  	v59 =	vld [tilespmem:s0+$0x63D0]  }
0xf1: {  	v53 =	vadd.f32 v6, v1;
	v60 =	vld [tilespmem:s0+$0x77D0]  }
0xf2: {  	v61 =	vld [tilespmem:s0+$0x63E0];
	v3 =	vadd.f32 v51, v7  }
0xf3: {  	v62 =	vld [tilespmem:s0+$0x77E0];
	[tilespmem:s0+$0xB3F0] =	vst v53;
	v2 =	vadd.f32 v2, v5  }
0xf4: {  	[tilespmem:s0+$0xB380] =	vst v3;
	v1 =	vadd.f32 v54, v52  }
0xf5: {  	[tilespmem:s0+$0xB390] =	vst v2;
	v0 =	vadd.f32 v56, v55  }
0xf6: {  	v3 =	vadd.f32 v58, v57;
	[tilespmem:s0+$0xB3A0] =	vst v1  }
0xf7: {  	v63 =	vadd.f32 v60, v59;
	[tilespmem:s0+$0xB3B0] =	vst v0  }
0xf8: {  	[tilespmem:s0+$0xB3C0] =	vst v3;
	v1 =	vadd.f32 v62, v61  }
0xf9: {  	[tilespmem:s0+$0xB3D0] =	vst v63  }
0xfa: {  	s28 =	sadd.s32 $0x1, s28;
	[tilespmem:s0+$0xB3E0] =	vst v1  }
0xfb: {  	[hbm4b:s10+s5] =	stream.linear.scatter [tilespmem:s22], [sflag:$0x3], $0x1400, $0x38;
	[tilespmem:$0xDB80] =	vst v63  }
0xfc: {  	p0 =	sne.s32 s28, s11;
	_ =	swait.ge [sflag:s25], $0x1400  }
.Ltmp5:
0xfd: {  	[sflag:s25] =	ssyncset.done $0x0;
	(pc) =	sbr.rel @p0 .LBB2_1-.Ltmp5, $4  }
0xfe: {  	[sflag:s25] =	ssyncadd.s32 $0xFFFFEC00  }
0xff: {  	_ =	swait.ge [sflag:s26], $0x1400  }
0x100: {  	[sflag:s26] =	ssyncset.done $0x0  }
0x101: {  	[sflag:s26] =	ssyncadd.s32 $0xFFFFEC00  }
0x102: {  	_ =	sfence.sel $0x180000  }
0x103: {  	[bflag:$0x0] =	sbarrier.arrive $0xFFFF  }
0x104: {  	_ =	strace $0x9000004A  }
0x105: {  	s0 =	stileid.u32;
	[bflag:$0x2] =	sbarrier.arrive $0xFFFF  }
0x106: {  	p0 =	sne.s32 s0, $0x0;
	s0 =	rddreg [dreg:$0x4]  }
0x107: {  	s0 =	sadd.s32 @!p0 $0x100000, s0  }
0x108: {  	[sflag:s0] =	ssyncadd.tile.s32 @!p0 $0x1;
	_ =	shalt  }
.Lfunc_end2:
_tile_overlayer_lowered:
.L_overlay_start_2:
0x109: {  	(tag) =	ssettag $0x2  }
0x10a: {  	s0 =	rddreg [dreg:$0x0];
	s2 =	stileid.u32  }
0x10b: {  	s1 =	rddreg [dreg:$0x1];
	p0 =	sne.s32 s2, $0x0  }
0x10c: {  	s3 =	rddreg [dreg:$0x2];
	[bflag:$0x3] =	sbarrier.arrive $0xFFFF;
	s2 =	simm.s32 @!p0 $0x1C05  }
0x10d: {  	[timem:s3], [sflag:s2] =	dma.local @!p0 [hbm:s0], s1  }
0x10e: {  	s0 =	simm.s32 @!p0 $0x5  }
0x10f: {  	_ =	swait.ge @!p0 [sflag:s0], s1  }
0x110: {  	s1 =	ssub.s32 @!p0 $0x0, s1;
	[sflag:s0] =	ssyncset.done @!p0 $0x0  }
0x111: {  	[sflag:s0] =	ssyncadd.s32 @!p0 s1  }
0x112: {  	[bflag:$0x3] =	sbarrier.arrive $0xFFFF  }
0x113: {  	_ =	shalt  }

// kernel: kernel.13.cloned.1.call-start
scs
__scs_entry_jumppad:
0x0: {  	(pc) =	sbr.rel $0x88, $3  }
0x1: {  	(tag) =	ssettag $0x0;
	lr =	simm.s32 $0x1  }
0x2: {  	[smem:$0x3F90] =	sst lr;
	_ =	strace $0xD0000000  }
0x3: {  	_ = 	snop  }
0x4: {  	_ = 	snop  }
0x5: {  	_ = 	snop  }
0x6: {  	_ = 	snop  }
0x7: {  	_ = 	snop  }
__scs_overlays_trampoline_lowered:
0x8: {  	[smem:$0x3F9F] =	sst s0  }
0x9: {  	[smem:$0x3FA0] =	sst s1  }
0xa: {  	[smem:$0x3FA1] =	sst s2  }
0xb: {  	[smem:$0x3FA2] =	sst s3  }
0xc: {  	[smem:$0x3FA3] =	sst s4  }
0xd: {  	[smem:$0x3FA4] =	sst s5  }
0xe: {  	[smem:$0x3FA5] =	sst s6  }
0xf: {  	[smem:$0x3FA6] =	sst s7  }
0x10: {  	[smem:$0x3FA7] =	sst s8  }
0x11: {  	[smem:$0x3FA8] =	sst s9;
	s0 =	simm.s32 @!p0 $0x0  }
0x12: {  	s1 =	sld [smem:$0x3F8E];
	s0 =	simm.s32 @p0 $0x1  }
0x13: {  	[smem:$0x3FA9] =	sst s0;
	s0 =	simm.s32 @!p1 $0x0  }
0x14: {  	s2 =	sld [smem:$0x3F8D];
	s0 =	simm.s32 @p1 $0x1  }
0x15: {  	[smem:$0x3FAA] =	sst s0;
	s0 =	simm.s32 @!p2 $0x0  }
0x16: {  	s3 =	sld [smem:$0x3FDB];
	s0 =	simm.s32 @p2 $0x1  }
0x17: {  	s4 =	simm.s32 $0x1BF5;
	[smem:$0x3FAC] =	sst s0  }
0x18: {  	s0 =	sld [smem:$0x3F8F];
	_ =	swait.ge [sflag:s4], $0x0  }
0x19: {  	s7 =	sld [smem:$0x3F90]  }
0x1a: {  	s8 =	sadd.s32 $0xFFFFE003, lr  }
0x1b: {  	s9 =	sadd.s32 $0xFFFFFEF7, lr;
	s5 =	simm.s32 $0xFFFFFFFF;
	p2 =	slt.u32 s8, $0xFFFFF086  }
0x1c: {  	p1 =	slt.u32 s9, $0xF7A;
	s5 =	simm.s32 @!p2 $0x0  }
0x1d: {  	s5 =	simm.s32 @p1 $0x1;
	p0 =	seq.s32 s7, s2  }
0x1e: {  	s7 =	smul.u32 @!p0 $0xF7A, s2;
	p2 =	seq.s32 @!p0 s5, $0x0  }
0x1f: {  	s9 =	smul.u32 $0xF7A, s1;
	s8 =	simm.s32 @!p0 $0x1BF5;
	p2 =	por !p2, p0  }
0x20: {  	[sflag:s8] =	ssyncset.s32 @!p0 $0xFFFFF086;
	s6 =	sadd.s32 @!p0 s3, s7;
	s7 =	simm.s32 @!p0 $0x108  }
0x21: {  	s3 =	sadd.s32 s3, s9;
	s6 =	sadd.s32 @!p0 $0x88, s6;
	s7 =	simm.s32 @p2 $0x1082  }
0x22: {  	[simem:s7], [sflag:s8] =	dma.local @!p0 [hbm:s6], $0xF7A  }
0x23: {  	s9 =	sor.u32 $0xD0000000, s2;
	s6 =	simm.s32 $0x108;
	_ =	swait.ge @!p0 [sflag:s8], $0x0  }
0x24: {  	s3 =	sadd.s32 $0x88, s3;
	s6 =	simm.s32 @!p1 $0x1082;
	[sflag:s4] =	ssyncset.s32 $0xFFFFF086  }
0x25: {  	[simem:s6], [sflag:s4] =	dma.local [hbm:s3], $0xF7A  }
0x26: {  	[smem:$0x3F90] =	sst s1;
	(tag) =	ssettag s2;
	_ =	strace s9  }
0x27: {  	s1 =	sld [smem:$0x3FA0]  }
0x28: {  	s2 =	sld [smem:$0x3FA1]  }
0x29: {  	s4 =	sld [smem:$0x3FA3]  }
0x2a: {  	p0 =	seq.s32 s5, $0x0;
	s5 =	sld [smem:$0x3FA4]  }
0x2b: {  	s6 =	sld [smem:$0x3FA5]  }
0x2c: {  	s7 =	sld [smem:$0x3FA6]  }
0x2d: {  	s3 =	simm.s32 $0x108;
	s8 =	sld [smem:$0x3FA7]  }
0x2e: {  	s3 =	simm.s32 @!p0 $0x1082;
	s9 =	sld [smem:$0x3FA8]  }
0x2f: {  	lr =	sadd.s32 s0, s3;
	s0 =	sld [smem:$0x3F9F]  }
0x30: {  	s3 =	sld [smem:$0x3FA2]  }
0x31: {  	[smem:$0x3FAB] =	sst s10  }
0x32: {  	s10 =	sld [smem:$0x3FA9];
	_ =	sdelay $0x3  }
0x33: {  	p0 =	seq.s32 s10, $0x1;
	s10 =	sld [smem:$0x3FAB];
	_ =	sdelay $0x3  }
0x34: {  	[smem:$0x3FAB] =	sst s10  }
0x35: {  	s10 =	sld [smem:$0x3FAA];
	_ =	sdelay $0x3  }
0x36: {  	p1 =	seq.s32 s10, $0x1;
	s10 =	sld [smem:$0x3FAB];
	_ =	sdelay $0x3  }
0x37: {  	[smem:$0x3FAB] =	sst s10  }
0x38: {  	s10 =	sld [smem:$0x3FAC]  }
0x39: {  	_ = 	snop;
	(pc) =	sbr.ind lr, $3  }
0x3a: {  	_ = 	snop  }
0x3b: {  	_ = 	snop  }
0x3c: {  	p2 =	seq.s32 s10, $0x1;
	s10 =	sld [smem:$0x3FAB]  }
0x3d: {  	_ =	shalt  }
0x3e: {  	_ =	shalt  }
0x3f: {  	_ =	shalt  }
0x40: {  	_ =	shalt  }
0x41: {  	_ =	shalt  }
0x42: {  	_ =	shalt  }
0x43: {  	_ =	shalt  }
0x44: {  	_ =	shalt  }
0x45: {  	_ =	shalt  }
0x46: {  	_ =	shalt  }
0x47: {  	_ =	shalt  }
0x48: {  	_ =	shalt  }
0x49: {  	_ =	shalt  }
0x4a: {  	_ =	shalt  }
0x4b: {  	_ =	shalt  }
0x4c: {  	_ =	shalt  }
0x4d: {  	_ =	shalt  }
0x4e: {  	_ =	shalt  }
0x4f: {  	_ =	shalt  }
0x50: {  	_ =	shalt  }
0x51: {  	_ =	shalt  }
0x52: {  	_ =	shalt  }
0x53: {  	_ =	shalt  }
0x54: {  	_ =	shalt  }
0x55: {  	_ =	shalt  }
0x56: {  	_ =	shalt  }
0x57: {  	_ =	shalt  }
0x58: {  	_ =	shalt  }
0x59: {  	_ =	shalt  }
0x5a: {  	_ =	shalt  }
0x5b: {  	_ =	shalt  }
0x5c: {  	_ =	shalt  }
0x5d: {  	_ =	shalt  }
0x5e: {  	_ =	shalt  }
0x5f: {  	_ =	shalt  }
0x60: {  	_ =	shalt  }
0x61: {  	_ =	shalt  }
0x62: {  	_ =	shalt  }
0x63: {  	_ =	shalt  }
0x64: {  	_ =	shalt  }
0x65: {  	_ =	shalt  }
0x66: {  	_ =	shalt  }
0x67: {  	_ =	shalt  }
0x68: {  	_ =	shalt  }
0x69: {  	_ =	shalt  }
0x6a: {  	_ =	shalt  }
0x6b: {  	_ =	shalt  }
0x6c: {  	_ =	shalt  }
0x6d: {  	_ =	shalt  }
0x6e: {  	_ =	shalt  }
0x6f: {  	_ =	shalt  }
0x70: {  	_ =	shalt  }
0x71: {  	_ =	shalt  }
0x72: {  	_ =	shalt  }
0x73: {  	_ =	shalt  }
0x74: {  	_ =	shalt  }
0x75: {  	_ =	shalt  }
0x76: {  	_ =	shalt  }
0x77: {  	_ =	shalt  }
0x78: {  	_ =	shalt  }
0x79: {  	_ =	shalt  }
0x7a: {  	_ =	shalt  }
0x7b: {  	_ =	shalt  }
0x7c: {  	_ =	shalt  }
0x7d: {  	_ =	shalt  }
0x7e: {  	_ =	shalt  }
0x7f: {  	_ =	shalt  }
0x80: {  	_ =	shalt  }
0x81: {  	_ =	shalt  }
0x82: {  	_ =	shalt  }
0x83: {  	_ =	shalt  }
0x84: {  	_ =	shalt  }
0x85: {  	_ =	shalt  }
0x86: {  	_ =	shalt  }
0x87: {  	_ =	shalt  }
.Lfunc_end0:
.L_simem_size_0:
called_computation.1_lowered:
.L_overlay_start_0:
0x88: {  	s2 =	sld [smem:$0x3FD9]  }
0x89: {  	s3 =	sld [smem:$0x3FFE];
	_ =	sdelay $0x1  }
0x8a: {  	s1 =	srdreg.scid  }
0x8b: {  	s0 =	sand.u32 $0x1, s1  }
0x8c: {  	s17 =	sshll.u32 s0, $0xA;
	s2 =	sadd.s32 s3, s2  }
0x8d: {  	s2 =	sadd.s32 s2, s17  }
0x8e: {  	[smem:$0x3FB7] =	sst s2  }
0x8f: {  	_ = 	snop  }
0x90: {  	s2 =	sld [smem:$0x3FC9]  }
0x91: {  	s18 =	sld [smem:$0x3FC5];
	(tm) =	ssettm $0x1  }
0x92: {  	s4 =	sld [smem:$0x3FFB];
	_ =	sdelay $0x3  }
0x93: {  	_ =	strace s4  }
0x94: {  	s4 =	sld [smem:$0x3FFC];
	_ =	sdelay $0x3  }
0x95: {  	_ =	strace s4  }
0x96: {  	s4 =	sld [smem:$0x3FFD];
	_ =	sdelay $0x3  }
0x97: {  	_ =	strace s4  }
0x98: {  	_ =	strace $0x8FFFFFFF  }
0x99: {  	s19 =	sld [smem:$0x3FDB];
	_ =	sdelay $0x1  }
0x9a: {  	s5 =	simm.s32 $_scs_section_size  }
0x9b: {  	s6 =	simm.s32 $_size__tile_overlayer_lowered;
	s7 =	simm.s32 $_tile_overlayer_lowered  }
0x9c: {  	s22 =	simm.s32 $0x1BFF;
	s21 =	sshll.u32 s7, $0x1;
	s4 =	sadd.s32 s5, s19  }
0x9d: {  	s8 =	simm.s32 $0x0;
	s20 =	sshll.u32 s6, $0x1;
	s6 =	sadd.s32 s21, s4  }
0x9e: {  	[timem:s8], [sflag:s22] =	dma.local [hbm:s6], s20  }
0x9f: {  	_ =	swait.ge [sflag:s22], s20  }
0xa0: {  	s5 =	ssub.s32 $0x0, s20;
	[sflag:s22] =	ssyncset.done $0x0  }
0xa1: {  	[sflag:s22] =	ssyncadd.s32 s5;
	_ =	sdelay $0x1  }
0xa2: {  	s23 =	simm.s32 $0x1B8B  }
0xa3: {  	_ =	swait.ge [sflag:s23], $0x1  }
0xa4: {  	[sflag:s23] =	ssyncset.done $0x0  }
0xa5: {  	s25 =	simm.s32 $0x1B8E;
	s24 =	sld [smem:$0x3FFE];
	[sflag:s23] =	ssyncadd.s32 $0xFFFFFFFF  }
0xa6: {  	s26 =	simm.s32 $execute0_lowered;
	[smem:$0x3FD2] =	sst s25  }
0xa7: {  	s6 =	sshll.u32 s26, $0x1;
	_ =	strace $0x80000046;
	[dreg:$0x1] =	wrdreg $0xFFFFFFFF  }
0xa8: {  	s28 =	simm.s32 $_size_execute0_lowered;
	s4 =	sadd.s32 s4, s6;
	[dreg:$0x0] =	wrdreg $0x0  }
0xa9: {  	s6 =	sshll.u32 s28, $0x1;
	[dreg:$0x2] =	wrdreg s4  }
0xaa: {  	[dreg:$0x3] =	wrdreg s6  }
0xab: {  	[dreg:$0x4] =	wrdreg $0xC0  }
0xac: {  	_ =	task [dreg:s8], $0x5FFFF  }
0xad: {  	[dreg:$0x1] =	wrdreg $0xFFFFFFFF  }
0xae: {  	[dreg:$0x0] =	wrdreg $0x60  }
0xaf: {  	[dreg:$0x2] =	wrdreg s2  }
0xb0: {  	[dreg:$0x3] =	wrdreg s18  }
0xb1: {  	[dreg:$0x4] =	wrdreg s24  }
0xb2: {  	[dreg:$0x5] =	wrdreg $0xB  }
0xb3: {  	_ =	task.clear_ibuf [dreg:s8], $0x6FFFF;
	_ =	strace $0x90000046  }
0xb4: {  	s29 =	simm.s32 $0xB;
	_ =	strace $0x80000048  }
0xb5: {  	_ =	swait.ge [sflag:s29], $0x1  }
0xb6: {  	[sflag:s29] =	ssyncadd.s32 $0xFFFFFFFF  }
0xb7: {  	_ =	strace $0x90000048  }
0xb8: {  	_ =	sfence  }
0xb9: {  	s30 =	sld [smem:$0x0];
	_ =	sdelay $0x2  }
0xba: {  	s31 =	sshll.u32 s1, $0xD;
	s1 =	sshrl.u32 s1, $0x2  }
0xbb: {  	s3 =	sand.u32 $0x4000, s31;
	s1 =	sadd.s32 s1, s30  }
0xbc: {  	s0 =	sor.u32 s3, s0;
	s1 =	sshll.u32 s1, $0x11  }
0xbd: {  	s0 =	sor.u32 s1, s0  }
0xbe: {  	s0 =	sadd.s32 $0x8F2B, s0  }
0xbf: {  	[sflag:s0] =	ssyncadd.remote.s32 $0x1  }
0xc0: {  	_ =	sfence.sel $0xFFFF  }
0xc1: {  	[dreg:$0x0] =	wrdreg $0xFFFFFFFF;
	(pc) =	sbr.abs _section_cstart, $3  }
0xc2: {  	[dreg:$0x1] =	wrdreg $0xFFFFFFFF  }
0xc3: {  	_ =	task.clear_ibuf [dreg:s8], $0x2FFFF;
	_ =	strace $0x9FFFFFFF  }
0xc4: {  	(tm) =	ssettm $0x7FFFFFFF  }
0xc5: {  	_ =	shalt  }
tec
execute0_lowered:
.L_overlay_start_1:
0x0: {  	(tag) =	ssettag $0x1  }
0x1: {  	s1 =	rddreg [dreg:$0x0];
	s0 =	srdreg.scid  }
0x2: {  	s3 =	stileid.u32;
	s2 =	rddreg [dreg:$0x2];
	s4 =	simm.s32 $0x0  }
0x3: {  	s12 =	simm.s32 $0x5;
	s13 =	simm.s32 $0x1400;
	s14 =	simm.s32 $0x2800  }
0x4: {  	s15 =	simm.s32 $0x28;
	s16 =	simm.s32 $0x6380;
	s17 =	simm.s32 $0x7780  }
0x5: {  	s18 =	simm.s32 $0x4F80;
	s19 =	simm.s32 $0x8B80;
	s20 =	simm.s32 $0x9F80  }
0x6: {  	s21 =	simm.s32 $0x1;
	s22 =	simm.s32 $0xB380;
	s23 =	simm.s32 $0x2  }
0x7: {  	s24 =	simm.s32 $0xC780;
	s0 =	sand.u32 $0x1, s0;
	s3 =	sshll.u32 s3, $0x1  }
0x8: {  	s25 =	simm.s32 $0x3;
	s26 =	simm.s32 $0x4;
	s3 =	sor.u32 s0, s3  }
0x9: {  	s28 =	simm.s32 $0x0;
	[smem:$0x7FF] =	sst s4;
	s5 =	smul.u32 $0x1388, s3  }
0xa: {  	s6 =	sadd.s32 $0x1C400, s2;
	s0 =	ssub.s32 $0x2, s0;
	s3 =	smul.u32 $0x9C400, s3  }
0xb: {  	_ =	strace $0x80000047;
	s30 =	sshrl.u32 s0, $0x1;
	s7 =	sshrl.u32 s5, $0x3  }
0xc: {  	s0 =	ssub.s32 s0, s30;
	s3 =	sshrl.u32 s3, $0x3;
	s2 =	sadd.s32 s7, s2  }
0xd: {  	s11 =	smax.u32 s0, $0x1;
	s31 =	sadd.s32 s6, s3;
	s7 =	sadd.s32 $0x12420, s2  }
0xe: {  	s8 =	sadd.s32 $0x8620, s2;
	s9 =	sadd.s32 $0x17400, s2;
	s10 =	sadd.s32 $0x13600, s31  }
.LBB2_1:
0xf: {  	[tilespmem:s4], [sflag:$0x5] =	stream.linear.gather [hbm4b:s7+s4], $0x1388, $0x38;
	[tilespmem:$0xDB80] =	vst v63  }
0x10: {  	_ =	swait.ge [sflag:s12], $0x1388  }
0x11: {  	[sflag:s12] =	ssyncset.done $0x0  }
0x12: {  	[sflag:s12] =	ssyncadd.s32 $0xFFFFEC78  }
0x13: {  	[tilespmem:s13], [sflag:$0x5] =	stream.linear.gather [hbm4b:s8+s4], $0x1388, $0x38;
	[tilespmem:$0xDB80] =	vst v63  }
0x14: {  	_ =	swait.ge [sflag:s12], $0x1388  }
0x15: {  	[sflag:s12] =	ssyncset.done $0x0  }
0x16: {  	[sflag:s12] =	ssyncadd.s32 $0xFFFFEC78  }
0x17: {  	s0 =	rddreg [dreg:$0x1]  }
0x18: {  	[tilespmem:s14], [sflag:$0x5] =	stream.linear.gather [hbm4b:s0+s4], $0x2780, $0x38;
	[tilespmem:$0xDB80] =	vst v63  }
0x19: {  	_ =	swait.ge [sflag:s12], $0x2780  }
0x1a: {  	[sflag:s12] =	ssyncset.done $0x0  }
0x1b: {  	[sflag:s12] =	ssyncadd.s32 $0xFFFFD880  }
0x1c: {  	[tilespmem:s16], [sflag:$0x1] =	stream.indirect.gather [hbm4b:s1+s15], $0x80, s4, s15, $0xb8;
	[tilespmem:$0xDB80] =	vst v63  }
0x1d: {  	s0 =	simm.s32 $0x0  }
0x1e: {  	[tilespmem:s17], [sflag:$0x1] =	stream.indirect.gather [hbm4b:s1+s15], $0x80, s13, s15, $0xb8;
	[tilespmem:$0xDB80] =	vst v63  }
0x1f: {  	v0 =	vld [tilespmem:s0+$0x0];
	_ =	sdelay $0x7  }
0x20: {  	s2 =	simm.s32 $0x10;
	s3 =	simm.s32 $0x80;
	v0 =	vld.idx.msk [tilespmem:v0+s14+$0x0], $0xffff  }
.LBB2_2:
0x21: {  	p0 =	sne.s32 s3, $0x4DC0;
	v1 =	vld [tilespmem:s2+$0x0];
	_ =	sdelay $0x3  }
.Ltmp0:
0x22: {  	(pc) =	sbr.rel @p0 .LBB2_2-.Ltmp0, $2  }
0x23: {  	[tilespmem:s0+$0x4F80] =	vst v0;
	s0 =	smov.u32 s2;
	_ =	sdelay $0x2  }
0x24: {  	s2 =	sshra.s32 s3, $0x2;
	s3 =	sadd.s32 $0x40, s3;
	v0 =	vld.idx.msk [tilespmem:v1+s14+$0x0], $0xffff  }
0x25: {  	v1 =	vld [tilespmem:s2+$0x0];
	_ =	sdelay $0x6  }
0x26: {  	[tilespmem:s0+$0x4F80] =	vst v0  }
0x27: {  	v0 =	vld.idx.msk [tilespmem:v1+s14+$0x0], $0xffff;
	_ =	sdelay $0x4  }
0x28: {  	[tilespmem:s2+$0x4F80] =	vst v0  }
0x29: {  	v0 =	vld [tilespmem:$0x1378];
	_ =	sdelay $0x7  }
0x2a: {  	v0 =	vld.idx.msk [tilespmem:v0+s14+$0x0], $0xffff;
	_ =	sdelay $0x4  }
0x2b: {  	s29 =	simm.s32 $0x0;
	[tilespmem:$0x62F8] =	vst v0  }
0x2c: {  	[hbm4b:s9+s29] =	stream.linear.scatter [tilespmem:s18], [sflag:$0x5], $0x1388, $0x38;
	[tilespmem:$0xDB80] =	vst v63  }
0x2d: {  	_ =	swait.ge [sflag:s12], $0x1388  }
0x2e: {  	[sflag:s12] =	ssyncset.done $0x0  }
0x2f: {  	[sflag:s12] =	ssyncadd.s32 $0xFFFFEC78  }
.LBB2_4:
0x30: {  	s31 =	smul.u32 $0x50, s29;
	_ =	sdelay $0x1  }
0x31: {  	s30 =	sadd.s32 $0x28, s31  }
0x32: {  	[tilespmem:s19], [sflag:$0x2] =	stream.indirect.gather [hbm4b:s1+s15], $0x80, s30, s15, $0xb8;
	[tilespmem:$0xDB80] =	vst v63  }
0x33: {  	s0 =	sadd.s32 $0x1428, s31  }
0x34: {  	[tilespmem:s20], [sflag:$0x2] =	stream.indirect.gather [hbm4b:s1+s15], $0x80, s0, s15, $0xb8;
	[tilespmem:$0xDB80] =	vst v63  }
0x35: {  	_ =	swait.ge [sflag:s21], $0x1400  }
0x36: {  	[sflag:s21] =	ssyncset.done $0x0  }
0x37: {  	[sflag:s21] =	ssyncadd.s32 $0xFFFFEC00  }
0x38: {  	_ =	swait.ge [sflag:s21], $0x1400  }
0x39: {  	p0 =	seq.s32 s29, $0x0;
	[sflag:s21] =	ssyncset.done $0x0  }
0x3a: {  	s0 =	simm.s32 @!p0 $0x3;
	[sflag:s21] =	ssyncadd.s32 $0xFFFFEC00  }
0x3b: {  	_ =	swait.ge @!p0 [sflag:s0], $0x1400  }
0x3c: {  	[sflag:s0] =	ssyncset.done @!p0 $0x0  }
0x3d: {  	s2 =	simm.s32 $0x0;
	[sflag:s0] =	ssyncadd.s32 @!p0 $0xFFFFEC00  }
0x3e: {  	v0 =	vld [tilespmem:s2+$0x63F0]  }
0x3f: {  	v1 =	vld [tilespmem:s2+$0x77F0]  }
0x40: {  	v2 =	vld [tilespmem:s2+$0x6380]  }
0x41: {  	v3 =	vld [tilespmem:s2+$0x7780]  }
0x42: {  	v4 =	vld [tilespmem:s2+$0x6390]  }
0x43: {  	v5 =	vld [tilespmem:s2+$0x7790]  }
0x44: {  	v6 =	vld [tilespmem:s2+$0x63A0]  }
0x45: {  	v7 =	vld [tilespmem:s2+$0x63B0]  }
0x46: {  	v0 =	vadd.f32 v1, v0;
	v1 =	vld [tilespmem:s2+$0x77A0]  }
0x47: {  	v8 =	vld [tilespmem:s2+$0x77B0]  }
0x48: {  	v9 =	vld [tilespmem:s2+$0x77C0];
	v2 =	vadd.f32 v3, v2  }
0x49: {  	[tilespmem:s2+$0xB3F0] =	vst v0;
	v0 =	vadd.f32 v5, v4;
	v5 =	vld [tilespmem:s2+$0x63C0]  }
0x4a: {  	v3 =	vld [tilespmem:s2+$0x77D0];
	[tilespmem:s2+$0xB380] =	vst v2  }
0x4b: {  	v2 =	vld [tilespmem:s2+$0x63D0];
	[tilespmem:s2+$0xB390] =	vst v0;
	v0 =	vadd.f32 v1, v6  }
0x4c: {  	v4 =	vld [tilespmem:s2+$0x77E0];
	v6 =	vadd.f32 v8, v7  }
0x4d: {  	s0 =	simm.s32 $0x80;
	[tilespmem:s2+$0xB3A0] =	vst v0;
	v0 =	vld [tilespmem:s2+$0x63E0]  }
0x4e: {  	s3 =	simm.s32 $0x400;
	v5 =	vadd.f32 v9, v5;
	v1 =	vld [tilespmem:s0+$0x63F0];
	[tilespmem:s2+$0xB3B0] =	vst v6  }
.LBB2_5:
0x4f: {  	p1 =	sne.s32 s3, $0x4E00;
	v6 =	vld [tilespmem:s0+$0x77F0]  }
0x50: {  	v7 =	vld [tilespmem:s0+$0x6380];
	[tilespmem:s2+$0xB3C0] =	vst v5;
	v2 =	vadd.f32 v3, v2  }
0x51: {  	v3 =	vld [tilespmem:s0+$0x7780]  }
0x52: {  	v5 =	vld [tilespmem:s0+$0x6390];
	[tilespmem:s2+$0xB3D0] =	vst v2;
	v0 =	vadd.f32 v4, v0  }
0x53: {  	v2 =	vld [tilespmem:s0+$0x7790]  }
0x54: {  	v4 =	vld [tilespmem:s0+$0x63A0];
	v1 =	vadd.f32 v6, v1;
	[tilespmem:s2+$0xB3E0] =	vst v0;
	s2 =	smov.u32 s0  }
0x55: {  	v0 =	vld [tilespmem:s2+$0x77A0]  }
0x56: {  	v3 =	vadd.f32 v3, v7;
	v6 =	vld [tilespmem:s2+$0x63B0];
	[tilespmem:s2+$0xB3F0] =	vst v1  }
0x57: {  	v1 =	vld [tilespmem:s2+$0x77B0]  }
0x58: {  	[tilespmem:s2+$0xB380] =	vst v3;
	v2 =	vadd.f32 v2, v5;
	v5 =	vld [tilespmem:s2+$0x63C0]  }
0x59: {  	v7 =	vld [tilespmem:s2+$0x77C0]  }
.Ltmp1:
0x5a: {  	[tilespmem:s2+$0xB390] =	vst v2;
	v0 =	vadd.f32 v0, v4;
	v2 =	vld [tilespmem:s2+$0x63D0];
	(pc) =	sbr.rel @p1 .LBB2_5-.Ltmp1, $4  }
0x5b: {  	v3 =	vld [tilespmem:s2+$0x77D0]  }
0x5c: {  	[tilespmem:s2+$0xB3A0] =	vst v0;
	v6 =	vadd.f32 v1, v6;
	v0 =	vld [tilespmem:s2+$0x63E0]  }
0x5d: {  	s0 =	sshra.s32 s3, $0x2;
	v4 =	vld [tilespmem:s2+$0x77E0]  }
0x5e: {  	s3 =	sadd.s32 $0x200, s3;
	v1 =	vld [tilespmem:s0+$0x63F0];
	[tilespmem:s2+$0xB3B0] =	vst v6;
	v5 =	vadd.f32 v7, v5  }
0x5f: {  	v6 =	vld [tilespmem:s0+$0x77F0]  }
0x60: {  	v7 =	vld [tilespmem:s0+$0x6380];
	[tilespmem:s2+$0xB3C0] =	vst v5;
	v2 =	vadd.f32 v3, v2  }
0x61: {  	v3 =	vld [tilespmem:s0+$0x7780]  }
0x62: {  	v5 =	vld [tilespmem:s0+$0x6390];
	[tilespmem:s2+$0xB3D0] =	vst v2;
	v0 =	vadd.f32 v4, v0  }
0x63: {  	v2 =	vld [tilespmem:s0+$0x7790]  }
0x64: {  	v4 =	vld [tilespmem:s0+$0x63A0];
	[tilespmem:s2+$0xB3E0] =	vst v0  }
0x65: {  	v0 =	vadd.f32 v6, v1;
	v1 =	vld [tilespmem:s0+$0x77A0]  }
0x66: {  	v6 =	vld [tilespmem:s0+$0x63B0]  }
0x67: {  	v3 =	vadd.f32 v3, v7;
	[tilespmem:s0+$0xB3F0] =	vst v0;
	v0 =	vld [tilespmem:s0+$0x77B0]  }
0x68: {  	v7 =	vld [tilespmem:s0+$0x77E0]  }
0x69: {  	[tilespmem:s0+$0xB380] =	vst v3;
	v2 =	vadd.f32 v2, v5;
	v3 =	vld [tilespmem:s0+$0x63C0]  }
0x6a: {  	v5 =	vld [tilespmem:s0+$0x77C0]  }
0x6b: {  	[tilespmem:s0+$0xB390] =	vst v2;
	v1 =	vadd.f32 v1, v4;
	v2 =	vld [tilespmem:s0+$0x63D0]  }
0x6c: {  	v4 =	vld [tilespmem:s0+$0x77D0]  }
0x6d: {  	[tilespmem:s0+$0xB3A0] =	vst v1;
	v1 =	vld [tilespmem:s0+$0x63E0];
	_ =	sdelay $0x1  }
0x6e: {  	v0 =	vadd.f32 v0, v6  }
0x6f: {  	v3 =	vadd.f32 v5, v3  }
0x70: {  	[tilespmem:s0+$0xB3B0] =	vst v0;
	v0 =	vadd.f32 v4, v2  }
0x71: {  	s3 =	sadd.s32 s5, s31;
	[tilespmem:s0+$0xB3C0] =	vst v3;
	v1 =	vadd.f32 v7, v1  }
0x72: {  	s2 =	sshll.u32 s3, $0x4;
	[tilespmem:s0+$0xB3D0] =	vst v0  }
0x73: {  	s2 =	sadd.s32 s6, s2;
	[tilespmem:s0+$0xB3E0] =	vst v1  }
0x74: {  	[hbm4b:s2+s4] =	stream.linear.scatter [tilespmem:s22], [sflag:$0x3], $0x1400, $0x38;
	[tilespmem:$0xDB80] =	vst v63  }
0x75: {  	s3 =	sadd.s32 $0x50, s31  }
0x76: {  	[tilespmem:s16], [sflag:$0x1] =	stream.indirect.gather [hbm4b:s1+s15], $0x80, s3, s15, $0xb8;
	[tilespmem:$0xDB80] =	vst v63  }
0x77: {  	s31 =	sadd.s32 $0x1450, s31  }
0x78: {  	[tilespmem:s17], [sflag:$0x1] =	stream.indirect.gather [hbm4b:s1+s15], $0x80, s31, s15, $0xb8;
	[tilespmem:$0xDB80] =	vst v63  }
0x79: {  	_ =	swait.ge [sflag:s23], $0x1400  }
0x7a: {  	[sflag:s23] =	ssyncset.done $0x0  }
0x7b: {  	[sflag:s23] =	ssyncadd.s32 $0xFFFFEC00  }
0x7c: {  	_ =	swait.ge [sflag:s23], $0x1400  }
0x7d: {  	[sflag:s23] =	ssyncset.done $0x0  }
0x7e: {  	s0 =	simm.s32 @!p0 $0x4;
	[sflag:s23] =	ssyncadd.s32 $0xFFFFEC00  }
0x7f: {  	_ =	swait.ge @!p0 [sflag:s0], $0x1400  }
0x80: {  	[sflag:s0] =	ssyncset.done @!p0 $0x0  }
0x81: {  	s2 =	simm.s32 $0x0;
	[sflag:s0] =	ssyncadd.s32 @!p0 $0xFFFFEC00  }
0x82: {  	v0 =	vld [tilespmem:s2+$0x8BF0]  }
0x83: {  	v1 =	vld [tilespmem:s2+$0x9FF0]  }
0x84: {  	v2 =	vld [tilespmem:s2+$0x8B80]  }
0x85: {  	v3 =	vld [tilespmem:s2+$0x9F80]  }
0x86: {  	v4 =	vld [tilespmem:s2+$0x8B90]  }
0x87: {  	v5 =	vld [tilespmem:s2+$0x9F90]  }
0x88: {  	v6 =	vld [tilespmem:s2+$0x8BA0]  }
0x89: {  	v7 =	vld [tilespmem:s2+$0x8BB0]  }
0x8a: {  	v0 =	vadd.f32 v1, v0;
	v1 =	vld [tilespmem:s2+$0x9FA0]  }
0x8b: {  	v8 =	vld [tilespmem:s2+$0x9FB0]  }
0x8c: {  	v9 =	vld [tilespmem:s2+$0x9FC0];
	v2 =	vadd.f32 v3, v2  }
0x8d: {  	[tilespmem:s2+$0xC7F0] =	vst v0;
	v0 =	vadd.f32 v5, v4;
	v5 =	vld [tilespmem:s2+$0x8BC0]  }
0x8e: {  	v3 =	vld [tilespmem:s2+$0x9FD0];
	[tilespmem:s2+$0xC780] =	vst v2  }
0x8f: {  	v2 =	vld [tilespmem:s2+$0x8BD0];
	[tilespmem:s2+$0xC790] =	vst v0;
	v0 =	vadd.f32 v1, v6  }
0x90: {  	v4 =	vld [tilespmem:s2+$0x9FE0];
	v6 =	vadd.f32 v8, v7  }
0x91: {  	s0 =	simm.s32 $0x80;
	[tilespmem:s2+$0xC7A0] =	vst v0;
	v0 =	vld [tilespmem:s2+$0x8BE0]  }
0x92: {  	s3 =	simm.s32 $0x400;
	v5 =	vadd.f32 v9, v5;
	v1 =	vld [tilespmem:s0+$0x8BF0];
	[tilespmem:s2+$0xC7B0] =	vst v6  }
.LBB2_7:
0x93: {  	p0 =	sne.s32 s3, $0x4E00;
	v6 =	vld [tilespmem:s0+$0x9FF0]  }
0x94: {  	v7 =	vld [tilespmem:s0+$0x8B80];
	[tilespmem:s2+$0xC7C0] =	vst v5;
	v2 =	vadd.f32 v3, v2  }
0x95: {  	v3 =	vld [tilespmem:s0+$0x9F80]  }
0x96: {  	v5 =	vld [tilespmem:s0+$0x8B90];
	[tilespmem:s2+$0xC7D0] =	vst v2;
	v0 =	vadd.f32 v4, v0  }
0x97: {  	v2 =	vld [tilespmem:s0+$0x9F90]  }
0x98: {  	v4 =	vld [tilespmem:s0+$0x8BA0];
	v1 =	vadd.f32 v6, v1;
	[tilespmem:s2+$0xC7E0] =	vst v0;
	s2 =	smov.u32 s0  }
0x99: {  	v0 =	vld [tilespmem:s2+$0x9FA0]  }
0x9a: {  	v3 =	vadd.f32 v3, v7;
	v6 =	vld [tilespmem:s2+$0x8BB0];
	[tilespmem:s2+$0xC7F0] =	vst v1  }
0x9b: {  	v1 =	vld [tilespmem:s2+$0x9FB0]  }
0x9c: {  	[tilespmem:s2+$0xC780] =	vst v3;
	v2 =	vadd.f32 v2, v5;
	v5 =	vld [tilespmem:s2+$0x8BC0]  }
0x9d: {  	v7 =	vld [tilespmem:s2+$0x9FC0]  }
.Ltmp2:
0x9e: {  	[tilespmem:s2+$0xC790] =	vst v2;
	v0 =	vadd.f32 v0, v4;
	v2 =	vld [tilespmem:s2+$0x8BD0];
	(pc) =	sbr.rel @p0 .LBB2_7-.Ltmp2, $4  }
0x9f: {  	v3 =	vld [tilespmem:s2+$0x9FD0]  }
0xa0: {  	[tilespmem:s2+$0xC7A0] =	vst v0;
	v6 =	vadd.f32 v1, v6;
	v0 =	vld [tilespmem:s2+$0x8BE0]  }
0xa1: {  	s0 =	sshra.s32 s3, $0x2;
	v4 =	vld [tilespmem:s2+$0x9FE0]  }
0xa2: {  	s3 =	sadd.s32 $0x200, s3;
	v1 =	vld [tilespmem:s0+$0x8BF0];
	[tilespmem:s2+$0xC7B0] =	vst v6;
	v5 =	vadd.f32 v7, v5  }
0xa3: {  	v6 =	vld [tilespmem:s0+$0x9FF0]  }
0xa4: {  	v7 =	vld [tilespmem:s0+$0x8B80];
	[tilespmem:s2+$0xC7C0] =	vst v5;
	v2 =	vadd.f32 v3, v2  }
0xa5: {  	v51 =	vld [tilespmem:s0+$0x9F80]  }
0xa6: {  	v5 =	vld [tilespmem:s0+$0x8B90];
	[tilespmem:s2+$0xC7D0] =	vst v2;
	v0 =	vadd.f32 v4, v0  }
0xa7: {  	v2 =	vld [tilespmem:s0+$0x9F90]  }
0xa8: {  	v52 =	vld [tilespmem:s0+$0x8BA0];
	[tilespmem:s2+$0xC7E0] =	vst v0  }
0xa9: {  	v54 =	vld [tilespmem:s0+$0x9FA0]  }
0xaa: {  	v55 =	vld [tilespmem:s0+$0x8BB0]  }
0xab: {  	v56 =	vld [tilespmem:s0+$0x9FB0]  }
0xac: {  	v57 =	vld [tilespmem:s0+$0x8BC0]  }
0xad: {  	v58 =	vld [tilespmem:s0+$0x9FC0]  }
0xae: {  	v59 =	vld [tilespmem:s0+$0x8BD0]  }
0xaf: {  	v53 =	vadd.f32 v6, v1;
	v60 =	vld [tilespmem:s0+$0x9FD0]  }
0xb0: {  	v61 =	vld [tilespmem:s0+$0x8BE0];
	v3 =	vadd.f32 v51, v7  }
0xb1: {  	v62 =	vld [tilespmem:s0+$0x9FE0];
	[tilespmem:s0+$0xC7F0] =	vst v53;
	v2 =	vadd.f32 v2, v5  }
0xb2: {  	[tilespmem:s0+$0xC780] =	vst v3;
	v1 =	vadd.f32 v54, v52  }
0xb3: {  	s29 =	sadd.s32 $0x1, s29;
	[tilespmem:s0+$0xC790] =	vst v2;
	v0 =	vadd.f32 v56, v55  }
0xb4: {  	p0 =	sne.s32 s29, $0x3E;
	v3 =	vadd.f32 v58, v57;
	[tilespmem:s0+$0xC7A0] =	vst v1  }
.Ltmp3:
0xb5: {  	v63 =	vadd.f32 v60, v59;
	[tilespmem:s0+$0xC7B0] =	vst v0;
	(pc) =	sbr.rel @p0 .LBB2_4-.Ltmp3, $4  }
0xb6: {  	s30 =	sadd.s32 s5, s30;
	[tilespmem:s0+$0xC7C0] =	vst v3;
	v1 =	vadd.f32 v62, v61  }
0xb7: {  	s2 =	sshll.u32 s30, $0x4;
	[tilespmem:s0+$0xC7D0] =	vst v63  }
0xb8: {  	s31 =	sadd.s32 s6, s2;
	[tilespmem:s0+$0xC7E0] =	vst v1  }
0xb9: {  	[hbm4b:s31+s4] =	stream.linear.scatter [tilespmem:s24], [sflag:$0x4], $0x1400, $0x38;
	[tilespmem:$0xDB80] =	vst v63  }
0xba: {  	_ =	swait.ge [sflag:s21], $0x1400  }
0xbb: {  	[sflag:s21] =	ssyncset.done $0x0  }
0xbc: {  	[sflag:s21] =	ssyncadd.s32 $0xFFFFEC00  }
0xbd: {  	_ =	swait.ge [sflag:s21], $0x1400  }
0xbe: {  	[sflag:s21] =	ssyncset.done $0x0  }
0xbf: {  	[sflag:s21] =	ssyncadd.s32 $0xFFFFEC00  }
0xc0: {  	_ =	swait.ge [sflag:s25], $0x1400  }
0xc1: {  	[sflag:s25] =	ssyncset.done $0x0  }
0xc2: {  	s2 =	simm.s32 $0x0;
	[sflag:s25] =	ssyncadd.s32 $0xFFFFEC00  }
0xc3: {  	v0 =	vld [tilespmem:s2+$0x63F0]  }
0xc4: {  	v1 =	vld [tilespmem:s2+$0x77F0]  }
0xc5: {  	v2 =	vld [tilespmem:s2+$0x6380]  }
0xc6: {  	v3 =	vld [tilespmem:s2+$0x7780]  }
0xc7: {  	v4 =	vld [tilespmem:s2+$0x6390]  }
0xc8: {  	v5 =	vld [tilespmem:s2+$0x7790]  }
0xc9: {  	v6 =	vld [tilespmem:s2+$0x63A0]  }
0xca: {  	v7 =	vld [tilespmem:s2+$0x63B0]  }
0xcb: {  	v0 =	vadd.f32 v1, v0;
	v1 =	vld [tilespmem:s2+$0x77A0]  }
0xcc: {  	v8 =	vld [tilespmem:s2+$0x77B0]  }
0xcd: {  	v9 =	vld [tilespmem:s2+$0x77C0];
	v2 =	vadd.f32 v3, v2  }
0xce: {  	[tilespmem:s2+$0xB3F0] =	vst v0;
	v0 =	vadd.f32 v5, v4;
	v5 =	vld [tilespmem:s2+$0x63C0]  }
0xcf: {  	v3 =	vld [tilespmem:s2+$0x77D0];
	[tilespmem:s2+$0xB380] =	vst v2  }
0xd0: {  	v2 =	vld [tilespmem:s2+$0x63D0];
	[tilespmem:s2+$0xB390] =	vst v0;
	v0 =	vadd.f32 v1, v6  }
0xd1: {  	v4 =	vld [tilespmem:s2+$0x77E0];
	v6 =	vadd.f32 v8, v7  }
0xd2: {  	s0 =	simm.s32 $0x80;
	[tilespmem:s2+$0xB3A0] =	vst v0;
	v0 =	vld [tilespmem:s2+$0x63E0]  }
0xd3: {  	s3 =	simm.s32 $0x400;
	v5 =	vadd.f32 v9, v5;
	v1 =	vld [tilespmem:s0+$0x63F0];
	[tilespmem:s2+$0xB3B0] =	vst v6  }
.LBB2_10:
0xd4: {  	p0 =	sne.s32 s3, $0x4E00;
	v6 =	vld [tilespmem:s0+$0x77F0]  }
0xd5: {  	v7 =	vld [tilespmem:s0+$0x6380];
	[tilespmem:s2+$0xB3C0] =	vst v5;
	v2 =	vadd.f32 v3, v2  }
0xd6: {  	v3 =	vld [tilespmem:s0+$0x7780]  }
0xd7: {  	v5 =	vld [tilespmem:s0+$0x6390];
	[tilespmem:s2+$0xB3D0] =	vst v2;
	v0 =	vadd.f32 v4, v0  }
0xd8: {  	v2 =	vld [tilespmem:s0+$0x7790]  }
0xd9: {  	v4 =	vld [tilespmem:s0+$0x63A0];
	v1 =	vadd.f32 v6, v1;
	[tilespmem:s2+$0xB3E0] =	vst v0;
	s2 =	smov.u32 s0  }
0xda: {  	v0 =	vld [tilespmem:s2+$0x77A0]  }
0xdb: {  	v3 =	vadd.f32 v3, v7;
	v6 =	vld [tilespmem:s2+$0x63B0];
	[tilespmem:s2+$0xB3F0] =	vst v1  }
0xdc: {  	v1 =	vld [tilespmem:s2+$0x77B0]  }
0xdd: {  	[tilespmem:s2+$0xB380] =	vst v3;
	v2 =	vadd.f32 v2, v5;
	v5 =	vld [tilespmem:s2+$0x63C0]  }
0xde: {  	v7 =	vld [tilespmem:s2+$0x77C0]  }
.Ltmp4:
0xdf: {  	[tilespmem:s2+$0xB390] =	vst v2;
	v0 =	vadd.f32 v0, v4;
	v2 =	vld [tilespmem:s2+$0x63D0];
	(pc) =	sbr.rel @p0 .LBB2_10-.Ltmp4, $4  }
0xe0: {  	v3 =	vld [tilespmem:s2+$0x77D0]  }
0xe1: {  	[tilespmem:s2+$0xB3A0] =	vst v0;
	v6 =	vadd.f32 v1, v6;
	v0 =	vld [tilespmem:s2+$0x63E0]  }
0xe2: {  	s0 =	sshra.s32 s3, $0x2;
	v4 =	vld [tilespmem:s2+$0x77E0]  }
0xe3: {  	s3 =	sadd.s32 $0x200, s3;
	v1 =	vld [tilespmem:s0+$0x63F0];
	[tilespmem:s2+$0xB3B0] =	vst v6;
	v5 =	vadd.f32 v7, v5  }
0xe4: {  	v6 =	vld [tilespmem:s0+$0x77F0]  }
0xe5: {  	v7 =	vld [tilespmem:s0+$0x6380];
	[tilespmem:s2+$0xB3C0] =	vst v5;
	v2 =	vadd.f32 v3, v2  }
0xe6: {  	v51 =	vld [tilespmem:s0+$0x7780]  }
0xe7: {  	v5 =	vld [tilespmem:s0+$0x6390];
	[tilespmem:s2+$0xB3D0] =	vst v2;
	v0 =	vadd.f32 v4, v0  }
0xe8: {  	v2 =	vld [tilespmem:s0+$0x7790]  }
0xe9: {  	v52 =	vld [tilespmem:s0+$0x63A0];
	[tilespmem:s2+$0xB3E0] =	vst v0  }
0xea: {  	v54 =	vld [tilespmem:s0+$0x77A0]  }
0xeb: {  	v55 =	vld [tilespmem:s0+$0x63B0]  }
0xec: {  	v56 =	vld [tilespmem:s0+$0x77B0]  }
0xed: {  	v57 =	vld [tilespmem:s0+$0x63C0]  }
0xee: {  	v58 =	vld [tilespmem:s0+$0x77C0]  }
0xef: {  	v59 =	vld [tilespmem:s0+$0x63D0]  }
0xf0: {  	v53 =	vadd.f32 v6, v1;
	v60 =	vld [tilespmem:s0+$0x77D0]  }
0xf1: {  	v61 =	vld [tilespmem:s0+$0x63E0];
	v3 =	vadd.f32 v51, v7  }
0xf2: {  	v62 =	vld [tilespmem:s0+$0x77E0];
	[tilespmem:s0+$0xB3F0] =	vst v53;
	v2 =	vadd.f32 v2, v5  }
0xf3: {  	[tilespmem:s0+$0xB380] =	vst v3;
	v1 =	vadd.f32 v54, v52  }
0xf4: {  	[tilespmem:s0+$0xB390] =	vst v2;
	v0 =	vadd.f32 v56, v55  }
0xf5: {  	v3 =	vadd.f32 v58, v57;
	[tilespmem:s0+$0xB3A0] =	vst v1  }
0xf6: {  	v63 =	vadd.f32 v60, v59;
	[tilespmem:s0+$0xB3B0] =	vst v0  }
0xf7: {  	[tilespmem:s0+$0xB3C0] =	vst v3;
	v1 =	vadd.f32 v62, v61  }
0xf8: {  	[tilespmem:s0+$0xB3D0] =	vst v63  }
0xf9: {  	s28 =	sadd.s32 $0x1, s28;
	[tilespmem:s0+$0xB3E0] =	vst v1  }
0xfa: {  	[hbm4b:s10+s4] =	stream.linear.scatter [tilespmem:s22], [sflag:$0x3], $0x1400, $0x38;
	[tilespmem:$0xDB80] =	vst v63  }
0xfb: {  	p0 =	sne.s32 s28, s11;
	_ =	swait.ge [sflag:s25], $0x1400  }
.Ltmp5:
0xfc: {  	[sflag:s25] =	ssyncset.done $0x0;
	(pc) =	sbr.rel @p0 .LBB2_1-.Ltmp5, $4  }
0xfd: {  	[sflag:s25] =	ssyncadd.s32 $0xFFFFEC00  }
0xfe: {  	_ =	swait.ge [sflag:s26], $0x1400  }
0xff: {  	[sflag:s26] =	ssyncset.done $0x0  }
0x100: {  	[sflag:s26] =	ssyncadd.s32 $0xFFFFEC00  }
0x101: {  	_ =	sfence.sel $0x180000  }
0x102: {  	[bflag:$0x0] =	sbarrier.arrive $0xFFFF  }
0x103: {  	_ =	strace $0x90000047  }
0x104: {  	s0 =	stileid.u32;
	[bflag:$0x2] =	sbarrier.arrive $0xFFFF  }
0x105: {  	p0 =	sne.s32 s0, $0x0;
	s0 =	rddreg [dreg:$0x3]  }
0x106: {  	s0 =	sadd.s32 @!p0 $0x100000, s0  }
0x107: {  	[sflag:s0] =	ssyncadd.tile.s32 @!p0 $0x1;
	_ =	shalt  }
.Lfunc_end2:
_tile_overlayer_lowered:
.L_overlay_start_2:
0x108: {  	(tag) =	ssettag $0x2  }
0x109: {  	s0 =	rddreg [dreg:$0x0];
	s2 =	stileid.u32  }
0x10a: {  	s1 =	rddreg [dreg:$0x1];
	p0 =	sne.s32 s2, $0x0  }
0x10b: {  	s3 =	rddreg [dreg:$0x2];
	[bflag:$0x3] =	sbarrier.arrive $0xFFFF;
	s2 =	simm.s32 @!p0 $0x1C05  }
0x10c: {  	[timem:s3], [sflag:s2] =	dma.local @!p0 [hbm:s0], s1  }
0x10d: {  	s0 =	simm.s32 @!p0 $0x5  }
0x10e: {  	_ =	swait.ge @!p0 [sflag:s0], s1  }
0x10f: {  	s1 =	ssub.s32 @!p0 $0x0, s1;
	[sflag:s0] =	ssyncset.done @!p0 $0x0  }
0x110: {  	[sflag:s0] =	ssyncadd.s32 @!p0 s1  }
0x111: {  	[bflag:$0x3] =	sbarrier.arrive $0xFFFF  }
0x112: {  	_ =	shalt  }

// kernel: kernel.16.cloned.1.call-start
scs
__scs_entry_jumppad:
0x0: {  	(pc) =	sbr.rel $0x88, $3  }
0x1: {  	(tag) =	ssettag $0x0;
	lr =	simm.s32 $0x1  }
0x2: {  	[smem:$0x3F90] =	sst lr;
	_ =	strace $0xD0000000  }
0x3: {  	_ = 	snop  }
0x4: {  	_ = 	snop  }
0x5: {  	_ = 	snop  }
0x6: {  	_ = 	snop  }
0x7: {  	_ = 	snop  }
__scs_overlays_trampoline_lowered:
0x8: {  	[smem:$0x3F9F] =	sst s0  }
0x9: {  	[smem:$0x3FA0] =	sst s1  }
0xa: {  	[smem:$0x3FA1] =	sst s2  }
0xb: {  	[smem:$0x3FA2] =	sst s3  }
0xc: {  	[smem:$0x3FA3] =	sst s4  }
0xd: {  	[smem:$0x3FA4] =	sst s5  }
0xe: {  	[smem:$0x3FA5] =	sst s6  }
0xf: {  	[smem:$0x3FA6] =	sst s7  }
0x10: {  	[smem:$0x3FA7] =	sst s8  }
0x11: {  	[smem:$0x3FA8] =	sst s9;
	s0 =	simm.s32 @!p0 $0x0  }
0x12: {  	s1 =	sld [smem:$0x3F8E];
	s0 =	simm.s32 @p0 $0x1  }
0x13: {  	[smem:$0x3FA9] =	sst s0;
	s0 =	simm.s32 @!p1 $0x0  }
0x14: {  	s2 =	sld [smem:$0x3F8D];
	s0 =	simm.s32 @p1 $0x1  }
0x15: {  	[smem:$0x3FAA] =	sst s0;
	s0 =	simm.s32 @!p2 $0x0  }
0x16: {  	s3 =	sld [smem:$0x3FDB];
	s0 =	simm.s32 @p2 $0x1  }
0x17: {  	s4 =	simm.s32 $0x1BF5;
	[smem:$0x3FAC] =	sst s0  }
0x18: {  	s0 =	sld [smem:$0x3F8F];
	_ =	swait.ge [sflag:s4], $0x0  }
0x19: {  	s7 =	sld [smem:$0x3F90]  }
0x1a: {  	s8 =	sadd.s32 $0xFFFFE003, lr  }
0x1b: {  	s9 =	sadd.s32 $0xFFFFFEF7, lr;
	s5 =	simm.s32 $0xFFFFFFFF;
	p2 =	slt.u32 s8, $0xFFFFF086  }
0x1c: {  	p1 =	slt.u32 s9, $0xF7A;
	s5 =	simm.s32 @!p2 $0x0  }
0x1d: {  	s5 =	simm.s32 @p1 $0x1;
	p0 =	seq.s32 s7, s2  }
0x1e: {  	s7 =	smul.u32 @!p0 $0xF7A, s2;
	p2 =	seq.s32 @!p0 s5, $0x0  }
0x1f: {  	s9 =	smul.u32 $0xF7A, s1;
	s8 =	simm.s32 @!p0 $0x1BF5;
	p2 =	por !p2, p0  }
0x20: {  	[sflag:s8] =	ssyncset.s32 @!p0 $0xFFFFF086;
	s6 =	sadd.s32 @!p0 s3, s7;
	s7 =	simm.s32 @!p0 $0x108  }
0x21: {  	s3 =	sadd.s32 s3, s9;
	s6 =	sadd.s32 @!p0 $0x88, s6;
	s7 =	simm.s32 @p2 $0x1082  }
0x22: {  	[simem:s7], [sflag:s8] =	dma.local @!p0 [hbm:s6], $0xF7A  }
0x23: {  	s9 =	sor.u32 $0xD0000000, s2;
	s6 =	simm.s32 $0x108;
	_ =	swait.ge @!p0 [sflag:s8], $0x0  }
0x24: {  	s3 =	sadd.s32 $0x88, s3;
	s6 =	simm.s32 @!p1 $0x1082;
	[sflag:s4] =	ssyncset.s32 $0xFFFFF086  }
0x25: {  	[simem:s6], [sflag:s4] =	dma.local [hbm:s3], $0xF7A  }
0x26: {  	[smem:$0x3F90] =	sst s1;
	(tag) =	ssettag s2;
	_ =	strace s9  }
0x27: {  	s1 =	sld [smem:$0x3FA0]  }
0x28: {  	s2 =	sld [smem:$0x3FA1]  }
0x29: {  	s4 =	sld [smem:$0x3FA3]  }
0x2a: {  	p0 =	seq.s32 s5, $0x0;
	s5 =	sld [smem:$0x3FA4]  }
0x2b: {  	s6 =	sld [smem:$0x3FA5]  }
0x2c: {  	s7 =	sld [smem:$0x3FA6]  }
0x2d: {  	s3 =	simm.s32 $0x108;
	s8 =	sld [smem:$0x3FA7]  }
0x2e: {  	s3 =	simm.s32 @!p0 $0x1082;
	s9 =	sld [smem:$0x3FA8]  }
0x2f: {  	lr =	sadd.s32 s0, s3;
	s0 =	sld [smem:$0x3F9F]  }
0x30: {  	s3 =	sld [smem:$0x3FA2]  }
0x31: {  	[smem:$0x3FAB] =	sst s10  }
0x32: {  	s10 =	sld [smem:$0x3FA9];
	_ =	sdelay $0x3  }
0x33: {  	p0 =	seq.s32 s10, $0x1;
	s10 =	sld [smem:$0x3FAB];
	_ =	sdelay $0x3  }
0x34: {  	[smem:$0x3FAB] =	sst s10  }
0x35: {  	s10 =	sld [smem:$0x3FAA];
	_ =	sdelay $0x3  }
0x36: {  	p1 =	seq.s32 s10, $0x1;
	s10 =	sld [smem:$0x3FAB];
	_ =	sdelay $0x3  }
0x37: {  	[smem:$0x3FAB] =	sst s10  }
0x38: {  	s10 =	sld [smem:$0x3FAC]  }
0x39: {  	_ = 	snop;
	(pc) =	sbr.ind lr, $3  }
0x3a: {  	_ = 	snop  }
0x3b: {  	_ = 	snop  }
0x3c: {  	p2 =	seq.s32 s10, $0x1;
	s10 =	sld [smem:$0x3FAB]  }
0x3d: {  	_ =	shalt  }
0x3e: {  	_ =	shalt  }
0x3f: {  	_ =	shalt  }
0x40: {  	_ =	shalt  }
0x41: {  	_ =	shalt  }
0x42: {  	_ =	shalt  }
0x43: {  	_ =	shalt  }
0x44: {  	_ =	shalt  }
0x45: {  	_ =	shalt  }
0x46: {  	_ =	shalt  }
0x47: {  	_ =	shalt  }
0x48: {  	_ =	shalt  }
0x49: {  	_ =	shalt  }
0x4a: {  	_ =	shalt  }
0x4b: {  	_ =	shalt  }
0x4c: {  	_ =	shalt  }
0x4d: {  	_ =	shalt  }
0x4e: {  	_ =	shalt  }
0x4f: {  	_ =	shalt  }
0x50: {  	_ =	shalt  }
0x51: {  	_ =	shalt  }
0x52: {  	_ =	shalt  }
0x53: {  	_ =	shalt  }
0x54: {  	_ =	shalt  }
0x55: {  	_ =	shalt  }
0x56: {  	_ =	shalt  }
0x57: {  	_ =	shalt  }
0x58: {  	_ =	shalt  }
0x59: {  	_ =	shalt  }
0x5a: {  	_ =	shalt  }
0x5b: {  	_ =	shalt  }
0x5c: {  	_ =	shalt  }
0x5d: {  	_ =	shalt  }
0x5e: {  	_ =	shalt  }
0x5f: {  	_ =	shalt  }
0x60: {  	_ =	shalt  }
0x61: {  	_ =	shalt  }
0x62: {  	_ =	shalt  }
0x63: {  	_ =	shalt  }
0x64: {  	_ =	shalt  }
0x65: {  	_ =	shalt  }
0x66: {  	_ =	shalt  }
0x67: {  	_ =	shalt  }
0x68: {  	_ =	shalt  }
0x69: {  	_ =	shalt  }
0x6a: {  	_ =	shalt  }
0x6b: {  	_ =	shalt  }
0x6c: {  	_ =	shalt  }
0x6d: {  	_ =	shalt  }
0x6e: {  	_ =	shalt  }
0x6f: {  	_ =	shalt  }
0x70: {  	_ =	shalt  }
0x71: {  	_ =	shalt  }
0x72: {  	_ =	shalt  }
0x73: {  	_ =	shalt  }
0x74: {  	_ =	shalt  }
0x75: {  	_ =	shalt  }
0x76: {  	_ =	shalt  }
0x77: {  	_ =	shalt  }
0x78: {  	_ =	shalt  }
0x79: {  	_ =	shalt  }
0x7a: {  	_ =	shalt  }
0x7b: {  	_ =	shalt  }
0x7c: {  	_ =	shalt  }
0x7d: {  	_ =	shalt  }
0x7e: {  	_ =	shalt  }
0x7f: {  	_ =	shalt  }
0x80: {  	_ =	shalt  }
0x81: {  	_ =	shalt  }
0x82: {  	_ =	shalt  }
0x83: {  	_ =	shalt  }
0x84: {  	_ =	shalt  }
0x85: {  	_ =	shalt  }
0x86: {  	_ =	shalt  }
0x87: {  	_ =	shalt  }
.Lfunc_end0:
.L_simem_size_0:
called_computation.2_lowered:
.L_overlay_start_0:
0x88: {  	s2 =	sld [smem:$0x3FD9]  }
0x89: {  	s3 =	sld [smem:$0x3FFE];
	_ =	sdelay $0x1  }
0x8a: {  	s1 =	srdreg.scid  }
0x8b: {  	s0 =	sand.u32 $0x1, s1  }
0x8c: {  	s15 =	sshll.u32 s0, $0xA;
	s2 =	sadd.s32 s3, s2  }
0x8d: {  	s2 =	sadd.s32 s2, s15  }
0x8e: {  	[smem:$0x3FB7] =	sst s2  }
0x8f: {  	_ = 	snop  }
0x90: {  	s2 =	sld [smem:$0x3FD0];
	_ =	sdelay $0x2  }
0x91: {  	s4 =	simm.s32 $0xC;
	s5 =	simm.s32 $0x10;
	s16 =	sld [smem:$0x3FC9]  }
0x92: {  	[smem:s5], [sflag:s4] =	dma.local [hbm:s2], $0x1  }
0x93: {  	_ =	swait.eq [sflag:s4], $0x1  }
0x94: {  	[sflag:s4] =	ssyncset.done $0x0  }
0x95: {  	[sflag:s4] =	ssyncadd.s32 $0xFFFFFFFF  }
0x96: {  	s17 =	sld [smem:$0x10];
	(tm) =	ssettm $0x1  }
0x97: {  	s18 =	sld [smem:$0x3FFB];
	_ =	sdelay $0x3  }
0x98: {  	_ =	strace s18  }
0x99: {  	s2 =	sld [smem:$0x3FFC];
	_ =	sdelay $0x3  }
0x9a: {  	_ =	strace s2  }
0x9b: {  	s2 =	sld [smem:$0x3FFD];
	_ =	sdelay $0x3  }
0x9c: {  	_ =	strace s2  }
0x9d: {  	_ =	strace $0x8FFFFFFF  }
0x9e: {  	s19 =	sld [smem:$0x3FDB];
	_ =	sdelay $0x1  }
0x9f: {  	s20 =	simm.s32 $_scs_section_size  }
0xa0: {  	s6 =	simm.s32 $_size__tile_overlayer_lowered;
	s7 =	simm.s32 $_tile_overlayer_lowered  }
0xa1: {  	s8 =	simm.s32 $0x1BFF;
	s21 =	sshll.u32 s7, $0x1;
	s5 =	sadd.s32 s20, s19  }
0xa2: {  	s22 =	simm.s32 $0x0;
	s6 =	sshll.u32 s6, $0x1;
	s7 =	sadd.s32 s21, s5  }
0xa3: {  	[timem:s22], [sflag:s8] =	dma.local [hbm:s7], s6  }
0xa4: {  	_ =	swait.ge [sflag:s8], s6  }
0xa5: {  	s6 =	ssub.s32 $0x0, s6;
	[sflag:s8] =	ssyncset.done $0x0  }
0xa6: {  	[sflag:s8] =	ssyncadd.s32 s6;
	_ =	sdelay $0x1  }
0xa7: {  	s23 =	simm.s32 $0x1B8B  }
0xa8: {  	_ =	swait.ge [sflag:s23], $0x1  }
0xa9: {  	[sflag:s23] =	ssyncset.done $0x0  }
0xaa: {  	[sflag:s23] =	ssyncadd.s32 $0xFFFFFFFF  }
0xab: {  	s6 =	sld [smem:$0x0]  }
0xac: {  	s7 =	sand.u32 $0xFFFFFFFE, s1  }
0xad: {  	p0 =	sne.s32 s1, s7  }
0xae: {  	s7 =	sshll.u32 @p0 s7, $0xE  }
0xaf: {  	s7 =	sadd.s32 @p0 $0x11B8D, s7;
	s8 =	sshll.u32 @p0 s6, $0x11  }
0xb0: {  	s7 =	sor.u32 @p0 s8, s7  }
0xb1: {  	[sflag:s7] =	ssyncadd.remote.s32 @p0 $0x1;
	_ =	sdelay $0x1  }
0xb2: {  	s7 =	simm.s32 @p0 $0x1B8D  }
0xb3: {  	_ =	swait.eq @p0 [sflag:s7], $0x1  }
0xb4: {  	[sflag:s7] =	ssyncadd.s32 @p0 $0xFFFFFFFF  }
0xb5: {  	s8 =	sshll.u32 @!p0 s1, $0xE  }
0xb6: {  	s8 =	sor.u32 @!p0 $0x4000, s8;
	s7 =	simm.s32 @!p0 $0x1B8D  }
0xb7: {  	s6 =	sshll.u32 @!p0 s6, $0x11;
	s8 =	sadd.s32 @!p0 $0x11B8D, s8;
	_ =	swait.eq @!p0 [sflag:s7], $0x1  }
0xb8: {  	s6 =	sor.u32 @!p0 s6, s8;
	[sflag:s7] =	ssyncadd.s32 @!p0 $0xFFFFFFFF  }
0xb9: {  	s25 =	simm.s32 $0x1B8E;
	s24 =	sld [smem:$0x3FFE];
	[sflag:s6] =	ssyncadd.remote.s32 @!p0 $0x1  }
0xba: {  	s26 =	simm.s32 $execute0_lowered;
	[smem:$0x3FD2] =	sst s25  }
0xbb: {  	s7 =	sshll.u32 s26, $0x1;
	_ =	strace $0x8000004C;
	[dreg:$0x1] =	wrdreg $0xFFFFFFFF  }
0xbc: {  	s28 =	simm.s32 $_size_execute0_lowered;
	s5 =	sadd.s32 s5, s7;
	[dreg:$0x0] =	wrdreg $0x0  }
0xbd: {  	s7 =	sshll.u32 s28, $0x1;
	[dreg:$0x2] =	wrdreg s5  }
0xbe: {  	[dreg:$0x3] =	wrdreg s7  }
0xbf: {  	[dreg:$0x4] =	wrdreg $0xC0  }
0xc0: {  	_ =	task [dreg:s22], $0x5FFFF  }
0xc1: {  	[dreg:$0x1] =	wrdreg $0xFFFFFFFF  }
0xc2: {  	[dreg:$0x0] =	wrdreg $0x60  }
0xc3: {  	[dreg:$0x2] =	wrdreg s16  }
0xc4: {  	[dreg:$0x3] =	wrdreg s24  }
0xc5: {  	[dreg:$0x4] =	wrdreg s17  }
0xc6: {  	[dreg:$0x5] =	wrdreg $0x79800  }
0xc7: {  	[dreg:$0x6] =	wrdreg $0x9  }
0xc8: {  	_ =	task.clear_ibuf [dreg:s22], $0x7FFFF;
	_ =	strace $0x9000004C  }
0xc9: {  	s29 =	simm.s32 $0x9;
	_ =	strace $0x8000004E  }
0xca: {  	_ =	swait.ge [sflag:s29], $0x1  }
0xcb: {  	[sflag:s29] =	ssyncadd.s32 $0xFFFFFFFF  }
0xcc: {  	_ =	strace $0x9000004E  }
0xcd: {  	_ =	sfence  }
0xce: {  	s30 =	sld [smem:$0x0];
	_ =	sdelay $0x2  }
0xcf: {  	s31 =	sshll.u32 s1, $0xD;
	s1 =	sshrl.u32 s1, $0x2  }
0xd0: {  	s4 =	sand.u32 $0x4000, s31;
	s1 =	sadd.s32 s1, s30  }
0xd1: {  	s0 =	sor.u32 s4, s0;
	s1 =	sshll.u32 s1, $0x11  }
0xd2: {  	s0 =	sor.u32 s1, s0  }
0xd3: {  	s0 =	sadd.s32 $0x8F2B, s0  }
0xd4: {  	[sflag:s0] =	ssyncadd.remote.s32 $0x1  }
0xd5: {  	_ =	sfence.sel $0xFFFF  }
0xd6: {  	[dreg:$0x0] =	wrdreg $0xFFFFFFFF;
	(pc) =	sbr.abs _section_cstart, $3  }
0xd7: {  	[dreg:$0x1] =	wrdreg $0xFFFFFFFF  }
0xd8: {  	_ =	task.clear_ibuf [dreg:s22], $0x2FFFF;
	_ =	strace $0x9FFFFFFF  }
0xd9: {  	(tm) =	ssettm $0x7FFFFFFF  }
tec
execute0_lowered:
.L_overlay_start_1:
0x0: {  	(tag) =	ssettag $0x1  }
0x1: {  	s0 =	rddreg [dreg:$0x0]  }
0x2: {  	s1 =	rddreg [dreg:$0x1]  }
0x3: {  	s5 =	rddreg [dreg:$0x2]  }
0x4: {  	s3 =	srdreg.scid;
	s6 =	stileid.u32  }
0x5: {  	s2 =	rddreg [dreg:$0x3];
	s30 =	simm.s32 $0x5180;
	s31 =	simm.s32 $0x5  }
0x6: {  	s29 =	simm.s32 $0x6;
	s7 =	sand.u32 $0x1, s3;
	s11 =	smul.u32 $0x4E000, s6  }
0x7: {  	s4 =	sshll.u32 s6, $0x1;
	s3 =	simm.s32 $0x0;
	s14 =	smul.u32 $0x13800, s6  }
0x8: {  	s15 =	sshll.u32 s6, $0x6;
	s28 =	sadd.s32 $0x138000, s2;
	s18 =	smul.u32 $0x4E20, s6  }
0x9: {  	p0 =	sne.s32 s6, $0x0;
	s17 =	sor.u32 $0x1C0D, s15;
	s15 =	smul.u32 $0x138800, s7  }
0xa: {  	s4 =	sor.u32 s7, s4;
	s10 =	ssub.s32 $0x2, s7;
	s7 =	smul.u32 $0x2710, s7  }
0xb: {  	s6 =	simm.s32 $0x9;
	[smem:$0x7FF] =	sst s3;
	s8 =	smul.u32 $0x2710, s4  }
0xc: {  	_ =	strace $0x8000004D;
	s13 =	sshrl.u32 s10, $0x1;
	s4 =	sadd.s32 $0x3800, s1  }
0xd: {  	s11 =	sshrl.u32 s11, $0x2;
	s25 =	sshrl.u32 s14, $0x3;
	[dreg:$0x8] =	wrdreg s28  }
0xe: {  	[dreg:$0x7] =	wrdreg s17;
	s10 =	ssub.s32 s10, s13;
	s11 =	sadd.s32 s11, s2  }
0xf: {  	s26 =	sadd.s32 s5, s25;
	s5 =	sadd.s32 $0x27000, s5;
	s19 =	sadd.s32 s14, s15  }
0x10: {  	s21 =	sadd.s32 s7, s18;
	s14 =	simm.s32 $0x4;
	[dreg:$0x5] =	wrdreg s11  }
0x11: {  	s18 =	simm.s32 $0x0;
	s9 =	sshrl.u32 s8, $0x3;
	[dreg:$0x6] =	wrdreg s26  }
0x12: {  	[dreg:$0x9] =	wrdreg s5;
	s11 =	sadd.s32 $0x28, s8;
	s8 =	sshrl.u32 s15, $0x3  }
0x13: {  	s22 =	smax.u32 s10, $0x1;
	s23 =	sadd.s32 $0xF0, s21;
	s7 =	sadd.s32 $0xC8, s21  }
0x14: {  	s24 =	sadd.s32 $0x78, s21;
	s10 =	simm.s32 $0xD;
	s15 =	simm.s32 $0x2900  }
0x15: {  	s12 =	sadd.s32 s9, s1;
	s1 =	sadd.s32 $0x292400, s1;
	s5 =	sshrl.u32 s11, $0x3  }
0x16: {  	s16 =	sadd.s32 s4, s9;
	s9 =	sshrl.u32 s19, $0x3;
	[dreg:$0x10] =	wrdreg s22  }
0x17: {  	s7 =	sshrl.u32 s7, $0x3;
	s26 =	sshrl.u32 s24, $0x3;
	s22 =	simm.s32 $0x2780  }
0x18: {  	s24 =	simm.s32 $0x2980;
	s13 =	sadd.s32 $0xD600, s12;
	s5 =	sadd.s32 s4, s5  }
0x19: {  	[dreg:$0xb] =	wrdreg s16;
	s11 =	sadd.s32 $0xA, s16;
	s8 =	sadd.s32 s1, s8  }
0x1a: {  	s1 =	sadd.s32 s1, s9;
	s25 =	sadd.s32 s7, s4;
	[dreg:$0xa] =	wrdreg s13  }
0x1b: {  	s28 =	sadd.s32 s26, s4;
	s26 =	simm.s32 $0x3D80;
	[dreg:$0xc] =	wrdreg s5  }
0x1c: {  	s12 =	simm.s32 $0x7;
	s16 =	simm.s32 $0x6580;
	[dreg:$0xd] =	wrdreg s11  }
0x1d: {  	[dreg:$0xe] =	wrdreg s1;
	s20 =	sadd.s32 $0x27000, s8;
	s5 =	sshrl.u32 s23, $0x3  }
.Ltmp0:
0x1e: {  	[dreg:$0x12] =	wrdreg s25;
	s1 =	sadd.s32 $0xA0, s21;
	(pc) =	sbr.rel .LBB2_1-.Ltmp0, $4  }
0x1f: {  	[dreg:$0x14] =	wrdreg s28;
	s23 =	simm.s32 $0x28;
	s25 =	simm.s32 $0x2800  }
0x20: {  	s8 =	simm.s32 $0xA;
	s13 =	simm.s32 $0x3;
	[dreg:$0xf] =	wrdreg s20  }
0x21: {  	s11 =	simm.s32 $0x8;
	s5 =	sadd.s32 s5, s4;
	[dreg:$0x13] =	wrdreg s1  }
0x22: {  	s1 =	simm.s32 $0x1;
	[dreg:$0x11] =	wrdreg s5;
	s5 =	simm.s32 $0x2  }
.LBB2_4:
0x23: {  	_ =	swait.ge [sflag:s8], $0x1400  }
0x24: {  	[sflag:s8] =	ssyncset.done $0x0  }
0x25: {  	s7 =	simm.s32 $0xB;
	[sflag:s8] =	ssyncadd.s32 $0xFFFFEC00  }
0x26: {  	_ =	swait.ge [sflag:s7], $0x1400  }
0x27: {  	[sflag:s7] =	ssyncset.done $0x0  }
0x28: {  	s20 =	simm.s32 $0xC;
	[sflag:s7] =	ssyncadd.s32 $0xFFFFEC00  }
0x29: {  	_ =	swait.ge [sflag:s20], $0x1400  }
0x2a: {  	[sflag:s20] =	ssyncset.done $0x0  }
0x2b: {  	[sflag:s20] =	ssyncadd.s32 $0xFFFFEC00  }
0x2c: {  	[bflag:$0x0] =	sbarrier.arrive $0xFFFF  }
0x2d: {  	s17 =	rddreg [dreg:$0x7]  }
0x2e: {  	s21 =	rddreg [dreg:$0xe]  }
0x2f: {  	s10 =	simm.s32 $0xD;
	s9 =	rddreg [dreg:$0x16]  }
0x30: {  	[hbm:s21], [sflag:s17] =	dma.local [spmem:s9], $0x2700  }
0x31: {  	_ =	swait.ge [sflag:s10], $0x2700  }
0x32: {  	[sflag:s10] =	ssyncset.done $0x0;
	s7 =	rddreg [dreg:$0xf]  }
0x33: {  	s9 =	rddreg [dreg:$0x17];
	[sflag:s10] =	ssyncadd.s32 $0xFFFFD900  }
0x34: {  	[hbm:s7], [sflag:s17] =	dma.local @!p0 [spmem:s9], $0x100  }
0x35: {  	s7 =	simm.s32 @!p0 $0xD  }
0x36: {  	_ =	swait.ge @!p0 [sflag:s7], $0x100  }
0x37: {  	s18 =	rddreg [dreg:$0x15]  }
0x38: {  	s28 =	rddreg [dreg:$0x10];
	s18 =	sadd.s32 $0x1, s18  }
0x39: {  	p1 =	sne.s32 s18, s28  }
.Ltmp1:
0x3a: {  	_ = 	snop;
	(pc) =	sbr.rel @!p1 .LBB2_5-.Ltmp1, $3  }
0x3b: {  	_ =	sdelay $0x1  }
0x3c: {  	[sflag:s7] =	ssyncset.done @!p0 $0x0  }
0x3d: {  	[sflag:s7] =	ssyncadd.s32 @!p0 $0xFFFFFF00  }
.LBB2_1:
0x3e: {  	[dreg:$0x15] =	wrdreg s18  }
0x3f: {  	s7 =	rddreg [dreg:$0x5]  }
0x40: {  	s28 =	rddreg [dreg:$0x6];
	s9 =	sshrl.u32 s7, $0x3  }
0x41: {  	[dreg:$0x16] =	wrdreg s9  }
0x42: {  	[spmem:s9], [sflag:s17] =	dma.local [hbm:s28], $0x2700  }
0x43: {  	_ =	swait.ge [sflag:s10], $0x2700  }
0x44: {  	s7 =	rddreg [dreg:$0x8]  }
0x45: {  	[sflag:s10] =	ssyncset.done $0x0;
	s9 =	sshrl.u32 @!p0 s7, $0x3;
	s7 =	rddreg [dreg:$0x9]  }
0x46: {  	[sflag:s10] =	ssyncadd.s32 $0xFFFFD900;
	[dreg:$0x17] =	wrdreg s9  }
0x47: {  	[spmem:s9], [sflag:s17] =	dma.local @!p0 [hbm:s7], $0x100  }
0x48: {  	s7 =	simm.s32 @!p0 $0xD  }
0x49: {  	_ =	swait.ge @!p0 [sflag:s7], $0x100  }
0x4a: {  	[sflag:s7] =	ssyncset.done @!p0 $0x0  }
0x4b: {  	s17 =	rddreg [dreg:$0xa];
	[sflag:s7] =	ssyncadd.s32 @!p0 $0xFFFFFF00  }
0x4c: {  	[tilespmem:s3], [sflag:$0xD] =	stream.linear.gather [hbm4b:s17+s3], $0x2710, $0x38;
	[tilespmem:$0x1B200] =	vst v63  }
0x4d: {  	_ =	swait.ge [sflag:s10], $0x2710  }
0x4e: {  	[sflag:s10] =	ssyncset.done $0x0  }
0x4f: {  	[sflag:s10] =	ssyncadd.s32 $0xFFFFD8F0  }
0x50: {  	[bflag:$0x0] =	sbarrier.arrive $0xFFFF  }
0x51: {  	s18 =	rddreg [dreg:$0xb]  }
0x52: {  	s19 =	rddreg [dreg:$0xc]  }
0x53: {  	[tilespmem:s22], [sflag:$0x1] =	stream.linear.gather [hbm4b:s18+s3], $0x28, $0x38;
	[tilespmem:$0x1B200] =	vst v63  }
0x54: {  	s20 =	rddreg [dreg:$0xd]  }
0x55: {  	[tilespmem:s24], [sflag:$0x5] =	stream.indirect.gather [hbm4b:s0+s23], $0x80, s3, s23, $0xb8;
	[tilespmem:$0x1B200] =	vst v63  }
0x56: {  	s9 =	rddreg [dreg:$0x14]  }
0x57: {  	[tilespmem:s25], [sflag:$0x2] =	stream.linear.gather [hbm4b:s19+s3], $0x28, $0x38;
	[tilespmem:$0x1B200] =	vst v63  }
0x58: {  	s10 =	rddreg [dreg:$0x13]  }
0x59: {  	[tilespmem:s26], [sflag:$0x6] =	stream.indirect.gather [hbm4b:s0+s23], $0x80, s23, s23, $0xb8;
	[tilespmem:$0x1B200] =	vst v63  }
0x5a: {  	s21 =	simm.s32 $0x2880;
	s28 =	simm.s32 $0x50;
	s7 =	rddreg [dreg:$0x12]  }
0x5b: {  	[tilespmem:s21], [sflag:$0x3] =	stream.linear.gather [hbm4b:s20+s3], $0x28, $0x38;
	[tilespmem:$0x1B200] =	vst v63  }
0x5c: {  	s18 =	simm.s32 $0x0;
	s19 =	rddreg [dreg:$0x11];
	s20 =	simm.s32 $0x3  }
0x5d: {  	[tilespmem:s30], [sflag:$0x7] =	stream.indirect.gather [hbm4b:s0+s23], $0x80, s28, s23, $0xb8;
	[tilespmem:$0x1B200] =	vst v63  }
.LBB2_2:
0x5e: {  	_ =	swait.ge [sflag:s31], $0x1400  }
0x5f: {  	[sflag:s31] =	ssyncset.done $0x0  }
0x60: {  	p1 =	sgt.u32 s20, $0xF9;
	[sflag:s31] =	ssyncadd.s32 $0xFFFFEC00  }
0x61: {  	p2 =	seq.s32 @!p1 s18, $0x0;
	_ =	swait.ge [sflag:s1], $0x28  }
0x62: {  	p2 =	por p2, p1;
	[sflag:s1] =	ssyncset.done $0x0  }
0x63: {  	s21 =	simm.s32 @!p2 $0xC;
	[sflag:s1] =	ssyncadd.s32 $0xFFFFFFD8  }
0x64: {  	[spmem:s2] =	stream.indirect.scatter.add.f32 [tilespmem:s24], [sflag:$0x9], $0x80, s22, s23, $0xb8;
	[tilespmem:$0x1B200] =	vst v63  }
0x65: {  	_ =	swait.ge @!p2 [sflag:s21], $0x1400  }
0x66: {  	[sflag:s21] =	ssyncset.done @!p2 $0x0  }
0x67: {  	s17 =	simm.s32 @!p1 $0x2900;
	[sflag:s21] =	ssyncadd.s32 @!p2 $0xFFFFEC00;
	s21 =	simm.s32 @!p1 $0x0  }
0x68: {  	[tilespmem:s17], [sflag:$0x4] =	stream.linear.gather @!p1 [hbm4b:s9+s21], $0x28, $0x38;
	[tilespmem:$0x1B200] =	vst v63  }
0x69: {  	s17 =	sshra.s32 @!p1 s18, $0x2  }
0x6a: {  	s28 =	simm.s32 @!p1 $0x6580;
	s21 =	simm.s32 @!p1 $0x28;
	s17 =	sadd.s32 @!p1 $0x78, s17  }
0x6b: {  	[tilespmem:s28], [sflag:$0x8] =	stream.indirect.gather @!p1 [hbm4b:s0+s21], $0x80, s17, s21, $0xb8;
	[tilespmem:$0x1B200] =	vst v63  }
0x6c: {  	_ =	swait.ge [sflag:s29], $0x1400  }
0x6d: {  	[sflag:s29] =	ssyncset.done $0x0  }
0x6e: {  	[sflag:s29] =	ssyncadd.s32 $0xFFFFEC00  }
0x6f: {  	_ =	swait.ge [sflag:s5], $0x28  }
0x70: {  	p1 =	seq.s32 s18, $0x9B00;
	[sflag:s5] =	ssyncset.done $0x0  }
.Ltmp2:
0x71: {  	[sflag:s5] =	ssyncadd.s32 $0xFFFFFFD8;
	(pc) =	sbr.rel @p1 .LBB2_4-.Ltmp2, $4  }
0x72: {  	[spmem:s2] =	stream.indirect.scatter.add.f32 [tilespmem:s26], [sflag:$0xA], $0x80, s25, s23, $0xb8;
	[tilespmem:$0x1B200] =	vst v63  }
0x73: {  	_ =	swait.ge [sflag:s6], $0x1400  }
0x74: {  	[sflag:s6] =	ssyncset.done $0x0  }
0x75: {  	[sflag:s6] =	ssyncadd.s32 $0xFFFFEC00  }
0x76: {  	s17 =	sshrl.u32 s10, $0x3  }
0x77: {  	s17 =	sadd.s32 s4, s17  }
0x78: {  	[tilespmem:s22], [sflag:$0x1] =	stream.linear.gather [hbm4b:s17+s3], $0x28, $0x38;
	[tilespmem:$0x1B200] =	vst v63  }
0x79: {  	s17 =	sshra.s32 s18, $0x2  }
0x7a: {  	s21 =	sadd.s32 $0xA0, s17  }
0x7b: {  	[tilespmem:s24], [sflag:$0x5] =	stream.indirect.gather [hbm4b:s0+s23], $0x80, s21, s23, $0xb8;
	[tilespmem:$0x1B200] =	vst v63  }
0x7c: {  	_ =	swait.ge [sflag:s12], $0x1400  }
0x7d: {  	[sflag:s12] =	ssyncset.done $0x0  }
0x7e: {  	[sflag:s12] =	ssyncadd.s32 $0xFFFFEC00  }
0x7f: {  	_ =	swait.ge [sflag:s13], $0x28  }
0x80: {  	[sflag:s13] =	ssyncset.done $0x0  }
0x81: {  	s28 =	simm.s32 $0x2880;
	[sflag:s13] =	ssyncadd.s32 $0xFFFFFFD8  }
0x82: {  	[spmem:s2] =	stream.indirect.scatter.add.f32 [tilespmem:s30], [sflag:$0xB], $0x80, s28, s23, $0xb8;
	[tilespmem:$0x1B200] =	vst v63  }
0x83: {  	_ =	swait.ge [sflag:s8], $0x1400  }
0x84: {  	[sflag:s8] =	ssyncset.done $0x0  }
0x85: {  	[sflag:s8] =	ssyncadd.s32 $0xFFFFEC00  }
0x86: {  	[tilespmem:s25], [sflag:$0x2] =	stream.linear.gather [hbm4b:s7+s3], $0x28, $0x38;
	[tilespmem:$0x1B200] =	vst v63  }
0x87: {  	s17 =	sadd.s32 $0xC8, s17  }
0x88: {  	[tilespmem:s26], [sflag:$0x6] =	stream.indirect.gather [hbm4b:s0+s23], $0x80, s17, s23, $0xb8;
	[tilespmem:$0x1B200] =	vst v63  }
0x89: {  	_ =	swait.ge [sflag:s11], $0x1400  }
0x8a: {  	[sflag:s11] =	ssyncset.done $0x0  }
0x8b: {  	[sflag:s11] =	ssyncadd.s32 $0xFFFFEC00  }
0x8c: {  	_ =	swait.ge [sflag:s14], $0x28  }
0x8d: {  	p1 =	seq.s32 s18, $0x9880;
	[sflag:s14] =	ssyncset.done $0x0  }
0x8e: {  	s10 =	sadd.s32 $0xA0, s10;
	s17 =	simm.s32 @!p1 $0xB;
	[sflag:s14] =	ssyncadd.s32 $0xFFFFFFD8  }
0x8f: {  	[spmem:s2] =	stream.indirect.scatter.add.f32 [tilespmem:s16], [sflag:$0xC], $0x80, s15, s23, $0xb8;
	[tilespmem:$0x1B200] =	vst v63  }
0x90: {  	s9 =	sadd.s32 $0x14, s9;
	s20 =	sadd.s32 $0x4, s20;
	_ =	swait.ge @!p1 [sflag:s17], $0x1400  }
0x91: {  	s21 =	simm.s32 @!p1 $0x2880;
	s28 =	simm.s32 @!p1 $0x5180;
	[sflag:s17] =	ssyncset.done @!p1 $0x0  }
.Ltmp3:
0x92: {  	[sflag:s17] =	ssyncadd.s32 @!p1 $0xFFFFEC00;
	s17 =	simm.s32 @!p1 $0x0;
	(pc) =	sbr.rel .LBB2_2-.Ltmp3, $4  }
0x93: {  	[tilespmem:s21], [sflag:$0x3] =	stream.linear.gather @!p1 [hbm4b:s19+s17], $0x28, $0x38;
	[tilespmem:$0x1B200] =	vst v63  }
0x94: {  	s7 =	sadd.s32 $0x14, s7;
	s17 =	sshra.s32 @!p1 s18, $0x2;
	s21 =	simm.s32 @!p1 $0x28  }
0x95: {  	s19 =	sadd.s32 $0x14, s19;
	s18 =	sadd.s32 $0x280, s18;
	s17 =	sadd.s32 @!p1 $0xF0, s17  }
0x96: {  	[tilespmem:s28], [sflag:$0x7] =	stream.indirect.gather @!p1 [hbm4b:s0+s21], $0x80, s17, s21, $0xb8;
	[tilespmem:$0x1B200] =	vst v63  }
.LBB2_5:
0x97: {  	_ =	sfence.sel $0x180000  }
0x98: {  	[bflag:$0x0] =	sbarrier.arrive $0xFFFF  }
0x99: {  	_ =	strace $0x9000004D  }
0x9a: {  	[bflag:$0x2] =	sbarrier.arrive $0xFFFF  }
0x9b: {  	s0 =	rddreg [dreg:$0x4]  }
0x9c: {  	s0 =	sadd.s32 @!p0 $0x100000, s0  }
0x9d: {  	[sflag:s0] =	ssyncadd.tile.s32 @!p0 $0x1;
	_ =	shalt  }
.Lfunc_end2:
_tile_overlayer_lowered:
.L_overlay_start_2:
0x9e: {  	(tag) =	ssettag $0x2  }
0x9f: {  	s0 =	rddreg [dreg:$0x0];
	s2 =	stileid.u32  }
0xa0: {  	s1 =	rddreg [dreg:$0x1];
	p0 =	sne.s32 s2, $0x0  }
0xa1: {  	s3 =	rddreg [dreg:$0x2];
	[bflag:$0x3] =	sbarrier.arrive $0xFFFF;
	s2 =	simm.s32 @!p0 $0x1C0D  }
0xa2: {  	[timem:s3], [sflag:s2] =	dma.local @!p0 [hbm:s0], s1  }
0xa3: {  	s0 =	simm.s32 @!p0 $0xD  }
0xa4: {  	_ =	swait.ge @!p0 [sflag:s0], s1  }
0xa5: {  	s1 =	ssub.s32 @!p0 $0x0, s1;
	[sflag:s0] =	ssyncset.done @!p0 $0x0  }
0xa6: {  	[sflag:s0] =	ssyncadd.s32 @!p0 s1  }
0xa7: {  	[bflag:$0x3] =	sbarrier.arrive $0xFFFF  }
0xa8: {  	_ =	shalt  }

// kernel: kernel.19.cloned.1.call-start
scs
__scs_entry_jumppad:
0x0: {  	(pc) =	sbr.rel $0x88, $3  }
0x1: {  	(tag) =	ssettag $0x0;
	lr =	simm.s32 $0x1  }
0x2: {  	[smem:$0x3F90] =	sst lr;
	_ =	strace $0xD0000000  }
0x3: {  	_ = 	snop  }
0x4: {  	_ = 	snop  }
0x5: {  	_ = 	snop  }
0x6: {  	_ = 	snop  }
0x7: {  	_ = 	snop  }
__scs_overlays_trampoline_lowered:
0x8: {  	[smem:$0x3F9F] =	sst s0  }
0x9: {  	[smem:$0x3FA0] =	sst s1  }
0xa: {  	[smem:$0x3FA1] =	sst s2  }
0xb: {  	[smem:$0x3FA2] =	sst s3  }
0xc: {  	[smem:$0x3FA3] =	sst s4  }
0xd: {  	[smem:$0x3FA4] =	sst s5  }
0xe: {  	[smem:$0x3FA5] =	sst s6  }
0xf: {  	[smem:$0x3FA6] =	sst s7  }
0x10: {  	[smem:$0x3FA7] =	sst s8  }
0x11: {  	[smem:$0x3FA8] =	sst s9;
	s0 =	simm.s32 @!p0 $0x0  }
0x12: {  	s1 =	sld [smem:$0x3F8E];
	s0 =	simm.s32 @p0 $0x1  }
0x13: {  	[smem:$0x3FA9] =	sst s0;
	s0 =	simm.s32 @!p1 $0x0  }
0x14: {  	s2 =	sld [smem:$0x3F8D];
	s0 =	simm.s32 @p1 $0x1  }
0x15: {  	[smem:$0x3FAA] =	sst s0;
	s0 =	simm.s32 @!p2 $0x0  }
0x16: {  	s3 =	sld [smem:$0x3FDB];
	s0 =	simm.s32 @p2 $0x1  }
0x17: {  	s4 =	simm.s32 $0x1BF5;
	[smem:$0x3FAC] =	sst s0  }
0x18: {  	s0 =	sld [smem:$0x3F8F];
	_ =	swait.ge [sflag:s4], $0x0  }
0x19: {  	s7 =	sld [smem:$0x3F90]  }
0x1a: {  	s8 =	sadd.s32 $0xFFFFE003, lr  }
0x1b: {  	s9 =	sadd.s32 $0xFFFFFEF7, lr;
	s5 =	simm.s32 $0xFFFFFFFF;
	p2 =	slt.u32 s8, $0xFFFFF086  }
0x1c: {  	p1 =	slt.u32 s9, $0xF7A;
	s5 =	simm.s32 @!p2 $0x0  }
0x1d: {  	s5 =	simm.s32 @p1 $0x1;
	p0 =	seq.s32 s7, s2  }
0x1e: {  	s7 =	smul.u32 @!p0 $0xF7A, s2;
	p2 =	seq.s32 @!p0 s5, $0x0  }
0x1f: {  	s9 =	smul.u32 $0xF7A, s1;
	s8 =	simm.s32 @!p0 $0x1BF5;
	p2 =	por !p2, p0  }
0x20: {  	[sflag:s8] =	ssyncset.s32 @!p0 $0xFFFFF086;
	s6 =	sadd.s32 @!p0 s3, s7;
	s7 =	simm.s32 @!p0 $0x108  }
0x21: {  	s3 =	sadd.s32 s3, s9;
	s6 =	sadd.s32 @!p0 $0x88, s6;
	s7 =	simm.s32 @p2 $0x1082  }
0x22: {  	[simem:s7], [sflag:s8] =	dma.local @!p0 [hbm:s6], $0xF7A  }
0x23: {  	s9 =	sor.u32 $0xD0000000, s2;
	s6 =	simm.s32 $0x108;
	_ =	swait.ge @!p0 [sflag:s8], $0x0  }
0x24: {  	s3 =	sadd.s32 $0x88, s3;
	s6 =	simm.s32 @!p1 $0x1082;
	[sflag:s4] =	ssyncset.s32 $0xFFFFF086  }
0x25: {  	[simem:s6], [sflag:s4] =	dma.local [hbm:s3], $0xF7A  }
0x26: {  	[smem:$0x3F90] =	sst s1;
	(tag) =	ssettag s2;
	_ =	strace s9  }
0x27: {  	s1 =	sld [smem:$0x3FA0]  }
0x28: {  	s2 =	sld [smem:$0x3FA1]  }
0x29: {  	s4 =	sld [smem:$0x3FA3]  }
0x2a: {  	p0 =	seq.s32 s5, $0x0;
	s5 =	sld [smem:$0x3FA4]  }
0x2b: {  	s6 =	sld [smem:$0x3FA5]  }
0x2c: {  	s7 =	sld [smem:$0x3FA6]  }
0x2d: {  	s3 =	simm.s32 $0x108;
	s8 =	sld [smem:$0x3FA7]  }
0x2e: {  	s3 =	simm.s32 @!p0 $0x1082;
	s9 =	sld [smem:$0x3FA8]  }
0x2f: {  	lr =	sadd.s32 s0, s3;
	s0 =	sld [smem:$0x3F9F]  }
0x30: {  	s3 =	sld [smem:$0x3FA2]  }
0x31: {  	[smem:$0x3FAB] =	sst s10  }
0x32: {  	s10 =	sld [smem:$0x3FA9];
	_ =	sdelay $0x3  }
0x33: {  	p0 =	seq.s32 s10, $0x1;
	s10 =	sld [smem:$0x3FAB];
	_ =	sdelay $0x3  }
0x34: {  	[smem:$0x3FAB] =	sst s10  }
0x35: {  	s10 =	sld [smem:$0x3FAA];
	_ =	sdelay $0x3  }
0x36: {  	p1 =	seq.s32 s10, $0x1;
	s10 =	sld [smem:$0x3FAB];
	_ =	sdelay $0x3  }
0x37: {  	[smem:$0x3FAB] =	sst s10  }
0x38: {  	s10 =	sld [smem:$0x3FAC]  }
0x39: {  	_ = 	snop;
	(pc) =	sbr.ind lr, $3  }
0x3a: {  	_ = 	snop  }
0x3b: {  	_ = 	snop  }
0x3c: {  	p2 =	seq.s32 s10, $0x1;
	s10 =	sld [smem:$0x3FAB]  }
0x3d: {  	_ =	shalt  }
0x3e: {  	_ =	shalt  }
0x3f: {  	_ =	shalt  }
0x40: {  	_ =	shalt  }
0x41: {  	_ =	shalt  }
0x42: {  	_ =	shalt  }
0x43: {  	_ =	shalt  }
0x44: {  	_ =	shalt  }
0x45: {  	_ =	shalt  }
0x46: {  	_ =	shalt  }
0x47: {  	_ =	shalt  }
0x48: {  	_ =	shalt  }
0x49: {  	_ =	shalt  }
0x4a: {  	_ =	shalt  }
0x4b: {  	_ =	shalt  }
0x4c: {  	_ =	shalt  }
0x4d: {  	_ =	shalt  }
0x4e: {  	_ =	shalt  }
0x4f: {  	_ =	shalt  }
0x50: {  	_ =	shalt  }
0x51: {  	_ =	shalt  }
0x52: {  	_ =	shalt  }
0x53: {  	_ =	shalt  }
0x54: {  	_ =	shalt  }
0x55: {  	_ =	shalt  }
0x56: {  	_ =	shalt  }
0x57: {  	_ =	shalt  }
0x58: {  	_ =	shalt  }
0x59: {  	_ =	shalt  }
0x5a: {  	_ =	shalt  }
0x5b: {  	_ =	shalt  }
0x5c: {  	_ =	shalt  }
0x5d: {  	_ =	shalt  }
0x5e: {  	_ =	shalt  }
0x5f: {  	_ =	shalt  }
0x60: {  	_ =	shalt  }
0x61: {  	_ =	shalt  }
0x62: {  	_ =	shalt  }
0x63: {  	_ =	shalt  }
0x64: {  	_ =	shalt  }
0x65: {  	_ =	shalt  }
0x66: {  	_ =	shalt  }
0x67: {  	_ =	shalt  }
0x68: {  	_ =	shalt  }
0x69: {  	_ =	shalt  }
0x6a: {  	_ =	shalt  }
0x6b: {  	_ =	shalt  }
0x6c: {  	_ =	shalt  }
0x6d: {  	_ =	shalt  }
0x6e: {  	_ =	shalt  }
0x6f: {  	_ =	shalt  }
0x70: {  	_ =	shalt  }
0x71: {  	_ =	shalt  }
0x72: {  	_ =	shalt  }
0x73: {  	_ =	shalt  }
0x74: {  	_ =	shalt  }
0x75: {  	_ =	shalt  }
0x76: {  	_ =	shalt  }
0x77: {  	_ =	shalt  }
0x78: {  	_ =	shalt  }
0x79: {  	_ =	shalt  }
0x7a: {  	_ =	shalt  }
0x7b: {  	_ =	shalt  }
0x7c: {  	_ =	shalt  }
0x7d: {  	_ =	shalt  }
0x7e: {  	_ =	shalt  }
0x7f: {  	_ =	shalt  }
0x80: {  	_ =	shalt  }
0x81: {  	_ =	shalt  }
0x82: {  	_ =	shalt  }
0x83: {  	_ =	shalt  }
0x84: {  	_ =	shalt  }
0x85: {  	_ =	shalt  }
0x86: {  	_ =	shalt  }
0x87: {  	_ =	shalt  }
.Lfunc_end0:
.L_simem_size_0:
called_computation.3_lowered:
.L_overlay_start_0:
0x88: {  	s2 =	sld [smem:$0x3FD9]  }
0x89: {  	s3 =	sld [smem:$0x3FFE];
	_ =	sdelay $0x1  }
0x8a: {  	s1 =	srdreg.scid  }
0x8b: {  	s0 =	sand.u32 $0x1, s1  }
0x8c: {  	s15 =	sshll.u32 s0, $0xA;
	s2 =	sadd.s32 s3, s2  }
0x8d: {  	s2 =	sadd.s32 s2, s15  }
0x8e: {  	[smem:$0x3FB7] =	sst s2  }
0x8f: {  	_ = 	snop  }
0x90: {  	s2 =	sld [smem:$0x3FD0];
	_ =	sdelay $0x2  }
0x91: {  	s16 =	simm.s32 $0xC;
	s4 =	simm.s32 $0x10  }
0x92: {  	[smem:s4], [sflag:s16] =	dma.local [hbm:s2], $0x1  }
0x93: {  	_ =	swait.eq [sflag:s16], $0x1  }
0x94: {  	[sflag:s16] =	ssyncset.done $0x0  }
0x95: {  	[sflag:s16] =	ssyncadd.s32 $0xFFFFFFFF  }
0x96: {  	s17 =	sld [smem:$0x10];
	(tm) =	ssettm $0x1  }
0x97: {  	s18 =	sld [smem:$0x3FFB];
	_ =	sdelay $0x3  }
0x98: {  	_ =	strace s18  }
0x99: {  	s2 =	sld [smem:$0x3FFC];
	_ =	sdelay $0x3  }
0x9a: {  	_ =	strace s2  }
0x9b: {  	s2 =	sld [smem:$0x3FFD];
	_ =	sdelay $0x3  }
0x9c: {  	_ =	strace s2  }
0x9d: {  	_ =	strace $0x8FFFFFFF  }
0x9e: {  	s19 =	sld [smem:$0x3FDB];
	_ =	sdelay $0x1  }
0x9f: {  	s20 =	simm.s32 $_scs_section_size  }
0xa0: {  	s5 =	simm.s32 $_size__tile_overlayer_lowered;
	s6 =	simm.s32 $_tile_overlayer_lowered  }
0xa1: {  	s7 =	simm.s32 $0x1BFF;
	s21 =	sshll.u32 s6, $0x1;
	s4 =	sadd.s32 s20, s19  }
0xa2: {  	s22 =	simm.s32 $0x0;
	s5 =	sshll.u32 s5, $0x1;
	s6 =	sadd.s32 s21, s4  }
0xa3: {  	[timem:s22], [sflag:s7] =	dma.local [hbm:s6], s5  }
0xa4: {  	_ =	swait.ge [sflag:s7], s5  }
0xa5: {  	s5 =	ssub.s32 $0x0, s5;
	[sflag:s7] =	ssyncset.done $0x0  }
0xa6: {  	[sflag:s7] =	ssyncadd.s32 s5;
	_ =	sdelay $0x1  }
0xa7: {  	s23 =	simm.s32 $0x1B8B  }
0xa8: {  	_ =	swait.ge [sflag:s23], $0x1  }
0xa9: {  	[sflag:s23] =	ssyncset.done $0x0  }
0xaa: {  	[sflag:s23] =	ssyncadd.s32 $0xFFFFFFFF  }
0xab: {  	s5 =	sld [smem:$0x0]  }
0xac: {  	s6 =	sand.u32 $0xFFFFFFFE, s1  }
0xad: {  	p0 =	sne.s32 s1, s6  }
0xae: {  	s6 =	sshll.u32 @p0 s6, $0xE  }
0xaf: {  	s6 =	sadd.s32 @p0 $0x11B8D, s6;
	s7 =	sshll.u32 @p0 s5, $0x11  }
0xb0: {  	s6 =	sor.u32 @p0 s7, s6  }
0xb1: {  	[sflag:s6] =	ssyncadd.remote.s32 @p0 $0x1;
	_ =	sdelay $0x1  }
0xb2: {  	s6 =	simm.s32 @p0 $0x1B8D  }
0xb3: {  	_ =	swait.eq @p0 [sflag:s6], $0x1  }
0xb4: {  	[sflag:s6] =	ssyncadd.s32 @p0 $0xFFFFFFFF  }
0xb5: {  	s7 =	sshll.u32 @!p0 s1, $0xE  }
0xb6: {  	s7 =	sor.u32 @!p0 $0x4000, s7;
	s6 =	simm.s32 @!p0 $0x1B8D  }
0xb7: {  	s5 =	sshll.u32 @!p0 s5, $0x11;
	s7 =	sadd.s32 @!p0 $0x11B8D, s7;
	_ =	swait.eq @!p0 [sflag:s6], $0x1  }
0xb8: {  	s5 =	sor.u32 @!p0 s5, s7;
	[sflag:s6] =	ssyncadd.s32 @!p0 $0xFFFFFFFF  }
0xb9: {  	s25 =	simm.s32 $0x1B8E;
	s24 =	sld [smem:$0x3FFE];
	[sflag:s5] =	ssyncadd.remote.s32 @!p0 $0x1  }
0xba: {  	s26 =	simm.s32 $execute0_lowered;
	[smem:$0x3FD2] =	sst s25  }
0xbb: {  	s6 =	sshll.u32 s26, $0x1;
	_ =	strace $0x80000052;
	[dreg:$0x1] =	wrdreg $0xFFFFFFFF  }
0xbc: {  	s28 =	simm.s32 $_size_execute0_lowered;
	s4 =	sadd.s32 s4, s6;
	[dreg:$0x0] =	wrdreg $0x0  }
0xbd: {  	s6 =	sshll.u32 s28, $0x1;
	[dreg:$0x2] =	wrdreg s4  }
0xbe: {  	[dreg:$0x3] =	wrdreg s6  }
0xbf: {  	[dreg:$0x4] =	wrdreg $0xC0  }
0xc0: {  	_ =	task [dreg:s22], $0x5FFFF  }
0xc1: {  	[dreg:$0x1] =	wrdreg $0xFFFFFFFF  }
0xc2: {  	[dreg:$0x0] =	wrdreg $0x60  }
0xc3: {  	[dreg:$0x2] =	wrdreg s24  }
0xc4: {  	[dreg:$0x3] =	wrdreg s17  }
0xc5: {  	[dreg:$0x4] =	wrdreg $0x52000  }
0xc6: {  	[dreg:$0x5] =	wrdreg $0xA  }
0xc7: {  	_ =	task.clear_ibuf [dreg:s22], $0x6FFFF;
	_ =	strace $0x90000052  }
0xc8: {  	s29 =	simm.s32 $0xA;
	_ =	strace $0x80000054  }
0xc9: {  	_ =	swait.ge [sflag:s29], $0x1  }
0xca: {  	[sflag:s29] =	ssyncadd.s32 $0xFFFFFFFF  }
0xcb: {  	_ =	strace $0x90000054  }
0xcc: {  	_ =	sfence  }
0xcd: {  	s30 =	sld [smem:$0x0];
	_ =	sdelay $0x2  }
0xce: {  	s31 =	sshll.u32 s1, $0xD;
	s1 =	sshrl.u32 s1, $0x2  }
0xcf: {  	s4 =	sand.u32 $0x4000, s31;
	s1 =	sadd.s32 s1, s30  }
0xd0: {  	s0 =	sor.u32 s4, s0;
	s1 =	sshll.u32 s1, $0x11  }
0xd1: {  	s0 =	sor.u32 s1, s0  }
0xd2: {  	s0 =	sadd.s32 $0x8F2B, s0  }
0xd3: {  	[sflag:s0] =	ssyncadd.remote.s32 $0x1  }
0xd4: {  	_ =	sfence.sel $0xFFFF  }
0xd5: {  	[dreg:$0x0] =	wrdreg $0xFFFFFFFF;
	(pc) =	sbr.abs _section_cstart, $3  }
0xd6: {  	[dreg:$0x1] =	wrdreg $0xFFFFFFFF  }
0xd7: {  	_ =	task.clear_ibuf [dreg:s22], $0x2FFFF;
	_ =	strace $0x9FFFFFFF  }
0xd8: {  	(tm) =	ssettm $0x7FFFFFFF  }
0xd9: {  	_ =	shalt  }
tec
execute0_lowered:
.L_overlay_start_1:
0x0: {  	(tag) =	ssettag $0x1  }
0x1: {  	s0 =	rddreg [dreg:$0x0]  }
0x2: {  	s4 =	rddreg [dreg:$0x1]  }
0x3: {  	s1 =	rddreg [dreg:$0x2];
	s2 =	simm.s32 $0x0;
	s6 =	srdreg.scid  }
0x4: {  	s7 =	stileid.u32;
	s30 =	simm.s32 $0x5;
	s31 =	simm.s32 $0x1  }
0x5: {  	s29 =	simm.s32 $0x0;
	[smem:$0x7FF] =	sst s2;
	s5 =	sadd.s32 $0x551600, s0  }
0x6: {  	s3 =	sadd.s32 $0x3800, s0;
	s8 =	sand.u32 $0x1, s6;
	s10 =	smul.u32 $0x4E000, s7  }
0x7: {  	s9 =	sshll.u32 s7, $0x1;
	s12 =	smul.u32 $0x13800, s7;
	s0 =	sadd.s32 $0x65600, s0  }
0x8: {  	s14 =	sshll.u32 s7, $0x6;
	s23 =	sadd.s32 $0x138000, s1;
	s16 =	smul.u32 $0x2710, s7  }
0x9: {  	p0 =	sne.s32 s7, $0x0;
	_ =	strace $0x80000053;
	s17 =	smul.u32 $0x1388, s8  }
0xa: {  	s6 =	ssub.s32 $0x2, s8;
	s9 =	sor.u32 s8, s9;
	s19 =	smul.u32 $0x13880, s8  }
0xb: {  	[dreg:$0x7] =	wrdreg s23;
	s11 =	sshrl.u32 s6, $0x1;
	s13 =	smul.u32 $0x1388, s9  }
0xc: {  	s20 =	sshrl.u32 s10, $0x2;
	s21 =	sshrl.u32 s12, $0x3;
	s9 =	smul.u32 $0x13880, s9  }
0xd: {  	s11 =	ssub.s32 s6, s11;
	s6 =	sadd.s32 s20, s1;
	s22 =	sadd.s32 s4, s21  }
0xe: {  	s4 =	sadd.s32 $0x27000, s4;
	s21 =	sadd.s32 s17, s16;
	[dreg:$0x5] =	wrdreg s6  }
0xf: {  	[dreg:$0x6] =	wrdreg s22;
	s6 =	sor.u32 $0x1C0D, s14;
	s24 =	sshrl.u32 s13, $0x3  }
0x10: {  	[dreg:$0x8] =	wrdreg s4;
	s26 =	sadd.s32 $0x28, s13;
	s9 =	sadd.s32 s5, s9  }
0x11: {  	s14 =	smul.u32 $0x27100, s7;
	s20 =	smax.u32 s11, $0x1;
	s22 =	sadd.s32 $0xF0, s21  }
0x12: {  	s23 =	sadd.s32 $0xC8, s21;
	s25 =	sadd.s32 s3, s24;
	[dreg:$0xa] =	wrdreg s9  }
0x13: {  	s28 =	sshrl.u32 s26, $0x3;
	s4 =	sshll.u32 s26, $0x4;
	[dreg:$0x11] =	wrdreg s20  }
0x14: {  	s24 =	sadd.s32 $0x78, s21;
	s21 =	sadd.s32 $0xA0, s21;
	[dreg:$0x9] =	wrdreg s25  }
0x15: {  	s9 =	sadd.s32 s3, s28;
	s4 =	sadd.s32 s5, s4;
	s26 =	sshrl.u32 s24, $0x3  }
0x16: {  	s24 =	simm.s32 $0x200;
	s28 =	simm.s32 $0x28;
	[dreg:$0xb] =	wrdreg s9  }
0x17: {  	[dreg:$0xc] =	wrdreg s4;
	s9 =	sadd.s32 $0x50, s13;
	s13 =	smul.u32 $0x138800, s8  }
0x18: {  	[dreg:$0x4] =	wrdreg s28;
	s10 =	sshrl.u32 s9, $0x3;
	s4 =	sshll.u32 s9, $0x4  }
0x19: {  	s9 =	sadd.s32 s3, s10;
	s4 =	sadd.s32 s5, s4;
	s15 =	sadd.s32 s12, s13  }
0x1a: {  	s10 =	sshrl.u32 s13, $0x3;
	[dreg:$0xd] =	wrdreg s9;
	s9 =	sshrl.u32 s15, $0x3  }
0x1b: {  	[dreg:$0xe] =	wrdreg s4;
	s10 =	sadd.s32 s0, s10;
	s0 =	sadd.s32 s0, s9  }
0x1c: {  	s4 =	sadd.s32 s14, s5;
	s18 =	sadd.s32 $0x27000, s10;
	[dreg:$0xf] =	wrdreg s0  }
0x1d: {  	[dreg:$0x10] =	wrdreg s18;
	s18 =	sadd.s32 s19, s4;
	s4 =	sshrl.u32 s23, $0x3  }
0x1e: {  	s0 =	sshrl.u32 s22, $0x3;
	s22 =	sadd.s32 s26, s3;
	s25 =	sadd.s32 s4, s3  }
0x1f: {  	s23 =	simm.s32 $0xD;
	s13 =	sadd.s32 s0, s3;
	[dreg:$0x12] =	wrdreg s25  }
.LBB2_1:
0x20: {  	s0 =	rddreg [dreg:$0x5]  }
0x21: {  	s10 =	rddreg [dreg:$0x6];
	s4 =	sshrl.u32 s0, $0x3  }
0x22: {  	[spmem:s4], [sflag:s6] =	dma.local [hbm:s10], $0x2700  }
0x23: {  	_ =	swait.ge [sflag:s23], $0x2700  }
0x24: {  	s7 =	simm.s32 @!p0 $0xD;
	[sflag:s23] =	ssyncset.done $0x0;
	s0 =	rddreg [dreg:$0x7]  }
0x25: {  	[sflag:s23] =	ssyncadd.s32 $0xFFFFD900;
	s5 =	sshrl.u32 @!p0 s0, $0x3;
	s0 =	rddreg [dreg:$0x8]  }
0x26: {  	[spmem:s5], [sflag:s6] =	dma.local @!p0 [hbm:s0], $0x100  }
0x27: {  	_ =	swait.ge @!p0 [sflag:s7], $0x100  }
0x28: {  	[sflag:s7] =	ssyncset.done @!p0 $0x0  }
0x29: {  	[sflag:s7] =	ssyncadd.s32 @!p0 $0xFFFFFF00  }
0x2a: {  	[bflag:$0x0] =	sbarrier.arrive $0xFFFF  }
0x2b: {  	s11 =	rddreg [dreg:$0x9]  }
0x2c: {  	[tilespmem:s2], [sflag:$0x1] =	stream.linear.gather [hbm4b:s11+s2], $0x28, $0x38;
	[tilespmem:$0x18A80] =	vst v63  }
0x2d: {  	s12 =	rddreg [dreg:$0xa]  }
0x2e: {  	[tilespmem:s24], [sflag:$0x5] =	stream.linear.gather [hbm4b:s12+s2], $0x1400, $0x38;
	[tilespmem:$0x18A80] =	vst v63  }
0x2f: {  	s15 =	simm.s32 $0x80;
	s14 =	rddreg [dreg:$0xb]  }
0x30: {  	[tilespmem:s15], [sflag:$0x2] =	stream.linear.gather [hbm4b:s14+s2], $0x28, $0x38;
	[tilespmem:$0x18A80] =	vst v63  }
0x31: {  	s17 =	simm.s32 $0x1600;
	s16 =	rddreg [dreg:$0xc]  }
0x32: {  	[tilespmem:s17], [sflag:$0x6] =	stream.linear.gather [hbm4b:s16+s2], $0x1400, $0x38;
	[tilespmem:$0x18A80] =	vst v63  }
0x33: {  	s20 =	simm.s32 $0x100;
	s19 =	rddreg [dreg:$0xd]  }
0x34: {  	[tilespmem:s20], [sflag:$0x3] =	stream.linear.gather [hbm4b:s19+s2], $0x28, $0x38;
	[tilespmem:$0x18A80] =	vst v63  }
0x35: {  	s26 =	simm.s32 $0x2A00;
	s25 =	rddreg [dreg:$0xe]  }
0x36: {  	[tilespmem:s26], [sflag:$0x7] =	stream.linear.gather [hbm4b:s25+s2], $0x1400, $0x38;
	[tilespmem:$0x18A80] =	vst v63  }
0x37: {  	_ =	swait.ge [sflag:s30], $0x1400  }
0x38: {  	[sflag:s30] =	ssyncset.done $0x0  }
0x39: {  	p1 =	por $0x0, $0x0;
	[sflag:s30] =	ssyncadd.s32 $0xFFFFEC00  }
0x3a: {  	p2 =	por @!p1 $0x1, $0x1;
	_ =	swait.ge [sflag:s31], $0x28  }
0x3b: {  	p2 =	por p2, p1;
	[sflag:s31] =	ssyncset.done $0x0  }
0x3c: {  	s8 =	simm.s32 @!p2 $0xC;
	s28 =	rddreg [dreg:$0x4];
	[sflag:s31] =	ssyncadd.s32 $0xFFFFFFD8  }
0x3d: {  	[spmem:s1] =	stream.indirect.scatter.add.f32 [tilespmem:s24], [sflag:$0x9], $0x80, s2, s28, $0xb8;
	[tilespmem:$0x18A80] =	vst v63  }
0x3e: {  	_ =	swait.ge @!p2 [sflag:s8], $0x1400  }
0x3f: {  	s9 =	sadd.s32 @!p1 $0x0, s18;
	s10 =	simm.s32 @!p1 $0x0;
	[sflag:s8] =	ssyncset.done @!p2 $0x0  }
0x40: {  	s7 =	simm.s32 @!p1 $0x180;
	[sflag:s8] =	ssyncadd.s32 @!p2 $0xFFFFEC00;
	p2 =	por $0x0, $0x0  }
0x41: {  	[tilespmem:s7], [sflag:$0x4] =	stream.linear.gather @!p1 [hbm4b:s22+s10], $0x28, $0x38;
	[tilespmem:$0x18A80] =	vst v63  }
0x42: {  	s8 =	sadd.s32 @!p1 $0x780, s9;
	s9 =	simm.s32 @!p1 $0x3E00;
	s11 =	simm.s32 @!p2 $0x6  }
0x43: {  	[tilespmem:s9], [sflag:$0x8] =	stream.linear.gather @!p1 [hbm4b:s8+s10], $0x1400, $0x38;
	[tilespmem:$0x18A80] =	vst v63  }
0x44: {  	_ =	swait.ge @!p2 [sflag:s11], $0x1400  }
0x45: {  	[sflag:s11] =	ssyncset.done @!p2 $0x0  }
0x46: {  	s8 =	simm.s32 @!p2 $0x2;
	[sflag:s11] =	ssyncadd.s32 @!p2 $0xFFFFEC00  }
0x47: {  	_ =	swait.ge @!p2 [sflag:s8], $0x28  }
0x48: {  	s12 =	simm.s32 @!p2 $0x80;
	s10 =	simm.s32 @!p2 $0x1600;
	[sflag:s8] =	ssyncset.done @!p2 $0x0  }
0x49: {  	s11 =	simm.s32 @!p2 $0x28;
	[sflag:s8] =	ssyncadd.s32 @!p2 $0xFFFFFFD8;
	s8 =	simm.s32 @!p2 $0x9  }
0x4a: {  	[spmem:s1] =	stream.indirect.scatter.add.f32 @!p2 [tilespmem:s10], [sflag:$0xA], $0x80, s12, s11, $0xb8;
	[tilespmem:$0x18A80] =	vst v63  }
0x4b: {  	_ =	swait.ge @!p2 [sflag:s8], $0x1400  }
0x4c: {  	s14 =	simm.s32 @!p2 $0x0;
	s10 =	sshrl.u32 @!p2 s21, $0x3;
	[sflag:s8] =	ssyncset.done @!p2 $0x0  }
0x4d: {  	s12 =	sadd.s32 @!p2 $0x0, s18;
	s10 =	sadd.s32 @!p2 s3, s10;
	[sflag:s8] =	ssyncadd.s32 @!p2 $0xFFFFEC00  }
0x4e: {  	[tilespmem:s14], [sflag:$0x1] =	stream.linear.gather @!p2 [hbm4b:s10+s14], $0x28, $0x38;
	[tilespmem:$0x18A80] =	vst v63  }
0x4f: {  	s8 =	sadd.s32 @!p2 $0xA00, s12;
	s12 =	simm.s32 @!p2 $0x7;
	s10 =	simm.s32 @!p2 $0x200  }
0x50: {  	[tilespmem:s10], [sflag:$0x5] =	stream.linear.gather @!p2 [hbm4b:s8+s14], $0x1400, $0x38;
	[tilespmem:$0x18A80] =	vst v63  }
0x51: {  	_ =	swait.ge @!p2 [sflag:s12], $0x1400  }
0x52: {  	[sflag:s12] =	ssyncset.done @!p2 $0x0  }
0x53: {  	s8 =	simm.s32 @!p2 $0x3;
	[sflag:s12] =	ssyncadd.s32 @!p2 $0xFFFFEC00  }
0x54: {  	p3 =	por @!p2 $0x0, $0x0;
	_ =	swait.ge @!p2 [sflag:s8], $0x28  }
0x55: {  	p3 =	por p3, p2;
	s10 =	simm.s32 @!p2 $0x2A00;
	[sflag:s8] =	ssyncset.done @!p2 $0x0  }
0x56: {  	s12 =	simm.s32 @!p2 $0x100;
	[sflag:s8] =	ssyncadd.s32 @!p2 $0xFFFFFFD8;
	s8 =	simm.s32 @!p3 $0xA  }
0x57: {  	[spmem:s1] =	stream.indirect.scatter.add.f32 @!p2 [tilespmem:s10], [sflag:$0xB], $0x80, s12, s11, $0xb8;
	[tilespmem:$0x18A80] =	vst v63  }
0x58: {  	_ =	swait.ge @!p3 [sflag:s8], $0x1400  }
0x59: {  	s10 =	sadd.s32 @!p3 $0x0, s18;
	s11 =	simm.s32 @!p3 $0x0;
	[sflag:s8] =	ssyncset.done @!p3 $0x0  }
0x5a: {  	s12 =	simm.s32 @!p3 $0x80;
	s0 =	rddreg [dreg:$0x12];
	[sflag:s8] =	ssyncadd.s32 @!p3 $0xFFFFEC00  }
0x5b: {  	[tilespmem:s12], [sflag:$0x2] =	stream.linear.gather @!p3 [hbm4b:s0+s11], $0x28, $0x38;
	[tilespmem:$0x18A80] =	vst v63  }
0x5c: {  	s8 =	sadd.s32 @!p3 $0xC80, s10;
	s10 =	simm.s32 @!p3 $0x1600;
	s12 =	simm.s32 @!p1 $0x8  }
0x5d: {  	[tilespmem:s10], [sflag:$0x6] =	stream.linear.gather @!p3 [hbm4b:s8+s11], $0x1400, $0x38;
	[tilespmem:$0x18A80] =	vst v63  }
0x5e: {  	_ =	swait.ge @!p1 [sflag:s12], $0x1400  }
0x5f: {  	[sflag:s12] =	ssyncset.done @!p1 $0x0  }
0x60: {  	p2 =	por @!p1 $0x0, $0x0;
	s8 =	simm.s32 @!p1 $0x4;
	[sflag:s12] =	ssyncadd.s32 @!p1 $0xFFFFEC00  }
0x61: {  	s19 =	smov.u32 s13;
	p3 =	por p2, p1;
	_ =	swait.ge @!p1 [sflag:s8], $0x28  }
0x62: {  	s10 =	simm.s32 @!p1 $0x28;
	s11 =	simm.s32 @!p3 $0xB;
	[sflag:s8] =	ssyncset.done @!p1 $0x0  }
0x63: {  	s15 =	simm.s32 @!p3 $0x0;
	s17 =	simm.s32 @!p3 $0x2A00;
	[sflag:s8] =	ssyncadd.s32 @!p1 $0xFFFFFFD8  }
0x64: {  	[spmem:s1] =	stream.indirect.scatter.add.f32 @!p1 [tilespmem:s9], [sflag:$0xC], $0x80, s7, s10, $0xb8;
	[tilespmem:$0x18A80] =	vst v63  }
0x65: {  	s12 =	simm.s32 $0x0;
	s8 =	sadd.s32 $0x14, s22;
	_ =	swait.ge @!p3 [sflag:s11], $0x1400  }
0x66: {  	s7 =	simm.s32 $0xA00;
	s10 =	sadd.s32 @!p3 $0x0, s18;
	[sflag:s11] =	ssyncset.done @!p3 $0x0  }
0x67: {  	s9 =	simm.s32 @!p3 $0x100;
	s16 =	sadd.s32 @!p3 $0xF00, s10;
	[sflag:s11] =	ssyncadd.s32 @!p3 $0xFFFFEC00  }
0x68: {  	[tilespmem:s9], [sflag:$0x3] =	stream.linear.gather @!p3 [hbm4b:s13+s15], $0x28, $0x38;
	[tilespmem:$0x18A80] =	vst v63  }
0x69: {  	s10 =	sadd.s32 $0xA0, s21;
	s11 =	sadd.s32 $0x14, s0;
	s9 =	simm.s32 $0x7  }
.LBB2_2:
0x6a: {  	[tilespmem:s17], [sflag:$0x7] =	stream.linear.gather @!p3 [hbm4b:s16+s15], $0x1400, $0x38;
	[tilespmem:$0x18A80] =	vst v63  }
0x6b: {  	_ =	swait.ge [sflag:s30], $0x1400  }
0x6c: {  	[sflag:s30] =	ssyncset.done $0x0  }
0x6d: {  	s14 =	smov.u32 s7;
	p2 =	sgt.u32 s9, $0x7C;
	[sflag:s30] =	ssyncadd.s32 $0xFFFFEC00  }
0x6e: {  	p3 =	seq.s32 @!p2 s14, $0x0;
	s16 =	sadd.s32 @!p2 s14, s18;
	_ =	swait.ge [sflag:s31], $0x28  }
0x6f: {  	p4 =	por p3, p2;
	s17 =	sadd.s32 @!p2 $0x780, s16;
	[sflag:s31] =	ssyncset.done $0x0  }
0x70: {  	s16 =	simm.s32 @!p4 $0xC;
	s28 =	rddreg [dreg:$0x4];
	[sflag:s31] =	ssyncadd.s32 $0xFFFFFFD8  }
0x71: {  	[spmem:s1] =	stream.indirect.scatter.add.f32 [tilespmem:s24], [sflag:$0x9], $0x80, s2, s28, $0xb8;
	[tilespmem:$0x18A80] =	vst v63  }
0x72: {  	_ =	swait.ge @!p4 [sflag:s16], $0x1400  }
0x73: {  	s12 =	sadd.s32 $0x1, s12;
	s0 =	simm.s32 @!p2 $0x0;
	[sflag:s16] =	ssyncset.done @!p4 $0x0  }
0x74: {  	s15 =	simm.s32 @!p2 $0x180;
	[sflag:s16] =	ssyncadd.s32 @!p4 $0xFFFFEC00;
	p4 =	sgt.u32 s12, $0x1E  }
0x75: {  	[tilespmem:s15], [sflag:$0x4] =	stream.linear.gather @!p2 [hbm4b:s8+s0], $0x28, $0x38;
	[tilespmem:$0x18A80] =	vst v63  }
0x76: {  	s16 =	simm.s32 @!p2 $0x3E00;
	s25 =	simm.s32 @!p4 $0x6  }
0x77: {  	[tilespmem:s16], [sflag:$0x8] =	stream.linear.gather @!p2 [hbm4b:s17+s0], $0x1400, $0x38;
	[tilespmem:$0x18A80] =	vst v63  }
0x78: {  	_ =	swait.ge @!p4 [sflag:s25], $0x1400  }
0x79: {  	s26 =	sshrl.u32 @!p4 s10, $0x3;
	[sflag:s25] =	ssyncset.done @!p4 $0x0  }
0x7a: {  	s0 =	sadd.s32 @!p4 s3, s26;
	s26 =	simm.s32 @!p4 $0x2;
	[sflag:s25] =	ssyncadd.s32 @!p4 $0xFFFFEC00  }
0x7b: {  	s28 =	sadd.s32 @!p4 s14, s18;
	s20 =	simm.s32 @!p4 $0x80;
	_ =	swait.ge @!p4 [sflag:s26], $0x28  }
0x7c: {  	s17 =	sadd.s32 @!p4 $0xA00, s28;
	s28 =	simm.s32 @!p4 $0x28;
	[sflag:s26] =	ssyncset.done @!p4 $0x0  }
0x7d: {  	s25 =	simm.s32 @!p4 $0x1600;
	[sflag:s26] =	ssyncadd.s32 @!p4 $0xFFFFFFD8;
	s26 =	simm.s32 @!p4 $0x9  }
0x7e: {  	[spmem:s1] =	stream.indirect.scatter.add.f32 @!p4 [tilespmem:s25], [sflag:$0xA], $0x80, s20, s28, $0xb8;
	[tilespmem:$0x18A80] =	vst v63  }
0x7f: {  	_ =	swait.ge @!p4 [sflag:s26], $0x1400  }
0x80: {  	[sflag:s26] =	ssyncset.done @!p4 $0x0  }
0x81: {  	s20 =	simm.s32 @!p4 $0x0;
	[sflag:s26] =	ssyncadd.s32 @!p4 $0xFFFFEC00  }
0x82: {  	[tilespmem:s20], [sflag:$0x1] =	stream.linear.gather @!p4 [hbm4b:s0+s20], $0x28, $0x38;
	[tilespmem:$0x18A80] =	vst v63  }
0x83: {  	s25 =	simm.s32 @!p4 $0x200;
	s0 =	simm.s32 @!p4 $0x7  }
0x84: {  	[tilespmem:s25], [sflag:$0x5] =	stream.linear.gather @!p4 [hbm4b:s17+s20], $0x1400, $0x38;
	[tilespmem:$0x18A80] =	vst v63  }
0x85: {  	_ =	swait.ge @!p4 [sflag:s0], $0x1400  }
0x86: {  	[sflag:s0] =	ssyncset.done @!p4 $0x0  }
0x87: {  	s17 =	simm.s32 @!p4 $0x3;
	[sflag:s0] =	ssyncadd.s32 @!p4 $0xFFFFEC00  }
0x88: {  	p5 =	seq.s32 @!p4 s14, $0x12C00;
	_ =	swait.ge @!p4 [sflag:s17], $0x28  }
0x89: {  	p5 =	por p5, p4;
	s20 =	simm.s32 @!p4 $0x100;
	[sflag:s17] =	ssyncset.done @!p4 $0x0  }
0x8a: {  	s0 =	simm.s32 @!p4 $0x2A00;
	[sflag:s17] =	ssyncadd.s32 @!p4 $0xFFFFFFD8;
	s17 =	simm.s32 @!p5 $0xA  }
0x8b: {  	[spmem:s1] =	stream.indirect.scatter.add.f32 @!p4 [tilespmem:s0], [sflag:$0xB], $0x80, s20, s28, $0xb8;
	[tilespmem:$0x18A80] =	vst v63  }
0x8c: {  	s25 =	sadd.s32 @!p5 s14, s18;
	_ =	swait.ge @!p5 [sflag:s17], $0x1400  }
0x8d: {  	s0 =	sadd.s32 @!p5 $0xC80, s25;
	[sflag:s17] =	ssyncset.done @!p5 $0x0  }
0x8e: {  	s20 =	simm.s32 @!p5 $0x0;
	s25 =	simm.s32 @!p5 $0x80;
	[sflag:s17] =	ssyncadd.s32 @!p5 $0xFFFFEC00  }
0x8f: {  	[tilespmem:s25], [sflag:$0x2] =	stream.linear.gather @!p5 [hbm4b:s11+s20], $0x28, $0x38;
	[tilespmem:$0x18A80] =	vst v63  }
0x90: {  	s17 =	simm.s32 @!p5 $0x1600;
	s25 =	simm.s32 @!p2 $0x8  }
0x91: {  	[tilespmem:s17], [sflag:$0x6] =	stream.linear.gather @!p5 [hbm4b:s0+s20], $0x1400, $0x38;
	[tilespmem:$0x18A80] =	vst v63  }
0x92: {  	_ =	swait.ge @!p2 [sflag:s25], $0x1400  }
0x93: {  	s19 =	sadd.s32 $0x14, s19;
	[sflag:s25] =	ssyncset.done @!p2 $0x0  }
0x94: {  	s7 =	sadd.s32 $0xA00, s7;
	s0 =	simm.s32 @!p2 $0x4;
	[sflag:s25] =	ssyncadd.s32 @!p2 $0xFFFFEC00  }
0x95: {  	s9 =	sadd.s32 $0x4, s9;
	p3 =	sgt.u32 @!p2 s12, $0x1D;
	_ =	swait.ge @!p2 [sflag:s0], $0x28  }
0x96: {  	p1 =	sne.s32 s7, $0x14000;
	p3 =	por p3, p2;
	[sflag:s0] =	ssyncset.done @!p2 $0x0  }
0x97: {  	s8 =	sadd.s32 $0x14, s8;
	s17 =	simm.s32 @!p2 $0x28;
	[sflag:s0] =	ssyncadd.s32 @!p2 $0xFFFFFFD8  }
0x98: {  	[spmem:s1] =	stream.indirect.scatter.add.f32 @!p2 [tilespmem:s16], [sflag:$0xC], $0x80, s15, s17, $0xb8;
	[tilespmem:$0x18A80] =	vst v63  }
.Ltmp0:
0x99: {  	s10 =	sadd.s32 $0xA0, s10;
	s0 =	simm.s32 @!p3 $0xB;
	(pc) =	sbr.rel @p1 .LBB2_2-.Ltmp0, $4  }
0x9a: {  	s14 =	sadd.s32 @!p3 s14, s18;
	s11 =	sadd.s32 $0x14, s11;
	_ =	swait.ge @!p3 [sflag:s0], $0x1400  }
0x9b: {  	s16 =	sadd.s32 @!p3 $0xF00, s14;
	s15 =	simm.s32 @!p3 $0x0;
	[sflag:s0] =	ssyncset.done @!p3 $0x0  }
0x9c: {  	s14 =	simm.s32 @!p3 $0x100;
	s17 =	simm.s32 @!p3 $0x2A00;
	[sflag:s0] =	ssyncadd.s32 @!p3 $0xFFFFEC00  }
0x9d: {  	[tilespmem:s14], [sflag:$0x3] =	stream.linear.gather @!p3 [hbm4b:s19+s15], $0x28, $0x38;
	[tilespmem:$0x18A80] =	vst v63  }
0x9e: {  	[tilespmem:s17], [sflag:$0x7] =	stream.linear.gather @!p3 [hbm4b:s16+s15], $0x1400, $0x38;
	[tilespmem:$0x18A80] =	vst v63  }
0x9f: {  	s0 =	simm.s32 $0x9  }
0xa0: {  	_ =	swait.ge [sflag:s0], $0x1400  }
0xa1: {  	[sflag:s0] =	ssyncset.done $0x0  }
0xa2: {  	s19 =	simm.s32 $0xA;
	[sflag:s0] =	ssyncadd.s32 $0xFFFFEC00  }
0xa3: {  	_ =	swait.ge [sflag:s19], $0x1400  }
0xa4: {  	[sflag:s19] =	ssyncset.done $0x0  }
0xa5: {  	s20 =	simm.s32 $0xB;
	[sflag:s19] =	ssyncadd.s32 $0xFFFFEC00  }
0xa6: {  	_ =	swait.ge [sflag:s20], $0x1400  }
0xa7: {  	[sflag:s20] =	ssyncset.done $0x0  }
0xa8: {  	s25 =	simm.s32 $0xC;
	[sflag:s20] =	ssyncadd.s32 $0xFFFFEC00  }
0xa9: {  	_ =	swait.ge [sflag:s25], $0x1400  }
0xaa: {  	[sflag:s25] =	ssyncset.done $0x0  }
0xab: {  	[sflag:s25] =	ssyncadd.s32 $0xFFFFEC00  }
0xac: {  	[bflag:$0x0] =	sbarrier.arrive $0xFFFF  }
0xad: {  	s26 =	rddreg [dreg:$0xf]  }
0xae: {  	[hbm:s26], [sflag:s6] =	dma.local [spmem:s4], $0x2700  }
0xaf: {  	_ =	swait.ge [sflag:s23], $0x2700  }
0xb0: {  	[sflag:s23] =	ssyncset.done $0x0  }
0xb1: {  	s0 =	rddreg [dreg:$0x10];
	[sflag:s23] =	ssyncadd.s32 $0xFFFFD900  }
0xb2: {  	[hbm:s0], [sflag:s6] =	dma.local @!p0 [spmem:s5], $0x100  }
0xb3: {  	s0 =	simm.s32 @!p0 $0xD  }
0xb4: {  	_ =	swait.ge @!p0 [sflag:s0], $0x100  }
0xb5: {  	s29 =	sadd.s32 $0x1, s29;
	s28 =	rddreg [dreg:$0x11]  }
0xb6: {  	p1 =	sne.s32 s29, s28  }
.Ltmp1:
0xb7: {  	_ = 	snop;
	(pc) =	sbr.rel @p1 .LBB2_1-.Ltmp1, $3  }
0xb8: {  	_ =	sdelay $0x1  }
0xb9: {  	[sflag:s0] =	ssyncset.done @!p0 $0x0  }
0xba: {  	[sflag:s0] =	ssyncadd.s32 @!p0 $0xFFFFFF00  }
0xbb: {  	_ =	sfence.sel $0x180000  }
0xbc: {  	[bflag:$0x0] =	sbarrier.arrive $0xFFFF  }
0xbd: {  	_ =	strace $0x90000053  }
0xbe: {  	[bflag:$0x2] =	sbarrier.arrive $0xFFFF  }
0xbf: {  	s0 =	rddreg [dreg:$0x3]  }
0xc0: {  	s0 =	sadd.s32 @!p0 $0x100000, s0  }
0xc1: {  	[sflag:s0] =	ssyncadd.tile.s32 @!p0 $0x1;
	_ =	shalt  }
.Lfunc_end2:
_tile_overlayer_lowered:
.L_overlay_start_2:
0xc2: {  	(tag) =	ssettag $0x2  }
0xc3: {  	s0 =	rddreg [dreg:$0x0];
	s2 =	stileid.u32  }
0xc4: {  	s1 =	rddreg [dreg:$0x1];
	p0 =	sne.s32 s2, $0x0  }
0xc5: {  	s3 =	rddreg [dreg:$0x2];
	[bflag:$0x3] =	sbarrier.arrive $0xFFFF;
	s2 =	simm.s32 @!p0 $0x1C0D  }
0xc6: {  	[timem:s3], [sflag:s2] =	dma.local @!p0 [hbm:s0], s1  }
0xc7: {  	s0 =	simm.s32 @!p0 $0xD  }
0xc8: {  	_ =	swait.ge @!p0 [sflag:s0], s1  }
0xc9: {  	s1 =	ssub.s32 @!p0 $0x0, s1;
	[sflag:s0] =	ssyncset.done @!p0 $0x0  }
0xca: {  	[sflag:s0] =	ssyncadd.s32 @!p0 s1  }
0xcb: {  	[bflag:$0x3] =	sbarrier.arrive $0xFFFF  }
0xcc: {  	_ =	shalt  }

// kernel: kernel.22.cloned.1.call-start
scs
__scs_entry_jumppad:
0x0: {  	(pc) =	sbr.rel $0x88, $3  }
0x1: {  	(tag) =	ssettag $0x0;
	lr =	simm.s32 $0x1  }
0x2: {  	[smem:$0x3F90] =	sst lr;
	_ =	strace $0xD0000000  }
0x3: {  	_ = 	snop  }
0x4: {  	_ = 	snop  }
0x5: {  	_ = 	snop  }
0x6: {  	_ = 	snop  }
0x7: {  	_ = 	snop  }
__scs_overlays_trampoline_lowered:
0x8: {  	[smem:$0x3F9F] =	sst s0  }
0x9: {  	[smem:$0x3FA0] =	sst s1  }
0xa: {  	[smem:$0x3FA1] =	sst s2  }
0xb: {  	[smem:$0x3FA2] =	sst s3  }
0xc: {  	[smem:$0x3FA3] =	sst s4  }
0xd: {  	[smem:$0x3FA4] =	sst s5  }
0xe: {  	[smem:$0x3FA5] =	sst s6  }
0xf: {  	[smem:$0x3FA6] =	sst s7  }
0x10: {  	[smem:$0x3FA7] =	sst s8  }
0x11: {  	[smem:$0x3FA8] =	sst s9;
	s0 =	simm.s32 @!p0 $0x0  }
0x12: {  	s1 =	sld [smem:$0x3F8E];
	s0 =	simm.s32 @p0 $0x1  }
0x13: {  	[smem:$0x3FA9] =	sst s0;
	s0 =	simm.s32 @!p1 $0x0  }
0x14: {  	s2 =	sld [smem:$0x3F8D];
	s0 =	simm.s32 @p1 $0x1  }
0x15: {  	[smem:$0x3FAA] =	sst s0;
	s0 =	simm.s32 @!p2 $0x0  }
0x16: {  	s3 =	sld [smem:$0x3FDB];
	s0 =	simm.s32 @p2 $0x1  }
0x17: {  	s4 =	simm.s32 $0x1BF5;
	[smem:$0x3FAC] =	sst s0  }
0x18: {  	s0 =	sld [smem:$0x3F8F];
	_ =	swait.ge [sflag:s4], $0x0  }
0x19: {  	s7 =	sld [smem:$0x3F90]  }
0x1a: {  	s8 =	sadd.s32 $0xFFFFE003, lr  }
0x1b: {  	s9 =	sadd.s32 $0xFFFFFEF7, lr;
	s5 =	simm.s32 $0xFFFFFFFF;
	p2 =	slt.u32 s8, $0xFFFFF086  }
0x1c: {  	p1 =	slt.u32 s9, $0xF7A;
	s5 =	simm.s32 @!p2 $0x0  }
0x1d: {  	s5 =	simm.s32 @p1 $0x1;
	p0 =	seq.s32 s7, s2  }
0x1e: {  	s7 =	smul.u32 @!p0 $0xF7A, s2;
	p2 =	seq.s32 @!p0 s5, $0x0  }
0x1f: {  	s9 =	smul.u32 $0xF7A, s1;
	s8 =	simm.s32 @!p0 $0x1BF5;
	p2 =	por !p2, p0  }
0x20: {  	[sflag:s8] =	ssyncset.s32 @!p0 $0xFFFFF086;
	s6 =	sadd.s32 @!p0 s3, s7;
	s7 =	simm.s32 @!p0 $0x108  }
0x21: {  	s3 =	sadd.s32 s3, s9;
	s6 =	sadd.s32 @!p0 $0x88, s6;
	s7 =	simm.s32 @p2 $0x1082  }
0x22: {  	[simem:s7], [sflag:s8] =	dma.local @!p0 [hbm:s6], $0xF7A  }
0x23: {  	s9 =	sor.u32 $0xD0000000, s2;
	s6 =	simm.s32 $0x108;
	_ =	swait.ge @!p0 [sflag:s8], $0x0  }
0x24: {  	s3 =	sadd.s32 $0x88, s3;
	s6 =	simm.s32 @!p1 $0x1082;
	[sflag:s4] =	ssyncset.s32 $0xFFFFF086  }
0x25: {  	[simem:s6], [sflag:s4] =	dma.local [hbm:s3], $0xF7A  }
0x26: {  	[smem:$0x3F90] =	sst s1;
	(tag) =	ssettag s2;
	_ =	strace s9  }
0x27: {  	s1 =	sld [smem:$0x3FA0]  }
0x28: {  	s2 =	sld [smem:$0x3FA1]  }
0x29: {  	s4 =	sld [smem:$0x3FA3]  }
0x2a: {  	p0 =	seq.s32 s5, $0x0;
	s5 =	sld [smem:$0x3FA4]  }
0x2b: {  	s6 =	sld [smem:$0x3FA5]  }
0x2c: {  	s7 =	sld [smem:$0x3FA6]  }
0x2d: {  	s3 =	simm.s32 $0x108;
	s8 =	sld [smem:$0x3FA7]  }
0x2e: {  	s3 =	simm.s32 @!p0 $0x1082;
	s9 =	sld [smem:$0x3FA8]  }
0x2f: {  	lr =	sadd.s32 s0, s3;
	s0 =	sld [smem:$0x3F9F]  }
0x30: {  	s3 =	sld [smem:$0x3FA2]  }
0x31: {  	[smem:$0x3FAB] =	sst s10  }
0x32: {  	s10 =	sld [smem:$0x3FA9];
	_ =	sdelay $0x3  }
0x33: {  	p0 =	seq.s32 s10, $0x1;
	s10 =	sld [smem:$0x3FAB];
	_ =	sdelay $0x3  }
0x34: {  	[smem:$0x3FAB] =	sst s10  }
0x35: {  	s10 =	sld [smem:$0x3FAA];
	_ =	sdelay $0x3  }
0x36: {  	p1 =	seq.s32 s10, $0x1;
	s10 =	sld [smem:$0x3FAB];
	_ =	sdelay $0x3  }
0x37: {  	[smem:$0x3FAB] =	sst s10  }
0x38: {  	s10 =	sld [smem:$0x3FAC]  }
0x39: {  	_ = 	snop;
	(pc) =	sbr.ind lr, $3  }
0x3a: {  	_ = 	snop  }
0x3b: {  	_ = 	snop  }
0x3c: {  	p2 =	seq.s32 s10, $0x1;
	s10 =	sld [smem:$0x3FAB]  }
0x3d: {  	_ =	shalt  }
0x3e: {  	_ =	shalt  }
0x3f: {  	_ =	shalt  }
0x40: {  	_ =	shalt  }
0x41: {  	_ =	shalt  }
0x42: {  	_ =	shalt  }
0x43: {  	_ =	shalt  }
0x44: {  	_ =	shalt  }
0x45: {  	_ =	shalt  }
0x46: {  	_ =	shalt  }
0x47: {  	_ =	shalt  }
0x48: {  	_ =	shalt  }
0x49: {  	_ =	shalt  }
0x4a: {  	_ =	shalt  }
0x4b: {  	_ =	shalt  }
0x4c: {  	_ =	shalt  }
0x4d: {  	_ =	shalt  }
0x4e: {  	_ =	shalt  }
0x4f: {  	_ =	shalt  }
0x50: {  	_ =	shalt  }
0x51: {  	_ =	shalt  }
0x52: {  	_ =	shalt  }
0x53: {  	_ =	shalt  }
0x54: {  	_ =	shalt  }
0x55: {  	_ =	shalt  }
0x56: {  	_ =	shalt  }
0x57: {  	_ =	shalt  }
0x58: {  	_ =	shalt  }
0x59: {  	_ =	shalt  }
0x5a: {  	_ =	shalt  }
0x5b: {  	_ =	shalt  }
0x5c: {  	_ =	shalt  }
0x5d: {  	_ =	shalt  }
0x5e: {  	_ =	shalt  }
0x5f: {  	_ =	shalt  }
0x60: {  	_ =	shalt  }
0x61: {  	_ =	shalt  }
0x62: {  	_ =	shalt  }
0x63: {  	_ =	shalt  }
0x64: {  	_ =	shalt  }
0x65: {  	_ =	shalt  }
0x66: {  	_ =	shalt  }
0x67: {  	_ =	shalt  }
0x68: {  	_ =	shalt  }
0x69: {  	_ =	shalt  }
0x6a: {  	_ =	shalt  }
0x6b: {  	_ =	shalt  }
0x6c: {  	_ =	shalt  }
0x6d: {  	_ =	shalt  }
0x6e: {  	_ =	shalt  }
0x6f: {  	_ =	shalt  }
0x70: {  	_ =	shalt  }
0x71: {  	_ =	shalt  }
0x72: {  	_ =	shalt  }
0x73: {  	_ =	shalt  }
0x74: {  	_ =	shalt  }
0x75: {  	_ =	shalt  }
0x76: {  	_ =	shalt  }
0x77: {  	_ =	shalt  }
0x78: {  	_ =	shalt  }
0x79: {  	_ =	shalt  }
0x7a: {  	_ =	shalt  }
0x7b: {  	_ =	shalt  }
0x7c: {  	_ =	shalt  }
0x7d: {  	_ =	shalt  }
0x7e: {  	_ =	shalt  }
0x7f: {  	_ =	shalt  }
0x80: {  	_ =	shalt  }
0x81: {  	_ =	shalt  }
0x82: {  	_ =	shalt  }
0x83: {  	_ =	shalt  }
0x84: {  	_ =	shalt  }
0x85: {  	_ =	shalt  }
0x86: {  	_ =	shalt  }
0x87: {  	_ =	shalt  }
.Lfunc_end0:
.L_simem_size_0:
called_computation.4_lowered:
.L_overlay_start_0:
0x88: {  	s2 =	sld [smem:$0x3FD9]  }
0x89: {  	s3 =	sld [smem:$0x3FFE];
	_ =	sdelay $0x1  }
0x8a: {  	s1 =	srdreg.scid  }
0x8b: {  	s0 =	sand.u32 $0x1, s1  }
0x8c: {  	s15 =	sshll.u32 s0, $0xA;
	s2 =	sadd.s32 s3, s2  }
0x8d: {  	s2 =	sadd.s32 s2, s15  }
0x8e: {  	[smem:$0x3FB7] =	sst s2  }
0x8f: {  	_ = 	snop  }
0x90: {  	s2 =	sld [smem:$0x3FD0];
	_ =	sdelay $0x2  }
0x91: {  	s16 =	simm.s32 $0xC;
	s4 =	simm.s32 $0x10  }
0x92: {  	[smem:s4], [sflag:s16] =	dma.local [hbm:s2], $0x1  }
0x93: {  	_ =	swait.eq [sflag:s16], $0x1  }
0x94: {  	[sflag:s16] =	ssyncset.done $0x0  }
0x95: {  	[sflag:s16] =	ssyncadd.s32 $0xFFFFFFFF  }
0x96: {  	s17 =	sld [smem:$0x10];
	(tm) =	ssettm $0x1  }
0x97: {  	s18 =	sld [smem:$0x3FFB];
	_ =	sdelay $0x3  }
0x98: {  	_ =	strace s18  }
0x99: {  	s2 =	sld [smem:$0x3FFC];
	_ =	sdelay $0x3  }
0x9a: {  	_ =	strace s2  }
0x9b: {  	s2 =	sld [smem:$0x3FFD];
	_ =	sdelay $0x3  }
0x9c: {  	_ =	strace s2  }
0x9d: {  	_ =	strace $0x8FFFFFFF  }
0x9e: {  	s19 =	sld [smem:$0x3FDB];
	_ =	sdelay $0x1  }
0x9f: {  	s20 =	simm.s32 $_scs_section_size  }
0xa0: {  	s5 =	simm.s32 $_size__tile_overlayer_lowered;
	s6 =	simm.s32 $_tile_overlayer_lowered  }
0xa1: {  	s7 =	simm.s32 $0x1BFF;
	s21 =	sshll.u32 s6, $0x1;
	s4 =	sadd.s32 s20, s19  }
0xa2: {  	s22 =	simm.s32 $0x0;
	s5 =	sshll.u32 s5, $0x1;
	s6 =	sadd.s32 s21, s4  }
0xa3: {  	[timem:s22], [sflag:s7] =	dma.local [hbm:s6], s5  }
0xa4: {  	_ =	swait.ge [sflag:s7], s5  }
0xa5: {  	s5 =	ssub.s32 $0x0, s5;
	[sflag:s7] =	ssyncset.done $0x0  }
0xa6: {  	[sflag:s7] =	ssyncadd.s32 s5;
	_ =	sdelay $0x1  }
0xa7: {  	s23 =	simm.s32 $0x1B8B  }
0xa8: {  	_ =	swait.ge [sflag:s23], $0x1  }
0xa9: {  	[sflag:s23] =	ssyncset.done $0x0  }
0xaa: {  	[sflag:s23] =	ssyncadd.s32 $0xFFFFFFFF  }
0xab: {  	s5 =	sld [smem:$0x0]  }
0xac: {  	s6 =	sand.u32 $0xFFFFFFFE, s1  }
0xad: {  	p0 =	sne.s32 s1, s6  }
0xae: {  	s6 =	sshll.u32 @p0 s6, $0xE  }
0xaf: {  	s6 =	sadd.s32 @p0 $0x11B8D, s6;
	s7 =	sshll.u32 @p0 s5, $0x11  }
0xb0: {  	s6 =	sor.u32 @p0 s7, s6  }
0xb1: {  	[sflag:s6] =	ssyncadd.remote.s32 @p0 $0x1;
	_ =	sdelay $0x1  }
0xb2: {  	s6 =	simm.s32 @p0 $0x1B8D  }
0xb3: {  	_ =	swait.eq @p0 [sflag:s6], $0x1  }
0xb4: {  	[sflag:s6] =	ssyncadd.s32 @p0 $0xFFFFFFFF  }
0xb5: {  	s7 =	sshll.u32 @!p0 s1, $0xE  }
0xb6: {  	s7 =	sor.u32 @!p0 $0x4000, s7;
	s6 =	simm.s32 @!p0 $0x1B8D  }
0xb7: {  	s5 =	sshll.u32 @!p0 s5, $0x11;
	s7 =	sadd.s32 @!p0 $0x11B8D, s7;
	_ =	swait.eq @!p0 [sflag:s6], $0x1  }
0xb8: {  	s5 =	sor.u32 @!p0 s5, s7;
	[sflag:s6] =	ssyncadd.s32 @!p0 $0xFFFFFFFF  }
0xb9: {  	s25 =	simm.s32 $0x1B8E;
	s24 =	sld [smem:$0x3FFE];
	[sflag:s5] =	ssyncadd.remote.s32 @!p0 $0x1  }
0xba: {  	s26 =	simm.s32 $execute0_lowered;
	[smem:$0x3FD2] =	sst s25  }
0xbb: {  	s6 =	sshll.u32 s26, $0x1;
	_ =	strace $0x8000004F;
	[dreg:$0x1] =	wrdreg $0xFFFFFFFF  }
0xbc: {  	s28 =	simm.s32 $_size_execute0_lowered;
	s4 =	sadd.s32 s4, s6;
	[dreg:$0x0] =	wrdreg $0x0  }
0xbd: {  	s6 =	sshll.u32 s28, $0x1;
	[dreg:$0x2] =	wrdreg s4  }
0xbe: {  	[dreg:$0x3] =	wrdreg s6  }
0xbf: {  	[dreg:$0x4] =	wrdreg $0xC0  }
0xc0: {  	_ =	task [dreg:s22], $0x5FFFF  }
0xc1: {  	[dreg:$0x1] =	wrdreg $0xFFFFFFFF  }
0xc2: {  	[dreg:$0x0] =	wrdreg $0x60  }
0xc3: {  	[dreg:$0x2] =	wrdreg s24  }
0xc4: {  	[dreg:$0x3] =	wrdreg s17  }
0xc5: {  	[dreg:$0x4] =	wrdreg $0x52000  }
0xc6: {  	[dreg:$0x5] =	wrdreg $0xB  }
0xc7: {  	_ =	task.clear_ibuf [dreg:s22], $0x6FFFF;
	_ =	strace $0x9000004F  }
0xc8: {  	s29 =	simm.s32 $0xB;
	_ =	strace $0x80000051  }
0xc9: {  	_ =	swait.ge [sflag:s29], $0x1  }
0xca: {  	[sflag:s29] =	ssyncadd.s32 $0xFFFFFFFF  }
0xcb: {  	_ =	strace $0x90000051  }
0xcc: {  	_ =	sfence  }
0xcd: {  	s30 =	sld [smem:$0x0];
	_ =	sdelay $0x2  }
0xce: {  	s31 =	sshll.u32 s1, $0xD;
	s1 =	sshrl.u32 s1, $0x2  }
0xcf: {  	s4 =	sand.u32 $0x4000, s31;
	s1 =	sadd.s32 s1, s30  }
0xd0: {  	s0 =	sor.u32 s4, s0;
	s1 =	sshll.u32 s1, $0x11  }
0xd1: {  	s0 =	sor.u32 s1, s0  }
0xd2: {  	s0 =	sadd.s32 $0x8F2B, s0  }
0xd3: {  	[sflag:s0] =	ssyncadd.remote.s32 $0x1  }
0xd4: {  	_ =	sfence.sel $0xFFFF  }
0xd5: {  	[dreg:$0x0] =	wrdreg $0xFFFFFFFF;
	(pc) =	sbr.abs _section_cstart, $3  }
0xd6: {  	[dreg:$0x1] =	wrdreg $0xFFFFFFFF  }
0xd7: {  	_ =	task.clear_ibuf [dreg:s22], $0x2FFFF;
	_ =	strace $0x9FFFFFFF  }
0xd8: {  	(tm) =	ssettm $0x7FFFFFFF  }
0xd9: {  	_ =	shalt  }
tec
execute0_lowered:
.L_overlay_start_1:
0x0: {  	(tag) =	ssettag $0x1  }
0x1: {  	s0 =	rddreg [dreg:$0x0]  }
0x2: {  	s4 =	rddreg [dreg:$0x1]  }
0x3: {  	s1 =	rddreg [dreg:$0x2]  }
0x4: {  	s2 =	simm.s32 $0x0;
	s5 =	srdreg.scid;
	s28 =	simm.s32 $0xA  }
0x5: {  	s29 =	simm.s32 $0xB;
	s30 =	simm.s32 $0xC;
	s31 =	simm.s32 $0x0  }
0x6: {  	[smem:$0x7FF] =	sst s2;
	s6 =	sadd.s32 $0x2E0600, s0;
	s3 =	sadd.s32 $0x3800, s0  }
0x7: {  	s7 =	sadd.s32 $0x17400, s0;
	s0 =	stileid.u32;
	s8 =	sand.u32 $0x1, s5  }
0x8: {  	_ =	strace $0x80000050;
	s9 =	sshll.u32 s0, $0x1;
	s10 =	smul.u32 $0x4E000, s0  }
0x9: {  	s5 =	ssub.s32 $0x2, s8;
	s13 =	smul.u32 $0x13800, s0;
	s9 =	sor.u32 s8, s9  }
0xa: {  	s15 =	sshll.u32 s0, $0x6;
	s11 =	sshrl.u32 s5, $0x1;
	s26 =	smul.u32 $0x1388, s9  }
0xb: {  	p0 =	sne.s32 s0, $0x0;
	s16 =	ssub.s32 s5, s11;
	s19 =	smul.u32 $0x13880, s9  }
0xc: {  	s12 =	sshrl.u32 s10, $0x2;
	s14 =	sshrl.u32 s13, $0x3;
	s21 =	smul.u32 $0x9C400, s9  }
0xd: {  	s5 =	sadd.s32 s12, s1;
	s12 =	sadd.s32 $0x138000, s1;
	s16 =	smax.u32 s16, $0x1  }
0xe: {  	[dreg:$0x9] =	wrdreg s5;
	s5 =	sadd.s32 s4, s14;
	s17 =	sshrl.u32 s26, $0x3  }
0xf: {  	[dreg:$0xb] =	wrdreg s12;
	s4 =	sadd.s32 $0x27000, s4;
	s22 =	sadd.s32 s6, s19  }
0x10: {  	s23 =	sadd.s32 $0x27128, s26;
	s14 =	smul.u32 $0x2710, s0;
	[dreg:$0xa] =	wrdreg s5  }
0x11: {  	s5 =	sor.u32 $0x1C0D, s15;
	s18 =	sadd.s32 s3, s17;
	[dreg:$0xc] =	wrdreg s4  }
0x12: {  	[dreg:$0xe] =	wrdreg s22;
	s15 =	smul.u32 $0x138800, s8;
	s10 =	sshrl.u32 s23, $0x3  }
0x13: {  	s4 =	sshrl.u32 s21, $0x3;
	s17 =	smul.u32 $0x1388, s8;
	s20 =	sadd.s32 $0x4E20, s18  }
0x14: {  	s22 =	smul.u32 $0x13880, s8;
	s24 =	sadd.s32 s3, s10;
	[dreg:$0xd] =	wrdreg s20  }
0x15: {  	s4 =	sadd.s32 s6, s4;
	s26 =	sadd.s32 $0x4E2A, s18;
	[dreg:$0xf] =	wrdreg s24  }
0x16: {  	s25 =	sadd.s32 $0x280, s4;
	[dreg:$0x11] =	wrdreg s26;
	s18 =	sadd.s32 s13, s15  }
0x17: {  	s4 =	sadd.s32 $0x500, s4;
	s17 =	sadd.s32 s17, s14;
	s10 =	sshrl.u32 s15, $0x3  }
0x18: {  	s13 =	smul.u32 $0x27100, s0;
	s26 =	simm.s32 $0x28;
	[dreg:$0x10] =	wrdreg s25  }
0x19: {  	[dreg:$0x12] =	wrdreg s4;
	s9 =	sshrl.u32 s18, $0x3;
	s11 =	sadd.s32 $0x271F0, s17  }
0x1a: {  	s4 =	sadd.s32 s7, s10;
	s21 =	sadd.s32 $0x271C8, s17;
	s23 =	sadd.s32 $0x271A0, s17  }
0x1b: {  	s17 =	sadd.s32 $0x27178, s17;
	s18 =	simm.s32 $0xD;
	[dreg:$0x4] =	wrdreg s26  }
0x1c: {  	s26 =	simm.s32 $0x9;
	s14 =	sadd.s32 s7, s9;
	s12 =	sshrl.u32 s11, $0x3  }
0x1d: {  	s15 =	sadd.s32 $0x27000, s4;
	s20 =	sadd.s32 s13, s6;
	s6 =	sshrl.u32 s21, $0x3  }
0x1e: {  	s8 =	sshrl.u32 s23, $0x3;
	s25 =	sshrl.u32 s17, $0x3;
	s19 =	sadd.s32 s12, s3  }
0x1f: {  	s6 =	sadd.s32 s6, s3;
	s24 =	sadd.s32 s8, s3;
	[dreg:$0x8] =	wrdreg s19  }
0x20: {  	s4 =	sadd.s32 s22, s20;
	s3 =	sadd.s32 s25, s3;
	[dreg:$0x7] =	wrdreg s6  }
0x21: {  	s25 =	simm.s32 $0x1;
	[dreg:$0x6] =	wrdreg s24;
	s4 =	sadd.s32 $0xF00, s4  }
0x22: {  	[dreg:$0x5] =	wrdreg s3;
	s19 =	simm.s32 $0x200;
	s24 =	simm.s32 $0x5  }
.LBB2_1:
0x23: {  	s0 =	rddreg [dreg:$0x9]  }
0x24: {  	s3 =	rddreg [dreg:$0xa];
	s0 =	sshrl.u32 s0, $0x3  }
0x25: {  	[spmem:s0], [sflag:s5] =	dma.local [hbm:s3], $0x2700  }
0x26: {  	_ =	swait.ge [sflag:s18], $0x2700  }
0x27: {  	[sflag:s18] =	ssyncset.done $0x0;
	s3 =	rddreg [dreg:$0xb]  }
0x28: {  	[sflag:s18] =	ssyncadd.s32 $0xFFFFD900;
	s20 =	sshrl.u32 @!p0 s3, $0x3;
	s3 =	rddreg [dreg:$0xc]  }
0x29: {  	[spmem:s20], [sflag:s5] =	dma.local @!p0 [hbm:s3], $0x100  }
0x2a: {  	s3 =	simm.s32 @!p0 $0xD  }
0x2b: {  	_ =	swait.ge @!p0 [sflag:s3], $0x100  }
0x2c: {  	[sflag:s3] =	ssyncset.done @!p0 $0x0  }
0x2d: {  	[sflag:s3] =	ssyncadd.s32 @!p0 $0xFFFFFF00  }
0x2e: {  	[bflag:$0x0] =	sbarrier.arrive $0xFFFF  }
0x2f: {  	s8 =	rddreg [dreg:$0xd]  }
0x30: {  	[tilespmem:s2], [sflag:$0x1] =	stream.linear.gather [hbm4b:s8+s2], $0x28, $0x38;
	[tilespmem:$0x18A80] =	vst v63  }
0x31: {  	s9 =	rddreg [dreg:$0xe]  }
0x32: {  	[tilespmem:s19], [sflag:$0x5] =	stream.linear.gather [hbm4b:s9+s2], $0x1400, $0x38;
	[tilespmem:$0x18A80] =	vst v63  }
0x33: {  	s6 =	simm.s32 $0x80;
	s10 =	rddreg [dreg:$0xf]  }
0x34: {  	[tilespmem:s6], [sflag:$0x2] =	stream.linear.gather [hbm4b:s10+s2], $0x28, $0x38;
	[tilespmem:$0x18A80] =	vst v63  }
0x35: {  	s12 =	simm.s32 $0x1600;
	s11 =	rddreg [dreg:$0x10]  }
0x36: {  	[tilespmem:s12], [sflag:$0x6] =	stream.linear.gather [hbm4b:s11+s2], $0x1400, $0x38;
	[tilespmem:$0x18A80] =	vst v63  }
0x37: {  	s17 =	simm.s32 $0x100;
	s13 =	rddreg [dreg:$0x11]  }
0x38: {  	[tilespmem:s17], [sflag:$0x3] =	stream.linear.gather [hbm4b:s13+s2], $0x28, $0x38;
	[tilespmem:$0x18A80] =	vst v63  }
0x39: {  	s22 =	simm.s32 $0x2A00;
	s21 =	rddreg [dreg:$0x12]  }
0x3a: {  	[tilespmem:s22], [sflag:$0x7] =	stream.linear.gather [hbm4b:s21+s2], $0x1400, $0x38;
	[tilespmem:$0x18A80] =	vst v63  }
0x3b: {  	_ =	swait.ge [sflag:s24], $0x1400  }
0x3c: {  	[sflag:s24] =	ssyncset.done $0x0  }
0x3d: {  	p1 =	por $0x0, $0x0;
	[sflag:s24] =	ssyncadd.s32 $0xFFFFEC00  }
0x3e: {  	p2 =	por @!p1 $0x1, $0x1;
	_ =	swait.ge [sflag:s25], $0x28  }
0x3f: {  	p2 =	por p2, p1;
	[sflag:s25] =	ssyncset.done $0x0  }
0x40: {  	s6 =	simm.s32 @!p2 $0xC;
	s23 =	rddreg [dreg:$0x4];
	[sflag:s25] =	ssyncadd.s32 $0xFFFFFFD8  }
0x41: {  	[spmem:s1] =	stream.indirect.scatter.add.f32 [tilespmem:s19], [sflag:$0x9], $0x80, s2, s23, $0xb8;
	[tilespmem:$0x18A80] =	vst v63  }
0x42: {  	_ =	swait.ge @!p2 [sflag:s6], $0x1400  }
0x43: {  	[sflag:s6] =	ssyncset.done @!p2 $0x0  }
0x44: {  	s3 =	simm.s32 @!p1 $0x180;
	s7 =	rddreg [dreg:$0x5];
	[sflag:s6] =	ssyncadd.s32 @!p2 $0xFFFFEC00  }
0x45: {  	s6 =	simm.s32 @!p1 $0x0;
	p2 =	por $0x0, $0x0;
	s7 =	sadd.s32 @!p1 $0x0, s7  }
0x46: {  	[tilespmem:s3], [sflag:$0x4] =	stream.linear.gather @!p1 [hbm4b:s7+s6], $0x28, $0x38;
	[tilespmem:$0x18A80] =	vst v63  }
0x47: {  	s8 =	simm.s32 @!p1 $0x3E00;
	s7 =	sadd.s32 @!p1 $0xFFFFF880, s4;
	s17 =	simm.s32 @!p2 $0x6  }
0x48: {  	[tilespmem:s8], [sflag:$0x8] =	stream.linear.gather @!p1 [hbm4b:s7+s6], $0x1400, $0x38;
	[tilespmem:$0x18A80] =	vst v63  }
0x49: {  	_ =	swait.ge @!p2 [sflag:s17], $0x1400  }
0x4a: {  	[sflag:s17] =	ssyncset.done @!p2 $0x0  }
0x4b: {  	s6 =	simm.s32 @!p2 $0x2;
	[sflag:s17] =	ssyncadd.s32 @!p2 $0xFFFFEC00  }
0x4c: {  	_ =	swait.ge @!p2 [sflag:s6], $0x28  }
0x4d: {  	s21 =	simm.s32 @!p2 $0x80;
	s7 =	simm.s32 @!p2 $0x1600;
	[sflag:s6] =	ssyncset.done @!p2 $0x0  }
0x4e: {  	s17 =	simm.s32 @!p2 $0x28;
	[sflag:s6] =	ssyncadd.s32 @!p2 $0xFFFFFFD8;
	s6 =	simm.s32 @!p2 $0x9  }
0x4f: {  	[spmem:s1] =	stream.indirect.scatter.add.f32 @!p2 [tilespmem:s7], [sflag:$0xA], $0x80, s21, s17, $0xb8;
	[tilespmem:$0x18A80] =	vst v63  }
0x50: {  	_ =	swait.ge @!p2 [sflag:s6], $0x1400  }
0x51: {  	s7 =	rddreg [dreg:$0x6];
	[sflag:s6] =	ssyncset.done @!p2 $0x0  }
0x52: {  	[sflag:s6] =	ssyncadd.s32 @!p2 $0xFFFFEC00;
	s6 =	simm.s32 @!p2 $0x0;
	s7 =	sadd.s32 @!p2 $0x0, s7  }
0x53: {  	[tilespmem:s6], [sflag:$0x1] =	stream.linear.gather @!p2 [hbm4b:s7+s6], $0x28, $0x38;
	[tilespmem:$0x18A80] =	vst v63  }
0x54: {  	s22 =	simm.s32 @!p2 $0x7;
	s21 =	simm.s32 @!p2 $0x200;
	s7 =	sadd.s32 @!p2 $0xFFFFFB00, s4  }
0x55: {  	[tilespmem:s21], [sflag:$0x5] =	stream.linear.gather @!p2 [hbm4b:s7+s6], $0x1400, $0x38;
	[tilespmem:$0x18A80] =	vst v63  }
0x56: {  	_ =	swait.ge @!p2 [sflag:s22], $0x1400  }
0x57: {  	[sflag:s22] =	ssyncset.done @!p2 $0x0  }
0x58: {  	s6 =	simm.s32 @!p2 $0x3;
	[sflag:s22] =	ssyncadd.s32 @!p2 $0xFFFFEC00  }
0x59: {  	p3 =	por @!p2 $0x0, $0x0;
	_ =	swait.ge @!p2 [sflag:s6], $0x28  }
0x5a: {  	p3 =	por p3, p2;
	s7 =	simm.s32 @!p2 $0x2A00;
	[sflag:s6] =	ssyncset.done @!p2 $0x0  }
0x5b: {  	s21 =	simm.s32 @!p2 $0x100;
	[sflag:s6] =	ssyncadd.s32 @!p2 $0xFFFFFFD8;
	s6 =	simm.s32 @!p3 $0xA  }
0x5c: {  	[spmem:s1] =	stream.indirect.scatter.add.f32 @!p2 [tilespmem:s7], [sflag:$0xB], $0x80, s21, s17, $0xb8;
	[tilespmem:$0x18A80] =	vst v63  }
0x5d: {  	_ =	swait.ge @!p3 [sflag:s6], $0x1400  }
0x5e: {  	s17 =	simm.s32 @!p3 $0x80;
	s7 =	rddreg [dreg:$0x7];
	[sflag:s6] =	ssyncset.done @!p3 $0x0  }
0x5f: {  	[sflag:s6] =	ssyncadd.s32 @!p3 $0xFFFFEC00;
	s6 =	simm.s32 @!p3 $0x0;
	s7 =	sadd.s32 @!p3 $0x0, s7  }
0x60: {  	[tilespmem:s17], [sflag:$0x2] =	stream.linear.gather @!p3 [hbm4b:s7+s6], $0x28, $0x38;
	[tilespmem:$0x18A80] =	vst v63  }
0x61: {  	s21 =	simm.s32 @!p1 $0x8;
	s7 =	sadd.s32 @!p3 $0xFFFFFD80, s4;
	s17 =	simm.s32 @!p3 $0x1600  }
0x62: {  	[tilespmem:s17], [sflag:$0x6] =	stream.linear.gather @!p3 [hbm4b:s7+s6], $0x1400, $0x38;
	[tilespmem:$0x18A80] =	vst v63  }
0x63: {  	_ =	swait.ge @!p1 [sflag:s21], $0x1400  }
0x64: {  	[sflag:s21] =	ssyncset.done @!p1 $0x0  }
0x65: {  	s6 =	simm.s32 @!p1 $0x4;
	[sflag:s21] =	ssyncadd.s32 @!p1 $0xFFFFEC00  }
0x66: {  	p2 =	por @!p1 $0x0, $0x0;
	_ =	swait.ge @!p1 [sflag:s6], $0x28  }
0x67: {  	s23 =	simm.s32 $0x0;
	p3 =	por p2, p1;
	[sflag:s6] =	ssyncset.done @!p1 $0x0  }
0x68: {  	s7 =	simm.s32 @!p1 $0x28;
	[sflag:s6] =	ssyncadd.s32 @!p1 $0xFFFFFFD8;
	s6 =	simm.s32 @!p3 $0xB  }
0x69: {  	[spmem:s1] =	stream.indirect.scatter.add.f32 @!p1 [tilespmem:s8], [sflag:$0xC], $0x80, s3, s7, $0xb8;
	[tilespmem:$0x18A80] =	vst v63  }
0x6a: {  	s22 =	simm.s32 $0x7;
	s17 =	smov.u32 s4;
	_ =	swait.ge @!p3 [sflag:s6], $0x1400  }
0x6b: {  	s7 =	simm.s32 @!p3 $0x0;
	s3 =	rddreg [dreg:$0x8];
	[sflag:s6] =	ssyncset.done @!p3 $0x0  }
0x6c: {  	[sflag:s6] =	ssyncadd.s32 @!p3 $0xFFFFEC00;
	s6 =	simm.s32 @!p3 $0x100;
	s3 =	sadd.s32 @!p3 $0x0, s3  }
0x6d: {  	[tilespmem:s6], [sflag:$0x3] =	stream.linear.gather @!p3 [hbm4b:s3+s7], $0x28, $0x38;
	[tilespmem:$0x18A80] =	vst v63  }
0x6e: {  	s21 =	simm.s32 $0x14;
	s8 =	simm.s32 @!p3 $0x2A00;
	s3 =	smov.u32 s4  }
.LBB2_2:
0x6f: {  	[tilespmem:s8], [sflag:$0x7] =	stream.linear.gather @!p3 [hbm4b:s3+s7], $0x1400, $0x38;
	[tilespmem:$0x18A80] =	vst v63  }
0x70: {  	_ =	swait.ge [sflag:s24], $0x1400  }
0x71: {  	[sflag:s24] =	ssyncset.done $0x0  }
0x72: {  	s6 =	smov.u32 s21;
	p2 =	sgt.u32 s22, $0x7C;
	[sflag:s24] =	ssyncadd.s32 $0xFFFFEC00  }
0x73: {  	p3 =	seq.s32 @!p2 s6, $0x0;
	_ =	swait.ge [sflag:s25], $0x28  }
0x74: {  	s23 =	sadd.s32 $0x1, s23;
	p4 =	por p3, p2;
	[sflag:s25] =	ssyncset.done $0x0  }
0x75: {  	s8 =	simm.s32 @!p4 $0xC;
	s13 =	rddreg [dreg:$0x4];
	[sflag:s25] =	ssyncadd.s32 $0xFFFFFFD8  }
0x76: {  	[spmem:s1] =	stream.indirect.scatter.add.f32 [tilespmem:s19], [sflag:$0x9], $0x80, s2, s13, $0xb8;
	[tilespmem:$0x18A80] =	vst v63  }
0x77: {  	s17 =	sadd.s32 $0xA00, s17;
	s10 =	simm.s32 @!p2 $0x0;
	_ =	swait.ge @!p4 [sflag:s8], $0x1400  }
0x78: {  	s7 =	simm.s32 @!p2 $0x180;
	[sflag:s8] =	ssyncset.done @!p4 $0x0;
	s9 =	rddreg [dreg:$0x5]  }
0x79: {  	[sflag:s8] =	ssyncadd.s32 @!p4 $0xFFFFEC00;
	p4 =	sgt.u32 s23, $0x1E;
	s9 =	sadd.s32 @!p2 s6, s9  }
0x7a: {  	[tilespmem:s7], [sflag:$0x4] =	stream.linear.gather @!p2 [hbm4b:s9+s10], $0x28, $0x38;
	[tilespmem:$0x18A80] =	vst v63  }
0x7b: {  	s11 =	sadd.s32 @!p2 $0xFFFFF880, s17;
	s8 =	simm.s32 @!p2 $0x3E00;
	s9 =	simm.s32 @!p4 $0x6  }
0x7c: {  	[tilespmem:s8], [sflag:$0x8] =	stream.linear.gather @!p2 [hbm4b:s11+s10], $0x1400, $0x38;
	[tilespmem:$0x18A80] =	vst v63  }
0x7d: {  	_ =	swait.ge @!p4 [sflag:s9], $0x1400  }
0x7e: {  	[sflag:s9] =	ssyncset.done @!p4 $0x0  }
0x7f: {  	s10 =	simm.s32 @!p4 $0x2;
	[sflag:s9] =	ssyncadd.s32 @!p4 $0xFFFFEC00  }
0x80: {  	_ =	swait.ge @!p4 [sflag:s10], $0x28  }
0x81: {  	s12 =	simm.s32 @!p4 $0x80;
	s11 =	simm.s32 @!p4 $0x28;
	[sflag:s10] =	ssyncset.done @!p4 $0x0  }
0x82: {  	s9 =	simm.s32 @!p4 $0x1600;
	[sflag:s10] =	ssyncadd.s32 @!p4 $0xFFFFFFD8;
	s10 =	simm.s32 @!p4 $0x9  }
0x83: {  	[spmem:s1] =	stream.indirect.scatter.add.f32 @!p4 [tilespmem:s9], [sflag:$0xA], $0x80, s12, s11, $0xb8;
	[tilespmem:$0x18A80] =	vst v63  }
0x84: {  	_ =	swait.ge @!p4 [sflag:s10], $0x1400  }
0x85: {  	s9 =	rddreg [dreg:$0x6];
	[sflag:s10] =	ssyncset.done @!p4 $0x0  }
0x86: {  	[sflag:s10] =	ssyncadd.s32 @!p4 $0xFFFFEC00;
	s10 =	simm.s32 @!p4 $0x0;
	s9 =	sadd.s32 @!p4 s6, s9  }
0x87: {  	[tilespmem:s10], [sflag:$0x1] =	stream.linear.gather @!p4 [hbm4b:s9+s10], $0x28, $0x38;
	[tilespmem:$0x18A80] =	vst v63  }
0x88: {  	s13 =	simm.s32 @!p4 $0x200;
	s12 =	sadd.s32 @!p4 $0xFFFFFB00, s17;
	s9 =	simm.s32 @!p4 $0x7  }
0x89: {  	[tilespmem:s13], [sflag:$0x5] =	stream.linear.gather @!p4 [hbm4b:s12+s10], $0x1400, $0x38;
	[tilespmem:$0x18A80] =	vst v63  }
0x8a: {  	_ =	swait.ge @!p4 [sflag:s9], $0x1400  }
0x8b: {  	[sflag:s9] =	ssyncset.done @!p4 $0x0  }
0x8c: {  	s10 =	simm.s32 @!p4 $0x3;
	[sflag:s9] =	ssyncadd.s32 @!p4 $0xFFFFEC00  }
0x8d: {  	p5 =	seq.s32 @!p4 s6, $0x258;
	_ =	swait.ge @!p4 [sflag:s10], $0x28  }
0x8e: {  	p5 =	por p5, p4;
	s12 =	simm.s32 @!p4 $0x100;
	[sflag:s10] =	ssyncset.done @!p4 $0x0  }
0x8f: {  	s9 =	simm.s32 @!p4 $0x2A00;
	[sflag:s10] =	ssyncadd.s32 @!p4 $0xFFFFFFD8;
	s10 =	simm.s32 @!p5 $0xA  }
0x90: {  	[spmem:s1] =	stream.indirect.scatter.add.f32 @!p4 [tilespmem:s9], [sflag:$0xB], $0x80, s12, s11, $0xb8;
	[tilespmem:$0x18A80] =	vst v63  }
0x91: {  	_ =	swait.ge @!p5 [sflag:s10], $0x1400  }
0x92: {  	s11 =	simm.s32 @!p5 $0x80;
	s9 =	rddreg [dreg:$0x7];
	[sflag:s10] =	ssyncset.done @!p5 $0x0  }
0x93: {  	[sflag:s10] =	ssyncadd.s32 @!p5 $0xFFFFEC00;
	s10 =	simm.s32 @!p5 $0x0;
	s9 =	sadd.s32 @!p5 s6, s9  }
0x94: {  	[tilespmem:s11], [sflag:$0x2] =	stream.linear.gather @!p5 [hbm4b:s9+s10], $0x28, $0x38;
	[tilespmem:$0x18A80] =	vst v63  }
0x95: {  	s13 =	simm.s32 @!p5 $0x1600;
	s12 =	sadd.s32 @!p5 $0xFFFFFD80, s17;
	s9 =	simm.s32 @!p2 $0x8  }
0x96: {  	[tilespmem:s13], [sflag:$0x6] =	stream.linear.gather @!p5 [hbm4b:s12+s10], $0x1400, $0x38;
	[tilespmem:$0x18A80] =	vst v63  }
0x97: {  	_ =	swait.ge @!p2 [sflag:s9], $0x1400  }
0x98: {  	[sflag:s9] =	ssyncset.done @!p2 $0x0  }
0x99: {  	s10 =	simm.s32 @!p2 $0x4;
	[sflag:s9] =	ssyncadd.s32 @!p2 $0xFFFFEC00  }
0x9a: {  	s21 =	sadd.s32 $0x14, s21;
	_ =	swait.ge @!p2 [sflag:s10], $0x28  }
0x9b: {  	p1 =	sne.s32 s21, $0x280;
	p3 =	sgt.u32 @!p2 s23, $0x1D;
	[sflag:s10] =	ssyncset.done @!p2 $0x0  }
0x9c: {  	p3 =	por p3, p2;
	s9 =	simm.s32 @!p2 $0x28;
	[sflag:s10] =	ssyncadd.s32 @!p2 $0xFFFFFFD8  }
0x9d: {  	[spmem:s1] =	stream.indirect.scatter.add.f32 @!p2 [tilespmem:s8], [sflag:$0xC], $0x80, s7, s9, $0xb8;
	[tilespmem:$0x18A80] =	vst v63  }
.Ltmp0:
0x9e: {  	s22 =	sadd.s32 $0x4, s22;
	s10 =	simm.s32 @!p3 $0xB;
	(pc) =	sbr.rel @p1 .LBB2_2-.Ltmp0, $4  }
0x9f: {  	s3 =	smov.u32 s17;
	s7 =	simm.s32 @!p3 $0x0;
	_ =	swait.ge @!p3 [sflag:s10], $0x1400  }
0xa0: {  	s9 =	simm.s32 @!p3 $0x100;
	s8 =	rddreg [dreg:$0x8];
	[sflag:s10] =	ssyncset.done @!p3 $0x0  }
0xa1: {  	[sflag:s10] =	ssyncadd.s32 @!p3 $0xFFFFEC00;
	s6 =	sadd.s32 @!p3 s6, s8;
	s8 =	simm.s32 @!p3 $0x2A00  }
0xa2: {  	[tilespmem:s9], [sflag:$0x3] =	stream.linear.gather @!p3 [hbm4b:s6+s7], $0x28, $0x38;
	[tilespmem:$0x18A80] =	vst v63  }
0xa3: {  	[tilespmem:s8], [sflag:$0x7] =	stream.linear.gather @!p3 [hbm4b:s3+s7], $0x1400, $0x38;
	[tilespmem:$0x18A80] =	vst v63  }
0xa4: {  	_ =	swait.ge [sflag:s26], $0x1400  }
0xa5: {  	[sflag:s26] =	ssyncset.done $0x0  }
0xa6: {  	[sflag:s26] =	ssyncadd.s32 $0xFFFFEC00  }
0xa7: {  	_ =	swait.ge [sflag:s28], $0x1400  }
0xa8: {  	[sflag:s28] =	ssyncset.done $0x0  }
0xa9: {  	[sflag:s28] =	ssyncadd.s32 $0xFFFFEC00  }
0xaa: {  	_ =	swait.ge [sflag:s29], $0x1400  }
0xab: {  	[sflag:s29] =	ssyncset.done $0x0  }
0xac: {  	[sflag:s29] =	ssyncadd.s32 $0xFFFFEC00  }
0xad: {  	_ =	swait.ge [sflag:s30], $0x1400  }
0xae: {  	[sflag:s30] =	ssyncset.done $0x0  }
0xaf: {  	[sflag:s30] =	ssyncadd.s32 $0xFFFFEC00  }
0xb0: {  	[bflag:$0x0] =	sbarrier.arrive $0xFFFF  }
0xb1: {  	[hbm:s14], [sflag:s5] =	dma.local [spmem:s0], $0x2700  }
0xb2: {  	s31 =	sadd.s32 $0x1, s31;
	_ =	swait.ge [sflag:s18], $0x2700  }
0xb3: {  	p1 =	sne.s32 s31, s16;
	[sflag:s18] =	ssyncset.done $0x0  }
.Ltmp1:
0xb4: {  	s0 =	simm.s32 @!p0 $0xD;
	[sflag:s18] =	ssyncadd.s32 $0xFFFFD900;
	(pc) =	sbr.rel @p1 .LBB2_1-.Ltmp1, $4  }
0xb5: {  	[hbm:s15], [sflag:s5] =	dma.local @!p0 [spmem:s20], $0x100  }
0xb6: {  	_ =	swait.ge @!p0 [sflag:s0], $0x100  }
0xb7: {  	[sflag:s0] =	ssyncset.done @!p0 $0x0  }
0xb8: {  	[sflag:s0] =	ssyncadd.s32 @!p0 $0xFFFFFF00  }
0xb9: {  	_ =	sfence.sel $0x180000  }
0xba: {  	[bflag:$0x0] =	sbarrier.arrive $0xFFFF  }
0xbb: {  	_ =	strace $0x90000050  }
0xbc: {  	[bflag:$0x2] =	sbarrier.arrive $0xFFFF  }
0xbd: {  	s0 =	rddreg [dreg:$0x3]  }
0xbe: {  	s0 =	sadd.s32 @!p0 $0x100000, s0  }
0xbf: {  	[sflag:s0] =	ssyncadd.tile.s32 @!p0 $0x1;
	_ =	shalt  }
.Lfunc_end2:
_tile_overlayer_lowered:
.L_overlay_start_2:
0xc0: {  	(tag) =	ssettag $0x2  }
0xc1: {  	s0 =	rddreg [dreg:$0x0];
	s2 =	stileid.u32  }
0xc2: {  	s1 =	rddreg [dreg:$0x1];
	p0 =	sne.s32 s2, $0x0  }
0xc3: {  	s3 =	rddreg [dreg:$0x2];
	[bflag:$0x3] =	sbarrier.arrive $0xFFFF;
	s2 =	simm.s32 @!p0 $0x1C0D  }
0xc4: {  	[timem:s3], [sflag:s2] =	dma.local @!p0 [hbm:s0], s1  }
0xc5: {  	s0 =	simm.s32 @!p0 $0xD  }
0xc6: {  	_ =	swait.ge @!p0 [sflag:s0], s1  }
0xc7: {  	s1 =	ssub.s32 @!p0 $0x0, s1;
	[sflag:s0] =	ssyncset.done @!p0 $0x0  }
0xc8: {  	[sflag:s0] =	ssyncadd.s32 @!p0 s1  }
0xc9: {  	[bflag:$0x3] =	sbarrier.arrive $0xFFFF  }
0xca: {  	_ =	shalt  }

</sc_bundles>
